<compile_context>
chip_gen: v7x
topology: tpu7x:2x2x1
jax: 0.10.2.dev20260603
libtpu: 0.0.44.dev20260713+nightly
codegen_flags: <defaults>
</compile_context>

<pallas_src>
import jax
import jax.numpy as jnp
from jax import lax
from jax.experimental import pallas as pl
from jax.experimental.pallas import tpu as pltpu
from jax.experimental.pallas import tpu_sc as plsc

N = 10000
E = 320000
D = 128
NC = 2
NS = 16
CHUNK = 128
NCHUNKS = E // CHUNK
ROWS_PER_TILE = 632
WBLKS = (128, 128, 128, 128, 120)
LBLKS = (128, 128, 128, 128, 8)

NRB = 3
NIB = 6
P1_OUTER = NCHUNKS // NS // NIB
P1_XTRA = NCHUNKS - P1_OUTER * NIB * NS
P2_OUTER = NCHUNKS // (NC * NS) // NIB
P2_XTRA = NCHUNKS - P2_OUTER * NIB * NC * NS

_mesh = plsc.VectorSubcoreMesh(
    core_axis_name="c", subcore_axis_name="s", num_cores=NC, num_subcores=NS)

_SCRATCH = (
    [pltpu.VMEM((2, CHUNK), jnp.int32)] * 6
    + [pltpu.VMEM((CHUNK, D), jnp.float32)] * 3
    + [pltpu.VMEM_SHARED((N, D), jnp.float32)]
    + [pltpu.SemaphoreType.DMA] * 12
)


def _make_helpers(scratch):
    (sd0, sd1, sd2, sd3, sd4, sd5, rows0, rows1, rows2, acc,
     isem0, isem1, isem2, isem3, isem4, isem5,
     gsem0, gsem1, gsem2, ssem0, ssem1, ssem2) = scratch
    c = lax.axis_index("c")
    s = lax.axis_index("s")
    wid = c * NS + s
    row0 = s * ROWS_PER_TILE
    sds = (sd0, sd1, sd2, sd3, sd4, sd5)
    rowss = (rows0, rows1, rows2)
    isems = (isem0, isem1, isem2, isem3, isem4, isem5)
    gsems = (gsem0, gsem1, gsem2)
    ssems = (ssem0, ssem1, ssem2)

    def tile_blocks(fn):
        def blast(blks):
            waits = [fn(o, w, isems[i])
                     for i, (o, w) in enumerate(zip(
                         (0, 128, 256, 384, 512), blks))]
            for wt in waits:
                wt()

        @pl.when(s < NS - 1)
        def _():
            blast(WBLKS)

        @pl.when(s == NS - 1)
        def _():
            blast(LBLKS)

    def zero_acc():
        def zrow(i, carry):
            for k in range(D // 16):
                rows0[i, pl.ds(k * 16, 16)] = jnp.zeros((16,), jnp.float32)
            return carry
        lax.fori_loop(0, CHUNK, zrow, 0)

        def zblk(o, w, sem):
            cp = pltpu.async_copy(
                rows0.at[pl.ds(0, w)], acc.at[pl.ds(row0 + o, w)], sem)
            return cp.wait
        tile_blocks(zblk)

    def run_edges(idx_ref, table_ref, first, stride, nouter, nxtra):
        def off(j):
            return (first + j * stride) * CHUNK

        def fire_idx(j, ib):
            pltpu.async_copy(idx_ref.at[:, pl.ds(off(j), CHUNK)], sds[ib], isems[ib])

        def wait_idx(j, ib):
            pltpu.make_async_copy(
                idx_ref.at[:, pl.ds(off(j), CHUNK)], sds[ib], isems[ib]).wait()

        def fire_gather(ib, rb):
            pltpu.async_copy(table_ref.at[sds[ib].at[0]], rowss[rb], gsems[rb])

        def wait_gather(ib, rb):
            pltpu.make_async_copy(table_ref.at[sds[ib].at[0]], rowss[rb], gsems[rb]).wait()

        def fire_scatter(ib, rb):
            pltpu.async_copy(rowss[rb], acc.at[sds[ib].at[1]], ssems[rb], add=True)

        def wait_scatter(ib, rb):
            pltpu.make_async_copy(rowss[rb], acc.at[sds[ib].at[1]], ssems[rb]).wait()

        for j0 in range(4):
            fire_idx(j0, j0)
        wait_idx(0, 0)
        fire_gather(0, 0)

        def outer(t, carry):
            for b in range(NIB):
                j = NIB * t + b
                rb = b % NRB
                if b >= 2:
                    wait_scatter((b - 2) % NIB, (b + 1) % NRB)
                else:
                    @pl.when(t > 0)
                    def _():
                        wait_scatter((b - 2) % NIB, (b + 1) % NRB)
                if b < NIB - 1:
                    wait_idx(j + 1, (b + 1) % NIB)
                    fire_gather((b + 1) % NIB, (b + 1) % NRB)
                else:
                    @pl.when(t < nouter - 1)
                    def _():
                        wait_idx(j + 1, 0)
                        fire_gather(0, 0)
                if b < 2:
                    fire_idx(j + 4, (b + 4) % NIB)
                else:
                    @pl.when(t < nouter - 1)
                    def _():
                        fire_idx(j + 4, (b + 4) % NIB)
                wait_gather(b, rb)
                fire_scatter(b, rb)
            return carry

        lax.fori_loop(0, nouter, outer, 0)
        wait_scatter(NIB - 2, (NIB - 2) % NRB)
        wait_scatter(NIB - 1, (NIB - 1) % NRB)

        me = s if stride == NS else wid

        @pl.when(me < nxtra)
        def _():
            o = (nouter * NIB * stride + me) * CHUNK
            pltpu.sync_copy(idx_ref.at[:, pl.ds(o, CHUNK)], sd0)
            pltpu.async_copy(table_ref.at[sd0.at[0]], rows0, gsem0).wait()
            pltpu.async_copy(rows0, acc.at[sd0.at[1]], ssem0, add=True)
            pltpu.make_async_copy(rows0, acc.at[sd0.at[1]], ssem0).wait()

    def write_out(dst_hbm, dst_base):
        def wblk(o, w, sem):
            cp = pltpu.async_copy(
                acc.at[pl.ds(row0 + o, w)],
                dst_hbm.at[pl.ds(dst_base + row0 + o, w)], sem)
            return cp.wait
        tile_blocks(wblk)

    return c, s, wid, zero_acc, run_edges, write_out


def _ud_body(x, up, down, out_up, out_down, *scratch):
    c, s, wid, zero_acc, run_edges, write_out = _make_helpers(scratch)
    zero_acc()
    plsc.subcore_barrier()

    @pl.when(c == 0)
    def _():
        run_edges(up, x, s, NS, P1_OUTER, P1_XTRA)

    @pl.when(c == 1)
    def _():
        run_edges(down, x, s, NS, P1_OUTER, P1_XTRA)

    plsc.subcore_barrier()

    @pl.when(c == 0)
    def _():
        write_out(out_up, 0)

    @pl.when(c == 1)
    def _():
        write_out(out_down, 0)


def _b_body(battr, bnd, pb, *scratch):
    c, s, wid, zero_acc, run_edges, write_out = _make_helpers(scratch)
    zero_acc()
    plsc.subcore_barrier()
    run_edges(bnd, battr, wid, NC * NS, P2_OUTER, P2_XTRA)
    plsc.subcore_barrier()
    write_out(pb, c * N)


_ud_call = pl.kernel(
    _ud_body,
    out_type=[
        jax.ShapeDtypeStruct((N, D), jnp.float32),
        jax.ShapeDtypeStruct((N, D), jnp.float32),
    ],
    mesh=_mesh,
    scratch_types=list(_SCRATCH),
)

_b_call = pl.kernel(
    _b_body,
    out_type=[jax.ShapeDtypeStruct((2 * N, D), jnp.float32)],
    mesh=_mesh,
    scratch_types=list(_SCRATCH),
)

_BLK = 1000


def _add_body(a_ref, b_ref, o_ref):
    o_ref[...] = a_ref[...] + b_ref[...]


_tc_add = pl.pallas_call(
    _add_body,
    grid=(N // _BLK,),
    in_specs=[
        pl.BlockSpec((_BLK, D), lambda g: (g, 0)),
        pl.BlockSpec((_BLK, D), lambda g: (g + N // _BLK, 0)),
    ],
    out_specs=pl.BlockSpec((_BLK, D), lambda g: (g, 0)),
    out_shape=jax.ShapeDtypeStruct((N, D), jnp.float32),
)


@jax.jit
def kernel(x, up_index, down_index, boundary_index, boundary_attr):
    (pbp,) = _b_call(boundary_attr, boundary_index)
    out_boundary = _tc_add(pbp, pbp)
    out_up, out_down = _ud_call(x, up_index, down_index)
    return (out_up, out_down, out_boundary)

# --- scband reference (transcript-rebuilt; emitter-appended) ---
"""Pipeline reference for scband-cochain-message-passing-64905545777500 (READ-ONLY COPY).

The authoritative reference and input builder live on the scoring server;
editing this copy changes nothing except your own understanding.
"""

import jax, jax.numpy as jnp
import numpy as np

N = 10000
E = 320000
D = 128


def setup_inputs(seed: int = 0) -> dict:
    key = jax.random.key(seed)
    k1, k2, k3, k4, k5 = jax.random.split(key, 5)
    x = jax.random.normal(k1, (N, D), dtype=jnp.float32)
    up_index = jax.random.randint(k2, (2, E), 0, N, dtype=jnp.int32)
    down_index = jax.random.randint(k3, (2, E), 0, N, dtype=jnp.int32)
    boundary_index = jax.random.randint(k4, (2, E), 0, N, dtype=jnp.int32)
    boundary_attr = jax.random.normal(k5, (N, D), dtype=jnp.float32)
    return {
        "x": x,
        "up_index": up_index,
        "down_index": down_index,
        "boundary_index": boundary_index,
        "boundary_attr": boundary_attr,
    }


def reference(x, up_index, down_index, boundary_index, boundary_attr):
    # CochainMessagePassing.propagate with flow='source_to_target':
    #   i, j = (1, 0): messages lifted from index[0] (source, _j),
    #   aggregated at index[1] (target, _i) with aggr='add' (scatter-add).
    # Default message_up / message_down return the lifted _j features;
    # message_boundary lifts boundary_attr. Default update is identity,
    # returning the three aggregated message tensors.
    n = x.shape[0]

    # --- upper adjacency message passing ---
    up_x_j = jnp.take(x, up_index[0], axis=0)            # __lift__ (gather)
    out_up = jax.ops.segment_sum(up_x_j, up_index[1], num_segments=n)  # aggregate_up 'add'

    # --- lower adjacency message passing (use_down_msg=True) ---
    down_x_j = jnp.take(x, down_index[0], axis=0)
    out_down = jax.ops.segment_sum(down_x_j, down_index[1], num_segments=n)

    # --- boundary adjacency message passing (use_boundary_msg=True) ---
    boundary_x_j = jnp.take(boundary_attr, boundary_index[0], axis=0)
    out_boundary = jax.ops.segment_sum(boundary_x_j, boundary_index[1], num_segments=n)

    # update(up_out, down_out, boundary_out, x) -> identity pass-through
    return (out_up, out_down, out_boundary)

if __name__ == "__main__":
    import jax
    _d = setup_inputs()
    print(jax.jit(kernel)(*tuple(_d.values())))

</pallas_src>

<mosaic_0001>
#map = affine_map<(d0, d1) -> (0, 0)>
module attributes {stable_mosaic.version = 14 : i64} {
  func.func @_b_body(%arg0: i32, %arg1: i32, %arg2: memref<10000x128xf32, #tpu.memory_space<hbm>>, %arg3: memref<2x320000xi32, #tpu.memory_space<hbm>>, %arg4: memref<20000x128xf32, #tpu.memory_space<hbm>>, %arg5: memref<2x128xi32, #tpu.memory_space<vmem>>, %arg6: memref<2x128xi32, #tpu.memory_space<vmem>>, %arg7: memref<2x128xi32, #tpu.memory_space<vmem>>, %arg8: memref<2x128xi32, #tpu.memory_space<vmem>>, %arg9: memref<2x128xi32, #tpu.memory_space<vmem>>, %arg10: memref<2x128xi32, #tpu.memory_space<vmem>>, %arg11: memref<128x128xf32, #tpu.memory_space<vmem>>, %arg12: memref<128x128xf32, #tpu.memory_space<vmem>>, %arg13: memref<128x128xf32, #tpu.memory_space<vmem>>, %arg14: memref<10000x128xf32, #tpu.memory_space<vmem_shared>>, %arg15: memref<!tpu.dma_semaphore, #tpu.memory_space<semaphore_mem>>, %arg16: memref<!tpu.dma_semaphore, #tpu.memory_space<semaphore_mem>>, %arg17: memref<!tpu.dma_semaphore, #tpu.memory_space<semaphore_mem>>, %arg18: memref<!tpu.dma_semaphore, #tpu.memory_space<semaphore_mem>>, %arg19: memref<!tpu.dma_semaphore, #tpu.memory_space<semaphore_mem>>, %arg20: memref<!tpu.dma_semaphore, #tpu.memory_space<semaphore_mem>>, %arg21: memref<!tpu.dma_semaphore, #tpu.memory_space<semaphore_mem>>, %arg22: memref<!tpu.dma_semaphore, #tpu.memory_space<semaphore_mem>>, %arg23: memref<!tpu.dma_semaphore, #tpu.memory_space<semaphore_mem>>, %arg24: memref<!tpu.dma_semaphore, #tpu.memory_space<semaphore_mem>>, %arg25: memref<!tpu.dma_semaphore, #tpu.memory_space<semaphore_mem>>, %arg26: memref<!tpu.dma_semaphore, #tpu.memory_space<semaphore_mem>>) attributes {dimension_semantics = [#tpu.dimension_semantics<core_parallel>, #tpu.dimension_semantics<subcore_parallel>], iteration_bounds = array<i64: 2, 16>, scalar_prefetch = 0 : i64, scratch_operands = 22 : i64, tpu.core_type = #tpu.core_type<sc_vector_subcore>, window_params = [{transform_indices = #map}, {transform_indices = #map}, {transform_indices = #map}]} {
    %mul3A = arith.constant 16 : i32
    %mul3A_0 = arith.muli %arg0, %mul3A : i32
    %add3A = arith.addi %mul3A_0, %arg1 : i32
    %mul3A_1 = arith.constant 632 : i32
    %mul3A_2 = arith.muli %arg1, %mul3A_1 : i32
    %scan3A = arith.constant 0 : i32
    %scan3A_3 = arith.constant 0 : i32
    %scan3A_4 = arith.constant 128 : i32
    %scan3A_5 = arith.addi %scan3A_3, %scan3A_4 : i32
    %scan3A_6 = arith.constant 1 : i32
    scf.for %scan3A_97 = %scan3A_3 to %scan3A_5 step %scan3A_6  : i32 {
      %broadcast_in_dim3A = arith.constant 0.000000e+00 : f32
      %broadcast_in_dim3A_98 = vector.broadcast %broadcast_in_dim3A : f32 to vector<16xf32>
      %swap3A = arith.index_cast %scan3A_97 : i32 to index
      %swap3A_99 = arith.constant 0 : index
      %swap3A_100 = tpu.vector_load %arg11[%swap3A, %swap3A_99] {strides = array<i32>} : memref<128x128xf32, #tpu.memory_space<vmem>>, vector<1x16xf32>,
      %swap3A_101 = vector.shape_cast %swap3A_100 : vector<1x16xf32> to vector<16xf32>
      %swap3A_102 = vector.shape_cast %broadcast_in_dim3A_98 : vector<16xf32> to vector<1x16xf32>
      tpu.vector_store %arg11[%swap3A, %swap3A_99], %swap3A_102 {strides = array<i32>} : memref<128x128xf32, #tpu.memory_space<vmem>>, vector<1x16xf32>,
      %broadcast_in_dim3A_103 = arith.constant 0.000000e+00 : f32
      %broadcast_in_dim3A_104 = vector.broadcast %broadcast_in_dim3A_103 : f32 to vector<16xf32>
      %swap3A_105 = arith.index_cast %scan3A_97 : i32 to index
      %swap3A_106 = arith.constant 16 : index
      %swap3A_107 = tpu.vector_load %arg11[%swap3A_105, %swap3A_106] {strides = array<i32>} : memref<128x128xf32, #tpu.memory_space<vmem>>, vector<1x16xf32>,
      %swap3A_108 = vector.shape_cast %swap3A_107 : vector<1x16xf32> to vector<16xf32>
      %swap3A_109 = vector.shape_cast %broadcast_in_dim3A_104 : vector<16xf32> to vector<1x16xf32>
      tpu.vector_store %arg11[%swap3A_105, %swap3A_106], %swap3A_109 {strides = array<i32>} : memref<128x128xf32, #tpu.memory_space<vmem>>, vector<1x16xf32>,
      %broadcast_in_dim3A_110 = arith.constant 0.000000e+00 : f32
      %broadcast_in_dim3A_111 = vector.broadcast %broadcast_in_dim3A_110 : f32 to vector<16xf32>
      %swap3A_112 = arith.index_cast %scan3A_97 : i32 to index
      %swap3A_113 = arith.constant 32 : index
      %swap3A_114 = tpu.vector_load %arg11[%swap3A_112, %swap3A_113] {strides = array<i32>} : memref<128x128xf32, #tpu.memory_space<vmem>>, vector<1x16xf32>,
      %swap3A_115 = vector.shape_cast %swap3A_114 : vector<1x16xf32> to vector<16xf32>
      %swap3A_116 = vector.shape_cast %broadcast_in_dim3A_111 : vector<16xf32> to vector<1x16xf32>
      tpu.vector_store %arg11[%swap3A_112, %swap3A_113], %swap3A_116 {strides = array<i32>} : memref<128x128xf32, #tpu.memory_space<vmem>>, vector<1x16xf32>,
      %broadcast_in_dim3A_117 = arith.constant 0.000000e+00 : f32
      %broadcast_in_dim3A_118 = vector.broadcast %broadcast_in_dim3A_117 : f32 to vector<16xf32>
      %swap3A_119 = arith.index_cast %scan3A_97 : i32 to index
      %swap3A_120 = arith.constant 48 : index
      %swap3A_121 = tpu.vector_load %arg11[%swap3A_119, %swap3A_120] {strides = array<i32>} : memref<128x128xf32, #tpu.memory_space<vmem>>, vector<1x16xf32>,
      %swap3A_122 = vector.shape_cast %swap3A_121 : vector<1x16xf32> to vector<16xf32>
      %swap3A_123 = vector.shape_cast %broadcast_in_dim3A_118 : vector<16xf32> to vector<1x16xf32>
      tpu.vector_store %arg11[%swap3A_119, %swap3A_120], %swap3A_123 {strides = array<i32>} : memref<128x128xf32, #tpu.memory_space<vmem>>, vector<1x16xf32>,
      %broadcast_in_dim3A_124 = arith.constant 0.000000e+00 : f32
      %broadcast_in_dim3A_125 = vector.broadcast %broadcast_in_dim3A_124 : f32 to vector<16xf32>
      %swap3A_126 = arith.index_cast %scan3A_97 : i32 to index
      %swap3A_127 = arith.constant 64 : index
      %swap3A_128 = tpu.vector_load %arg11[%swap3A_126, %swap3A_127] {strides = array<i32>} : memref<128x128xf32, #tpu.memory_space<vmem>>, vector<1x16xf32>,
      %swap3A_129 = vector.shape_cast %swap3A_128 : vector<1x16xf32> to vector<16xf32>
      %swap3A_130 = vector.shape_cast %broadcast_in_dim3A_125 : vector<16xf32> to vector<1x16xf32>
      tpu.vector_store %arg11[%swap3A_126, %swap3A_127], %swap3A_130 {strides = array<i32>} : memref<128x128xf32, #tpu.memory_space<vmem>>, vector<1x16xf32>,
      %broadcast_in_dim3A_131 = arith.constant 0.000000e+00 : f32
      %broadcast_in_dim3A_132 = vector.broadcast %broadcast_in_dim3A_131 : f32 to vector<16xf32>
      %swap3A_133 = arith.index_cast %scan3A_97 : i32 to index
      %swap3A_134 = arith.constant 80 : index
      %swap3A_135 = tpu.vector_load %arg11[%swap3A_133, %swap3A_134] {strides = array<i32>} : memref<128x128xf32, #tpu.memory_space<vmem>>, vector<1x16xf32>,
      %swap3A_136 = vector.shape_cast %swap3A_135 : vector<1x16xf32> to vector<16xf32>
      %swap3A_137 = vector.shape_cast %broadcast_in_dim3A_132 : vector<16xf32> to vector<1x16xf32>
      tpu.vector_store %arg11[%swap3A_133, %swap3A_134], %swap3A_137 {strides = array<i32>} : memref<128x128xf32, #tpu.memory_space<vmem>>, vector<1x16xf32>,
      %broadcast_in_dim3A_138 = arith.constant 0.000000e+00 : f32
      %broadcast_in_dim3A_139 = vector.broadcast %broadcast_in_dim3A_138 : f32 to vector<16xf32>
      %swap3A_140 = arith.index_cast %scan3A_97 : i32 to index
      %swap3A_141 = arith.constant 96 : index
      %swap3A_142 = tpu.vector_load %arg11[%swap3A_140, %swap3A_141] {strides = array<i32>} : memref<128x128xf32, #tpu.memory_space<vmem>>, vector<1x16xf32>,
      %swap3A_143 = vector.shape_cast %swap3A_142 : vector<1x16xf32> to vector<16xf32>
      %swap3A_144 = vector.shape_cast %broadcast_in_dim3A_139 : vector<16xf32> to vector<1x16xf32>
      tpu.vector_store %arg11[%swap3A_140, %swap3A_141], %swap3A_144 {strides = array<i32>} : memref<128x128xf32, #tpu.memory_space<vmem>>, vector<1x16xf32>,
      %broadcast_in_dim3A_145 = arith.constant 0.000000e+00 : f32
      %broadcast_in_dim3A_146 = vector.broadcast %broadcast_in_dim3A_145 : f32 to vector<16xf32>
      %swap3A_147 = arith.index_cast %scan3A_97 : i32 to index
      %swap3A_148 = arith.constant 112 : index
      %swap3A_149 = tpu.vector_load %arg11[%swap3A_147, %swap3A_148] {strides = array<i32>} : memref<128x128xf32, #tpu.memory_space<vmem>>, vector<1x16xf32>,
      %swap3A_150 = vector.shape_cast %swap3A_149 : vector<1x16xf32> to vector<16xf32>
      %swap3A_151 = vector.shape_cast %broadcast_in_dim3A_146 : vector<16xf32> to vector<1x16xf32>
      tpu.vector_store %arg11[%swap3A_147, %swap3A_148], %swap3A_151 {strides = array<i32>} : memref<128x128xf32, #tpu.memory_space<vmem>>, vector<1x16xf32>,
    }
    %scan3A_7 = arith.constant 128 : i32
    %lt3A = arith.constant 15 : i32
    %lt3A_8 = arith.cmpi slt, %arg1, %lt3A : i32
    %convert_element_type3A = arith.extui %lt3A_8 : i1 to i32
    %cond3A = arith.constant 0 : i32
    %cond3A_9 = arith.cmpi ne, %convert_element_type3A, %cond3A : i32
    scf.if %cond3A_9 {
      %add3A_97 = arith.constant 0 : i32
      %add3A_98 = arith.addi %mul3A_2, %add3A_97 : i32
      %dma_start3A_99 = arith.constant 0 : i32
      %dma_start3A_100 = arith.constant 0 : i32
      %dma_start3A_101 = tpu.memref_slice %arg11[%dma_start3A_99, %dma_start3A_100] : memref<128x128xf32, #tpu.memory_space<vmem>> -> memref<128x128xf32, #tpu.memory_space<vmem>>
      %dma_start3A_102 = arith.constant 0 : i32
      %dma_start3A_103 = tpu.memref_slice %arg14[%add3A_98, %dma_start3A_102] : memref<10000x128xf32, #tpu.memory_space<vmem_shared>> -> memref<128x128xf32, #tpu.memory_space<vmem_shared>>
      %dma_start3A_104 = arith.constant 0 : i32
      %dma_start3A_105 = tpu.memref_slice %arg14[%add3A_98, %dma_start3A_104] : memref<10000x128xf32, #tpu.memory_space<vmem_shared>> -> memref<128x128xf32, #tpu.memory_space<vmem_shared>>
      %dma_start3A_106 = arith.constant 0 : i32
      %dma_start3A_107 = arith.constant 0 : i32
      %dma_start3A_108 = tpu.memref_slice %arg11[%dma_start3A_106, %dma_start3A_107] : memref<128x128xf32, #tpu.memory_space<vmem>> -> memref<128x128xf32, #tpu.memory_space<vmem>>
      tpu.enqueue_dma source(%dma_start3A_108 : memref<128x128xf32, #tpu.memory_space<vmem>>) target(%dma_start3A_105 : memref<128x128xf32, #tpu.memory_space<vmem_shared>>) target_semaphore(%arg15 : memref<!tpu.dma_semaphore, #tpu.memory_space<semaphore_mem>>)
      %add3A_109 = arith.constant 128 : i32
      %add3A_110 = arith.addi %mul3A_2, %add3A_109 : i32
      %dma_start3A_111 = arith.constant 0 : i32
      %dma_start3A_112 = arith.constant 0 : i32
      %dma_start3A_113 = tpu.memref_slice %arg11[%dma_start3A_111, %dma_start3A_112] : memref<128x128xf32, #tpu.memory_space<vmem>> -> memref<128x128xf32, #tpu.memory_space<vmem>>
      %dma_start3A_114 = arith.constant 0 : i32
      %dma_start3A_115 = tpu.memref_slice %arg14[%add3A_110, %dma_start3A_114] : memref<10000x128xf32, #tpu.memory_space<vmem_shared>> -> memref<128x128xf32, #tpu.memory_space<vmem_shared>>
      %dma_start3A_116 = arith.constant 0 : i32
      %dma_start3A_117 = tpu.memref_slice %arg14[%add3A_110, %dma_start3A_116] : memref<10000x128xf32, #tpu.memory_space<vmem_shared>> -> memref<128x128xf32, #tpu.memory_space<vmem_shared>>
      %dma_start3A_118 = arith.constant 0 : i32
      %dma_start3A_119 = arith.constant 0 : i32
      %dma_start3A_120 = tpu.memref_slice %arg11[%dma_start3A_118, %dma_start3A_119] : memref<128x128xf32, #tpu.memory_space<vmem>> -> memref<128x128xf32, #tpu.memory_space<vmem>>
      tpu.enqueue_dma source(%dma_start3A_120 : memref<128x128xf32, #tpu.memory_space<vmem>>) target(%dma_start3A_117 : memref<128x128xf32, #tpu.memory_space<vmem_shared>>) target_semaphore(%arg16 : memref<!tpu.dma_semaphore, #tpu.memory_space<semaphore_mem>>)
      %add3A_121 = arith.constant 256 : i32
      %add3A_122 = arith.addi %mul3A_2, %add3A_121 : i32
      %dma_start3A_123 = arith.constant 0 : i32
      %dma_start3A_124 = arith.constant 0 : i32
      %dma_start3A_125 = tpu.memref_slice %arg11[%dma_start3A_123, %dma_start3A_124] : memref<128x128xf32, #tpu.memory_space<vmem>> -> memref<128x128xf32, #tpu.memory_space<vmem>>
      %dma_start3A_126 = arith.constant 0 : i32
      %dma_start3A_127 = tpu.memref_slice %arg14[%add3A_122, %dma_start3A_126] : memref<10000x128xf32, #tpu.memory_space<vmem_shared>> -> memref<128x128xf32, #tpu.memory_space<vmem_shared>>
      %dma_start3A_128 = arith.constant 0 : i32
      %dma_start3A_129 = tpu.memref_slice %arg14[%add3A_122, %dma_start3A_128] : memref<10000x128xf32, #tpu.memory_space<vmem_shared>> -> memref<128x128xf32, #tpu.memory_space<vmem_shared>>
      %dma_start3A_130 = arith.constant 0 : i32
      %dma_start3A_131 = arith.constant 0 : i32
      %dma_start3A_132 = tpu.memref_slice %arg11[%dma_start3A_130, %dma_start3A_131] : memref<128x128xf32, #tpu.memory_space<vmem>> -> memref<128x128xf32, #tpu.memory_space<vmem>>
      tpu.enqueue_dma source(%dma_start3A_132 : memref<128x128xf32, #tpu.memory_space<vmem>>) target(%dma_start3A_129 : memref<128x128xf32, #tpu.memory_space<vmem_shared>>) target_semaphore(%arg17 : memref<!tpu.dma_semaphore, #tpu.memory_space<semaphore_mem>>)
      %add3A_133 = arith.constant 384 : i32
      %add3A_134 = arith.addi %mul3A_2, %add3A_133 : i32
      %dma_start3A_135 = arith.constant 0 : i32
      %dma_start3A_136 = arith.constant 0 : i32
      %dma_start3A_137 = tpu.memref_slice %arg11[%dma_start3A_135, %dma_start3A_136] : memref<128x128xf32, #tpu.memory_space<vmem>> -> memref<128x128xf32, #tpu.memory_space<vmem>>
      %dma_start3A_138 = arith.constant 0 : i32
      %dma_start3A_139 = tpu.memref_slice %arg14[%add3A_134, %dma_start3A_138] : memref<10000x128xf32, #tpu.memory_space<vmem_shared>> -> memref<128x128xf32, #tpu.memory_space<vmem_shared>>
      %dma_start3A_140 = arith.constant 0 : i32
      %dma_start3A_141 = tpu.memref_slice %arg14[%add3A_134, %dma_start3A_140] : memref<10000x128xf32, #tpu.memory_space<vmem_shared>> -> memref<128x128xf32, #tpu.memory_space<vmem_shared>>
      %dma_start3A_142 = arith.constant 0 : i32
      %dma_start3A_143 = arith.constant 0 : i32
      %dma_start3A_144 = tpu.memref_slice %arg11[%dma_start3A_142, %dma_start3A_143] : memref<128x128xf32, #tpu.memory_space<vmem>> -> memref<128x128xf32, #tpu.memory_space<vmem>>
      tpu.enqueue_dma source(%dma_start3A_144 : memref<128x128xf32, #tpu.memory_space<vmem>>) target(%dma_start3A_141 : memref<128x128xf32, #tpu.memory_space<vmem_shared>>) target_semaphore(%arg18 : memref<!tpu.dma_semaphore, #tpu.memory_space<semaphore_mem>>)
      %add3A_145 = arith.constant 512 : i32
      %add3A_146 = arith.addi %mul3A_2, %add3A_145 : i32
      %dma_start3A_147 = arith.constant 0 : i32
      %dma_start3A_148 = arith.constant 0 : i32
      %dma_start3A_149 = tpu.memref_slice %arg11[%dma_start3A_147, %dma_start3A_148] : memref<128x128xf32, #tpu.memory_space<vmem>> -> memref<120x128xf32, #tpu.memory_space<vmem>>
      %dma_start3A_150 = arith.constant 0 : i32
      %dma_start3A_151 = tpu.memref_slice %arg14[%add3A_146, %dma_start3A_150] : memref<10000x128xf32, #tpu.memory_space<vmem_shared>> -> memref<120x128xf32, #tpu.memory_space<vmem_shared>>
      %dma_start3A_152 = arith.constant 0 : i32
      %dma_start3A_153 = tpu.memref_slice %arg14[%add3A_146, %dma_start3A_152] : memref<10000x128xf32, #tpu.memory_space<vmem_shared>> -> memref<120x128xf32, #tpu.memory_space<vmem_shared>>
      %dma_start3A_154 = arith.constant 0 : i32
      %dma_start3A_155 = arith.constant 0 : i32
      %dma_start3A_156 = tpu.memref_slice %arg11[%dma_start3A_154, %dma_start3A_155] : memref<128x128xf32, #tpu.memory_space<vmem>> -> memref<120x128xf32, #tpu.memory_space<vmem>>
      tpu.enqueue_dma source(%dma_start3A_156 : memref<120x128xf32, #tpu.memory_space<vmem>>) target(%dma_start3A_153 : memref<120x128xf32, #tpu.memory_space<vmem_shared>>) target_semaphore(%arg19 : memref<!tpu.dma_semaphore, #tpu.memory_space<semaphore_mem>>)
      %dma_wait3A_157 = arith.constant 0 : i32
      %dma_wait3A_158 = arith.constant 0 : i32
      %dma_wait3A_159 = tpu.memref_slice %arg11[%dma_wait3A_157, %dma_wait3A_158] : memref<128x128xf32, #tpu.memory_space<vmem>> -> memref<128x128xf32, #tpu.memory_space<vmem>>
      %dma_wait3A_160 = arith.constant 0 : i32
      %dma_wait3A_161 = tpu.memref_slice %arg14[%add3A_98, %dma_wait3A_160] : memref<10000x128xf32, #tpu.memory_space<vmem_shared>> -> memref<128x128xf32, #tpu.memory_space<vmem_shared>>
      %dma_wait3A_162 = arith.constant 0 : i32
      %dma_wait3A_163 = tpu.memref_slice %arg14[%add3A_98, %dma_wait3A_162] : memref<10000x128xf32, #tpu.memory_space<vmem_shared>> -> memref<128x128xf32, #tpu.memory_space<vmem_shared>>
      %dma_wait3A_164 = arith.constant 0 : i32
      %dma_wait3A_165 = arith.constant 0 : i32
      %dma_wait3A_166 = tpu.memref_slice %arg11[%dma_wait3A_164, %dma_wait3A_165] : memref<128x128xf32, #tpu.memory_space<vmem>> -> memref<128x128xf32, #tpu.memory_space<vmem>>
      tpu.wait_dma2 semaphore(%arg15 : memref<!tpu.dma_semaphore, #tpu.memory_space<semaphore_mem>>) src(%dma_wait3A_166 : memref<128x128xf32, #tpu.memory_space<vmem>>) dst(%dma_wait3A_163 : memref<128x128xf32, #tpu.memory_space<vmem_shared>>)
      %dma_wait3A_167 = arith.constant 0 : i32
      %dma_wait3A_168 = arith.constant 0 : i32
      %dma_wait3A_169 = tpu.memref_slice %arg11[%dma_wait3A_167, %dma_wait3A_168] : memref<128x128xf32, #tpu.memory_space<vmem>> -> memref<128x128xf32, #tpu.memory_space<vmem>>
      %dma_wait3A_170 = arith.constant 0 : i32
      %dma_wait3A_171 = tpu.memref_slice %arg14[%add3A_110, %dma_wait3A_170] : memref<10000x128xf32, #tpu.memory_space<vmem_shared>> -> memref<128x128xf32, #tpu.memory_space<vmem_shared>>
      %dma_wait3A_172 = arith.constant 0 : i32
      %dma_wait3A_173 = tpu.memref_slice %arg14[%add3A_110, %dma_wait3A_172] : memref<10000x128xf32, #tpu.memory_space<vmem_shared>> -> memref<128x128xf32, #tpu.memory_space<vmem_shared>>
      %dma_wait3A_174 = arith.constant 0 : i32
      %dma_wait3A_175 = arith.constant 0 : i32
      %dma_wait3A_176 = tpu.memref_slice %arg11[%dma_wait3A_174, %dma_wait3A_175] : memref<128x128xf32, #tpu.memory_space<vmem>> -> memref<128x128xf32, #tpu.memory_space<vmem>>
      tpu.wait_dma2 semaphore(%arg16 : memref<!tpu.dma_semaphore, #tpu.memory_space<semaphore_mem>>) src(%dma_wait3A_176 : memref<128x128xf32, #tpu.memory_space<vmem>>) dst(%dma_wait3A_173 : memref<128x128xf32, #tpu.memory_space<vmem_shared>>)
      %dma_wait3A_177 = arith.constant 0 : i32
      %dma_wait3A_178 = arith.constant 0 : i32
      %dma_wait3A_179 = tpu.memref_slice %arg11[%dma_wait3A_177, %dma_wait3A_178] : memref<128x128xf32, #tpu.memory_space<vmem>> -> memref<128x128xf32, #tpu.memory_space<vmem>>
      %dma_wait3A_180 = arith.constant 0 : i32
      %dma_wait3A_181 = tpu.memref_slice %arg14[%add3A_122, %dma_wait3A_180] : memref<10000x128xf32, #tpu.memory_space<vmem_shared>> -> memref<128x128xf32, #tpu.memory_space<vmem_shared>>
      %dma_wait3A_182 = arith.constant 0 : i32
      %dma_wait3A_183 = tpu.memref_slice %arg14[%add3A_122, %dma_wait3A_182] : memref<10000x128xf32, #tpu.memory_space<vmem_shared>> -> memref<128x128xf32, #tpu.memory_space<vmem_shared>>
      %dma_wait3A_184 = arith.constant 0 : i32
      %dma_wait3A_185 = arith.constant 0 : i32
      %dma_wait3A_186 = tpu.memref_slice %arg11[%dma_wait3A_184, %dma_wait3A_185] : memref<128x128xf32, #tpu.memory_space<vmem>> -> memref<128x128xf32, #tpu.memory_space<vmem>>
      tpu.wait_dma2 semaphore(%arg17 : memref<!tpu.dma_semaphore, #tpu.memory_space<semaphore_mem>>) src(%dma_wait3A_186 : memref<128x128xf32, #tpu.memory_space<vmem>>) dst(%dma_wait3A_183 : memref<128x128xf32, #tpu.memory_space<vmem_shared>>)
      %dma_wait3A_187 = arith.constant 0 : i32
      %dma_wait3A_188 = arith.constant 0 : i32
      %dma_wait3A_189 = tpu.memref_slice %arg11[%dma_wait3A_187, %dma_wait3A_188] : memref<128x128xf32, #tpu.memory_space<vmem>> -> memref<128x128xf32, #tpu.memory_space<vmem>>
      %dma_wait3A_190 = arith.constant 0 : i32
      %dma_wait3A_191 = tpu.memref_slice %arg14[%add3A_134, %dma_wait3A_190] : memref<10000x128xf32, #tpu.memory_space<vmem_shared>> -> memref<128x128xf32, #tpu.memory_space<vmem_shared>>
      %dma_wait3A_192 = arith.constant 0 : i32
      %dma_wait3A_193 = tpu.memref_slice %arg14[%add3A_134, %dma_wait3A_192] : memref<10000x128xf32, #tpu.memory_space<vmem_shared>> -> memref<128x128xf32, #tpu.memory_space<vmem_shared>>
      %dma_wait3A_194 = arith.constant 0 : i32
      %dma_wait3A_195 = arith.constant 0 : i32
      %dma_wait3A_196 = tpu.memref_slice %arg11[%dma_wait3A_194, %dma_wait3A_195] : memref<128x128xf32, #tpu.memory_space<vmem>> -> memref<128x128xf32, #tpu.memory_space<vmem>>
      tpu.wait_dma2 semaphore(%arg18 : memref<!tpu.dma_semaphore, #tpu.memory_space<semaphore_mem>>) src(%dma_wait3A_196 : memref<128x128xf32, #tpu.memory_space<vmem>>) dst(%dma_wait3A_193 : memref<128x128xf32, #tpu.memory_space<vmem_shared>>)
      %dma_wait3A_197 = arith.constant 0 : i32
      %dma_wait3A_198 = arith.constant 0 : i32
      %dma_wait3A_199 = tpu.memref_slice %arg11[%dma_wait3A_197, %dma_wait3A_198] : memref<128x128xf32, #tpu.memory_space<vmem>> -> memref<120x128xf32, #tpu.memory_space<vmem>>
      %dma_wait3A_200 = arith.constant 0 : i32
      %dma_wait3A_201 = tpu.memref_slice %arg14[%add3A_146, %dma_wait3A_200] : memref<10000x128xf32, #tpu.memory_space<vmem_shared>> -> memref<120x128xf32, #tpu.memory_space<vmem_shared>>
      %dma_wait3A_202 = arith.constant 0 : i32
      %dma_wait3A_203 = tpu.memref_slice %arg14[%add3A_146, %dma_wait3A_202] : memref<10000x128xf32, #tpu.memory_space<vmem_shared>> -> memref<120x128xf32, #tpu.memory_space<vmem_shared>>
      %dma_wait3A_204 = arith.constant 0 : i32
      %dma_wait3A_205 = arith.constant 0 : i32
      %dma_wait3A_206 = tpu.memref_slice %arg11[%dma_wait3A_204, %dma_wait3A_205] : memref<128x128xf32, #tpu.memory_space<vmem>> -> memref<120x128xf32, #tpu.memory_space<vmem>>
      tpu.wait_dma2 semaphore(%arg19 : memref<!tpu.dma_semaphore, #tpu.memory_space<semaphore_mem>>) src(%dma_wait3A_206 : memref<120x128xf32, #tpu.memory_space<vmem>>) dst(%dma_wait3A_203 : memref<120x128xf32, #tpu.memory_space<vmem_shared>>)
    } else {
    }
    %eq3A = arith.constant 15 : i32
    %eq3A_10 = arith.cmpi eq, %arg1, %eq3A : i32
    %convert_element_type3A_11 = arith.extui %eq3A_10 : i1 to i32
    %cond3A_12 = arith.constant 0 : i32
    %cond3A_13 = arith.cmpi ne, %convert_element_type3A_11, %cond3A_12 : i32
    scf.if %cond3A_13 {
      %add3A_97 = arith.constant 0 : i32
      %add3A_98 = arith.addi %mul3A_2, %add3A_97 : i32
      %dma_start3A_99 = arith.constant 0 : i32
      %dma_start3A_100 = arith.constant 0 : i32
      %dma_start3A_101 = tpu.memref_slice %arg11[%dma_start3A_99, %dma_start3A_100] : memref<128x128xf32, #tpu.memory_space<vmem>> -> memref<128x128xf32, #tpu.memory_space<vmem>>
      %dma_start3A_102 = arith.constant 0 : i32
      %dma_start3A_103 = tpu.memref_slice %arg14[%add3A_98, %dma_start3A_102] : memref<10000x128xf32, #tpu.memory_space<vmem_shared>> -> memref<128x128xf32, #tpu.memory_space<vmem_shared>>
      %dma_start3A_104 = arith.constant 0 : i32
      %dma_start3A_105 = tpu.memref_slice %arg14[%add3A_98, %dma_start3A_104] : memref<10000x128xf32, #tpu.memory_space<vmem_shared>> -> memref<128x128xf32, #tpu.memory_space<vmem_shared>>
      %dma_start3A_106 = arith.constant 0 : i32
      %dma_start3A_107 = arith.constant 0 : i32
      %dma_start3A_108 = tpu.memref_slice %arg11[%dma_start3A_106, %dma_start3A_107] : memref<128x128xf32, #tpu.memory_space<vmem>> -> memref<128x128xf32, #tpu.memory_space<vmem>>
      tpu.enqueue_dma source(%dma_start3A_108 : memref<128x128xf32, #tpu.memory_space<vmem>>) target(%dma_start3A_105 : memref<128x128xf32, #tpu.memory_space<vmem_shared>>) target_semaphore(%arg15 : memref<!tpu.dma_semaphore, #tpu.memory_space<semaphore_mem>>)
      %add3A_109 = arith.constant 128 : i32
      %add3A_110 = arith.addi %mul3A_2, %add3A_109 : i32
      %dma_start3A_111 = arith.constant 0 : i32
      %dma_start3A_112 = arith.constant 0 : i32
      %dma_start3A_113 = tpu.memref_slice %arg11[%dma_start3A_111, %dma_start3A_112] : memref<128x128xf32, #tpu.memory_space<vmem>> -> memref<128x128xf32, #tpu.memory_space<vmem>>
      %dma_start3A_114 = arith.constant 0 : i32
      %dma_start3A_115 = tpu.memref_slice %arg14[%add3A_110, %dma_start3A_114] : memref<10000x128xf32, #tpu.memory_space<vmem_shared>> -> memref<128x128xf32, #tpu.memory_space<vmem_shared>>
      %dma_start3A_116 = arith.constant 0 : i32
      %dma_start3A_117 = tpu.memref_slice %arg14[%add3A_110, %dma_start3A_116] : memref<10000x128xf32, #tpu.memory_space<vmem_shared>> -> memref<128x128xf32, #tpu.memory_space<vmem_shared>>
      %dma_start3A_118 = arith.constant 0 : i32
      %dma_start3A_119 = arith.constant 0 : i32
      %dma_start3A_120 = tpu.memref_slice %arg11[%dma_start3A_118, %dma_start3A_119] : memref<128x128xf32, #tpu.memory_space<vmem>> -> memref<128x128xf32, #tpu.memory_space<vmem>>
      tpu.enqueue_dma source(%dma_start3A_120 : memref<128x128xf32, #tpu.memory_space<vmem>>) target(%dma_start3A_117 : memref<128x128xf32, #tpu.memory_space<vmem_shared>>) target_semaphore(%arg16 : memref<!tpu.dma_semaphore, #tpu.memory_space<semaphore_mem>>)
      %add3A_121 = arith.constant 256 : i32
      %add3A_122 = arith.addi %mul3A_2, %add3A_121 : i32
      %dma_start3A_123 = arith.constant 0 : i32
      %dma_start3A_124 = arith.constant 0 : i32
      %dma_start3A_125 = tpu.memref_slice %arg11[%dma_start3A_123, %dma_start3A_124] : memref<128x128xf32, #tpu.memory_space<vmem>> -> memref<128x128xf32, #tpu.memory_space<vmem>>
      %dma_start3A_126 = arith.constant 0 : i32
      %dma_start3A_127 = tpu.memref_slice %arg14[%add3A_122, %dma_start3A_126] : memref<10000x128xf32, #tpu.memory_space<vmem_shared>> -> memref<128x128xf32, #tpu.memory_space<vmem_shared>>
      %dma_start3A_128 = arith.constant 0 : i32
      %dma_start3A_129 = tpu.memref_slice %arg14[%add3A_122, %dma_start3A_128] : memref<10000x128xf32, #tpu.memory_space<vmem_shared>> -> memref<128x128xf32, #tpu.memory_space<vmem_shared>>
      %dma_start3A_130 = arith.constant 0 : i32
      %dma_start3A_131 = arith.constant 0 : i32
      %dma_start3A_132 = tpu.memref_slice %arg11[%dma_start3A_130, %dma_start3A_131] : memref<128x128xf32, #tpu.memory_space<vmem>> -> memref<128x128xf32, #tpu.memory_space<vmem>>
      tpu.enqueue_dma source(%dma_start3A_132 : memref<128x128xf32, #tpu.memory_space<vmem>>) target(%dma_start3A_129 : memref<128x128xf32, #tpu.memory_space<vmem_shared>>) target_semaphore(%arg17 : memref<!tpu.dma_semaphore, #tpu.memory_space<semaphore_mem>>)
      %add3A_133 = arith.constant 384 : i32
      %add3A_134 = arith.addi %mul3A_2, %add3A_133 : i32
      %dma_start3A_135 = arith.constant 0 : i32
      %dma_start3A_136 = arith.constant 0 : i32
      %dma_start3A_137 = tpu.memref_slice %arg11[%dma_start3A_135, %dma_start3A_136] : memref<128x128xf32, #tpu.memory_space<vmem>> -> memref<128x128xf32, #tpu.memory_space<vmem>>
      %dma_start3A_138 = arith.constant 0 : i32
      %dma_start3A_139 = tpu.memref_slice %arg14[%add3A_134, %dma_start3A_138] : memref<10000x128xf32, #tpu.memory_space<vmem_shared>> -> memref<128x128xf32, #tpu.memory_space<vmem_shared>>
      %dma_start3A_140 = arith.constant 0 : i32
      %dma_start3A_141 = tpu.memref_slice %arg14[%add3A_134, %dma_start3A_140] : memref<10000x128xf32, #tpu.memory_space<vmem_shared>> -> memref<128x128xf32, #tpu.memory_space<vmem_shared>>
      %dma_start3A_142 = arith.constant 0 : i32
      %dma_start3A_143 = arith.constant 0 : i32
      %dma_start3A_144 = tpu.memref_slice %arg11[%dma_start3A_142, %dma_start3A_143] : memref<128x128xf32, #tpu.memory_space<vmem>> -> memref<128x128xf32, #tpu.memory_space<vmem>>
      tpu.enqueue_dma source(%dma_start3A_144 : memref<128x128xf32, #tpu.memory_space<vmem>>) target(%dma_start3A_141 : memref<128x128xf32, #tpu.memory_space<vmem_shared>>) target_semaphore(%arg18 : memref<!tpu.dma_semaphore, #tpu.memory_space<semaphore_mem>>)
      %add3A_145 = arith.constant 512 : i32
      %add3A_146 = arith.addi %mul3A_2, %add3A_145 : i32
      %dma_start3A_147 = arith.constant 0 : i32
      %dma_start3A_148 = arith.constant 0 : i32
      %dma_start3A_149 = tpu.memref_slice %arg11[%dma_start3A_147, %dma_start3A_148] : memref<128x128xf32, #tpu.memory_space<vmem>> -> memref<8x128xf32, #tpu.memory_space<vmem>>
      %dma_start3A_150 = arith.constant 0 : i32
      %dma_start3A_151 = tpu.memref_slice %arg14[%add3A_146, %dma_start3A_150] : memref<10000x128xf32, #tpu.memory_space<vmem_shared>> -> memref<8x128xf32, #tpu.memory_space<vmem_shared>>
      %dma_start3A_152 = arith.constant 0 : i32
      %dma_start3A_153 = tpu.memref_slice %arg14[%add3A_146, %dma_start3A_152] : memref<10000x128xf32, #tpu.memory_space<vmem_shared>> -> memref<8x128xf32, #tpu.memory_space<vmem_shared>>
      %dma_start3A_154 = arith.constant 0 : i32
      %dma_start3A_155 = arith.constant 0 : i32
      %dma_start3A_156 = tpu.memref_slice %arg11[%dma_start3A_154, %dma_start3A_155] : memref<128x128xf32, #tpu.memory_space<vmem>> -> memref<8x128xf32, #tpu.memory_space<vmem>>
      tpu.enqueue_dma source(%dma_start3A_156 : memref<8x128xf32, #tpu.memory_space<vmem>>) target(%dma_start3A_153 : memref<8x128xf32, #tpu.memory_space<vmem_shared>>) target_semaphore(%arg19 : memref<!tpu.dma_semaphore, #tpu.memory_space<semaphore_mem>>)
      %dma_wait3A_157 = arith.constant 0 : i32
      %dma_wait3A_158 = arith.constant 0 : i32
      %dma_wait3A_159 = tpu.memref_slice %arg11[%dma_wait3A_157, %dma_wait3A_158] : memref<128x128xf32, #tpu.memory_space<vmem>> -> memref<128x128xf32, #tpu.memory_space<vmem>>
      %dma_wait3A_160 = arith.constant 0 : i32
      %dma_wait3A_161 = tpu.memref_slice %arg14[%add3A_98, %dma_wait3A_160] : memref<10000x128xf32, #tpu.memory_space<vmem_shared>> -> memref<128x128xf32, #tpu.memory_space<vmem_shared>>
      %dma_wait3A_162 = arith.constant 0 : i32
      %dma_wait3A_163 = tpu.memref_slice %arg14[%add3A_98, %dma_wait3A_162] : memref<10000x128xf32, #tpu.memory_space<vmem_shared>> -> memref<128x128xf32, #tpu.memory_space<vmem_shared>>
      %dma_wait3A_164 = arith.constant 0 : i32
      %dma_wait3A_165 = arith.constant 0 : i32
      %dma_wait3A_166 = tpu.memref_slice %arg11[%dma_wait3A_164, %dma_wait3A_165] : memref<128x128xf32, #tpu.memory_space<vmem>> -> memref<128x128xf32, #tpu.memory_space<vmem>>
      tpu.wait_dma2 semaphore(%arg15 : memref<!tpu.dma_semaphore, #tpu.memory_space<semaphore_mem>>) src(%dma_wait3A_166 : memref<128x128xf32, #tpu.memory_space<vmem>>) dst(%dma_wait3A_163 : memref<128x128xf32, #tpu.memory_space<vmem_shared>>)
      %dma_wait3A_167 = arith.constant 0 : i32
      %dma_wait3A_168 = arith.constant 0 : i32
      %dma_wait3A_169 = tpu.memref_slice %arg11[%dma_wait3A_167, %dma_wait3A_168] : memref<128x128xf32, #tpu.memory_space<vmem>> -> memref<128x128xf32, #tpu.memory_space<vmem>>
      %dma_wait3A_170 = arith.constant 0 : i32
      %dma_wait3A_171 = tpu.memref_slice %arg14[%add3A_110, %dma_wait3A_170] : memref<10000x128xf32, #tpu.memory_space<vmem_shared>> -> memref<128x128xf32, #tpu.memory_space<vmem_shared>>
      %dma_wait3A_172 = arith.constant 0 : i32
      %dma_wait3A_173 = tpu.memref_slice %arg14[%add3A_110, %dma_wait3A_172] : memref<10000x128xf32, #tpu.memory_space<vmem_shared>> -> memref<128x128xf32, #tpu.memory_space<vmem_shared>>
      %dma_wait3A_174 = arith.constant 0 : i32
      %dma_wait3A_175 = arith.constant 0 : i32
      %dma_wait3A_176 = tpu.memref_slice %arg11[%dma_wait3A_174, %dma_wait3A_175] : memref<128x128xf32, #tpu.memory_space<vmem>> -> memref<128x128xf32, #tpu.memory_space<vmem>>
      tpu.wait_dma2 semaphore(%arg16 : memref<!tpu.dma_semaphore, #tpu.memory_space<semaphore_mem>>) src(%dma_wait3A_176 : memref<128x128xf32, #tpu.memory_space<vmem>>) dst(%dma_wait3A_173 : memref<128x128xf32, #tpu.memory_space<vmem_shared>>)
      %dma_wait3A_177 = arith.constant 0 : i32
      %dma_wait3A_178 = arith.constant 0 : i32
      %dma_wait3A_179 = tpu.memref_slice %arg11[%dma_wait3A_177, %dma_wait3A_178] : memref<128x128xf32, #tpu.memory_space<vmem>> -> memref<128x128xf32, #tpu.memory_space<vmem>>
      %dma_wait3A_180 = arith.constant 0 : i32
      %dma_wait3A_181 = tpu.memref_slice %arg14[%add3A_122, %dma_wait3A_180] : memref<10000x128xf32, #tpu.memory_space<vmem_shared>> -> memref<128x128xf32, #tpu.memory_space<vmem_shared>>
      %dma_wait3A_182 = arith.constant 0 : i32
      %dma_wait3A_183 = tpu.memref_slice %arg14[%add3A_122, %dma_wait3A_182] : memref<10000x128xf32, #tpu.memory_space<vmem_shared>> -> memref<128x128xf32, #tpu.memory_space<vmem_shared>>
      %dma_wait3A_184 = arith.constant 0 : i32
      %dma_wait3A_185 = arith.constant 0 : i32
      %dma_wait3A_186 = tpu.memref_slice %arg11[%dma_wait3A_184, %dma_wait3A_185] : memref<128x128xf32, #tpu.memory_space<vmem>> -> memref<128x128xf32, #tpu.memory_space<vmem>>
      tpu.wait_dma2 semaphore(%arg17 : memref<!tpu.dma_semaphore, #tpu.memory_space<semaphore_mem>>) src(%dma_wait3A_186 : memref<128x128xf32, #tpu.memory_space<vmem>>) dst(%dma_wait3A_183 : memref<128x128xf32, #tpu.memory_space<vmem_shared>>)
      %dma_wait3A_187 = arith.constant 0 : i32
      %dma_wait3A_188 = arith.constant 0 : i32
      %dma_wait3A_189 = tpu.memref_slice %arg11[%dma_wait3A_187, %dma_wait3A_188] : memref<128x128xf32, #tpu.memory_space<vmem>> -> memref<128x128xf32, #tpu.memory_space<vmem>>
      %dma_wait3A_190 = arith.constant 0 : i32
      %dma_wait3A_191 = tpu.memref_slice %arg14[%add3A_134, %dma_wait3A_190] : memref<10000x128xf32, #tpu.memory_space<vmem_shared>> -> memref<128x128xf32, #tpu.memory_space<vmem_shared>>
      %dma_wait3A_192 = arith.constant 0 : i32
      %dma_wait3A_193 = tpu.memref_slice %arg14[%add3A_134, %dma_wait3A_192] : memref<10000x128xf32, #tpu.memory_space<vmem_shared>> -> memref<128x128xf32, #tpu.memory_space<vmem_shared>>
      %dma_wait3A_194 = arith.constant 0 : i32
      %dma_wait3A_195 = arith.constant 0 : i32
      %dma_wait3A_196 = tpu.memref_slice %arg11[%dma_wait3A_194, %dma_wait3A_195] : memref<128x128xf32, #tpu.memory_space<vmem>> -> memref<128x128xf32, #tpu.memory_space<vmem>>
      tpu.wait_dma2 semaphore(%arg18 : memref<!tpu.dma_semaphore, #tpu.memory_space<semaphore_mem>>) src(%dma_wait3A_196 : memref<128x128xf32, #tpu.memory_space<vmem>>) dst(%dma_wait3A_193 : memref<128x128xf32, #tpu.memory_space<vmem_shared>>)
      %dma_wait3A_197 = arith.constant 0 : i32
      %dma_wait3A_198 = arith.constant 0 : i32
      %dma_wait3A_199 = tpu.memref_slice %arg11[%dma_wait3A_197, %dma_wait3A_198] : memref<128x128xf32, #tpu.memory_space<vmem>> -> memref<8x128xf32, #tpu.memory_space<vmem>>
      %dma_wait3A_200 = arith.constant 0 : i32
      %dma_wait3A_201 = tpu.memref_slice %arg14[%add3A_146, %dma_wait3A_200] : memref<10000x128xf32, #tpu.memory_space<vmem_shared>> -> memref<8x128xf32, #tpu.memory_space<vmem_shared>>
      %dma_wait3A_202 = arith.constant 0 : i32
      %dma_wait3A_203 = tpu.memref_slice %arg14[%add3A_146, %dma_wait3A_202] : memref<10000x128xf32, #tpu.memory_space<vmem_shared>> -> memref<8x128xf32, #tpu.memory_space<vmem_shared>>
      %dma_wait3A_204 = arith.constant 0 : i32
      %dma_wait3A_205 = arith.constant 0 : i32
      %dma_wait3A_206 = tpu.memref_slice %arg11[%dma_wait3A_204, %dma_wait3A_205] : memref<128x128xf32, #tpu.memory_space<vmem>> -> memref<8x128xf32, #tpu.memory_space<vmem>>
      tpu.wait_dma2 semaphore(%arg19 : memref<!tpu.dma_semaphore, #tpu.memory_space<semaphore_mem>>) src(%dma_wait3A_206 : memref<8x128xf32, #tpu.memory_space<vmem>>) dst(%dma_wait3A_203 : memref<8x128xf32, #tpu.memory_space<vmem_shared>>)
    } else {
    }
    %barrier3A = arith.constant 0 : index
    tpu.barrier barrier_id(%barrier3A)
    %add3A_14 = arith.constant 0 : i32
    %add3A_15 = arith.addi %add3A, %add3A_14 : i32
    %mul3A_16 = arith.constant 128 : i32
    %mul3A_17 = arith.muli %add3A_15, %mul3A_16 : i32
    %dma_start3A = arith.constant 0 : i32
    %dma_start3A_18 = tpu.memref_slice %arg3[%dma_start3A, %mul3A_17] : memref<2x320000xi32, #tpu.memory_space<hbm>> -> memref<2x128xi32, #tpu.memory_space<hbm>>
    %dma_start3A_19 = arith.constant 0 : i32
    %dma_start3A_20 = tpu.memref_slice %arg3[%dma_start3A_19, %mul3A_17] : memref<2x320000xi32, #tpu.memory_space<hbm>> -> memref<2x128xi32, #tpu.memory_space<hbm>>
    tpu.enqueue_dma source(%dma_start3A_20 : memref<2x128xi32, #tpu.memory_space<hbm>>) target(%arg5 : memref<2x128xi32, #tpu.memory_space<vmem>>) target_semaphore(%arg15 : memref<!tpu.dma_semaphore, #tpu.memory_space<semaphore_mem>>)
    %add3A_21 = arith.constant 32 : i32
    %add3A_22 = arith.addi %add3A, %add3A_21 : i32
    %mul3A_23 = arith.constant 128 : i32
    %mul3A_24 = arith.muli %add3A_22, %mul3A_23 : i32
    %dma_start3A_25 = arith.constant 0 : i32
    %dma_start3A_26 = tpu.memref_slice %arg3[%dma_start3A_25, %mul3A_24] : memref<2x320000xi32, #tpu.memory_space<hbm>> -> memref<2x128xi32, #tpu.memory_space<hbm>>
    %dma_start3A_27 = arith.constant 0 : i32
    %dma_start3A_28 = tpu.memref_slice %arg3[%dma_start3A_27, %mul3A_24] : memref<2x320000xi32, #tpu.memory_space<hbm>> -> memref<2x128xi32, #tpu.memory_space<hbm>>
    tpu.enqueue_dma source(%dma_start3A_28 : memref<2x128xi32, #tpu.memory_space<hbm>>) target(%arg6 : memref<2x128xi32, #tpu.memory_space<vmem>>) target_semaphore(%arg16 : memref<!tpu.dma_semaphore, #tpu.memory_space<semaphore_mem>>)
    %add3A_29 = arith.constant 64 : i32
    %add3A_30 = arith.addi %add3A, %add3A_29 : i32
    %mul3A_31 = arith.constant 128 : i32
    %mul3A_32 = arith.muli %add3A_30, %mul3A_31 : i32
    %dma_start3A_33 = arith.constant 0 : i32
    %dma_start3A_34 = tpu.memref_slice %arg3[%dma_start3A_33, %mul3A_32] : memref<2x320000xi32, #tpu.memory_space<hbm>> -> memref<2x128xi32, #tpu.memory_space<hbm>>
    %dma_start3A_35 = arith.constant 0 : i32
    %dma_start3A_36 = tpu.memref_slice %arg3[%dma_start3A_35, %mul3A_32] : memref<2x320000xi32, #tpu.memory_space<hbm>> -> memref<2x128xi32, #tpu.memory_space<hbm>>
    tpu.enqueue_dma source(%dma_start3A_36 : memref<2x128xi32, #tpu.memory_space<hbm>>) target(%arg7 : memref<2x128xi32, #tpu.memory_space<vmem>>) target_semaphore(%arg17 : memref<!tpu.dma_semaphore, #tpu.memory_space<semaphore_mem>>)
    %add3A_37 = arith.constant 96 : i32
    %add3A_38 = arith.addi %add3A, %add3A_37 : i32
    %mul3A_39 = arith.constant 128 : i32
    %mul3A_40 = arith.muli %add3A_38, %mul3A_39 : i32
    %dma_start3A_41 = arith.constant 0 : i32
    %dma_start3A_42 = tpu.memref_slice %arg3[%dma_start3A_41, %mul3A_40] : memref<2x320000xi32, #tpu.memory_space<hbm>> -> memref<2x128xi32, #tpu.memory_space<hbm>>
    %dma_start3A_43 = arith.constant 0 : i32
    %dma_start3A_44 = tpu.memref_slice %arg3[%dma_start3A_43, %mul3A_40] : memref<2x320000xi32, #tpu.memory_space<hbm>> -> memref<2x128xi32, #tpu.memory_space<hbm>>
    tpu.enqueue_dma source(%dma_start3A_44 : memref<2x128xi32, #tpu.memory_space<hbm>>) target(%arg8 : memref<2x128xi32, #tpu.memory_space<vmem>>) target_semaphore(%arg18 : memref<!tpu.dma_semaphore, #tpu.memory_space<semaphore_mem>>)
    %add3A_45 = arith.constant 0 : i32
    %add3A_46 = arith.addi %add3A, %add3A_45 : i32
    %mul3A_47 = arith.constant 128 : i32
    %mul3A_48 = arith.muli %add3A_46, %mul3A_47 : i32
    %dma_wait3A = arith.constant 0 : i32
    %dma_wait3A_49 = tpu.memref_slice %arg3[%dma_wait3A, %mul3A_48] : memref<2x320000xi32, #tpu.memory_space<hbm>> -> memref<2x128xi32, #tpu.memory_space<hbm>>
    %dma_wait3A_50 = arith.constant 0 : i32
    %dma_wait3A_51 = tpu.memref_slice %arg3[%dma_wait3A_50, %mul3A_48] : memref<2x320000xi32, #tpu.memory_space<hbm>> -> memref<2x128xi32, #tpu.memory_space<hbm>>
    tpu.wait_dma2 semaphore(%arg15 : memref<!tpu.dma_semaphore, #tpu.memory_space<semaphore_mem>>) src(%dma_wait3A_51 : memref<2x128xi32, #tpu.memory_space<hbm>>) dst(%arg5 : memref<2x128xi32, #tpu.memory_space<vmem>>)
    %dma_start3A_52 = arith.constant 0 : i32
    %dma_start3A_53 = arith.constant 0 : i32
    %dma_start3A_54 = tpu.memref_slice %arg5[%dma_start3A_52, %dma_start3A_53] : memref<2x128xi32, #tpu.memory_space<vmem>> -> memref<1x128xi32, #tpu.memory_space<vmem>>
    %dma_start3A_55 = tpu.memref_squeeze %dma_start3A_54 : memref<1x128xi32, #tpu.memory_space<vmem>> -> memref<128xi32, #tpu.memory_space<vmem>>
    %dma_start3A_56 = arith.constant 0 : i32
    %dma_start3A_57 = arith.constant 0 : i32
    %dma_start3A_58 = tpu.memref_slice %arg2[%dma_start3A_56, %dma_start3A_57] : memref<10000x128xf32, #tpu.memory_space<hbm>> -> memref<10000x128xf32, #tpu.memory_space<hbm>>
    tpu.enqueue_indirect_dma source(%dma_start3A_58 : memref<10000x128xf32, #tpu.memory_space<hbm>>) target(%arg11 : memref<128x128xf32, #tpu.memory_space<vmem>>) offsets(%dma_start3A_55 : memref<128xi32, #tpu.memory_space<vmem>>) semaphore(%arg21 : memref<!tpu.dma_semaphore, #tpu.memory_space<semaphore_mem>>)
    %scan3A_59 = arith.constant 0 : i32
    %scan3A_60 = arith.constant 0 : i32
    %scan3A_61 = arith.constant 13 : i32
    %scan3A_62 = arith.addi %scan3A_60, %scan3A_61 : i32
    %scan3A_63 = arith.constant 1 : i32
    scf.for %scan3A_97 = %scan3A_60 to %scan3A_62 step %scan3A_63  : i32 {
      %mul3A_98 = arith.constant 6 : i32
      %mul3A_99 = arith.muli %mul3A_98, %scan3A_97 : i32
      %add3A_100 = arith.constant 0 : i32
      %add3A_101 = arith.addi %mul3A_99, %add3A_100 : i32
      %gt3A = arith.constant 0 : i32
      %gt3A_102 = arith.cmpi sgt, %scan3A_97, %gt3A : i32
      %convert_element_type3A_103 = arith.extui %gt3A_102 : i1 to i32
      %cond3A_104 = arith.constant 0 : i32
      %cond3A_105 = arith.cmpi ne, %convert_element_type3A_103, %cond3A_104 : i32
      scf.if %cond3A_105 {
        %dma_wait3A_380 = arith.constant 1 : i32
        %dma_wait3A_381 = arith.constant 0 : i32
        %dma_wait3A_382 = tpu.memref_slice %arg9[%dma_wait3A_380, %dma_wait3A_381] : memref<2x128xi32, #tpu.memory_space<vmem>> -> memref<1x128xi32, #tpu.memory_space<vmem>>
        %dma_wait3A_383 = tpu.memref_squeeze %dma_wait3A_382 : memref<1x128xi32, #tpu.memory_space<vmem>> -> memref<128xi32, #tpu.memory_space<vmem>>
        %dma_wait3A_384 = arith.constant 0 : i32
        %dma_wait3A_385 = arith.constant 0 : i32
        %dma_wait3A_386 = tpu.memref_slice %arg14[%dma_wait3A_384, %dma_wait3A_385] : memref<10000x128xf32, #tpu.memory_space<vmem_shared>> -> memref<10000x128xf32, #tpu.memory_space<vmem_shared>>
        tpu.wait_indirect_dma semaphore(%arg25 : memref<!tpu.dma_semaphore, #tpu.memory_space<semaphore_mem>>) src(%arg12 : memref<128x128xf32, #tpu.memory_space<vmem>>) dst(%dma_wait3A_386 : memref<10000x128xf32, #tpu.memory_space<vmem_shared>>)
      } else {
      }
      %add3A_106 = arith.constant 1 : i32
      %add3A_107 = arith.addi %add3A_101, %add3A_106 : i32
      %mul3A_108 = arith.constant 32 : i32
      %mul3A_109 = arith.muli %add3A_107, %mul3A_108 : i32
      %add3A_110 = arith.addi %add3A, %mul3A_109 : i32
      %mul3A_111 = arith.constant 128 : i32
      %mul3A_112 = arith.muli %add3A_110, %mul3A_111 : i32
      %dma_wait3A_113 = arith.constant 0 : i32
      %dma_wait3A_114 = tpu.memref_slice %arg3[%dma_wait3A_113, %mul3A_112] : memref<2x320000xi32, #tpu.memory_space<hbm>> -> memref<2x128xi32, #tpu.memory_space<hbm>>
      %dma_wait3A_115 = arith.constant 0 : i32
      %dma_wait3A_116 = tpu.memref_slice %arg3[%dma_wait3A_115, %mul3A_112] : memref<2x320000xi32, #tpu.memory_space<hbm>> -> memref<2x128xi32, #tpu.memory_space<hbm>>
      tpu.wait_dma2 semaphore(%arg16 : memref<!tpu.dma_semaphore, #tpu.memory_space<semaphore_mem>>) src(%dma_wait3A_116 : memref<2x128xi32, #tpu.memory_space<hbm>>) dst(%arg6 : memref<2x128xi32, #tpu.memory_space<vmem>>)
      %dma_start3A_117 = arith.constant 0 : i32
      %dma_start3A_118 = arith.constant 0 : i32
      %dma_start3A_119 = tpu.memref_slice %arg6[%dma_start3A_117, %dma_start3A_118] : memref<2x128xi32, #tpu.memory_space<vmem>> -> memref<1x128xi32, #tpu.memory_space<vmem>>
      %dma_start3A_120 = tpu.memref_squeeze %dma_start3A_119 : memref<1x128xi32, #tpu.memory_space<vmem>> -> memref<128xi32, #tpu.memory_space<vmem>>
      %dma_start3A_121 = arith.constant 0 : i32
      %dma_start3A_122 = arith.constant 0 : i32
      %dma_start3A_123 = tpu.memref_slice %arg2[%dma_start3A_121, %dma_start3A_122] : memref<10000x128xf32, #tpu.memory_space<hbm>> -> memref<10000x128xf32, #tpu.memory_space<hbm>>
      tpu.enqueue_indirect_dma source(%dma_start3A_123 : memref<10000x128xf32, #tpu.memory_space<hbm>>) target(%arg12 : memref<128x128xf32, #tpu.memory_space<vmem>>) offsets(%dma_start3A_120 : memref<128xi32, #tpu.memory_space<vmem>>) semaphore(%arg22 : memref<!tpu.dma_semaphore, #tpu.memory_space<semaphore_mem>>)
      %add3A_124 = arith.constant 4 : i32
      %add3A_125 = arith.addi %add3A_101, %add3A_124 : i32
      %mul3A_126 = arith.constant 32 : i32
      %mul3A_127 = arith.muli %add3A_125, %mul3A_126 : i32
      %add3A_128 = arith.addi %add3A, %mul3A_127 : i32
      %mul3A_129 = arith.constant 128 : i32
      %mul3A_130 = arith.muli %add3A_128, %mul3A_129 : i32
      %dma_start3A_131 = arith.constant 0 : i32
      %dma_start3A_132 = tpu.memref_slice %arg3[%dma_start3A_131, %mul3A_130] : memref<2x320000xi32, #tpu.memory_space<hbm>> -> memref<2x128xi32, #tpu.memory_space<hbm>>
      %dma_start3A_133 = arith.constant 0 : i32
      %dma_start3A_134 = tpu.memref_slice %arg3[%dma_start3A_133, %mul3A_130] : memref<2x320000xi32, #tpu.memory_space<hbm>> -> memref<2x128xi32, #tpu.memory_space<hbm>>
      tpu.enqueue_dma source(%dma_start3A_134 : memref<2x128xi32, #tpu.memory_space<hbm>>) target(%arg9 : memref<2x128xi32, #tpu.memory_space<vmem>>) target_semaphore(%arg19 : memref<!tpu.dma_semaphore, #tpu.memory_space<semaphore_mem>>)
      %dma_wait3A_135 = arith.constant 0 : i32
      %dma_wait3A_136 = arith.constant 0 : i32
      %dma_wait3A_137 = tpu.memref_slice %arg5[%dma_wait3A_135, %dma_wait3A_136] : memref<2x128xi32, #tpu.memory_space<vmem>> -> memref<1x128xi32, #tpu.memory_space<vmem>>
      %dma_wait3A_138 = tpu.memref_squeeze %dma_wait3A_137 : memref<1x128xi32, #tpu.memory_space<vmem>> -> memref<128xi32, #tpu.memory_space<vmem>>
      %dma_wait3A_139 = arith.constant 0 : i32
      %dma_wait3A_140 = arith.constant 0 : i32
      %dma_wait3A_141 = tpu.memref_slice %arg2[%dma_wait3A_139, %dma_wait3A_140] : memref<10000x128xf32, #tpu.memory_space<hbm>> -> memref<10000x128xf32, #tpu.memory_space<hbm>>
      tpu.wait_indirect_dma semaphore(%arg21 : memref<!tpu.dma_semaphore, #tpu.memory_space<semaphore_mem>>) src(%dma_wait3A_141 : memref<10000x128xf32, #tpu.memory_space<hbm>>) dst(%arg11 : memref<128x128xf32, #tpu.memory_space<vmem>>)
      %dma_start3A_142 = arith.constant 1 : i32
      %dma_start3A_143 = arith.constant 0 : i32
      %dma_start3A_144 = tpu.memref_slice %arg5[%dma_start3A_142, %dma_start3A_143] : memref<2x128xi32, #tpu.memory_space<vmem>> -> memref<1x128xi32, #tpu.memory_space<vmem>>
      %dma_start3A_145 = tpu.memref_squeeze %dma_start3A_144 : memref<1x128xi32, #tpu.memory_space<vmem>> -> memref<128xi32, #tpu.memory_space<vmem>>
      %dma_start3A_146 = arith.constant 0 : i32
      %dma_start3A_147 = arith.constant 0 : i32
      %dma_start3A_148 = tpu.memref_slice %arg14[%dma_start3A_146, %dma_start3A_147] : memref<10000x128xf32, #tpu.memory_space<vmem_shared>> -> memref<10000x128xf32, #tpu.memory_space<vmem_shared>>
      tpu.enqueue_indirect_dma source(%arg11 : memref<128x128xf32, #tpu.memory_space<vmem>>) target(%dma_start3A_148 : memref<10000x128xf32, #tpu.memory_space<vmem_shared>>) offsets(%dma_start3A_145 : memref<128xi32, #tpu.memory_space<vmem>>) semaphore(%arg24 : memref<!tpu.dma_semaphore, #tpu.memory_space<semaphore_mem>>) {add = true}
      %mul3A_149 = arith.constant 6 : i32
      %mul3A_150 = arith.muli %mul3A_149, %scan3A_97 : i32
      %add3A_151 = arith.constant 1 : i32
      %add3A_152 = arith.addi %mul3A_150, %add3A_151 : i32
      %gt3A_153 = arith.constant 0 : i32
      %gt3A_154 = arith.cmpi sgt, %scan3A_97, %gt3A_153 : i32
      %convert_element_type3A_155 = arith.extui %gt3A_154 : i1 to i32
      %cond3A_156 = arith.constant 0 : i32
      %cond3A_157 = arith.cmpi ne, %convert_element_type3A_155, %cond3A_156 : i32
      scf.if %cond3A_157 {
        %dma_wait3A_380 = arith.constant 1 : i32
        %dma_wait3A_381 = arith.constant 0 : i32
        %dma_wait3A_382 = tpu.memref_slice %arg10[%dma_wait3A_380, %dma_wait3A_381] : memref<2x128xi32, #tpu.memory_space<vmem>> -> memref<1x128xi32, #tpu.memory_space<vmem>>
        %dma_wait3A_383 = tpu.memref_squeeze %dma_wait3A_382 : memref<1x128xi32, #tpu.memory_space<vmem>> -> memref<128xi32, #tpu.memory_space<vmem>>
        %dma_wait3A_384 = arith.constant 0 : i32
        %dma_wait3A_385 = arith.constant 0 : i32
        %dma_wait3A_386 = tpu.memref_slice %arg14[%dma_wait3A_384, %dma_wait3A_385] : memref<10000x128xf32, #tpu.memory_space<vmem_shared>> -> memref<10000x128xf32, #tpu.memory_space<vmem_shared>>
        tpu.wait_indirect_dma semaphore(%arg26 : memref<!tpu.dma_semaphore, #tpu.memory_space<semaphore_mem>>) src(%arg13 : memref<128x128xf32, #tpu.memory_space<vmem>>) dst(%dma_wait3A_386 : memref<10000x128xf32, #tpu.memory_space<vmem_shared>>)
      } else {
      }
      %add3A_158 = arith.constant 1 : i32
      %add3A_159 = arith.addi %add3A_152, %add3A_158 : i32
      %mul3A_160 = arith.constant 32 : i32
      %mul3A_161 = arith.muli %add3A_159, %mul3A_160 : i32
      %add3A_162 = arith.addi %add3A, %mul3A_161 : i32
      %mul3A_163 = arith.constant 128 : i32
      %mul3A_164 = arith.muli %add3A_162, %mul3A_163 : i32
      %dma_wait3A_165 = arith.constant 0 : i32
      %dma_wait3A_166 = tpu.memref_slice %arg3[%dma_wait3A_165, %mul3A_164] : memref<2x320000xi32, #tpu.memory_space<hbm>> -> memref<2x128xi32, #tpu.memory_space<hbm>>
      %dma_wait3A_167 = arith.constant 0 : i32
      %dma_wait3A_168 = tpu.memref_slice %arg3[%dma_wait3A_167, %mul3A_164] : memref<2x320000xi32, #tpu.memory_space<hbm>> -> memref<2x128xi32, #tpu.memory_space<hbm>>
      tpu.wait_dma2 semaphore(%arg17 : memref<!tpu.dma_semaphore, #tpu.memory_space<semaphore_mem>>) src(%dma_wait3A_168 : memref<2x128xi32, #tpu.memory_space<hbm>>) dst(%arg7 : memref<2x128xi32, #tpu.memory_space<vmem>>)
      %dma_start3A_169 = arith.constant 0 : i32
      %dma_start3A_170 = arith.constant 0 : i32
      %dma_start3A_171 = tpu.memref_slice %arg7[%dma_start3A_169, %dma_start3A_170] : memref<2x128xi32, #tpu.memory_space<vmem>> -> memref<1x128xi32, #tpu.memory_space<vmem>>
      %dma_start3A_172 = tpu.memref_squeeze %dma_start3A_171 : memref<1x128xi32, #tpu.memory_space<vmem>> -> memref<128xi32, #tpu.memory_space<vmem>>
      %dma_start3A_173 = arith.constant 0 : i32
      %dma_start3A_174 = arith.constant 0 : i32
      %dma_start3A_175 = tpu.memref_slice %arg2[%dma_start3A_173, %dma_start3A_174] : memref<10000x128xf32, #tpu.memory_space<hbm>> -> memref<10000x128xf32, #tpu.memory_space<hbm>>
      tpu.enqueue_indirect_dma source(%dma_start3A_175 : memref<10000x128xf32, #tpu.memory_space<hbm>>) target(%arg13 : memref<128x128xf32, #tpu.memory_space<vmem>>) offsets(%dma_start3A_172 : memref<128xi32, #tpu.memory_space<vmem>>) semaphore(%arg23 : memref<!tpu.dma_semaphore, #tpu.memory_space<semaphore_mem>>)
      %add3A_176 = arith.constant 4 : i32
      %add3A_177 = arith.addi %add3A_152, %add3A_176 : i32
      %mul3A_178 = arith.constant 32 : i32
      %mul3A_179 = arith.muli %add3A_177, %mul3A_178 : i32
      %add3A_180 = arith.addi %add3A, %mul3A_179 : i32
      %mul3A_181 = arith.constant 128 : i32
      %mul3A_182 = arith.muli %add3A_180, %mul3A_181 : i32
      %dma_start3A_183 = arith.constant 0 : i32
      %dma_start3A_184 = tpu.memref_slice %arg3[%dma_start3A_183, %mul3A_182] : memref<2x320000xi32, #tpu.memory_space<hbm>> -> memref<2x128xi32, #tpu.memory_space<hbm>>
      %dma_start3A_185 = arith.constant 0 : i32
      %dma_start3A_186 = tpu.memref_slice %arg3[%dma_start3A_185, %mul3A_182] : memref<2x320000xi32, #tpu.memory_space<hbm>> -> memref<2x128xi32, #tpu.memory_space<hbm>>
      tpu.enqueue_dma source(%dma_start3A_186 : memref<2x128xi32, #tpu.memory_space<hbm>>) target(%arg10 : memref<2x128xi32, #tpu.memory_space<vmem>>) target_semaphore(%arg20 : memref<!tpu.dma_semaphore, #tpu.memory_space<semaphore_mem>>)
      %dma_wait3A_187 = arith.constant 0 : i32
      %dma_wait3A_188 = arith.constant 0 : i32
      %dma_wait3A_189 = tpu.memref_slice %arg6[%dma_wait3A_187, %dma_wait3A_188] : memref<2x128xi32, #tpu.memory_space<vmem>> -> memref<1x128xi32, #tpu.memory_space<vmem>>
      %dma_wait3A_190 = tpu.memref_squeeze %dma_wait3A_189 : memref<1x128xi32, #tpu.memory_space<vmem>> -> memref<128xi32, #tpu.memory_space<vmem>>
      %dma_wait3A_191 = arith.constant 0 : i32
      %dma_wait3A_192 = arith.constant 0 : i32
      %dma_wait3A_193 = tpu.memref_slice %arg2[%dma_wait3A_191, %dma_wait3A_192] : memref<10000x128xf32, #tpu.memory_space<hbm>> -> memref<10000x128xf32, #tpu.memory_space<hbm>>
      tpu.wait_indirect_dma semaphore(%arg22 : memref<!tpu.dma_semaphore, #tpu.memory_space<semaphore_mem>>) src(%dma_wait3A_193 : memref<10000x128xf32, #tpu.memory_space<hbm>>) dst(%arg12 : memref<128x128xf32, #tpu.memory_space<vmem>>)
      %dma_start3A_194 = arith.constant 1 : i32
      %dma_start3A_195 = arith.constant 0 : i32
      %dma_start3A_196 = tpu.memref_slice %arg6[%dma_start3A_194, %dma_start3A_195] : memref<2x128xi32, #tpu.memory_space<vmem>> -> memref<1x128xi32, #tpu.memory_space<vmem>>
      %dma_start3A_197 = tpu.memref_squeeze %dma_start3A_196 : memref<1x128xi32, #tpu.memory_space<vmem>> -> memref<128xi32, #tpu.memory_space<vmem>>
      %dma_start3A_198 = arith.constant 0 : i32
      %dma_start3A_199 = arith.constant 0 : i32
      %dma_start3A_200 = tpu.memref_slice %arg14[%dma_start3A_198, %dma_start3A_199] : memref<10000x128xf32, #tpu.memory_space<vmem_shared>> -> memref<10000x128xf32, #tpu.memory_space<vmem_shared>>
      tpu.enqueue_indirect_dma source(%arg12 : memref<128x128xf32, #tpu.memory_space<vmem>>) target(%dma_start3A_200 : memref<10000x128xf32, #tpu.memory_space<vmem_shared>>) offsets(%dma_start3A_197 : memref<128xi32, #tpu.memory_space<vmem>>) semaphore(%arg25 : memref<!tpu.dma_semaphore, #tpu.memory_space<semaphore_mem>>) {add = true}
      %mul3A_201 = arith.constant 6 : i32
      %mul3A_202 = arith.muli %mul3A_201, %scan3A_97 : i32
      %add3A_203 = arith.constant 2 : i32
      %add3A_204 = arith.addi %mul3A_202, %add3A_203 : i32
      %dma_wait3A_205 = arith.constant 1 : i32
      %dma_wait3A_206 = arith.constant 0 : i32
      %dma_wait3A_207 = tpu.memref_slice %arg5[%dma_wait3A_205, %dma_wait3A_206] : memref<2x128xi32, #tpu.memory_space<vmem>> -> memref<1x128xi32, #tpu.memory_space<vmem>>
      %dma_wait3A_208 = tpu.memref_squeeze %dma_wait3A_207 : memref<1x128xi32, #tpu.memory_space<vmem>> -> memref<128xi32, #tpu.memory_space<vmem>>
      %dma_wait3A_209 = arith.constant 0 : i32
      %dma_wait3A_210 = arith.constant 0 : i32
      %dma_wait3A_211 = tpu.memref_slice %arg14[%dma_wait3A_209, %dma_wait3A_210] : memref<10000x128xf32, #tpu.memory_space<vmem_shared>> -> memref<10000x128xf32, #tpu.memory_space<vmem_shared>>
      tpu.wait_indirect_dma semaphore(%arg24 : memref<!tpu.dma_semaphore, #tpu.memory_space<semaphore_mem>>) src(%arg11 : memref<128x128xf32, #tpu.memory_space<vmem>>) dst(%dma_wait3A_211 : memref<10000x128xf32, #tpu.memory_space<vmem_shared>>)
      %add3A_212 = arith.constant 1 : i32
      %add3A_213 = arith.addi %add3A_204, %add3A_212 : i32
      %mul3A_214 = arith.constant 32 : i32
      %mul3A_215 = arith.muli %add3A_213, %mul3A_214 : i32
      %add3A_216 = arith.addi %add3A, %mul3A_215 : i32
      %mul3A_217 = arith.constant 128 : i32
      %mul3A_218 = arith.muli %add3A_216, %mul3A_217 : i32
      %dma_wait3A_219 = arith.constant 0 : i32
      %dma_wait3A_220 = tpu.memref_slice %arg3[%dma_wait3A_219, %mul3A_218] : memref<2x320000xi32, #tpu.memory_space<hbm>> -> memref<2x128xi32, #tpu.memory_space<hbm>>
      %dma_wait3A_221 = arith.constant 0 : i32
      %dma_wait3A_222 = tpu.memref_slice %arg3[%dma_wait3A_221, %mul3A_218] : memref<2x320000xi32, #tpu.memory_space<hbm>> -> memref<2x128xi32, #tpu.memory_space<hbm>>
      tpu.wait_dma2 semaphore(%arg18 : memref<!tpu.dma_semaphore, #tpu.memory_space<semaphore_mem>>) src(%dma_wait3A_222 : memref<2x128xi32, #tpu.memory_space<hbm>>) dst(%arg8 : memref<2x128xi32, #tpu.memory_space<vmem>>)
      %dma_start3A_223 = arith.constant 0 : i32
      %dma_start3A_224 = arith.constant 0 : i32
      %dma_start3A_225 = tpu.memref_slice %arg8[%dma_start3A_223, %dma_start3A_224] : memref<2x128xi32, #tpu.memory_space<vmem>> -> memref<1x128xi32, #tpu.memory_space<vmem>>
      %dma_start3A_226 = tpu.memref_squeeze %dma_start3A_225 : memref<1x128xi32, #tpu.memory_space<vmem>> -> memref<128xi32, #tpu.memory_space<vmem>>
      %dma_start3A_227 = arith.constant 0 : i32
      %dma_start3A_228 = arith.constant 0 : i32
      %dma_start3A_229 = tpu.memref_slice %arg2[%dma_start3A_227, %dma_start3A_228] : memref<10000x128xf32, #tpu.memory_space<hbm>> -> memref<10000x128xf32, #tpu.memory_space<hbm>>
      tpu.enqueue_indirect_dma source(%dma_start3A_229 : memref<10000x128xf32, #tpu.memory_space<hbm>>) target(%arg11 : memref<128x128xf32, #tpu.memory_space<vmem>>) offsets(%dma_start3A_226 : memref<128xi32, #tpu.memory_space<vmem>>) semaphore(%arg21 : memref<!tpu.dma_semaphore, #tpu.memory_space<semaphore_mem>>)
      %lt3A_230 = arith.constant 12 : i32
      %lt3A_231 = arith.cmpi slt, %scan3A_97, %lt3A_230 : i32
      %convert_element_type3A_232 = arith.extui %lt3A_231 : i1 to i32
      %cond3A_233 = arith.constant 0 : i32
      %cond3A_234 = arith.cmpi ne, %convert_element_type3A_232, %cond3A_233 : i32
      scf.if %cond3A_234 {
        %add3A_380 = arith.constant 4 : i32
        %add3A_381 = arith.addi %add3A_204, %add3A_380 : i32
        %mul3A_382 = arith.constant 32 : i32
        %mul3A_383 = arith.muli %add3A_381, %mul3A_382 : i32
        %add3A_384 = arith.addi %add3A, %mul3A_383 : i32
        %mul3A_385 = arith.constant 128 : i32
        %mul3A_386 = arith.muli %add3A_384, %mul3A_385 : i32
        %dma_start3A_387 = arith.constant 0 : i32
        %dma_start3A_388 = tpu.memref_slice %arg3[%dma_start3A_387, %mul3A_386] : memref<2x320000xi32, #tpu.memory_space<hbm>> -> memref<2x128xi32, #tpu.memory_space<hbm>>
        %dma_start3A_389 = arith.constant 0 : i32
        %dma_start3A_390 = tpu.memref_slice %arg3[%dma_start3A_389, %mul3A_386] : memref<2x320000xi32, #tpu.memory_space<hbm>> -> memref<2x128xi32, #tpu.memory_space<hbm>>
        tpu.enqueue_dma source(%dma_start3A_390 : memref<2x128xi32, #tpu.memory_space<hbm>>) target(%arg5 : memref<2x128xi32, #tpu.memory_space<vmem>>) target_semaphore(%arg15 : memref<!tpu.dma_semaphore, #tpu.memory_space<semaphore_mem>>)
      } else {
      }
      %dma_wait3A_235 = arith.constant 0 : i32
      %dma_wait3A_236 = arith.constant 0 : i32
      %dma_wait3A_237 = tpu.memref_slice %arg7[%dma_wait3A_235, %dma_wait3A_236] : memref<2x128xi32, #tpu.memory_space<vmem>> -> memref<1x128xi32, #tpu.memory_space<vmem>>
      %dma_wait3A_238 = tpu.memref_squeeze %dma_wait3A_237 : memref<1x128xi32, #tpu.memory_space<vmem>> -> memref<128xi32, #tpu.memory_space<vmem>>
      %dma_wait3A_239 = arith.constant 0 : i32
      %dma_wait3A_240 = arith.constant 0 : i32
      %dma_wait3A_241 = tpu.memref_slice %arg2[%dma_wait3A_239, %dma_wait3A_240] : memref<10000x128xf32, #tpu.memory_space<hbm>> -> memref<10000x128xf32, #tpu.memory_space<hbm>>
      tpu.wait_indirect_dma semaphore(%arg23 : memref<!tpu.dma_semaphore, #tpu.memory_space<semaphore_mem>>) src(%dma_wait3A_241 : memref<10000x128xf32, #tpu.memory_space<hbm>>) dst(%arg13 : memref<128x128xf32, #tpu.memory_space<vmem>>)
      %dma_start3A_242 = arith.constant 1 : i32
      %dma_start3A_243 = arith.constant 0 : i32
      %dma_start3A_244 = tpu.memref_slice %arg7[%dma_start3A_242, %dma_start3A_243] : memref<2x128xi32, #tpu.memory_space<vmem>> -> memref<1x128xi32, #tpu.memory_space<vmem>>
      %dma_start3A_245 = tpu.memref_squeeze %dma_start3A_244 : memref<1x128xi32, #tpu.memory_space<vmem>> -> memref<128xi32, #tpu.memory_space<vmem>>
      %dma_start3A_246 = arith.constant 0 : i32
      %dma_start3A_247 = arith.constant 0 : i32
      %dma_start3A_248 = tpu.memref_slice %arg14[%dma_start3A_246, %dma_start3A_247] : memref<10000x128xf32, #tpu.memory_space<vmem_shared>> -> memref<10000x128xf32, #tpu.memory_space<vmem_shared>>
      tpu.enqueue_indirect_dma source(%arg13 : memref<128x128xf32, #tpu.memory_space<vmem>>) target(%dma_start3A_248 : memref<10000x128xf32, #tpu.memory_space<vmem_shared>>) offsets(%dma_start3A_245 : memref<128xi32, #tpu.memory_space<vmem>>) semaphore(%arg26 : memref<!tpu.dma_semaphore, #tpu.memory_space<semaphore_mem>>) {add = true}
      %mul3A_249 = arith.constant 6 : i32
      %mul3A_250 = arith.muli %mul3A_249, %scan3A_97 : i32
      %add3A_251 = arith.constant 3 : i32
      %add3A_252 = arith.addi %mul3A_250, %add3A_251 : i32
      %dma_wait3A_253 = arith.constant 1 : i32
      %dma_wait3A_254 = arith.constant 0 : i32
      %dma_wait3A_255 = tpu.memref_slice %arg6[%dma_wait3A_253, %dma_wait3A_254] : memref<2x128xi32, #tpu.memory_space<vmem>> -> memref<1x128xi32, #tpu.memory_space<vmem>>
      %dma_wait3A_256 = tpu.memref_squeeze %dma_wait3A_255 : memref<1x128xi32, #tpu.memory_space<vmem>> -> memref<128xi32, #tpu.memory_space<vmem>>
      %dma_wait3A_257 = arith.constant 0 : i32
      %dma_wait3A_258 = arith.constant 0 : i32
      %dma_wait3A_259 = tpu.memref_slice %arg14[%dma_wait3A_257, %dma_wait3A_258] : memref<10000x128xf32, #tpu.memory_space<vmem_shared>> -> memref<10000x128xf32, #tpu.memory_space<vmem_shared>>
      tpu.wait_indirect_dma semaphore(%arg25 : memref<!tpu.dma_semaphore, #tpu.memory_space<semaphore_mem>>) src(%arg12 : memref<128x128xf32, #tpu.memory_space<vmem>>) dst(%dma_wait3A_259 : memref<10000x128xf32, #tpu.memory_space<vmem_shared>>)
      %add3A_260 = arith.constant 1 : i32
      %add3A_261 = arith.addi %add3A_252, %add3A_260 : i32
      %mul3A_262 = arith.constant 32 : i32
      %mul3A_263 = arith.muli %add3A_261, %mul3A_262 : i32
      %add3A_264 = arith.addi %add3A, %mul3A_263 : i32
      %mul3A_265 = arith.constant 128 : i32
      %mul3A_266 = arith.muli %add3A_264, %mul3A_265 : i32
      %dma_wait3A_267 = arith.constant 0 : i32
      %dma_wait3A_268 = tpu.memref_slice %arg3[%dma_wait3A_267, %mul3A_266] : memref<2x320000xi32, #tpu.memory_space<hbm>> -> memref<2x128xi32, #tpu.memory_space<hbm>>
      %dma_wait3A_269 = arith.constant 0 : i32
      %dma_wait3A_270 = tpu.memref_slice %arg3[%dma_wait3A_269, %mul3A_266] : memref<2x320000xi32, #tpu.memory_space<hbm>> -> memref<2x128xi32, #tpu.memory_space<hbm>>
      tpu.wait_dma2 semaphore(%arg19 : memref<!tpu.dma_semaphore, #tpu.memory_space<semaphore_mem>>) src(%dma_wait3A_270 : memref<2x128xi32, #tpu.memory_space<hbm>>) dst(%arg9 : memref<2x128xi32, #tpu.memory_space<vmem>>)
      %dma_start3A_271 = arith.constant 0 : i32
      %dma_start3A_272 = arith.constant 0 : i32
      %dma_start3A_273 = tpu.memref_slice %arg9[%dma_start3A_271, %dma_start3A_272] : memref<2x128xi32, #tpu.memory_space<vmem>> -> memref<1x128xi32, #tpu.memory_space<vmem>>
      %dma_start3A_274 = tpu.memref_squeeze %dma_start3A_273 : memref<1x128xi32, #tpu.memory_space<vmem>> -> memref<128xi32, #tpu.memory_space<vmem>>
      %dma_start3A_275 = arith.constant 0 : i32
      %dma_start3A_276 = arith.constant 0 : i32
      %dma_start3A_277 = tpu.memref_slice %arg2[%dma_start3A_275, %dma_start3A_276] : memref<10000x128xf32, #tpu.memory_space<hbm>> -> memref<10000x128xf32, #tpu.memory_space<hbm>>
      tpu.enqueue_indirect_dma source(%dma_start3A_277 : memref<10000x128xf32, #tpu.memory_space<hbm>>) target(%arg12 : memref<128x128xf32, #tpu.memory_space<vmem>>) offsets(%dma_start3A_274 : memref<128xi32, #tpu.memory_space<vmem>>) semaphore(%arg22 : memref<!tpu.dma_semaphore, #tpu.memory_space<semaphore_mem>>)
      %lt3A_278 = arith.constant 12 : i32
      %lt3A_279 = arith.cmpi slt, %scan3A_97, %lt3A_278 : i32
      %convert_element_type3A_280 = arith.extui %lt3A_279 : i1 to i32
      %cond3A_281 = arith.constant 0 : i32
      %cond3A_282 = arith.cmpi ne, %convert_element_type3A_280, %cond3A_281 : i32
      scf.if %cond3A_282 {
        %add3A_380 = arith.constant 4 : i32
        %add3A_381 = arith.addi %add3A_252, %add3A_380 : i32
        %mul3A_382 = arith.constant 32 : i32
        %mul3A_383 = arith.muli %add3A_381, %mul3A_382 : i32
        %add3A_384 = arith.addi %add3A, %mul3A_383 : i32
        %mul3A_385 = arith.constant 128 : i32
        %mul3A_386 = arith.muli %add3A_384, %mul3A_385 : i32
        %dma_start3A_387 = arith.constant 0 : i32
        %dma_start3A_388 = tpu.memref_slice %arg3[%dma_start3A_387, %mul3A_386] : memref<2x320000xi32, #tpu.memory_space<hbm>> -> memref<2x128xi32, #tpu.memory_space<hbm>>
        %dma_start3A_389 = arith.constant 0 : i32
        %dma_start3A_390 = tpu.memref_slice %arg3[%dma_start3A_389, %mul3A_386] : memref<2x320000xi32, #tpu.memory_space<hbm>> -> memref<2x128xi32, #tpu.memory_space<hbm>>
        tpu.enqueue_dma source(%dma_start3A_390 : memref<2x128xi32, #tpu.memory_space<hbm>>) target(%arg6 : memref<2x128xi32, #tpu.memory_space<vmem>>) target_semaphore(%arg16 : memref<!tpu.dma_semaphore, #tpu.memory_space<semaphore_mem>>)
      } else {
      }
      %dma_wait3A_283 = arith.constant 0 : i32
      %dma_wait3A_284 = arith.constant 0 : i32
      %dma_wait3A_285 = tpu.memref_slice %arg8[%dma_wait3A_283, %dma_wait3A_284] : memref<2x128xi32, #tpu.memory_space<vmem>> -> memref<1x128xi32, #tpu.memory_space<vmem>>
      %dma_wait3A_286 = tpu.memref_squeeze %dma_wait3A_285 : memref<1x128xi32, #tpu.memory_space<vmem>> -> memref<128xi32, #tpu.memory_space<vmem>>
      %dma_wait3A_287 = arith.constant 0 : i32
      %dma_wait3A_288 = arith.constant 0 : i32
      %dma_wait3A_289 = tpu.memref_slice %arg2[%dma_wait3A_287, %dma_wait3A_288] : memref<10000x128xf32, #tpu.memory_space<hbm>> -> memref<10000x128xf32, #tpu.memory_space<hbm>>
      tpu.wait_indirect_dma semaphore(%arg21 : memref<!tpu.dma_semaphore, #tpu.memory_space<semaphore_mem>>) src(%dma_wait3A_289 : memref<10000x128xf32, #tpu.memory_space<hbm>>) dst(%arg11 : memref<128x128xf32, #tpu.memory_space<vmem>>)
      %dma_start3A_290 = arith.constant 1 : i32
      %dma_start3A_291 = arith.constant 0 : i32
      %dma_start3A_292 = tpu.memref_slice %arg8[%dma_start3A_290, %dma_start3A_291] : memref<2x128xi32, #tpu.memory_space<vmem>> -> memref<1x128xi32, #tpu.memory_space<vmem>>
      %dma_start3A_293 = tpu.memref_squeeze %dma_start3A_292 : memref<1x128xi32, #tpu.memory_space<vmem>> -> memref<128xi32, #tpu.memory_space<vmem>>
      %dma_start3A_294 = arith.constant 0 : i32
      %dma_start3A_295 = arith.constant 0 : i32
      %dma_start3A_296 = tpu.memref_slice %arg14[%dma_start3A_294, %dma_start3A_295] : memref<10000x128xf32, #tpu.memory_space<vmem_shared>> -> memref<10000x128xf32, #tpu.memory_space<vmem_shared>>
      tpu.enqueue_indirect_dma source(%arg11 : memref<128x128xf32, #tpu.memory_space<vmem>>) target(%dma_start3A_296 : memref<10000x128xf32, #tpu.memory_space<vmem_shared>>) offsets(%dma_start3A_293 : memref<128xi32, #tpu.memory_space<vmem>>) semaphore(%arg24 : memref<!tpu.dma_semaphore, #tpu.memory_space<semaphore_mem>>) {add = true}
      %mul3A_297 = arith.constant 6 : i32
      %mul3A_298 = arith.muli %mul3A_297, %scan3A_97 : i32
      %add3A_299 = arith.constant 4 : i32
      %add3A_300 = arith.addi %mul3A_298, %add3A_299 : i32
      %dma_wait3A_301 = arith.constant 1 : i32
      %dma_wait3A_302 = arith.constant 0 : i32
      %dma_wait3A_303 = tpu.memref_slice %arg7[%dma_wait3A_301, %dma_wait3A_302] : memref<2x128xi32, #tpu.memory_space<vmem>> -> memref<1x128xi32, #tpu.memory_space<vmem>>
      %dma_wait3A_304 = tpu.memref_squeeze %dma_wait3A_303 : memref<1x128xi32, #tpu.memory_space<vmem>> -> memref<128xi32, #tpu.memory_space<vmem>>
      %dma_wait3A_305 = arith.constant 0 : i32
      %dma_wait3A_306 = arith.constant 0 : i32
      %dma_wait3A_307 = tpu.memref_slice %arg14[%dma_wait3A_305, %dma_wait3A_306] : memref<10000x128xf32, #tpu.memory_space<vmem_shared>> -> memref<10000x128xf32, #tpu.memory_space<vmem_shared>>
      tpu.wait_indirect_dma semaphore(%arg26 : memref<!tpu.dma_semaphore, #tpu.memory_space<semaphore_mem>>) src(%arg13 : memref<128x128xf32, #tpu.memory_space<vmem>>) dst(%dma_wait3A_307 : memref<10000x128xf32, #tpu.memory_space<vmem_shared>>)
      %add3A_308 = arith.constant 1 : i32
      %add3A_309 = arith.addi %add3A_300, %add3A_308 : i32
      %mul3A_310 = arith.constant 32 : i32
      %mul3A_311 = arith.muli %add3A_309, %mul3A_310 : i32
      %add3A_312 = arith.addi %add3A, %mul3A_311 : i32
      %mul3A_313 = arith.constant 128 : i32
      %mul3A_314 = arith.muli %add3A_312, %mul3A_313 : i32
      %dma_wait3A_315 = arith.constant 0 : i32
      %dma_wait3A_316 = tpu.memref_slice %arg3[%dma_wait3A_315, %mul3A_314] : memref<2x320000xi32, #tpu.memory_space<hbm>> -> memref<2x128xi32, #tpu.memory_space<hbm>>
      %dma_wait3A_317 = arith.constant 0 : i32
      %dma_wait3A_318 = tpu.memref_slice %arg3[%dma_wait3A_317, %mul3A_314] : memref<2x320000xi32, #tpu.memory_space<hbm>> -> memref<2x128xi32, #tpu.memory_space<hbm>>
      tpu.wait_dma2 semaphore(%arg20 : memref<!tpu.dma_semaphore, #tpu.memory_space<semaphore_mem>>) src(%dma_wait3A_318 : memref<2x128xi32, #tpu.memory_space<hbm>>) dst(%arg10 : memref<2x128xi32, #tpu.memory_space<vmem>>)
      %dma_start3A_319 = arith.constant 0 : i32
      %dma_start3A_320 = arith.constant 0 : i32
      %dma_start3A_321 = tpu.memref_slice %arg10[%dma_start3A_319, %dma_start3A_320] : memref<2x128xi32, #tpu.memory_space<vmem>> -> memref<1x128xi32, #tpu.memory_space<vmem>>
      %dma_start3A_322 = tpu.memref_squeeze %dma_start3A_321 : memref<1x128xi32, #tpu.memory_space<vmem>> -> memref<128xi32, #tpu.memory_space<vmem>>
      %dma_start3A_323 = arith.constant 0 : i32
      %dma_start3A_324 = arith.constant 0 : i32
      %dma_start3A_325 = tpu.memref_slice %arg2[%dma_start3A_323, %dma_start3A_324] : memref<10000x128xf32, #tpu.memory_space<hbm>> -> memref<10000x128xf32, #tpu.memory_space<hbm>>
      tpu.enqueue_indirect_dma source(%dma_start3A_325 : memref<10000x128xf32, #tpu.memory_space<hbm>>) target(%arg13 : memref<128x128xf32, #tpu.memory_space<vmem>>) offsets(%dma_start3A_322 : memref<128xi32, #tpu.memory_space<vmem>>) semaphore(%arg23 : memref<!tpu.dma_semaphore, #tpu.memory_space<semaphore_mem>>)
      %lt3A_326 = arith.constant 12 : i32
      %lt3A_327 = arith.cmpi slt, %scan3A_97, %lt3A_326 : i32
      %convert_element_type3A_328 = arith.extui %lt3A_327 : i1 to i32
      %cond3A_329 = arith.constant 0 : i32
      %cond3A_330 = arith.cmpi ne, %convert_element_type3A_328, %cond3A_329 : i32
      scf.if %cond3A_330 {
        %add3A_380 = arith.constant 4 : i32
        %add3A_381 = arith.addi %add3A_300, %add3A_380 : i32
        %mul3A_382 = arith.constant 32 : i32
        %mul3A_383 = arith.muli %add3A_381, %mul3A_382 : i32
        %add3A_384 = arith.addi %add3A, %mul3A_383 : i32
        %mul3A_385 = arith.constant 128 : i32
        %mul3A_386 = arith.muli %add3A_384, %mul3A_385 : i32
        %dma_start3A_387 = arith.constant 0 : i32
        %dma_start3A_388 = tpu.memref_slice %arg3[%dma_start3A_387, %mul3A_386] : memref<2x320000xi32, #tpu.memory_space<hbm>> -> memref<2x128xi32, #tpu.memory_space<hbm>>
        %dma_start3A_389 = arith.constant 0 : i32
        %dma_start3A_390 = tpu.memref_slice %arg3[%dma_start3A_389, %mul3A_386] : memref<2x320000xi32, #tpu.memory_space<hbm>> -> memref<2x128xi32, #tpu.memory_space<hbm>>
        tpu.enqueue_dma source(%dma_start3A_390 : memref<2x128xi32, #tpu.memory_space<hbm>>) target(%arg7 : memref<2x128xi32, #tpu.memory_space<vmem>>) target_semaphore(%arg17 : memref<!tpu.dma_semaphore, #tpu.memory_space<semaphore_mem>>)
      } else {
      }
      %dma_wait3A_331 = arith.constant 0 : i32
      %dma_wait3A_332 = arith.constant 0 : i32
      %dma_wait3A_333 = tpu.memref_slice %arg9[%dma_wait3A_331, %dma_wait3A_332] : memref<2x128xi32, #tpu.memory_space<vmem>> -> memref<1x128xi32, #tpu.memory_space<vmem>>
      %dma_wait3A_334 = tpu.memref_squeeze %dma_wait3A_333 : memref<1x128xi32, #tpu.memory_space<vmem>> -> memref<128xi32, #tpu.memory_space<vmem>>
      %dma_wait3A_335 = arith.constant 0 : i32
      %dma_wait3A_336 = arith.constant 0 : i32
      %dma_wait3A_337 = tpu.memref_slice %arg2[%dma_wait3A_335, %dma_wait3A_336] : memref<10000x128xf32, #tpu.memory_space<hbm>> -> memref<10000x128xf32, #tpu.memory_space<hbm>>
      tpu.wait_indirect_dma semaphore(%arg22 : memref<!tpu.dma_semaphore, #tpu.memory_space<semaphore_mem>>) src(%dma_wait3A_337 : memref<10000x128xf32, #tpu.memory_space<hbm>>) dst(%arg12 : memref<128x128xf32, #tpu.memory_space<vmem>>)
      %dma_start3A_338 = arith.constant 1 : i32
      %dma_start3A_339 = arith.constant 0 : i32
      %dma_start3A_340 = tpu.memref_slice %arg9[%dma_start3A_338, %dma_start3A_339] : memref<2x128xi32, #tpu.memory_space<vmem>> -> memref<1x128xi32, #tpu.memory_space<vmem>>
      %dma_start3A_341 = tpu.memref_squeeze %dma_start3A_340 : memref<1x128xi32, #tpu.memory_space<vmem>> -> memref<128xi32, #tpu.memory_space<vmem>>
      %dma_start3A_342 = arith.constant 0 : i32
      %dma_start3A_343 = arith.constant 0 : i32
      %dma_start3A_344 = tpu.memref_slice %arg14[%dma_start3A_342, %dma_start3A_343] : memref<10000x128xf32, #tpu.memory_space<vmem_shared>> -> memref<10000x128xf32, #tpu.memory_space<vmem_shared>>
      tpu.enqueue_indirect_dma source(%arg12 : memref<128x128xf32, #tpu.memory_space<vmem>>) target(%dma_start3A_344 : memref<10000x128xf32, #tpu.memory_space<vmem_shared>>) offsets(%dma_start3A_341 : memref<128xi32, #tpu.memory_space<vmem>>) semaphore(%arg25 : memref<!tpu.dma_semaphore, #tpu.memory_space<semaphore_mem>>) {add = true}
      %mul3A_345 = arith.constant 6 : i32
      %mul3A_346 = arith.muli %mul3A_345, %scan3A_97 : i32
      %add3A_347 = arith.constant 5 : i32
      %add3A_348 = arith.addi %mul3A_346, %add3A_347 : i32
      %dma_wait3A_349 = arith.constant 1 : i32
      %dma_wait3A_350 = arith.constant 0 : i32
      %dma_wait3A_351 = tpu.memref_slice %arg8[%dma_wait3A_349, %dma_wait3A_350] : memref<2x128xi32, #tpu.memory_space<vmem>> -> memref<1x128xi32, #tpu.memory_space<vmem>>
      %dma_wait3A_352 = tpu.memref_squeeze %dma_wait3A_351 : memref<1x128xi32, #tpu.memory_space<vmem>> -> memref<128xi32, #tpu.memory_space<vmem>>
      %dma_wait3A_353 = arith.constant 0 : i32
      %dma_wait3A_354 = arith.constant 0 : i32
      %dma_wait3A_355 = tpu.memref_slice %arg14[%dma_wait3A_353, %dma_wait3A_354] : memref<10000x128xf32, #tpu.memory_space<vmem_shared>> -> memref<10000x128xf32, #tpu.memory_space<vmem_shared>>
      tpu.wait_indirect_dma semaphore(%arg24 : memref<!tpu.dma_semaphore, #tpu.memory_space<semaphore_mem>>) src(%arg11 : memref<128x128xf32, #tpu.memory_space<vmem>>) dst(%dma_wait3A_355 : memref<10000x128xf32, #tpu.memory_space<vmem_shared>>)
      %lt3A_356 = arith.constant 12 : i32
      %lt3A_357 = arith.cmpi slt, %scan3A_97, %lt3A_356 : i32
      %convert_element_type3A_358 = arith.extui %lt3A_357 : i1 to i32
      %cond3A_359 = arith.constant 0 : i32
      %cond3A_360 = arith.cmpi ne, %convert_element_type3A_358, %cond3A_359 : i32
      scf.if %cond3A_360 {
        %add3A_380 = arith.constant 1 : i32
        %add3A_381 = arith.addi %add3A_348, %add3A_380 : i32
        %mul3A_382 = arith.constant 32 : i32
        %mul3A_383 = arith.muli %add3A_381, %mul3A_382 : i32
        %add3A_384 = arith.addi %add3A, %mul3A_383 : i32
        %mul3A_385 = arith.constant 128 : i32
        %mul3A_386 = arith.muli %add3A_384, %mul3A_385 : i32
        %dma_wait3A_387 = arith.constant 0 : i32
        %dma_wait3A_388 = tpu.memref_slice %arg3[%dma_wait3A_387, %mul3A_386] : memref<2x320000xi32, #tpu.memory_space<hbm>> -> memref<2x128xi32, #tpu.memory_space<hbm>>
        %dma_wait3A_389 = arith.constant 0 : i32
        %dma_wait3A_390 = tpu.memref_slice %arg3[%dma_wait3A_389, %mul3A_386] : memref<2x320000xi32, #tpu.memory_space<hbm>> -> memref<2x128xi32, #tpu.memory_space<hbm>>
        tpu.wait_dma2 semaphore(%arg15 : memref<!tpu.dma_semaphore, #tpu.memory_space<semaphore_mem>>) src(%dma_wait3A_390 : memref<2x128xi32, #tpu.memory_space<hbm>>) dst(%arg5 : memref<2x128xi32, #tpu.memory_space<vmem>>)
        %dma_start3A_391 = arith.constant 0 : i32
        %dma_start3A_392 = arith.constant 0 : i32
        %dma_start3A_393 = tpu.memref_slice %arg5[%dma_start3A_391, %dma_start3A_392] : memref<2x128xi32, #tpu.memory_space<vmem>> -> memref<1x128xi32, #tpu.memory_space<vmem>>
        %dma_start3A_394 = tpu.memref_squeeze %dma_start3A_393 : memref<1x128xi32, #tpu.memory_space<vmem>> -> memref<128xi32, #tpu.memory_space<vmem>>
        %dma_start3A_395 = arith.constant 0 : i32
        %dma_start3A_396 = arith.constant 0 : i32
        %dma_start3A_397 = tpu.memref_slice %arg2[%dma_start3A_395, %dma_start3A_396] : memref<10000x128xf32, #tpu.memory_space<hbm>> -> memref<10000x128xf32, #tpu.memory_space<hbm>>
        tpu.enqueue_indirect_dma source(%dma_start3A_397 : memref<10000x128xf32, #tpu.memory_space<hbm>>) target(%arg11 : memref<128x128xf32, #tpu.memory_space<vmem>>) offsets(%dma_start3A_394 : memref<128xi32, #tpu.memory_space<vmem>>) semaphore(%arg21 : memref<!tpu.dma_semaphore, #tpu.memory_space<semaphore_mem>>)
      } else {
      }
      %lt3A_361 = arith.constant 12 : i32
      %lt3A_362 = arith.cmpi slt, %scan3A_97, %lt3A_361 : i32
      %convert_element_type3A_363 = arith.extui %lt3A_362 : i1 to i32
      %cond3A_364 = arith.constant 0 : i32
      %cond3A_365 = arith.cmpi ne, %convert_element_type3A_363, %cond3A_364 : i32
      scf.if %cond3A_365 {
        %add3A_380 = arith.constant 4 : i32
        %add3A_381 = arith.addi %add3A_348, %add3A_380 : i32
        %mul3A_382 = arith.constant 32 : i32
        %mul3A_383 = arith.muli %add3A_381, %mul3A_382 : i32
        %add3A_384 = arith.addi %add3A, %mul3A_383 : i32
        %mul3A_385 = arith.constant 128 : i32
        %mul3A_386 = arith.muli %add3A_384, %mul3A_385 : i32
        %dma_start3A_387 = arith.constant 0 : i32
        %dma_start3A_388 = tpu.memref_slice %arg3[%dma_start3A_387, %mul3A_386] : memref<2x320000xi32, #tpu.memory_space<hbm>> -> memref<2x128xi32, #tpu.memory_space<hbm>>
        %dma_start3A_389 = arith.constant 0 : i32
        %dma_start3A_390 = tpu.memref_slice %arg3[%dma_start3A_389, %mul3A_386] : memref<2x320000xi32, #tpu.memory_space<hbm>> -> memref<2x128xi32, #tpu.memory_space<hbm>>
        tpu.enqueue_dma source(%dma_start3A_390 : memref<2x128xi32, #tpu.memory_space<hbm>>) target(%arg8 : memref<2x128xi32, #tpu.memory_space<vmem>>) target_semaphore(%arg18 : memref<!tpu.dma_semaphore, #tpu.memory_space<semaphore_mem>>)
      } else {
      }
      %dma_wait3A_366 = arith.constant 0 : i32
      %dma_wait3A_367 = arith.constant 0 : i32
      %dma_wait3A_368 = tpu.memref_slice %arg10[%dma_wait3A_366, %dma_wait3A_367] : memref<2x128xi32, #tpu.memory_space<vmem>> -> memref<1x128xi32, #tpu.memory_space<vmem>>
      %dma_wait3A_369 = tpu.memref_squeeze %dma_wait3A_368 : memref<1x128xi32, #tpu.memory_space<vmem>> -> memref<128xi32, #tpu.memory_space<vmem>>
      %dma_wait3A_370 = arith.constant 0 : i32
      %dma_wait3A_371 = arith.constant 0 : i32
      %dma_wait3A_372 = tpu.memref_slice %arg2[%dma_wait3A_370, %dma_wait3A_371] : memref<10000x128xf32, #tpu.memory_space<hbm>> -> memref<10000x128xf32, #tpu.memory_space<hbm>>
      tpu.wait_indirect_dma semaphore(%arg23 : memref<!tpu.dma_semaphore, #tpu.memory_space<semaphore_mem>>) src(%dma_wait3A_372 : memref<10000x128xf32, #tpu.memory_space<hbm>>) dst(%arg13 : memref<128x128xf32, #tpu.memory_space<vmem>>)
      %dma_start3A_373 = arith.constant 1 : i32
      %dma_start3A_374 = arith.constant 0 : i32
      %dma_start3A_375 = tpu.memref_slice %arg10[%dma_start3A_373, %dma_start3A_374] : memref<2x128xi32, #tpu.memory_space<vmem>> -> memref<1x128xi32, #tpu.memory_space<vmem>>
      %dma_start3A_376 = tpu.memref_squeeze %dma_start3A_375 : memref<1x128xi32, #tpu.memory_space<vmem>> -> memref<128xi32, #tpu.memory_space<vmem>>
      %dma_start3A_377 = arith.constant 0 : i32
      %dma_start3A_378 = arith.constant 0 : i32
      %dma_start3A_379 = tpu.memref_slice %arg14[%dma_start3A_377, %dma_start3A_378] : memref<10000x128xf32, #tpu.memory_space<vmem_shared>> -> memref<10000x128xf32, #tpu.memory_space<vmem_shared>>
      tpu.enqueue_indirect_dma source(%arg13 : memref<128x128xf32, #tpu.memory_space<vmem>>) target(%dma_start3A_379 : memref<10000x128xf32, #tpu.memory_space<vmem_shared>>) offsets(%dma_start3A_376 : memref<128xi32, #tpu.memory_space<vmem>>) semaphore(%arg26 : memref<!tpu.dma_semaphore, #tpu.memory_space<semaphore_mem>>) {add = true}
    }
    %scan3A_64 = arith.constant 13 : i32
    %dma_wait3A_65 = arith.constant 1 : i32
    %dma_wait3A_66 = arith.constant 0 : i32
    %dma_wait3A_67 = tpu.memref_slice %arg9[%dma_wait3A_65, %dma_wait3A_66] : memref<2x128xi32, #tpu.memory_space<vmem>> -> memref<1x128xi32, #tpu.memory_space<vmem>>
    %dma_wait3A_68 = tpu.memref_squeeze %dma_wait3A_67 : memref<1x128xi32, #tpu.memory_space<vmem>> -> memref<128xi32, #tpu.memory_space<vmem>>
    %dma_wait3A_69 = arith.constant 0 : i32
    %dma_wait3A_70 = arith.constant 0 : i32
    %dma_wait3A_71 = tpu.memref_slice %arg14[%dma_wait3A_69, %dma_wait3A_70] : memref<10000x128xf32, #tpu.memory_space<vmem_shared>> -> memref<10000x128xf32, #tpu.memory_space<vmem_shared>>
    tpu.wait_indirect_dma semaphore(%arg25 : memref<!tpu.dma_semaphore, #tpu.memory_space<semaphore_mem>>) src(%arg12 : memref<128x128xf32, #tpu.memory_space<vmem>>) dst(%dma_wait3A_71 : memref<10000x128xf32, #tpu.memory_space<vmem_shared>>)
    %dma_wait3A_72 = arith.constant 1 : i32
    %dma_wait3A_73 = arith.constant 0 : i32
    %dma_wait3A_74 = tpu.memref_slice %arg10[%dma_wait3A_72, %dma_wait3A_73] : memref<2x128xi32, #tpu.memory_space<vmem>> -> memref<1x128xi32, #tpu.memory_space<vmem>>
    %dma_wait3A_75 = tpu.memref_squeeze %dma_wait3A_74 : memref<1x128xi32, #tpu.memory_space<vmem>> -> memref<128xi32, #tpu.memory_space<vmem>>
    %dma_wait3A_76 = arith.constant 0 : i32
    %dma_wait3A_77 = arith.constant 0 : i32
    %dma_wait3A_78 = tpu.memref_slice %arg14[%dma_wait3A_76, %dma_wait3A_77] : memref<10000x128xf32, #tpu.memory_space<vmem_shared>> -> memref<10000x128xf32, #tpu.memory_space<vmem_shared>>
    tpu.wait_indirect_dma semaphore(%arg26 : memref<!tpu.dma_semaphore, #tpu.memory_space<semaphore_mem>>) src(%arg13 : memref<128x128xf32, #tpu.memory_space<vmem>>) dst(%dma_wait3A_78 : memref<10000x128xf32, #tpu.memory_space<vmem_shared>>)
    %lt3A_79 = arith.constant 4 : i32
    %lt3A_80 = arith.cmpi slt, %add3A, %lt3A_79 : i32
    %convert_element_type3A_81 = arith.extui %lt3A_80 : i1 to i32
    %cond3A_82 = arith.constant 0 : i32
    %cond3A_83 = arith.cmpi ne, %convert_element_type3A_81, %cond3A_82 : i32
    scf.if %cond3A_83 {
      %add3A_97 = arith.constant 2496 : i32
      %add3A_98 = arith.addi %add3A_97, %add3A : i32
      %mul3A_99 = arith.constant 128 : i32
      %mul3A_100 = arith.muli %add3A_98, %mul3A_99 : i32
      "tpu.region"() ({
        %run_scoped3A = tpu.sem_alloc : memref<!tpu.dma_semaphore, #tpu.memory_space<semaphore_mem>>
        %dma_start3A_129 = arith.constant 0 : i32
        %dma_start3A_130 = tpu.memref_slice %arg3[%dma_start3A_129, %mul3A_100] : memref<2x320000xi32, #tpu.memory_space<hbm>> -> memref<2x128xi32, #tpu.memory_space<hbm>>
        %dma_start3A_131 = arith.constant 0 : i32
        %dma_start3A_132 = tpu.memref_slice %arg3[%dma_start3A_131, %mul3A_100] : memref<2x320000xi32, #tpu.memory_space<hbm>> -> memref<2x128xi32, #tpu.memory_space<hbm>>
        tpu.enqueue_dma source(%dma_start3A_132 : memref<2x128xi32, #tpu.memory_space<hbm>>) target(%arg5 : memref<2x128xi32, #tpu.memory_space<vmem>>) target_semaphore(%run_scoped3A : memref<!tpu.dma_semaphore, #tpu.memory_space<semaphore_mem>>)
        %dma_wait3A_133 = arith.constant 0 : i32
        %dma_wait3A_134 = tpu.memref_slice %arg3[%dma_wait3A_133, %mul3A_100] : memref<2x320000xi32, #tpu.memory_space<hbm>> -> memref<2x128xi32, #tpu.memory_space<hbm>>
        %dma_wait3A_135 = arith.constant 0 : i32
        %dma_wait3A_136 = tpu.memref_slice %arg3[%dma_wait3A_135, %mul3A_100] : memref<2x320000xi32, #tpu.memory_space<hbm>> -> memref<2x128xi32, #tpu.memory_space<hbm>>
        tpu.wait_dma2 semaphore(%run_scoped3A : memref<!tpu.dma_semaphore, #tpu.memory_space<semaphore_mem>>) src(%dma_wait3A_136 : memref<2x128xi32, #tpu.memory_space<hbm>>) dst(%arg5 : memref<2x128xi32, #tpu.memory_space<vmem>>)
        tpu.yield
      }) : () -> ()
      %dma_start3A_101 = arith.constant 0 : i32
      %dma_start3A_102 = arith.constant 0 : i32
      %dma_start3A_103 = tpu.memref_slice %arg5[%dma_start3A_101, %dma_start3A_102] : memref<2x128xi32, #tpu.memory_space<vmem>> -> memref<1x128xi32, #tpu.memory_space<vmem>>
      %dma_start3A_104 = tpu.memref_squeeze %dma_start3A_103 : memref<1x128xi32, #tpu.memory_space<vmem>> -> memref<128xi32, #tpu.memory_space<vmem>>
      %dma_start3A_105 = arith.constant 0 : i32
      %dma_start3A_106 = arith.constant 0 : i32
      %dma_start3A_107 = tpu.memref_slice %arg2[%dma_start3A_105, %dma_start3A_106] : memref<10000x128xf32, #tpu.memory_space<hbm>> -> memref<10000x128xf32, #tpu.memory_space<hbm>>
      tpu.enqueue_indirect_dma source(%dma_start3A_107 : memref<10000x128xf32, #tpu.memory_space<hbm>>) target(%arg11 : memref<128x128xf32, #tpu.memory_space<vmem>>) offsets(%dma_start3A_104 : memref<128xi32, #tpu.memory_space<vmem>>) semaphore(%arg21 : memref<!tpu.dma_semaphore, #tpu.memory_space<semaphore_mem>>)
      %dma_wait3A_108 = arith.constant 0 : i32
      %dma_wait3A_109 = arith.constant 0 : i32
      %dma_wait3A_110 = tpu.memref_slice %arg5[%dma_wait3A_108, %dma_wait3A_109] : memref<2x128xi32, #tpu.memory_space<vmem>> -> memref<1x128xi32, #tpu.memory_space<vmem>>
      %dma_wait3A_111 = tpu.memref_squeeze %dma_wait3A_110 : memref<1x128xi32, #tpu.memory_space<vmem>> -> memref<128xi32, #tpu.memory_space<vmem>>
      %dma_wait3A_112 = arith.constant 0 : i32
      %dma_wait3A_113 = arith.constant 0 : i32
      %dma_wait3A_114 = tpu.memref_slice %arg2[%dma_wait3A_112, %dma_wait3A_113] : memref<10000x128xf32, #tpu.memory_space<hbm>> -> memref<10000x128xf32, #tpu.memory_space<hbm>>
      tpu.wait_indirect_dma semaphore(%arg21 : memref<!tpu.dma_semaphore, #tpu.memory_space<semaphore_mem>>) src(%dma_wait3A_114 : memref<10000x128xf32, #tpu.memory_space<hbm>>) dst(%arg11 : memref<128x128xf32, #tpu.memory_space<vmem>>)
      %dma_start3A_115 = arith.constant 1 : i32
      %dma_start3A_116 = arith.constant 0 : i32
      %dma_start3A_117 = tpu.memref_slice %arg5[%dma_start3A_115, %dma_start3A_116] : memref<2x128xi32, #tpu.memory_space<vmem>> -> memref<1x128xi32, #tpu.memory_space<vmem>>
      %dma_start3A_118 = tpu.memref_squeeze %dma_start3A_117 : memref<1x128xi32, #tpu.memory_space<vmem>> -> memref<128xi32, #tpu.memory_space<vmem>>
      %dma_start3A_119 = arith.constant 0 : i32
      %dma_start3A_120 = arith.constant 0 : i32
      %dma_start3A_121 = tpu.memref_slice %arg14[%dma_start3A_119, %dma_start3A_120] : memref<10000x128xf32, #tpu.memory_space<vmem_shared>> -> memref<10000x128xf32, #tpu.memory_space<vmem_shared>>
      tpu.enqueue_indirect_dma source(%arg11 : memref<128x128xf32, #tpu.memory_space<vmem>>) target(%dma_start3A_121 : memref<10000x128xf32, #tpu.memory_space<vmem_shared>>) offsets(%dma_start3A_118 : memref<128xi32, #tpu.memory_space<vmem>>) semaphore(%arg24 : memref<!tpu.dma_semaphore, #tpu.memory_space<semaphore_mem>>) {add = true}
      %dma_wait3A_122 = arith.constant 1 : i32
      %dma_wait3A_123 = arith.constant 0 : i32
      %dma_wait3A_124 = tpu.memref_slice %arg5[%dma_wait3A_122, %dma_wait3A_123] : memref<2x128xi32, #tpu.memory_space<vmem>> -> memref<1x128xi32, #tpu.memory_space<vmem>>
      %dma_wait3A_125 = tpu.memref_squeeze %dma_wait3A_124 : memref<1x128xi32, #tpu.memory_space<vmem>> -> memref<128xi32, #tpu.memory_space<vmem>>
      %dma_wait3A_126 = arith.constant 0 : i32
      %dma_wait3A_127 = arith.constant 0 : i32
      %dma_wait3A_128 = tpu.memref_slice %arg14[%dma_wait3A_126, %dma_wait3A_127] : memref<10000x128xf32, #tpu.memory_space<vmem_shared>> -> memref<10000x128xf32, #tpu.memory_space<vmem_shared>>
      tpu.wait_indirect_dma semaphore(%arg24 : memref<!tpu.dma_semaphore, #tpu.memory_space<semaphore_mem>>) src(%arg11 : memref<128x128xf32, #tpu.memory_space<vmem>>) dst(%dma_wait3A_128 : memref<10000x128xf32, #tpu.memory_space<vmem_shared>>)
    } else {
    }
    %barrier3A_84 = arith.constant 0 : index
    tpu.barrier barrier_id(%barrier3A_84)
    %mul3A_85 = arith.constant 10000 : i32
    %mul3A_86 = arith.muli %arg0, %mul3A_85 : i32
    %lt3A_87 = arith.constant 15 : i32
    %lt3A_88 = arith.cmpi slt, %arg1, %lt3A_87 : i32
    %convert_element_type3A_89 = arith.extui %lt3A_88 : i1 to i32
    %cond3A_90 = arith.constant 0 : i32
    %cond3A_91 = arith.cmpi ne, %convert_element_type3A_89, %cond3A_90 : i32
    scf.if %cond3A_91 {
      %add3A_97 = arith.constant 0 : i32
      %add3A_98 = arith.addi %mul3A_2, %add3A_97 : i32
      %add3A_99 = arith.addi %mul3A_86, %mul3A_2 : i32
      %add3A_100 = arith.constant 0 : i32
      %add3A_101 = arith.addi %add3A_99, %add3A_100 : i32
      %dma_start3A_102 = arith.constant 0 : i32
      %dma_start3A_103 = tpu.memref_slice %arg4[%add3A_101, %dma_start3A_102] : memref<20000x128xf32, #tpu.memory_space<hbm>> -> memref<128x128xf32, #tpu.memory_space<hbm>>
      %dma_start3A_104 = arith.constant 0 : i32
      %dma_start3A_105 = tpu.memref_slice %arg14[%add3A_98, %dma_start3A_104] : memref<10000x128xf32, #tpu.memory_space<vmem_shared>> -> memref<128x128xf32, #tpu.memory_space<vmem_shared>>
      tpu.enqueue_dma source(%dma_start3A_105 : memref<128x128xf32, #tpu.memory_space<vmem_shared>>) target(%dma_start3A_103 : memref<128x128xf32, #tpu.memory_space<hbm>>) target_semaphore(%arg15 : memref<!tpu.dma_semaphore, #tpu.memory_space<semaphore_mem>>)
      %add3A_106 = arith.constant 128 : i32
      %add3A_107 = arith.addi %mul3A_2, %add3A_106 : i32
      %add3A_108 = arith.addi %mul3A_86, %mul3A_2 : i32
      %add3A_109 = arith.constant 128 : i32
      %add3A_110 = arith.addi %add3A_108, %add3A_109 : i32
      %dma_start3A_111 = arith.constant 0 : i32
      %dma_start3A_112 = tpu.memref_slice %arg4[%add3A_110, %dma_start3A_111] : memref<20000x128xf32, #tpu.memory_space<hbm>> -> memref<128x128xf32, #tpu.memory_space<hbm>>
      %dma_start3A_113 = arith.constant 0 : i32
      %dma_start3A_114 = tpu.memref_slice %arg14[%add3A_107, %dma_start3A_113] : memref<10000x128xf32, #tpu.memory_space<vmem_shared>> -> memref<128x128xf32, #tpu.memory_space<vmem_shared>>
      tpu.enqueue_dma source(%dma_start3A_114 : memref<128x128xf32, #tpu.memory_space<vmem_shared>>) target(%dma_start3A_112 : memref<128x128xf32, #tpu.memory_space<hbm>>) target_semaphore(%arg16 : memref<!tpu.dma_semaphore, #tpu.memory_space<semaphore_mem>>)
      %add3A_115 = arith.constant 256 : i32
      %add3A_116 = arith.addi %mul3A_2, %add3A_115 : i32
      %add3A_117 = arith.addi %mul3A_86, %mul3A_2 : i32
      %add3A_118 = arith.constant 256 : i32
      %add3A_119 = arith.addi %add3A_117, %add3A_118 : i32
      %dma_start3A_120 = arith.constant 0 : i32
      %dma_start3A_121 = tpu.memref_slice %arg4[%add3A_119, %dma_start3A_120] : memref<20000x128xf32, #tpu.memory_space<hbm>> -> memref<128x128xf32, #tpu.memory_space<hbm>>
      %dma_start3A_122 = arith.constant 0 : i32
      %dma_start3A_123 = tpu.memref_slice %arg14[%add3A_116, %dma_start3A_122] : memref<10000x128xf32, #tpu.memory_space<vmem_shared>> -> memref<128x128xf32, #tpu.memory_space<vmem_shared>>
      tpu.enqueue_dma source(%dma_start3A_123 : memref<128x128xf32, #tpu.memory_space<vmem_shared>>) target(%dma_start3A_121 : memref<128x128xf32, #tpu.memory_space<hbm>>) target_semaphore(%arg17 : memref<!tpu.dma_semaphore, #tpu.memory_space<semaphore_mem>>)
      %add3A_124 = arith.constant 384 : i32
      %add3A_125 = arith.addi %mul3A_2, %add3A_124 : i32
      %add3A_126 = arith.addi %mul3A_86, %mul3A_2 : i32
      %add3A_127 = arith.constant 384 : i32
      %add3A_128 = arith.addi %add3A_126, %add3A_127 : i32
      %dma_start3A_129 = arith.constant 0 : i32
      %dma_start3A_130 = tpu.memref_slice %arg4[%add3A_128, %dma_start3A_129] : memref<20000x128xf32, #tpu.memory_space<hbm>> -> memref<128x128xf32, #tpu.memory_space<hbm>>
      %dma_start3A_131 = arith.constant 0 : i32
      %dma_start3A_132 = tpu.memref_slice %arg14[%add3A_125, %dma_start3A_131] : memref<10000x128xf32, #tpu.memory_space<vmem_shared>> -> memref<128x128xf32, #tpu.memory_space<vmem_shared>>
      tpu.enqueue_dma source(%dma_start3A_132 : memref<128x128xf32, #tpu.memory_space<vmem_shared>>) target(%dma_start3A_130 : memref<128x128xf32, #tpu.memory_space<hbm>>) target_semaphore(%arg18 : memref<!tpu.dma_semaphore, #tpu.memory_space<semaphore_mem>>)
      %add3A_133 = arith.constant 512 : i32
      %add3A_134 = arith.addi %mul3A_2, %add3A_133 : i32
      %add3A_135 = arith.addi %mul3A_86, %mul3A_2 : i32
      %add3A_136 = arith.constant 512 : i32
      %add3A_137 = arith.addi %add3A_135, %add3A_136 : i32
      %dma_start3A_138 = arith.constant 0 : i32
      %dma_start3A_139 = tpu.memref_slice %arg4[%add3A_137, %dma_start3A_138] : memref<20000x128xf32, #tpu.memory_space<hbm>> -> memref<120x128xf32, #tpu.memory_space<hbm>>
      %dma_start3A_140 = arith.constant 0 : i32
      %dma_start3A_141 = tpu.memref_slice %arg14[%add3A_134, %dma_start3A_140] : memref<10000x128xf32, #tpu.memory_space<vmem_shared>> -> memref<120x128xf32, #tpu.memory_space<vmem_shared>>
      tpu.enqueue_dma source(%dma_start3A_141 : memref<120x128xf32, #tpu.memory_space<vmem_shared>>) target(%dma_start3A_139 : memref<120x128xf32, #tpu.memory_space<hbm>>) target_semaphore(%arg19 : memref<!tpu.dma_semaphore, #tpu.memory_space<semaphore_mem>>)
      %dma_wait3A_142 = arith.constant 0 : i32
      %dma_wait3A_143 = tpu.memref_slice %arg4[%add3A_101, %dma_wait3A_142] : memref<20000x128xf32, #tpu.memory_space<hbm>> -> memref<128x128xf32, #tpu.memory_space<hbm>>
      %dma_wait3A_144 = arith.constant 0 : i32
      %dma_wait3A_145 = tpu.memref_slice %arg14[%add3A_98, %dma_wait3A_144] : memref<10000x128xf32, #tpu.memory_space<vmem_shared>> -> memref<128x128xf32, #tpu.memory_space<vmem_shared>>
      tpu.wait_dma2 semaphore(%arg15 : memref<!tpu.dma_semaphore, #tpu.memory_space<semaphore_mem>>) src(%dma_wait3A_145 : memref<128x128xf32, #tpu.memory_space<vmem_shared>>) dst(%dma_wait3A_143 : memref<128x128xf32, #tpu.memory_space<hbm>>)
      %dma_wait3A_146 = arith.constant 0 : i32
      %dma_wait3A_147 = tpu.memref_slice %arg4[%add3A_110, %dma_wait3A_146] : memref<20000x128xf32, #tpu.memory_space<hbm>> -> memref<128x128xf32, #tpu.memory_space<hbm>>
      %dma_wait3A_148 = arith.constant 0 : i32
      %dma_wait3A_149 = tpu.memref_slice %arg14[%add3A_107, %dma_wait3A_148] : memref<10000x128xf32, #tpu.memory_space<vmem_shared>> -> memref<128x128xf32, #tpu.memory_space<vmem_shared>>
      tpu.wait_dma2 semaphore(%arg16 : memref<!tpu.dma_semaphore, #tpu.memory_space<semaphore_mem>>) src(%dma_wait3A_149 : memref<128x128xf32, #tpu.memory_space<vmem_shared>>) dst(%dma_wait3A_147 : memref<128x128xf32, #tpu.memory_space<hbm>>)
      %dma_wait3A_150 = arith.constant 0 : i32
      %dma_wait3A_151 = tpu.memref_slice %arg4[%add3A_119, %dma_wait3A_150] : memref<20000x128xf32, #tpu.memory_space<hbm>> -> memref<128x128xf32, #tpu.memory_space<hbm>>
      %dma_wait3A_152 = arith.constant 0 : i32
      %dma_wait3A_153 = tpu.memref_slice %arg14[%add3A_116, %dma_wait3A_152] : memref<10000x128xf32, #tpu.memory_space<vmem_shared>> -> memref<128x128xf32, #tpu.memory_space<vmem_shared>>
      tpu.wait_dma2 semaphore(%arg17 : memref<!tpu.dma_semaphore, #tpu.memory_space<semaphore_mem>>) src(%dma_wait3A_153 : memref<128x128xf32, #tpu.memory_space<vmem_shared>>) dst(%dma_wait3A_151 : memref<128x128xf32, #tpu.memory_space<hbm>>)
      %dma_wait3A_154 = arith.constant 0 : i32
      %dma_wait3A_155 = tpu.memref_slice %arg4[%add3A_128, %dma_wait3A_154] : memref<20000x128xf32, #tpu.memory_space<hbm>> -> memref<128x128xf32, #tpu.memory_space<hbm>>
      %dma_wait3A_156 = arith.constant 0 : i32
      %dma_wait3A_157 = tpu.memref_slice %arg14[%add3A_125, %dma_wait3A_156] : memref<10000x128xf32, #tpu.memory_space<vmem_shared>> -> memref<128x128xf32, #tpu.memory_space<vmem_shared>>
      tpu.wait_dma2 semaphore(%arg18 : memref<!tpu.dma_semaphore, #tpu.memory_space<semaphore_mem>>) src(%dma_wait3A_157 : memref<128x128xf32, #tpu.memory_space<vmem_shared>>) dst(%dma_wait3A_155 : memref<128x128xf32, #tpu.memory_space<hbm>>)
      %dma_wait3A_158 = arith.constant 0 : i32
      %dma_wait3A_159 = tpu.memref_slice %arg4[%add3A_137, %dma_wait3A_158] : memref<20000x128xf32, #tpu.memory_space<hbm>> -> memref<120x128xf32, #tpu.memory_space<hbm>>
      %dma_wait3A_160 = arith.constant 0 : i32
      %dma_wait3A_161 = tpu.memref_slice %arg14[%add3A_134, %dma_wait3A_160] : memref<10000x128xf32, #tpu.memory_space<vmem_shared>> -> memref<120x128xf32, #tpu.memory_space<vmem_shared>>
      tpu.wait_dma2 semaphore(%arg19 : memref<!tpu.dma_semaphore, #tpu.memory_space<semaphore_mem>>) src(%dma_wait3A_161 : memref<120x128xf32, #tpu.memory_space<vmem_shared>>) dst(%dma_wait3A_159 : memref<120x128xf32, #tpu.memory_space<hbm>>)
    } else {
    }
    %eq3A_92 = arith.constant 15 : i32
    %eq3A_93 = arith.cmpi eq, %arg1, %eq3A_92 : i32
    %convert_element_type3A_94 = arith.extui %eq3A_93 : i1 to i32
    %cond3A_95 = arith.constant 0 : i32
    %cond3A_96 = arith.cmpi ne, %convert_element_type3A_94, %cond3A_95 : i32
    scf.if %cond3A_96 {
      %add3A_97 = arith.constant 0 : i32
      %add3A_98 = arith.addi %mul3A_2, %add3A_97 : i32
      %add3A_99 = arith.addi %mul3A_86, %mul3A_2 : i32
      %add3A_100 = arith.constant 0 : i32
      %add3A_101 = arith.addi %add3A_99, %add3A_100 : i32
      %dma_start3A_102 = arith.constant 0 : i32
      %dma_start3A_103 = tpu.memref_slice %arg4[%add3A_101, %dma_start3A_102] : memref<20000x128xf32, #tpu.memory_space<hbm>> -> memref<128x128xf32, #tpu.memory_space<hbm>>
      %dma_start3A_104 = arith.constant 0 : i32
      %dma_start3A_105 = tpu.memref_slice %arg14[%add3A_98, %dma_start3A_104] : memref<10000x128xf32, #tpu.memory_space<vmem_shared>> -> memref<128x128xf32, #tpu.memory_space<vmem_shared>>
      tpu.enqueue_dma source(%dma_start3A_105 : memref<128x128xf32, #tpu.memory_space<vmem_shared>>) target(%dma_start3A_103 : memref<128x128xf32, #tpu.memory_space<hbm>>) target_semaphore(%arg15 : memref<!tpu.dma_semaphore, #tpu.memory_space<semaphore_mem>>)
      %add3A_106 = arith.constant 128 : i32
      %add3A_107 = arith.addi %mul3A_2, %add3A_106 : i32
      %add3A_108 = arith.addi %mul3A_86, %mul3A_2 : i32
      %add3A_109 = arith.constant 128 : i32
      %add3A_110 = arith.addi %add3A_108, %add3A_109 : i32
      %dma_start3A_111 = arith.constant 0 : i32
      %dma_start3A_112 = tpu.memref_slice %arg4[%add3A_110, %dma_start3A_111] : memref<20000x128xf32, #tpu.memory_space<hbm>> -> memref<128x128xf32, #tpu.memory_space<hbm>>
      %dma_start3A_113 = arith.constant 0 : i32
      %dma_start3A_114 = tpu.memref_slice %arg14[%add3A_107, %dma_start3A_113] : memref<10000x128xf32, #tpu.memory_space<vmem_shared>> -> memref<128x128xf32, #tpu.memory_space<vmem_shared>>
      tpu.enqueue_dma source(%dma_start3A_114 : memref<128x128xf32, #tpu.memory_space<vmem_shared>>) target(%dma_start3A_112 : memref<128x128xf32, #tpu.memory_space<hbm>>) target_semaphore(%arg16 : memref<!tpu.dma_semaphore, #tpu.memory_space<semaphore_mem>>)
      %add3A_115 = arith.constant 256 : i32
      %add3A_116 = arith.addi %mul3A_2, %add3A_115 : i32
      %add3A_117 = arith.addi %mul3A_86, %mul3A_2 : i32
      %add3A_118 = arith.constant 256 : i32
      %add3A_119 = arith.addi %add3A_117, %add3A_118 : i32
      %dma_start3A_120 = arith.constant 0 : i32
      %dma_start3A_121 = tpu.memref_slice %arg4[%add3A_119, %dma_start3A_120] : memref<20000x128xf32, #tpu.memory_space<hbm>> -> memref<128x128xf32, #tpu.memory_space<hbm>>
      %dma_start3A_122 = arith.constant 0 : i32
      %dma_start3A_123 = tpu.memref_slice %arg14[%add3A_116, %dma_start3A_122] : memref<10000x128xf32, #tpu.memory_space<vmem_shared>> -> memref<128x128xf32, #tpu.memory_space<vmem_shared>>
      tpu.enqueue_dma source(%dma_start3A_123 : memref<128x128xf32, #tpu.memory_space<vmem_shared>>) target(%dma_start3A_121 : memref<128x128xf32, #tpu.memory_space<hbm>>) target_semaphore(%arg17 : memref<!tpu.dma_semaphore, #tpu.memory_space<semaphore_mem>>)
      %add3A_124 = arith.constant 384 : i32
      %add3A_125 = arith.addi %mul3A_2, %add3A_124 : i32
      %add3A_126 = arith.addi %mul3A_86, %mul3A_2 : i32
      %add3A_127 = arith.constant 384 : i32
      %add3A_128 = arith.addi %add3A_126, %add3A_127 : i32
      %dma_start3A_129 = arith.constant 0 : i32
      %dma_start3A_130 = tpu.memref_slice %arg4[%add3A_128, %dma_start3A_129] : memref<20000x128xf32, #tpu.memory_space<hbm>> -> memref<128x128xf32, #tpu.memory_space<hbm>>
      %dma_start3A_131 = arith.constant 0 : i32
      %dma_start3A_132 = tpu.memref_slice %arg14[%add3A_125, %dma_start3A_131] : memref<10000x128xf32, #tpu.memory_space<vmem_shared>> -> memref<128x128xf32, #tpu.memory_space<vmem_shared>>
      tpu.enqueue_dma source(%dma_start3A_132 : memref<128x128xf32, #tpu.memory_space<vmem_shared>>) target(%dma_start3A_130 : memref<128x128xf32, #tpu.memory_space<hbm>>) target_semaphore(%arg18 : memref<!tpu.dma_semaphore, #tpu.memory_space<semaphore_mem>>)
      %add3A_133 = arith.constant 512 : i32
      %add3A_134 = arith.addi %mul3A_2, %add3A_133 : i32
      %add3A_135 = arith.addi %mul3A_86, %mul3A_2 : i32
      %add3A_136 = arith.constant 512 : i32
      %add3A_137 = arith.addi %add3A_135, %add3A_136 : i32
      %dma_start3A_138 = arith.constant 0 : i32
      %dma_start3A_139 = tpu.memref_slice %arg4[%add3A_137, %dma_start3A_138] : memref<20000x128xf32, #tpu.memory_space<hbm>> -> memref<8x128xf32, #tpu.memory_space<hbm>>
      %dma_start3A_140 = arith.constant 0 : i32
      %dma_start3A_141 = tpu.memref_slice %arg14[%add3A_134, %dma_start3A_140] : memref<10000x128xf32, #tpu.memory_space<vmem_shared>> -> memref<8x128xf32, #tpu.memory_space<vmem_shared>>
      tpu.enqueue_dma source(%dma_start3A_141 : memref<8x128xf32, #tpu.memory_space<vmem_shared>>) target(%dma_start3A_139 : memref<8x128xf32, #tpu.memory_space<hbm>>) target_semaphore(%arg19 : memref<!tpu.dma_semaphore, #tpu.memory_space<semaphore_mem>>)
      %dma_wait3A_142 = arith.constant 0 : i32
      %dma_wait3A_143 = tpu.memref_slice %arg4[%add3A_101, %dma_wait3A_142] : memref<20000x128xf32, #tpu.memory_space<hbm>> -> memref<128x128xf32, #tpu.memory_space<hbm>>
      %dma_wait3A_144 = arith.constant 0 : i32
      %dma_wait3A_145 = tpu.memref_slice %arg14[%add3A_98, %dma_wait3A_144] : memref<10000x128xf32, #tpu.memory_space<vmem_shared>> -> memref<128x128xf32, #tpu.memory_space<vmem_shared>>
      tpu.wait_dma2 semaphore(%arg15 : memref<!tpu.dma_semaphore, #tpu.memory_space<semaphore_mem>>) src(%dma_wait3A_145 : memref<128x128xf32, #tpu.memory_space<vmem_shared>>) dst(%dma_wait3A_143 : memref<128x128xf32, #tpu.memory_space<hbm>>)
      %dma_wait3A_146 = arith.constant 0 : i32
      %dma_wait3A_147 = tpu.memref_slice %arg4[%add3A_110, %dma_wait3A_146] : memref<20000x128xf32, #tpu.memory_space<hbm>> -> memref<128x128xf32, #tpu.memory_space<hbm>>
      %dma_wait3A_148 = arith.constant 0 : i32
      %dma_wait3A_149 = tpu.memref_slice %arg14[%add3A_107, %dma_wait3A_148] : memref<10000x128xf32, #tpu.memory_space<vmem_shared>> -> memref<128x128xf32, #tpu.memory_space<vmem_shared>>
      tpu.wait_dma2 semaphore(%arg16 : memref<!tpu.dma_semaphore, #tpu.memory_space<semaphore_mem>>) src(%dma_wait3A_149 : memref<128x128xf32, #tpu.memory_space<vmem_shared>>) dst(%dma_wait3A_147 : memref<128x128xf32, #tpu.memory_space<hbm>>)
      %dma_wait3A_150 = arith.constant 0 : i32
      %dma_wait3A_151 = tpu.memref_slice %arg4[%add3A_119, %dma_wait3A_150] : memref<20000x128xf32, #tpu.memory_space<hbm>> -> memref<128x128xf32, #tpu.memory_space<hbm>>
      %dma_wait3A_152 = arith.constant 0 : i32
      %dma_wait3A_153 = tpu.memref_slice %arg14[%add3A_116, %dma_wait3A_152] : memref<10000x128xf32, #tpu.memory_space<vmem_shared>> -> memref<128x128xf32, #tpu.memory_space<vmem_shared>>
      tpu.wait_dma2 semaphore(%arg17 : memref<!tpu.dma_semaphore, #tpu.memory_space<semaphore_mem>>) src(%dma_wait3A_153 : memref<128x128xf32, #tpu.memory_space<vmem_shared>>) dst(%dma_wait3A_151 : memref<128x128xf32, #tpu.memory_space<hbm>>)
      %dma_wait3A_154 = arith.constant 0 : i32
      %dma_wait3A_155 = tpu.memref_slice %arg4[%add3A_128, %dma_wait3A_154] : memref<20000x128xf32, #tpu.memory_space<hbm>> -> memref<128x128xf32, #tpu.memory_space<hbm>>
      %dma_wait3A_156 = arith.constant 0 : i32
      %dma_wait3A_157 = tpu.memref_slice %arg14[%add3A_125, %dma_wait3A_156] : memref<10000x128xf32, #tpu.memory_space<vmem_shared>> -> memref<128x128xf32, #tpu.memory_space<vmem_shared>>
      tpu.wait_dma2 semaphore(%arg18 : memref<!tpu.dma_semaphore, #tpu.memory_space<semaphore_mem>>) src(%dma_wait3A_157 : memref<128x128xf32, #tpu.memory_space<vmem_shared>>) dst(%dma_wait3A_155 : memref<128x128xf32, #tpu.memory_space<hbm>>)
      %dma_wait3A_158 = arith.constant 0 : i32
      %dma_wait3A_159 = tpu.memref_slice %arg4[%add3A_137, %dma_wait3A_158] : memref<20000x128xf32, #tpu.memory_space<hbm>> -> memref<8x128xf32, #tpu.memory_space<hbm>>
      %dma_wait3A_160 = arith.constant 0 : i32
      %dma_wait3A_161 = tpu.memref_slice %arg14[%add3A_134, %dma_wait3A_160] : memref<10000x128xf32, #tpu.memory_space<vmem_shared>> -> memref<8x128xf32, #tpu.memory_space<vmem_shared>>
      tpu.wait_dma2 semaphore(%arg19 : memref<!tpu.dma_semaphore, #tpu.memory_space<semaphore_mem>>) src(%dma_wait3A_161 : memref<8x128xf32, #tpu.memory_space<vmem_shared>>) dst(%dma_wait3A_159 : memref<8x128xf32, #tpu.memory_space<hbm>>)
    } else {
    }
    return
  }
}

#map = affine_map<(d0, d1) -> (0, 0)>
module attributes {stable_mosaic.version = 14 : i64} {
  func.func @_ud_body(%arg0: i32, %arg1: i32, %arg2: memref<10000x128xf32, #tpu.memory_space<hbm>>, %arg3: memref<2x320000xi32, #tpu.memory_space<hbm>>, %arg4: memref<2x320000xi32, #tpu.memory_space<hbm>>, %arg5: memref<10000x128xf32, #tpu.memory_space<hbm>>, %arg6: memref<10000x128xf32, #tpu.memory_space<hbm>>, %arg7: memref<2x128xi32, #tpu.memory_space<vmem>>, %arg8: memref<2x128xi32, #tpu.memory_space<vmem>>, %arg9: memref<2x128xi32, #tpu.memory_space<vmem>>, %arg10: memref<2x128xi32, #tpu.memory_space<vmem>>, %arg11: memref<2x128xi32, #tpu.memory_space<vmem>>, %arg12: memref<2x128xi32, #tpu.memory_space<vmem>>, %arg13: memref<128x128xf32, #tpu.memory_space<vmem>>, %arg14: memref<128x128xf32, #tpu.memory_space<vmem>>, %arg15: memref<128x128xf32, #tpu.memory_space<vmem>>, %arg16: memref<10000x128xf32, #tpu.memory_space<vmem_shared>>, %arg17: memref<!tpu.dma_semaphore, #tpu.memory_space<semaphore_mem>>, %arg18: memref<!tpu.dma_semaphore, #tpu.memory_space<semaphore_mem>>, %arg19: memref<!tpu.dma_semaphore, #tpu.memory_space<semaphore_mem>>, %arg20: memref<!tpu.dma_semaphore, #tpu.memory_space<semaphore_mem>>, %arg21: memref<!tpu.dma_semaphore, #tpu.memory_space<semaphore_mem>>, %arg22: memref<!tpu.dma_semaphore, #tpu.memory_space<semaphore_mem>>, %arg23: memref<!tpu.dma_semaphore, #tpu.memory_space<semaphore_mem>>, %arg24: memref<!tpu.dma_semaphore, #tpu.memory_space<semaphore_mem>>, %arg25: memref<!tpu.dma_semaphore, #tpu.memory_space<semaphore_mem>>, %arg26: memref<!tpu.dma_semaphore, #tpu.memory_space<semaphore_mem>>, %arg27: memref<!tpu.dma_semaphore, #tpu.memory_space<semaphore_mem>>, %arg28: memref<!tpu.dma_semaphore, #tpu.memory_space<semaphore_mem>>) attributes {dimension_semantics = [#tpu.dimension_semantics<core_parallel>, #tpu.dimension_semantics<subcore_parallel>], iteration_bounds = array<i64: 2, 16>, scalar_prefetch = 0 : i64, scratch_operands = 22 : i64, tpu.core_type = #tpu.core_type<sc_vector_subcore>, window_params = [{transform_indices = #map}, {transform_indices = #map}, {transform_indices = #map}, {transform_indices = #map}, {transform_indices = #map}]} {
    %mul3A = arith.constant 16 : i32
    %mul3A_0 = arith.muli %arg0, %mul3A : i32
    %add3A = arith.addi %mul3A_0, %arg1 : i32
    %mul3A_1 = arith.constant 632 : i32
    %mul3A_2 = arith.muli %arg1, %mul3A_1 : i32
    %scan3A = arith.constant 0 : i32
    %scan3A_3 = arith.constant 0 : i32
    %scan3A_4 = arith.constant 128 : i32
    %scan3A_5 = arith.addi %scan3A_3, %scan3A_4 : i32
    %scan3A_6 = arith.constant 1 : i32
    scf.for %scan3A_35 = %scan3A_3 to %scan3A_5 step %scan3A_6  : i32 {
      %broadcast_in_dim3A = arith.constant 0.000000e+00 : f32
      %broadcast_in_dim3A_36 = vector.broadcast %broadcast_in_dim3A : f32 to vector<16xf32>
      %swap3A = arith.index_cast %scan3A_35 : i32 to index
      %swap3A_37 = arith.constant 0 : index
      %swap3A_38 = tpu.vector_load %arg13[%swap3A, %swap3A_37] {strides = array<i32>} : memref<128x128xf32, #tpu.memory_space<vmem>>, vector<1x16xf32>,
      %swap3A_39 = vector.shape_cast %swap3A_38 : vector<1x16xf32> to vector<16xf32>
      %swap3A_40 = vector.shape_cast %broadcast_in_dim3A_36 : vector<16xf32> to vector<1x16xf32>
      tpu.vector_store %arg13[%swap3A, %swap3A_37], %swap3A_40 {strides = array<i32>} : memref<128x128xf32, #tpu.memory_space<vmem>>, vector<1x16xf32>,
      %broadcast_in_dim3A_41 = arith.constant 0.000000e+00 : f32
      %broadcast_in_dim3A_42 = vector.broadcast %broadcast_in_dim3A_41 : f32 to vector<16xf32>
      %swap3A_43 = arith.index_cast %scan3A_35 : i32 to index
      %swap3A_44 = arith.constant 16 : index
      %swap3A_45 = tpu.vector_load %arg13[%swap3A_43, %swap3A_44] {strides = array<i32>} : memref<128x128xf32, #tpu.memory_space<vmem>>, vector<1x16xf32>,
      %swap3A_46 = vector.shape_cast %swap3A_45 : vector<1x16xf32> to vector<16xf32>
      %swap3A_47 = vector.shape_cast %broadcast_in_dim3A_42 : vector<16xf32> to vector<1x16xf32>
      tpu.vector_store %arg13[%swap3A_43, %swap3A_44], %swap3A_47 {strides = array<i32>} : memref<128x128xf32, #tpu.memory_space<vmem>>, vector<1x16xf32>,
      %broadcast_in_dim3A_48 = arith.constant 0.000000e+00 : f32
      %broadcast_in_dim3A_49 = vector.broadcast %broadcast_in_dim3A_48 : f32 to vector<16xf32>
      %swap3A_50 = arith.index_cast %scan3A_35 : i32 to index
      %swap3A_51 = arith.constant 32 : index
      %swap3A_52 = tpu.vector_load %arg13[%swap3A_50, %swap3A_51] {strides = array<i32>} : memref<128x128xf32, #tpu.memory_space<vmem>>, vector<1x16xf32>,
      %swap3A_53 = vector.shape_cast %swap3A_52 : vector<1x16xf32> to vector<16xf32>
      %swap3A_54 = vector.shape_cast %broadcast_in_dim3A_49 : vector<16xf32> to vector<1x16xf32>
      tpu.vector_store %arg13[%swap3A_50, %swap3A_51], %swap3A_54 {strides = array<i32>} : memref<128x128xf32, #tpu.memory_space<vmem>>, vector<1x16xf32>,
      %broadcast_in_dim3A_55 = arith.constant 0.000000e+00 : f32
      %broadcast_in_dim3A_56 = vector.broadcast %broadcast_in_dim3A_55 : f32 to vector<16xf32>
      %swap3A_57 = arith.index_cast %scan3A_35 : i32 to index
      %swap3A_58 = arith.constant 48 : index
      %swap3A_59 = tpu.vector_load %arg13[%swap3A_57, %swap3A_58] {strides = array<i32>} : memref<128x128xf32, #tpu.memory_space<vmem>>, vector<1x16xf32>,
      %swap3A_60 = vector.shape_cast %swap3A_59 : vector<1x16xf32> to vector<16xf32>
      %swap3A_61 = vector.shape_cast %broadcast_in_dim3A_56 : vector<16xf32> to vector<1x16xf32>
      tpu.vector_store %arg13[%swap3A_57, %swap3A_58], %swap3A_61 {strides = array<i32>} : memref<128x128xf32, #tpu.memory_space<vmem>>, vector<1x16xf32>,
      %broadcast_in_dim3A_62 = arith.constant 0.000000e+00 : f32
      %broadcast_in_dim3A_63 = vector.broadcast %broadcast_in_dim3A_62 : f32 to vector<16xf32>
      %swap3A_64 = arith.index_cast %scan3A_35 : i32 to index
      %swap3A_65 = arith.constant 64 : index
      %swap3A_66 = tpu.vector_load %arg13[%swap3A_64, %swap3A_65] {strides = array<i32>} : memref<128x128xf32, #tpu.memory_space<vmem>>, vector<1x16xf32>,
      %swap3A_67 = vector.shape_cast %swap3A_66 : vector<1x16xf32> to vector<16xf32>
      %swap3A_68 = vector.shape_cast %broadcast_in_dim3A_63 : vector<16xf32> to vector<1x16xf32>
      tpu.vector_store %arg13[%swap3A_64, %swap3A_65], %swap3A_68 {strides = array<i32>} : memref<128x128xf32, #tpu.memory_space<vmem>>, vector<1x16xf32>,
      %broadcast_in_dim3A_69 = arith.constant 0.000000e+00 : f32
      %broadcast_in_dim3A_70 = vector.broadcast %broadcast_in_dim3A_69 : f32 to vector<16xf32>
      %swap3A_71 = arith.index_cast %scan3A_35 : i32 to index
      %swap3A_72 = arith.constant 80 : index
      %swap3A_73 = tpu.vector_load %arg13[%swap3A_71, %swap3A_72] {strides = array<i32>} : memref<128x128xf32, #tpu.memory_space<vmem>>, vector<1x16xf32>,
      %swap3A_74 = vector.shape_cast %swap3A_73 : vector<1x16xf32> to vector<16xf32>
      %swap3A_75 = vector.shape_cast %broadcast_in_dim3A_70 : vector<16xf32> to vector<1x16xf32>
      tpu.vector_store %arg13[%swap3A_71, %swap3A_72], %swap3A_75 {strides = array<i32>} : memref<128x128xf32, #tpu.memory_space<vmem>>, vector<1x16xf32>,
      %broadcast_in_dim3A_76 = arith.constant 0.000000e+00 : f32
      %broadcast_in_dim3A_77 = vector.broadcast %broadcast_in_dim3A_76 : f32 to vector<16xf32>
      %swap3A_78 = arith.index_cast %scan3A_35 : i32 to index
      %swap3A_79 = arith.constant 96 : index
      %swap3A_80 = tpu.vector_load %arg13[%swap3A_78, %swap3A_79] {strides = array<i32>} : memref<128x128xf32, #tpu.memory_space<vmem>>, vector<1x16xf32>,
      %swap3A_81 = vector.shape_cast %swap3A_80 : vector<1x16xf32> to vector<16xf32>
      %swap3A_82 = vector.shape_cast %broadcast_in_dim3A_77 : vector<16xf32> to vector<1x16xf32>
      tpu.vector_store %arg13[%swap3A_78, %swap3A_79], %swap3A_82 {strides = array<i32>} : memref<128x128xf32, #tpu.memory_space<vmem>>, vector<1x16xf32>,
      %broadcast_in_dim3A_83 = arith.constant 0.000000e+00 : f32
      %broadcast_in_dim3A_84 = vector.broadcast %broadcast_in_dim3A_83 : f32 to vector<16xf32>
      %swap3A_85 = arith.index_cast %scan3A_35 : i32 to index
      %swap3A_86 = arith.constant 112 : index
      %swap3A_87 = tpu.vector_load %arg13[%swap3A_85, %swap3A_86] {strides = array<i32>} : memref<128x128xf32, #tpu.memory_space<vmem>>, vector<1x16xf32>,
      %swap3A_88 = vector.shape_cast %swap3A_87 : vector<1x16xf32> to vector<16xf32>
      %swap3A_89 = vector.shape_cast %broadcast_in_dim3A_84 : vector<16xf32> to vector<1x16xf32>
      tpu.vector_store %arg13[%swap3A_85, %swap3A_86], %swap3A_89 {strides = array<i32>} : memref<128x128xf32, #tpu.memory_space<vmem>>, vector<1x16xf32>,
    }
    %scan3A_7 = arith.constant 128 : i32
    %lt3A = arith.constant 15 : i32
    %lt3A_8 = arith.cmpi slt, %arg1, %lt3A : i32
    %convert_element_type3A = arith.extui %lt3A_8 : i1 to i32
    %cond3A = arith.constant 0 : i32
    %cond3A_9 = arith.cmpi ne, %convert_element_type3A, %cond3A : i32
    scf.if %cond3A_9 {
      %add3A_35 = arith.constant 0 : i32
      %add3A_36 = arith.addi %mul3A_2, %add3A_35 : i32
      %dma_start3A = arith.constant 0 : i32
      %dma_start3A_37 = arith.constant 0 : i32
      %dma_start3A_38 = tpu.memref_slice %arg13[%dma_start3A, %dma_start3A_37] : memref<128x128xf32, #tpu.memory_space<vmem>> -> memref<128x128xf32, #tpu.memory_space<vmem>>
      %dma_start3A_39 = arith.constant 0 : i32
      %dma_start3A_40 = tpu.memref_slice %arg16[%add3A_36, %dma_start3A_39] : memref<10000x128xf32, #tpu.memory_space<vmem_shared>> -> memref<128x128xf32, #tpu.memory_space<vmem_shared>>
      %dma_start3A_41 = arith.constant 0 : i32
      %dma_start3A_42 = tpu.memref_slice %arg16[%add3A_36, %dma_start3A_41] : memref<10000x128xf32, #tpu.memory_space<vmem_shared>> -> memref<128x128xf32, #tpu.memory_space<vmem_shared>>
      %dma_start3A_43 = arith.constant 0 : i32
      %dma_start3A_44 = arith.constant 0 : i32
      %dma_start3A_45 = tpu.memref_slice %arg13[%dma_start3A_43, %dma_start3A_44] : memref<128x128xf32, #tpu.memory_space<vmem>> -> memref<128x128xf32, #tpu.memory_space<vmem>>
      tpu.enqueue_dma source(%dma_start3A_45 : memref<128x128xf32, #tpu.memory_space<vmem>>) target(%dma_start3A_42 : memref<128x128xf32, #tpu.memory_space<vmem_shared>>) target_semaphore(%arg17 : memref<!tpu.dma_semaphore, #tpu.memory_space<semaphore_mem>>)
      %add3A_46 = arith.constant 128 : i32
      %add3A_47 = arith.addi %mul3A_2, %add3A_46 : i32
      %dma_start3A_48 = arith.constant 0 : i32
      %dma_start3A_49 = arith.constant 0 : i32
      %dma_start3A_50 = tpu.memref_slice %arg13[%dma_start3A_48, %dma_start3A_49] : memref<128x128xf32, #tpu.memory_space<vmem>> -> memref<128x128xf32, #tpu.memory_space<vmem>>
      %dma_start3A_51 = arith.constant 0 : i32
      %dma_start3A_52 = tpu.memref_slice %arg16[%add3A_47, %dma_start3A_51] : memref<10000x128xf32, #tpu.memory_space<vmem_shared>> -> memref<128x128xf32, #tpu.memory_space<vmem_shared>>
      %dma_start3A_53 = arith.constant 0 : i32
      %dma_start3A_54 = tpu.memref_slice %arg16[%add3A_47, %dma_start3A_53] : memref<10000x128xf32, #tpu.memory_space<vmem_shared>> -> memref<128x128xf32, #tpu.memory_space<vmem_shared>>
      %dma_start3A_55 = arith.constant 0 : i32
      %dma_start3A_56 = arith.constant 0 : i32
      %dma_start3A_57 = tpu.memref_slice %arg13[%dma_start3A_55, %dma_start3A_56] : memref<128x128xf32, #tpu.memory_space<vmem>> -> memref<128x128xf32, #tpu.memory_space<vmem>>
      tpu.enqueue_dma source(%dma_start3A_57 : memref<128x128xf32, #tpu.memory_space<vmem>>) target(%dma_start3A_54 : memref<128x128xf32, #tpu.memory_space<vmem_shared>>) target_semaphore(%arg18 : memref<!tpu.dma_semaphore, #tpu.memory_space<semaphore_mem>>)
      %add3A_58 = arith.constant 256 : i32
      %add3A_59 = arith.addi %mul3A_2, %add3A_58 : i32
      %dma_start3A_60 = arith.constant 0 : i32
      %dma_start3A_61 = arith.constant 0 : i32
      %dma_start3A_62 = tpu.memref_slice %arg13[%dma_start3A_60, %dma_start3A_61] : memref<128x128xf32, #tpu.memory_space<vmem>> -> memref<128x128xf32, #tpu.memory_space<vmem>>
      %dma_start3A_63 = arith.constant 0 : i32
      %dma_start3A_64 = tpu.memref_slice %arg16[%add3A_59, %dma_start3A_63] : memref<10000x128xf32, #tpu.memory_space<vmem_shared>> -> memref<128x128xf32, #tpu.memory_space<vmem_shared>>
      %dma_start3A_65 = arith.constant 0 : i32
      %dma_start3A_66 = tpu.memref_slice %arg16[%add3A_59, %dma_start3A_65] : memref<10000x128xf32, #tpu.memory_space<vmem_shared>> -> memref<128x128xf32, #tpu.memory_space<vmem_shared>>
      %dma_start3A_67 = arith.constant 0 : i32
      %dma_start3A_68 = arith.constant 0 : i32
      %dma_start3A_69 = tpu.memref_slice %arg13[%dma_start3A_67, %dma_start3A_68] : memref<128x128xf32, #tpu.memory_space<vmem>> -> memref<128x128xf32, #tpu.memory_space<vmem>>
      tpu.enqueue_dma source(%dma_start3A_69 : memref<128x128xf32, #tpu.memory_space<vmem>>) target(%dma_start3A_66 : memref<128x128xf32, #tpu.memory_space<vmem_shared>>) target_semaphore(%arg19 : memref<!tpu.dma_semaphore, #tpu.memory_space<semaphore_mem>>)
      %add3A_70 = arith.constant 384 : i32
      %add3A_71 = arith.addi %mul3A_2, %add3A_70 : i32
      %dma_start3A_72 = arith.constant 0 : i32
      %dma_start3A_73 = arith.constant 0 : i32
      %dma_start3A_74 = tpu.memref_slice %arg13[%dma_start3A_72, %dma_start3A_73] : memref<128x128xf32, #tpu.memory_space<vmem>> -> memref<128x128xf32, #tpu.memory_space<vmem>>
      %dma_start3A_75 = arith.constant 0 : i32
      %dma_start3A_76 = tpu.memref_slice %arg16[%add3A_71, %dma_start3A_75] : memref<10000x128xf32, #tpu.memory_space<vmem_shared>> -> memref<128x128xf32, #tpu.memory_space<vmem_shared>>
      %dma_start3A_77 = arith.constant 0 : i32
      %dma_start3A_78 = tpu.memref_slice %arg16[%add3A_71, %dma_start3A_77] : memref<10000x128xf32, #tpu.memory_space<vmem_shared>> -> memref<128x128xf32, #tpu.memory_space<vmem_shared>>
      %dma_start3A_79 = arith.constant 0 : i32
      %dma_start3A_80 = arith.constant 0 : i32
      %dma_start3A_81 = tpu.memref_slice %arg13[%dma_start3A_79, %dma_start3A_80] : memref<128x128xf32, #tpu.memory_space<vmem>> -> memref<128x128xf32, #tpu.memory_space<vmem>>
      tpu.enqueue_dma source(%dma_start3A_81 : memref<128x128xf32, #tpu.memory_space<vmem>>) target(%dma_start3A_78 : memref<128x128xf32, #tpu.memory_space<vmem_shared>>) target_semaphore(%arg20 : memref<!tpu.dma_semaphore, #tpu.memory_space<semaphore_mem>>)
      %add3A_82 = arith.constant 512 : i32
      %add3A_83 = arith.addi %mul3A_2, %add3A_82 : i32
      %dma_start3A_84 = arith.constant 0 : i32
      %dma_start3A_85 = arith.constant 0 : i32
      %dma_start3A_86 = tpu.memref_slice %arg13[%dma_start3A_84, %dma_start3A_85] : memref<128x128xf32, #tpu.memory_space<vmem>> -> memref<120x128xf32, #tpu.memory_space<vmem>>
      %dma_start3A_87 = arith.constant 0 : i32
      %dma_start3A_88 = tpu.memref_slice %arg16[%add3A_83, %dma_start3A_87] : memref<10000x128xf32, #tpu.memory_space<vmem_shared>> -> memref<120x128xf32, #tpu.memory_space<vmem_shared>>
      %dma_start3A_89 = arith.constant 0 : i32
      %dma_start3A_90 = tpu.memref_slice %arg16[%add3A_83, %dma_start3A_89] : memref<10000x128xf32, #tpu.memory_space<vmem_shared>> -> memref<120x128xf32, #tpu.memory_space<vmem_shared>>
      %dma_start3A_91 = arith.constant 0 : i32
      %dma_start3A_92 = arith.constant 0 : i32
      %dma_start3A_93 = tpu.memref_slice %arg13[%dma_start3A_91, %dma_start3A_92] : memref<128x128xf32, #tpu.memory_space<vmem>> -> memref<120x128xf32, #tpu.memory_space<vmem>>
      tpu.enqueue_dma source(%dma_start3A_93 : memref<120x128xf32, #tpu.memory_space<vmem>>) target(%dma_start3A_90 : memref<120x128xf32, #tpu.memory_space<vmem_shared>>) target_semaphore(%arg21 : memref<!tpu.dma_semaphore, #tpu.memory_space<semaphore_mem>>)
      %dma_wait3A = arith.constant 0 : i32
      %dma_wait3A_94 = arith.constant 0 : i32
      %dma_wait3A_95 = tpu.memref_slice %arg13[%dma_wait3A, %dma_wait3A_94] : memref<128x128xf32, #tpu.memory_space<vmem>> -> memref<128x128xf32, #tpu.memory_space<vmem>>
      %dma_wait3A_96 = arith.constant 0 : i32
      %dma_wait3A_97 = tpu.memref_slice %arg16[%add3A_36, %dma_wait3A_96] : memref<10000x128xf32, #tpu.memory_space<vmem_shared>> -> memref<128x128xf32, #tpu.memory_space<vmem_shared>>
      %dma_wait3A_98 = arith.constant 0 : i32
      %dma_wait3A_99 = tpu.memref_slice %arg16[%add3A_36, %dma_wait3A_98] : memref<10000x128xf32, #tpu.memory_space<vmem_shared>> -> memref<128x128xf32, #tpu.memory_space<vmem_shared>>
      %dma_wait3A_100 = arith.constant 0 : i32
      %dma_wait3A_101 = arith.constant 0 : i32
      %dma_wait3A_102 = tpu.memref_slice %arg13[%dma_wait3A_100, %dma_wait3A_101] : memref<128x128xf32, #tpu.memory_space<vmem>> -> memref<128x128xf32, #tpu.memory_space<vmem>>
      tpu.wait_dma2 semaphore(%arg17 : memref<!tpu.dma_semaphore, #tpu.memory_space<semaphore_mem>>) src(%dma_wait3A_102 : memref<128x128xf32, #tpu.memory_space<vmem>>) dst(%dma_wait3A_99 : memref<128x128xf32, #tpu.memory_space<vmem_shared>>)
      %dma_wait3A_103 = arith.constant 0 : i32
      %dma_wait3A_104 = arith.constant 0 : i32
      %dma_wait3A_105 = tpu.memref_slice %arg13[%dma_wait3A_103, %dma_wait3A_104] : memref<128x128xf32, #tpu.memory_space<vmem>> -> memref<128x128xf32, #tpu.memory_space<vmem>>
      %dma_wait3A_106 = arith.constant 0 : i32
      %dma_wait3A_107 = tpu.memref_slice %arg16[%add3A_47, %dma_wait3A_106] : memref<10000x128xf32, #tpu.memory_space<vmem_shared>> -> memref<128x128xf32, #tpu.memory_space<vmem_shared>>
      %dma_wait3A_108 = arith.constant 0 : i32
      %dma_wait3A_109 = tpu.memref_slice %arg16[%add3A_47, %dma_wait3A_108] : memref<10000x128xf32, #tpu.memory_space<vmem_shared>> -> memref<128x128xf32, #tpu.memory_space<vmem_shared>>
      %dma_wait3A_110 = arith.constant 0 : i32
      %dma_wait3A_111 = arith.constant 0 : i32
      %dma_wait3A_112 = tpu.memref_slice %arg13[%dma_wait3A_110, %dma_wait3A_111] : memref<128x128xf32, #tpu.memory_space<vmem>> -> memref<128x128xf32, #tpu.memory_space<vmem>>
      tpu.wait_dma2 semaphore(%arg18 : memref<!tpu.dma_semaphore, #tpu.memory_space<semaphore_mem>>) src(%dma_wait3A_112 : memref<128x128xf32, #tpu.memory_space<vmem>>) dst(%dma_wait3A_109 : memref<128x128xf32, #tpu.memory_space<vmem_shared>>)
      %dma_wait3A_113 = arith.constant 0 : i32
      %dma_wait3A_114 = arith.constant 0 : i32
      %dma_wait3A_115 = tpu.memref_slice %arg13[%dma_wait3A_113, %dma_wait3A_114] : memref<128x128xf32, #tpu.memory_space<vmem>> -> memref<128x128xf32, #tpu.memory_space<vmem>>
      %dma_wait3A_116 = arith.constant 0 : i32
      %dma_wait3A_117 = tpu.memref_slice %arg16[%add3A_59, %dma_wait3A_116] : memref<10000x128xf32, #tpu.memory_space<vmem_shared>> -> memref<128x128xf32, #tpu.memory_space<vmem_shared>>
      %dma_wait3A_118 = arith.constant 0 : i32
      %dma_wait3A_119 = tpu.memref_slice %arg16[%add3A_59, %dma_wait3A_118] : memref<10000x128xf32, #tpu.memory_space<vmem_shared>> -> memref<128x128xf32, #tpu.memory_space<vmem_shared>>
      %dma_wait3A_120 = arith.constant 0 : i32
      %dma_wait3A_121 = arith.constant 0 : i32
      %dma_wait3A_122 = tpu.memref_slice %arg13[%dma_wait3A_120, %dma_wait3A_121] : memref<128x128xf32, #tpu.memory_space<vmem>> -> memref<128x128xf32, #tpu.memory_space<vmem>>
      tpu.wait_dma2 semaphore(%arg19 : memref<!tpu.dma_semaphore, #tpu.memory_space<semaphore_mem>>) src(%dma_wait3A_122 : memref<128x128xf32, #tpu.memory_space<vmem>>) dst(%dma_wait3A_119 : memref<128x128xf32, #tpu.memory_space<vmem_shared>>)
      %dma_wait3A_123 = arith.constant 0 : i32
      %dma_wait3A_124 = arith.constant 0 : i32
      %dma_wait3A_125 = tpu.memref_slice %arg13[%dma_wait3A_123, %dma_wait3A_124] : memref<128x128xf32, #tpu.memory_space<vmem>> -> memref<128x128xf32, #tpu.memory_space<vmem>>
      %dma_wait3A_126 = arith.constant 0 : i32
      %dma_wait3A_127 = tpu.memref_slice %arg16[%add3A_71, %dma_wait3A_126] : memref<10000x128xf32, #tpu.memory_space<vmem_shared>> -> memref<128x128xf32, #tpu.memory_space<vmem_shared>>
      %dma_wait3A_128 = arith.constant 0 : i32
      %dma_wait3A_129 = tpu.memref_slice %arg16[%add3A_71, %dma_wait3A_128] : memref<10000x128xf32, #tpu.memory_space<vmem_shared>> -> memref<128x128xf32, #tpu.memory_space<vmem_shared>>
      %dma_wait3A_130 = arith.constant 0 : i32
      %dma_wait3A_131 = arith.constant 0 : i32
      %dma_wait3A_132 = tpu.memref_slice %arg13[%dma_wait3A_130, %dma_wait3A_131] : memref<128x128xf32, #tpu.memory_space<vmem>> -> memref<128x128xf32, #tpu.memory_space<vmem>>
      tpu.wait_dma2 semaphore(%arg20 : memref<!tpu.dma_semaphore, #tpu.memory_space<semaphore_mem>>) src(%dma_wait3A_132 : memref<128x128xf32, #tpu.memory_space<vmem>>) dst(%dma_wait3A_129 : memref<128x128xf32, #tpu.memory_space<vmem_shared>>)
      %dma_wait3A_133 = arith.constant 0 : i32
      %dma_wait3A_134 = arith.constant 0 : i32
      %dma_wait3A_135 = tpu.memref_slice %arg13[%dma_wait3A_133, %dma_wait3A_134] : memref<128x128xf32, #tpu.memory_space<vmem>> -> memref<120x128xf32, #tpu.memory_space<vmem>>
      %dma_wait3A_136 = arith.constant 0 : i32
      %dma_wait3A_137 = tpu.memref_slice %arg16[%add3A_83, %dma_wait3A_136] : memref<10000x128xf32, #tpu.memory_space<vmem_shared>> -> memref<120x128xf32, #tpu.memory_space<vmem_shared>>
      %dma_wait3A_138 = arith.constant 0 : i32
      %dma_wait3A_139 = tpu.memref_slice %arg16[%add3A_83, %dma_wait3A_138] : memref<10000x128xf32, #tpu.memory_space<vmem_shared>> -> memref<120x128xf32, #tpu.memory_space<vmem_shared>>
      %dma_wait3A_140 = arith.constant 0 : i32
      %dma_wait3A_141 = arith.constant 0 : i32
      %dma_wait3A_142 = tpu.memref_slice %arg13[%dma_wait3A_140, %dma_wait3A_141] : memref<128x128xf32, #tpu.memory_space<vmem>> -> memref<120x128xf32, #tpu.memory_space<vmem>>
      tpu.wait_dma2 semaphore(%arg21 : memref<!tpu.dma_semaphore, #tpu.memory_space<semaphore_mem>>) src(%dma_wait3A_142 : memref<120x128xf32, #tpu.memory_space<vmem>>) dst(%dma_wait3A_139 : memref<120x128xf32, #tpu.memory_space<vmem_shared>>)
    } else {
    }
    %eq3A = arith.constant 15 : i32
    %eq3A_10 = arith.cmpi eq, %arg1, %eq3A : i32
    %convert_element_type3A_11 = arith.extui %eq3A_10 : i1 to i32
    %cond3A_12 = arith.constant 0 : i32
    %cond3A_13 = arith.cmpi ne, %convert_element_type3A_11, %cond3A_12 : i32
    scf.if %cond3A_13 {
      %add3A_35 = arith.constant 0 : i32
      %add3A_36 = arith.addi %mul3A_2, %add3A_35 : i32
      %dma_start3A = arith.constant 0 : i32
      %dma_start3A_37 = arith.constant 0 : i32
      %dma_start3A_38 = tpu.memref_slice %arg13[%dma_start3A, %dma_start3A_37] : memref<128x128xf32, #tpu.memory_space<vmem>> -> memref<128x128xf32, #tpu.memory_space<vmem>>
      %dma_start3A_39 = arith.constant 0 : i32
      %dma_start3A_40 = tpu.memref_slice %arg16[%add3A_36, %dma_start3A_39] : memref<10000x128xf32, #tpu.memory_space<vmem_shared>> -> memref<128x128xf32, #tpu.memory_space<vmem_shared>>
      %dma_start3A_41 = arith.constant 0 : i32
      %dma_start3A_42 = tpu.memref_slice %arg16[%add3A_36, %dma_start3A_41] : memref<10000x128xf32, #tpu.memory_space<vmem_shared>> -> memref<128x128xf32, #tpu.memory_space<vmem_shared>>
      %dma_start3A_43 = arith.constant 0 : i32
      %dma_start3A_44 = arith.constant 0 : i32
      %dma_start3A_45 = tpu.memref_slice %arg13[%dma_start3A_43, %dma_start3A_44] : memref<128x128xf32, #tpu.memory_space<vmem>> -> memref<128x128xf32, #tpu.memory_space<vmem>>
      tpu.enqueue_dma source(%dma_start3A_45 : memref<128x128xf32, #tpu.memory_space<vmem>>) target(%dma_start3A_42 : memref<128x128xf32, #tpu.memory_space<vmem_shared>>) target_semaphore(%arg17 : memref<!tpu.dma_semaphore, #tpu.memory_space<semaphore_mem>>)
      %add3A_46 = arith.constant 128 : i32
      %add3A_47 = arith.addi %mul3A_2, %add3A_46 : i32
      %dma_start3A_48 = arith.constant 0 : i32
      %dma_start3A_49 = arith.constant 0 : i32
      %dma_start3A_50 = tpu.memref_slice %arg13[%dma_start3A_48, %dma_start3A_49] : memref<128x128xf32, #tpu.memory_space<vmem>> -> memref<128x128xf32, #tpu.memory_space<vmem>>
      %dma_start3A_51 = arith.constant 0 : i32
      %dma_start3A_52 = tpu.memref_slice %arg16[%add3A_47, %dma_start3A_51] : memref<10000x128xf32, #tpu.memory_space<vmem_shared>> -> memref<128x128xf32, #tpu.memory_space<vmem_shared>>
      %dma_start3A_53 = arith.constant 0 : i32
      %dma_start3A_54 = tpu.memref_slice %arg16[%add3A_47, %dma_start3A_53] : memref<10000x128xf32, #tpu.memory_space<vmem_shared>> -> memref<128x128xf32, #tpu.memory_space<vmem_shared>>
      %dma_start3A_55 = arith.constant 0 : i32
      %dma_start3A_56 = arith.constant 0 : i32
      %dma_start3A_57 = tpu.memref_slice %arg13[%dma_start3A_55, %dma_start3A_56] : memref<128x128xf32, #tpu.memory_space<vmem>> -> memref<128x128xf32, #tpu.memory_space<vmem>>
      tpu.enqueue_dma source(%dma_start3A_57 : memref<128x128xf32, #tpu.memory_space<vmem>>) target(%dma_start3A_54 : memref<128x128xf32, #tpu.memory_space<vmem_shared>>) target_semaphore(%arg18 : memref<!tpu.dma_semaphore, #tpu.memory_space<semaphore_mem>>)
      %add3A_58 = arith.constant 256 : i32
      %add3A_59 = arith.addi %mul3A_2, %add3A_58 : i32
      %dma_start3A_60 = arith.constant 0 : i32
      %dma_start3A_61 = arith.constant 0 : i32
      %dma_start3A_62 = tpu.memref_slice %arg13[%dma_start3A_60, %dma_start3A_61] : memref<128x128xf32, #tpu.memory_space<vmem>> -> memref<128x128xf32, #tpu.memory_space<vmem>>
      %dma_start3A_63 = arith.constant 0 : i32
      %dma_start3A_64 = tpu.memref_slice %arg16[%add3A_59, %dma_start3A_63] : memref<10000x128xf32, #tpu.memory_space<vmem_shared>> -> memref<128x128xf32, #tpu.memory_space<vmem_shared>>
      %dma_start3A_65 = arith.constant 0 : i32
      %dma_start3A_66 = tpu.memref_slice %arg16[%add3A_59, %dma_start3A_65] : memref<10000x128xf32, #tpu.memory_space<vmem_shared>> -> memref<128x128xf32, #tpu.memory_space<vmem_shared>>
      %dma_start3A_67 = arith.constant 0 : i32
      %dma_start3A_68 = arith.constant 0 : i32
      %dma_start3A_69 = tpu.memref_slice %arg13[%dma_start3A_67, %dma_start3A_68] : memref<128x128xf32, #tpu.memory_space<vmem>> -> memref<128x128xf32, #tpu.memory_space<vmem>>
      tpu.enqueue_dma source(%dma_start3A_69 : memref<128x128xf32, #tpu.memory_space<vmem>>) target(%dma_start3A_66 : memref<128x128xf32, #tpu.memory_space<vmem_shared>>) target_semaphore(%arg19 : memref<!tpu.dma_semaphore, #tpu.memory_space<semaphore_mem>>)
      %add3A_70 = arith.constant 384 : i32
      %add3A_71 = arith.addi %mul3A_2, %add3A_70 : i32
      %dma_start3A_72 = arith.constant 0 : i32
      %dma_start3A_73 = arith.constant 0 : i32
      %dma_start3A_74 = tpu.memref_slice %arg13[%dma_start3A_72, %dma_start3A_73] : memref<128x128xf32, #tpu.memory_space<vmem>> -> memref<128x128xf32, #tpu.memory_space<vmem>>
      %dma_start3A_75 = arith.constant 0 : i32
      %dma_start3A_76 = tpu.memref_slice %arg16[%add3A_71, %dma_start3A_75] : memref<10000x128xf32, #tpu.memory_space<vmem_shared>> -> memref<128x128xf32, #tpu.memory_space<vmem_shared>>
      %dma_start3A_77 = arith.constant 0 : i32
      %dma_start3A_78 = tpu.memref_slice %arg16[%add3A_71, %dma_start3A_77] : memref<10000x128xf32, #tpu.memory_space<vmem_shared>> -> memref<128x128xf32, #tpu.memory_space<vmem_shared>>
      %dma_start3A_79 = arith.constant 0 : i32
      %dma_start3A_80 = arith.constant 0 : i32
      %dma_start3A_81 = tpu.memref_slice %arg13[%dma_start3A_79, %dma_start3A_80] : memref<128x128xf32, #tpu.memory_space<vmem>> -> memref<128x128xf32, #tpu.memory_space<vmem>>
      tpu.enqueue_dma source(%dma_start3A_81 : memref<128x128xf32, #tpu.memory_space<vmem>>) target(%dma_start3A_78 : memref<128x128xf32, #tpu.memory_space<vmem_shared>>) target_semaphore(%arg20 : memref<!tpu.dma_semaphore, #tpu.memory_space<semaphore_mem>>)
      %add3A_82 = arith.constant 512 : i32
      %add3A_83 = arith.addi %mul3A_2, %add3A_82 : i32
      %dma_start3A_84 = arith.constant 0 : i32
      %dma_start3A_85 = arith.constant 0 : i32
      %dma_start3A_86 = tpu.memref_slice %arg13[%dma_start3A_84, %dma_start3A_85] : memref<128x128xf32, #tpu.memory_space<vmem>> -> memref<8x128xf32, #tpu.memory_space<vmem>>
      %dma_start3A_87 = arith.constant 0 : i32
      %dma_start3A_88 = tpu.memref_slice %arg16[%add3A_83, %dma_start3A_87] : memref<10000x128xf32, #tpu.memory_space<vmem_shared>> -> memref<8x128xf32, #tpu.memory_space<vmem_shared>>
      %dma_start3A_89 = arith.constant 0 : i32
      %dma_start3A_90 = tpu.memref_slice %arg16[%add3A_83, %dma_start3A_89] : memref<10000x128xf32, #tpu.memory_space<vmem_shared>> -> memref<8x128xf32, #tpu.memory_space<vmem_shared>>
      %dma_start3A_91 = arith.constant 0 : i32
      %dma_start3A_92 = arith.constant 0 : i32
      %dma_start3A_93 = tpu.memref_slice %arg13[%dma_start3A_91, %dma_start3A_92] : memref<128x128xf32, #tpu.memory_space<vmem>> -> memref<8x128xf32, #tpu.memory_space<vmem>>
      tpu.enqueue_dma source(%dma_start3A_93 : memref<8x128xf32, #tpu.memory_space<vmem>>) target(%dma_start3A_90 : memref<8x128xf32, #tpu.memory_space<vmem_shared>>) target_semaphore(%arg21 : memref<!tpu.dma_semaphore, #tpu.memory_space<semaphore_mem>>)
      %dma_wait3A = arith.constant 0 : i32
      %dma_wait3A_94 = arith.constant 0 : i32
      %dma_wait3A_95 = tpu.memref_slice %arg13[%dma_wait3A, %dma_wait3A_94] : memref<128x128xf32, #tpu.memory_space<vmem>> -> memref<128x128xf32, #tpu.memory_space<vmem>>
      %dma_wait3A_96 = arith.constant 0 : i32
      %dma_wait3A_97 = tpu.memref_slice %arg16[%add3A_36, %dma_wait3A_96] : memref<10000x128xf32, #tpu.memory_space<vmem_shared>> -> memref<128x128xf32, #tpu.memory_space<vmem_shared>>
      %dma_wait3A_98 = arith.constant 0 : i32
      %dma_wait3A_99 = tpu.memref_slice %arg16[%add3A_36, %dma_wait3A_98] : memref<10000x128xf32, #tpu.memory_space<vmem_shared>> -> memref<128x128xf32, #tpu.memory_space<vmem_shared>>
      %dma_wait3A_100 = arith.constant 0 : i32
      %dma_wait3A_101 = arith.constant 0 : i32
      %dma_wait3A_102 = tpu.memref_slice %arg13[%dma_wait3A_100, %dma_wait3A_101] : memref<128x128xf32, #tpu.memory_space<vmem>> -> memref<128x128xf32, #tpu.memory_space<vmem>>
      tpu.wait_dma2 semaphore(%arg17 : memref<!tpu.dma_semaphore, #tpu.memory_space<semaphore_mem>>) src(%dma_wait3A_102 : memref<128x128xf32, #tpu.memory_space<vmem>>) dst(%dma_wait3A_99 : memref<128x128xf32, #tpu.memory_space<vmem_shared>>)
      %dma_wait3A_103 = arith.constant 0 : i32
      %dma_wait3A_104 = arith.constant 0 : i32
      %dma_wait3A_105 = tpu.memref_slice %arg13[%dma_wait3A_103, %dma_wait3A_104] : memref<128x128xf32, #tpu.memory_space<vmem>> -> memref<128x128xf32, #tpu.memory_space<vmem>>
      %dma_wait3A_106 = arith.constant 0 : i32
      %dma_wait3A_107 = tpu.memref_slice %arg16[%add3A_47, %dma_wait3A_106] : memref<10000x128xf32, #tpu.memory_space<vmem_shared>> -> memref<128x128xf32, #tpu.memory_space<vmem_shared>>
      %dma_wait3A_108 = arith.constant 0 : i32
      %dma_wait3A_109 = tpu.memref_slice %arg16[%add3A_47, %dma_wait3A_108] : memref<10000x128xf32, #tpu.memory_space<vmem_shared>> -> memref<128x128xf32, #tpu.memory_space<vmem_shared>>
      %dma_wait3A_110 = arith.constant 0 : i32
      %dma_wait3A_111 = arith.constant 0 : i32
      %dma_wait3A_112 = tpu.memref_slice %arg13[%dma_wait3A_110, %dma_wait3A_111] : memref<128x128xf32, #tpu.memory_space<vmem>> -> memref<128x128xf32, #tpu.memory_space<vmem>>
      tpu.wait_dma2 semaphore(%arg18 : memref<!tpu.dma_semaphore, #tpu.memory_space<semaphore_mem>>) src(%dma_wait3A_112 : memref<128x128xf32, #tpu.memory_space<vmem>>) dst(%dma_wait3A_109 : memref<128x128xf32, #tpu.memory_space<vmem_shared>>)
      %dma_wait3A_113 = arith.constant 0 : i32
      %dma_wait3A_114 = arith.constant 0 : i32
      %dma_wait3A_115 = tpu.memref_slice %arg13[%dma_wait3A_113, %dma_wait3A_114] : memref<128x128xf32, #tpu.memory_space<vmem>> -> memref<128x128xf32, #tpu.memory_space<vmem>>
      %dma_wait3A_116 = arith.constant 0 : i32
      %dma_wait3A_117 = tpu.memref_slice %arg16[%add3A_59, %dma_wait3A_116] : memref<10000x128xf32, #tpu.memory_space<vmem_shared>> -> memref<128x128xf32, #tpu.memory_space<vmem_shared>>
      %dma_wait3A_118 = arith.constant 0 : i32
      %dma_wait3A_119 = tpu.memref_slice %arg16[%add3A_59, %dma_wait3A_118] : memref<10000x128xf32, #tpu.memory_space<vmem_shared>> -> memref<128x128xf32, #tpu.memory_space<vmem_shared>>
      %dma_wait3A_120 = arith.constant 0 : i32
      %dma_wait3A_121 = arith.constant 0 : i32
      %dma_wait3A_122 = tpu.memref_slice %arg13[%dma_wait3A_120, %dma_wait3A_121] : memref<128x128xf32, #tpu.memory_space<vmem>> -> memref<128x128xf32, #tpu.memory_space<vmem>>
      tpu.wait_dma2 semaphore(%arg19 : memref<!tpu.dma_semaphore, #tpu.memory_space<semaphore_mem>>) src(%dma_wait3A_122 : memref<128x128xf32, #tpu.memory_space<vmem>>) dst(%dma_wait3A_119 : memref<128x128xf32, #tpu.memory_space<vmem_shared>>)
      %dma_wait3A_123 = arith.constant 0 : i32
      %dma_wait3A_124 = arith.constant 0 : i32
      %dma_wait3A_125 = tpu.memref_slice %arg13[%dma_wait3A_123, %dma_wait3A_124] : memref<128x128xf32, #tpu.memory_space<vmem>> -> memref<128x128xf32, #tpu.memory_space<vmem>>
      %dma_wait3A_126 = arith.constant 0 : i32
      %dma_wait3A_127 = tpu.memref_slice %arg16[%add3A_71, %dma_wait3A_126] : memref<10000x128xf32, #tpu.memory_space<vmem_shared>> -> memref<128x128xf32, #tpu.memory_space<vmem_shared>>
      %dma_wait3A_128 = arith.constant 0 : i32
      %dma_wait3A_129 = tpu.memref_slice %arg16[%add3A_71, %dma_wait3A_128] : memref<10000x128xf32, #tpu.memory_space<vmem_shared>> -> memref<128x128xf32, #tpu.memory_space<vmem_shared>>
      %dma_wait3A_130 = arith.constant 0 : i32
      %dma_wait3A_131 = arith.constant 0 : i32
      %dma_wait3A_132 = tpu.memref_slice %arg13[%dma_wait3A_130, %dma_wait3A_131] : memref<128x128xf32, #tpu.memory_space<vmem>> -> memref<128x128xf32, #tpu.memory_space<vmem>>
      tpu.wait_dma2 semaphore(%arg20 : memref<!tpu.dma_semaphore, #tpu.memory_space<semaphore_mem>>) src(%dma_wait3A_132 : memref<128x128xf32, #tpu.memory_space<vmem>>) dst(%dma_wait3A_129 : memref<128x128xf32, #tpu.memory_space<vmem_shared>>)
      %dma_wait3A_133 = arith.constant 0 : i32
      %dma_wait3A_134 = arith.constant 0 : i32
      %dma_wait3A_135 = tpu.memref_slice %arg13[%dma_wait3A_133, %dma_wait3A_134] : memref<128x128xf32, #tpu.memory_space<vmem>> -> memref<8x128xf32, #tpu.memory_space<vmem>>
      %dma_wait3A_136 = arith.constant 0 : i32
      %dma_wait3A_137 = tpu.memref_slice %arg16[%add3A_83, %dma_wait3A_136] : memref<10000x128xf32, #tpu.memory_space<vmem_shared>> -> memref<8x128xf32, #tpu.memory_space<vmem_shared>>
      %dma_wait3A_138 = arith.constant 0 : i32
      %dma_wait3A_139 = tpu.memref_slice %arg16[%add3A_83, %dma_wait3A_138] : memref<10000x128xf32, #tpu.memory_space<vmem_shared>> -> memref<8x128xf32, #tpu.memory_space<vmem_shared>>
      %dma_wait3A_140 = arith.constant 0 : i32
      %dma_wait3A_141 = arith.constant 0 : i32
      %dma_wait3A_142 = tpu.memref_slice %arg13[%dma_wait3A_140, %dma_wait3A_141] : memref<128x128xf32, #tpu.memory_space<vmem>> -> memref<8x128xf32, #tpu.memory_space<vmem>>
      tpu.wait_dma2 semaphore(%arg21 : memref<!tpu.dma_semaphore, #tpu.memory_space<semaphore_mem>>) src(%dma_wait3A_142 : memref<8x128xf32, #tpu.memory_space<vmem>>) dst(%dma_wait3A_139 : memref<8x128xf32, #tpu.memory_space<vmem_shared>>)
    } else {
    }
    %barrier3A = arith.constant 0 : index
    tpu.barrier barrier_id(%barrier3A)
    %eq3A_14 = arith.constant 0 : i32
    %eq3A_15 = arith.cmpi eq, %arg0, %eq3A_14 : i32
    %convert_element_type3A_16 = arith.extui %eq3A_15 : i1 to i32
    %cond3A_17 = arith.constant 0 : i32
    %cond3A_18 = arith.cmpi ne, %convert_element_type3A_16, %cond3A_17 : i32
    scf.if %cond3A_18 {
      %add3A_35 = arith.constant 0 : i32
      %add3A_36 = arith.addi %arg1, %add3A_35 : i32
      %mul3A_37 = arith.constant 128 : i32
      %mul3A_38 = arith.muli %add3A_36, %mul3A_37 : i32
      %dma_start3A = arith.constant 0 : i32
      %dma_start3A_39 = tpu.memref_slice %arg3[%dma_start3A, %mul3A_38] : memref<2x320000xi32, #tpu.memory_space<hbm>> -> memref<2x128xi32, #tpu.memory_space<hbm>>
      %dma_start3A_40 = arith.constant 0 : i32
      %dma_start3A_41 = tpu.memref_slice %arg3[%dma_start3A_40, %mul3A_38] : memref<2x320000xi32, #tpu.memory_space<hbm>> -> memref<2x128xi32, #tpu.memory_space<hbm>>
      tpu.enqueue_dma source(%dma_start3A_41 : memref<2x128xi32, #tpu.memory_space<hbm>>) target(%arg7 : memref<2x128xi32, #tpu.memory_space<vmem>>) target_semaphore(%arg17 : memref<!tpu.dma_semaphore, #tpu.memory_space<semaphore_mem>>)
      %add3A_42 = arith.constant 16 : i32
      %add3A_43 = arith.addi %arg1, %add3A_42 : i32
      %mul3A_44 = arith.constant 128 : i32
      %mul3A_45 = arith.muli %add3A_43, %mul3A_44 : i32
      %dma_start3A_46 = arith.constant 0 : i32
      %dma_start3A_47 = tpu.memref_slice %arg3[%dma_start3A_46, %mul3A_45] : memref<2x320000xi32, #tpu.memory_space<hbm>> -> memref<2x128xi32, #tpu.memory_space<hbm>>
      %dma_start3A_48 = arith.constant 0 : i32
      %dma_start3A_49 = tpu.memref_slice %arg3[%dma_start3A_48, %mul3A_45] : memref<2x320000xi32, #tpu.memory_space<hbm>> -> memref<2x128xi32, #tpu.memory_space<hbm>>
      tpu.enqueue_dma source(%dma_start3A_49 : memref<2x128xi32, #tpu.memory_space<hbm>>) target(%arg8 : memref<2x128xi32, #tpu.memory_space<vmem>>) target_semaphore(%arg18 : memref<!tpu.dma_semaphore, #tpu.memory_space<semaphore_mem>>)
      %add3A_50 = arith.constant 32 : i32
      %add3A_51 = arith.addi %arg1, %add3A_50 : i32
      %mul3A_52 = arith.constant 128 : i32
      %mul3A_53 = arith.muli %add3A_51, %mul3A_52 : i32
      %dma_start3A_54 = arith.constant 0 : i32
      %dma_start3A_55 = tpu.memref_slice %arg3[%dma_start3A_54, %mul3A_53] : memref<2x320000xi32, #tpu.memory_space<hbm>> -> memref<2x128xi32, #tpu.memory_space<hbm>>
      %dma_start3A_56 = arith.constant 0 : i32
      %dma_start3A_57 = tpu.memref_slice %arg3[%dma_start3A_56, %mul3A_53] : memref<2x320000xi32, #tpu.memory_space<hbm>> -> memref<2x128xi32, #tpu.memory_space<hbm>>
      tpu.enqueue_dma source(%dma_start3A_57 : memref<2x128xi32, #tpu.memory_space<hbm>>) target(%arg9 : memref<2x128xi32, #tpu.memory_space<vmem>>) target_semaphore(%arg19 : memref<!tpu.dma_semaphore, #tpu.memory_space<semaphore_mem>>)
      %add3A_58 = arith.constant 48 : i32
      %add3A_59 = arith.addi %arg1, %add3A_58 : i32
      %mul3A_60 = arith.constant 128 : i32
      %mul3A_61 = arith.muli %add3A_59, %mul3A_60 : i32
      %dma_start3A_62 = arith.constant 0 : i32
      %dma_start3A_63 = tpu.memref_slice %arg3[%dma_start3A_62, %mul3A_61] : memref<2x320000xi32, #tpu.memory_space<hbm>> -> memref<2x128xi32, #tpu.memory_space<hbm>>
      %dma_start3A_64 = arith.constant 0 : i32
      %dma_start3A_65 = tpu.memref_slice %arg3[%dma_start3A_64, %mul3A_61] : memref<2x320000xi32, #tpu.memory_space<hbm>> -> memref<2x128xi32, #tpu.memory_space<hbm>>
      tpu.enqueue_dma source(%dma_start3A_65 : memref<2x128xi32, #tpu.memory_space<hbm>>) target(%arg10 : memref<2x128xi32, #tpu.memory_space<vmem>>) target_semaphore(%arg20 : memref<!tpu.dma_semaphore, #tpu.memory_space<semaphore_mem>>)
      %add3A_66 = arith.constant 0 : i32
      %add3A_67 = arith.addi %arg1, %add3A_66 : i32
      %mul3A_68 = arith.constant 128 : i32
      %mul3A_69 = arith.muli %add3A_67, %mul3A_68 : i32
      %dma_wait3A = arith.constant 0 : i32
      %dma_wait3A_70 = tpu.memref_slice %arg3[%dma_wait3A, %mul3A_69] : memref<2x320000xi32, #tpu.memory_space<hbm>> -> memref<2x128xi32, #tpu.memory_space<hbm>>
      %dma_wait3A_71 = arith.constant 0 : i32
      %dma_wait3A_72 = tpu.memref_slice %arg3[%dma_wait3A_71, %mul3A_69] : memref<2x320000xi32, #tpu.memory_space<hbm>> -> memref<2x128xi32, #tpu.memory_space<hbm>>
      tpu.wait_dma2 semaphore(%arg17 : memref<!tpu.dma_semaphore, #tpu.memory_space<semaphore_mem>>) src(%dma_wait3A_72 : memref<2x128xi32, #tpu.memory_space<hbm>>) dst(%arg7 : memref<2x128xi32, #tpu.memory_space<vmem>>)
      %dma_start3A_73 = arith.constant 0 : i32
      %dma_start3A_74 = arith.constant 0 : i32
      %dma_start3A_75 = tpu.memref_slice %arg7[%dma_start3A_73, %dma_start3A_74] : memref<2x128xi32, #tpu.memory_space<vmem>> -> memref<1x128xi32, #tpu.memory_space<vmem>>
      %dma_start3A_76 = tpu.memref_squeeze %dma_start3A_75 : memref<1x128xi32, #tpu.memory_space<vmem>> -> memref<128xi32, #tpu.memory_space<vmem>>
      %dma_start3A_77 = arith.constant 0 : i32
      %dma_start3A_78 = arith.constant 0 : i32
      %dma_start3A_79 = tpu.memref_slice %arg2[%dma_start3A_77, %dma_start3A_78] : memref<10000x128xf32, #tpu.memory_space<hbm>> -> memref<10000x128xf32, #tpu.memory_space<hbm>>
      tpu.enqueue_indirect_dma source(%dma_start3A_79 : memref<10000x128xf32, #tpu.memory_space<hbm>>) target(%arg13 : memref<128x128xf32, #tpu.memory_space<vmem>>) offsets(%dma_start3A_76 : memref<128xi32, #tpu.memory_space<vmem>>) semaphore(%arg23 : memref<!tpu.dma_semaphore, #tpu.memory_space<semaphore_mem>>)
      %scan3A_80 = arith.constant 0 : i32
      %scan3A_81 = arith.constant 0 : i32
      %scan3A_82 = arith.constant 26 : i32
      %scan3A_83 = arith.addi %scan3A_81, %scan3A_82 : i32
      %scan3A_84 = arith.constant 1 : i32
      scf.for %scan3A_105 = %scan3A_81 to %scan3A_83 step %scan3A_84  : i32 {
        %mul3A_106 = arith.constant 6 : i32
        %mul3A_107 = arith.muli %mul3A_106, %scan3A_105 : i32
        %add3A_108 = arith.constant 0 : i32
        %add3A_109 = arith.addi %mul3A_107, %add3A_108 : i32
        %gt3A = arith.constant 0 : i32
        %gt3A_110 = arith.cmpi sgt, %scan3A_105, %gt3A : i32
        %convert_element_type3A_111 = arith.extui %gt3A_110 : i1 to i32
        %cond3A_112 = arith.constant 0 : i32
        %cond3A_113 = arith.cmpi ne, %convert_element_type3A_111, %cond3A_112 : i32
        scf.if %cond3A_113 {
          %dma_wait3A_388 = arith.constant 1 : i32
          %dma_wait3A_389 = arith.constant 0 : i32
          %dma_wait3A_390 = tpu.memref_slice %arg11[%dma_wait3A_388, %dma_wait3A_389] : memref<2x128xi32, #tpu.memory_space<vmem>> -> memref<1x128xi32, #tpu.memory_space<vmem>>
          %dma_wait3A_391 = tpu.memref_squeeze %dma_wait3A_390 : memref<1x128xi32, #tpu.memory_space<vmem>> -> memref<128xi32, #tpu.memory_space<vmem>>
          %dma_wait3A_392 = arith.constant 0 : i32
          %dma_wait3A_393 = arith.constant 0 : i32
          %dma_wait3A_394 = tpu.memref_slice %arg16[%dma_wait3A_392, %dma_wait3A_393] : memref<10000x128xf32, #tpu.memory_space<vmem_shared>> -> memref<10000x128xf32, #tpu.memory_space<vmem_shared>>
          tpu.wait_indirect_dma semaphore(%arg27 : memref<!tpu.dma_semaphore, #tpu.memory_space<semaphore_mem>>) src(%arg14 : memref<128x128xf32, #tpu.memory_space<vmem>>) dst(%dma_wait3A_394 : memref<10000x128xf32, #tpu.memory_space<vmem_shared>>)
        } else {
        }
        %add3A_114 = arith.constant 1 : i32
        %add3A_115 = arith.addi %add3A_109, %add3A_114 : i32
        %mul3A_116 = arith.constant 16 : i32
        %mul3A_117 = arith.muli %add3A_115, %mul3A_116 : i32
        %add3A_118 = arith.addi %arg1, %mul3A_117 : i32
        %mul3A_119 = arith.constant 128 : i32
        %mul3A_120 = arith.muli %add3A_118, %mul3A_119 : i32
        %dma_wait3A_121 = arith.constant 0 : i32
        %dma_wait3A_122 = tpu.memref_slice %arg3[%dma_wait3A_121, %mul3A_120] : memref<2x320000xi32, #tpu.memory_space<hbm>> -> memref<2x128xi32, #tpu.memory_space<hbm>>
        %dma_wait3A_123 = arith.constant 0 : i32
        %dma_wait3A_124 = tpu.memref_slice %arg3[%dma_wait3A_123, %mul3A_120] : memref<2x320000xi32, #tpu.memory_space<hbm>> -> memref<2x128xi32, #tpu.memory_space<hbm>>
        tpu.wait_dma2 semaphore(%arg18 : memref<!tpu.dma_semaphore, #tpu.memory_space<semaphore_mem>>) src(%dma_wait3A_124 : memref<2x128xi32, #tpu.memory_space<hbm>>) dst(%arg8 : memref<2x128xi32, #tpu.memory_space<vmem>>)
        %dma_start3A_125 = arith.constant 0 : i32
        %dma_start3A_126 = arith.constant 0 : i32
        %dma_start3A_127 = tpu.memref_slice %arg8[%dma_start3A_125, %dma_start3A_126] : memref<2x128xi32, #tpu.memory_space<vmem>> -> memref<1x128xi32, #tpu.memory_space<vmem>>
        %dma_start3A_128 = tpu.memref_squeeze %dma_start3A_127 : memref<1x128xi32, #tpu.memory_space<vmem>> -> memref<128xi32, #tpu.memory_space<vmem>>
        %dma_start3A_129 = arith.constant 0 : i32
        %dma_start3A_130 = arith.constant 0 : i32
        %dma_start3A_131 = tpu.memref_slice %arg2[%dma_start3A_129, %dma_start3A_130] : memref<10000x128xf32, #tpu.memory_space<hbm>> -> memref<10000x128xf32, #tpu.memory_space<hbm>>
        tpu.enqueue_indirect_dma source(%dma_start3A_131 : memref<10000x128xf32, #tpu.memory_space<hbm>>) target(%arg14 : memref<128x128xf32, #tpu.memory_space<vmem>>) offsets(%dma_start3A_128 : memref<128xi32, #tpu.memory_space<vmem>>) semaphore(%arg24 : memref<!tpu.dma_semaphore, #tpu.memory_space<semaphore_mem>>)
        %add3A_132 = arith.constant 4 : i32
        %add3A_133 = arith.addi %add3A_109, %add3A_132 : i32
        %mul3A_134 = arith.constant 16 : i32
        %mul3A_135 = arith.muli %add3A_133, %mul3A_134 : i32
        %add3A_136 = arith.addi %arg1, %mul3A_135 : i32
        %mul3A_137 = arith.constant 128 : i32
        %mul3A_138 = arith.muli %add3A_136, %mul3A_137 : i32
        %dma_start3A_139 = arith.constant 0 : i32
        %dma_start3A_140 = tpu.memref_slice %arg3[%dma_start3A_139, %mul3A_138] : memref<2x320000xi32, #tpu.memory_space<hbm>> -> memref<2x128xi32, #tpu.memory_space<hbm>>
        %dma_start3A_141 = arith.constant 0 : i32
        %dma_start3A_142 = tpu.memref_slice %arg3[%dma_start3A_141, %mul3A_138] : memref<2x320000xi32, #tpu.memory_space<hbm>> -> memref<2x128xi32, #tpu.memory_space<hbm>>
        tpu.enqueue_dma source(%dma_start3A_142 : memref<2x128xi32, #tpu.memory_space<hbm>>) target(%arg11 : memref<2x128xi32, #tpu.memory_space<vmem>>) target_semaphore(%arg21 : memref<!tpu.dma_semaphore, #tpu.memory_space<semaphore_mem>>)
        %dma_wait3A_143 = arith.constant 0 : i32
        %dma_wait3A_144 = arith.constant 0 : i32
        %dma_wait3A_145 = tpu.memref_slice %arg7[%dma_wait3A_143, %dma_wait3A_144] : memref<2x128xi32, #tpu.memory_space<vmem>> -> memref<1x128xi32, #tpu.memory_space<vmem>>
        %dma_wait3A_146 = tpu.memref_squeeze %dma_wait3A_145 : memref<1x128xi32, #tpu.memory_space<vmem>> -> memref<128xi32, #tpu.memory_space<vmem>>
        %dma_wait3A_147 = arith.constant 0 : i32
        %dma_wait3A_148 = arith.constant 0 : i32
        %dma_wait3A_149 = tpu.memref_slice %arg2[%dma_wait3A_147, %dma_wait3A_148] : memref<10000x128xf32, #tpu.memory_space<hbm>> -> memref<10000x128xf32, #tpu.memory_space<hbm>>
        tpu.wait_indirect_dma semaphore(%arg23 : memref<!tpu.dma_semaphore, #tpu.memory_space<semaphore_mem>>) src(%dma_wait3A_149 : memref<10000x128xf32, #tpu.memory_space<hbm>>) dst(%arg13 : memref<128x128xf32, #tpu.memory_space<vmem>>)
        %dma_start3A_150 = arith.constant 1 : i32
        %dma_start3A_151 = arith.constant 0 : i32
        %dma_start3A_152 = tpu.memref_slice %arg7[%dma_start3A_150, %dma_start3A_151] : memref<2x128xi32, #tpu.memory_space<vmem>> -> memref<1x128xi32, #tpu.memory_space<vmem>>
        %dma_start3A_153 = tpu.memref_squeeze %dma_start3A_152 : memref<1x128xi32, #tpu.memory_space<vmem>> -> memref<128xi32, #tpu.memory_space<vmem>>
        %dma_start3A_154 = arith.constant 0 : i32
        %dma_start3A_155 = arith.constant 0 : i32
        %dma_start3A_156 = tpu.memref_slice %arg16[%dma_start3A_154, %dma_start3A_155] : memref<10000x128xf32, #tpu.memory_space<vmem_shared>> -> memref<10000x128xf32, #tpu.memory_space<vmem_shared>>
        tpu.enqueue_indirect_dma source(%arg13 : memref<128x128xf32, #tpu.memory_space<vmem>>) target(%dma_start3A_156 : memref<10000x128xf32, #tpu.memory_space<vmem_shared>>) offsets(%dma_start3A_153 : memref<128xi32, #tpu.memory_space<vmem>>) semaphore(%arg26 : memref<!tpu.dma_semaphore, #tpu.memory_space<semaphore_mem>>) {add = true}
        %mul3A_157 = arith.constant 6 : i32
        %mul3A_158 = arith.muli %mul3A_157, %scan3A_105 : i32
        %add3A_159 = arith.constant 1 : i32
        %add3A_160 = arith.addi %mul3A_158, %add3A_159 : i32
        %gt3A_161 = arith.constant 0 : i32
        %gt3A_162 = arith.cmpi sgt, %scan3A_105, %gt3A_161 : i32
        %convert_element_type3A_163 = arith.extui %gt3A_162 : i1 to i32
        %cond3A_164 = arith.constant 0 : i32
        %cond3A_165 = arith.cmpi ne, %convert_element_type3A_163, %cond3A_164 : i32
        scf.if %cond3A_165 {
          %dma_wait3A_388 = arith.constant 1 : i32
          %dma_wait3A_389 = arith.constant 0 : i32
          %dma_wait3A_390 = tpu.memref_slice %arg12[%dma_wait3A_388, %dma_wait3A_389] : memref<2x128xi32, #tpu.memory_space<vmem>> -> memref<1x128xi32, #tpu.memory_space<vmem>>
          %dma_wait3A_391 = tpu.memref_squeeze %dma_wait3A_390 : memref<1x128xi32, #tpu.memory_space<vmem>> -> memref<128xi32, #tpu.memory_space<vmem>>
          %dma_wait3A_392 = arith.constant 0 : i32
          %dma_wait3A_393 = arith.constant 0 : i32
          %dma_wait3A_394 = tpu.memref_slice %arg16[%dma_wait3A_392, %dma_wait3A_393] : memref<10000x128xf32, #tpu.memory_space<vmem_shared>> -> memref<10000x128xf32, #tpu.memory_space<vmem_shared>>
          tpu.wait_indirect_dma semaphore(%arg28 : memref<!tpu.dma_semaphore, #tpu.memory_space<semaphore_mem>>) src(%arg15 : memref<128x128xf32, #tpu.memory_space<vmem>>) dst(%dma_wait3A_394 : memref<10000x128xf32, #tpu.memory_space<vmem_shared>>)
        } else {
        }
        %add3A_166 = arith.constant 1 : i32
        %add3A_167 = arith.addi %add3A_160, %add3A_166 : i32
        %mul3A_168 = arith.constant 16 : i32
        %mul3A_169 = arith.muli %add3A_167, %mul3A_168 : i32
        %add3A_170 = arith.addi %arg1, %mul3A_169 : i32
        %mul3A_171 = arith.constant 128 : i32
        %mul3A_172 = arith.muli %add3A_170, %mul3A_171 : i32
        %dma_wait3A_173 = arith.constant 0 : i32
        %dma_wait3A_174 = tpu.memref_slice %arg3[%dma_wait3A_173, %mul3A_172] : memref<2x320000xi32, #tpu.memory_space<hbm>> -> memref<2x128xi32, #tpu.memory_space<hbm>>
        %dma_wait3A_175 = arith.constant 0 : i32
        %dma_wait3A_176 = tpu.memref_slice %arg3[%dma_wait3A_175, %mul3A_172] : memref<2x320000xi32, #tpu.memory_space<hbm>> -> memref<2x128xi32, #tpu.memory_space<hbm>>
        tpu.wait_dma2 semaphore(%arg19 : memref<!tpu.dma_semaphore, #tpu.memory_space<semaphore_mem>>) src(%dma_wait3A_176 : memref<2x128xi32, #tpu.memory_space<hbm>>) dst(%arg9 : memref<2x128xi32, #tpu.memory_space<vmem>>)
        %dma_start3A_177 = arith.constant 0 : i32
        %dma_start3A_178 = arith.constant 0 : i32
        %dma_start3A_179 = tpu.memref_slice %arg9[%dma_start3A_177, %dma_start3A_178] : memref<2x128xi32, #tpu.memory_space<vmem>> -> memref<1x128xi32, #tpu.memory_space<vmem>>
        %dma_start3A_180 = tpu.memref_squeeze %dma_start3A_179 : memref<1x128xi32, #tpu.memory_space<vmem>> -> memref<128xi32, #tpu.memory_space<vmem>>
        %dma_start3A_181 = arith.constant 0 : i32
        %dma_start3A_182 = arith.constant 0 : i32
        %dma_start3A_183 = tpu.memref_slice %arg2[%dma_start3A_181, %dma_start3A_182] : memref<10000x128xf32, #tpu.memory_space<hbm>> -> memref<10000x128xf32, #tpu.memory_space<hbm>>
        tpu.enqueue_indirect_dma source(%dma_start3A_183 : memref<10000x128xf32, #tpu.memory_space<hbm>>) target(%arg15 : memref<128x128xf32, #tpu.memory_space<vmem>>) offsets(%dma_start3A_180 : memref<128xi32, #tpu.memory_space<vmem>>) semaphore(%arg25 : memref<!tpu.dma_semaphore, #tpu.memory_space<semaphore_mem>>)
        %add3A_184 = arith.constant 4 : i32
        %add3A_185 = arith.addi %add3A_160, %add3A_184 : i32
        %mul3A_186 = arith.constant 16 : i32
        %mul3A_187 = arith.muli %add3A_185, %mul3A_186 : i32
        %add3A_188 = arith.addi %arg1, %mul3A_187 : i32
        %mul3A_189 = arith.constant 128 : i32
        %mul3A_190 = arith.muli %add3A_188, %mul3A_189 : i32
        %dma_start3A_191 = arith.constant 0 : i32
        %dma_start3A_192 = tpu.memref_slice %arg3[%dma_start3A_191, %mul3A_190] : memref<2x320000xi32, #tpu.memory_space<hbm>> -> memref<2x128xi32, #tpu.memory_space<hbm>>
        %dma_start3A_193 = arith.constant 0 : i32
        %dma_start3A_194 = tpu.memref_slice %arg3[%dma_start3A_193, %mul3A_190] : memref<2x320000xi32, #tpu.memory_space<hbm>> -> memref<2x128xi32, #tpu.memory_space<hbm>>
        tpu.enqueue_dma source(%dma_start3A_194 : memref<2x128xi32, #tpu.memory_space<hbm>>) target(%arg12 : memref<2x128xi32, #tpu.memory_space<vmem>>) target_semaphore(%arg22 : memref<!tpu.dma_semaphore, #tpu.memory_space<semaphore_mem>>)
        %dma_wait3A_195 = arith.constant 0 : i32
        %dma_wait3A_196 = arith.constant 0 : i32
        %dma_wait3A_197 = tpu.memref_slice %arg8[%dma_wait3A_195, %dma_wait3A_196] : memref<2x128xi32, #tpu.memory_space<vmem>> -> memref<1x128xi32, #tpu.memory_space<vmem>>
        %dma_wait3A_198 = tpu.memref_squeeze %dma_wait3A_197 : memref<1x128xi32, #tpu.memory_space<vmem>> -> memref<128xi32, #tpu.memory_space<vmem>>
        %dma_wait3A_199 = arith.constant 0 : i32
        %dma_wait3A_200 = arith.constant 0 : i32
        %dma_wait3A_201 = tpu.memref_slice %arg2[%dma_wait3A_199, %dma_wait3A_200] : memref<10000x128xf32, #tpu.memory_space<hbm>> -> memref<10000x128xf32, #tpu.memory_space<hbm>>
        tpu.wait_indirect_dma semaphore(%arg24 : memref<!tpu.dma_semaphore, #tpu.memory_space<semaphore_mem>>) src(%dma_wait3A_201 : memref<10000x128xf32, #tpu.memory_space<hbm>>) dst(%arg14 : memref<128x128xf32, #tpu.memory_space<vmem>>)
        %dma_start3A_202 = arith.constant 1 : i32
        %dma_start3A_203 = arith.constant 0 : i32
        %dma_start3A_204 = tpu.memref_slice %arg8[%dma_start3A_202, %dma_start3A_203] : memref<2x128xi32, #tpu.memory_space<vmem>> -> memref<1x128xi32, #tpu.memory_space<vmem>>
        %dma_start3A_205 = tpu.memref_squeeze %dma_start3A_204 : memref<1x128xi32, #tpu.memory_space<vmem>> -> memref<128xi32, #tpu.memory_space<vmem>>
        %dma_start3A_206 = arith.constant 0 : i32
        %dma_start3A_207 = arith.constant 0 : i32
        %dma_start3A_208 = tpu.memref_slice %arg16[%dma_start3A_206, %dma_start3A_207] : memref<10000x128xf32, #tpu.memory_space<vmem_shared>> -> memref<10000x128xf32, #tpu.memory_space<vmem_shared>>
        tpu.enqueue_indirect_dma source(%arg14 : memref<128x128xf32, #tpu.memory_space<vmem>>) target(%dma_start3A_208 : memref<10000x128xf32, #tpu.memory_space<vmem_shared>>) offsets(%dma_start3A_205 : memref<128xi32, #tpu.memory_space<vmem>>) semaphore(%arg27 : memref<!tpu.dma_semaphore, #tpu.memory_space<semaphore_mem>>) {add = true}
        %mul3A_209 = arith.constant 6 : i32
        %mul3A_210 = arith.muli %mul3A_209, %scan3A_105 : i32
        %add3A_211 = arith.constant 2 : i32
        %add3A_212 = arith.addi %mul3A_210, %add3A_211 : i32
        %dma_wait3A_213 = arith.constant 1 : i32
        %dma_wait3A_214 = arith.constant 0 : i32
        %dma_wait3A_215 = tpu.memref_slice %arg7[%dma_wait3A_213, %dma_wait3A_214] : memref<2x128xi32, #tpu.memory_space<vmem>> -> memref<1x128xi32, #tpu.memory_space<vmem>>
        %dma_wait3A_216 = tpu.memref_squeeze %dma_wait3A_215 : memref<1x128xi32, #tpu.memory_space<vmem>> -> memref<128xi32, #tpu.memory_space<vmem>>
        %dma_wait3A_217 = arith.constant 0 : i32
        %dma_wait3A_218 = arith.constant 0 : i32
        %dma_wait3A_219 = tpu.memref_slice %arg16[%dma_wait3A_217, %dma_wait3A_218] : memref<10000x128xf32, #tpu.memory_space<vmem_shared>> -> memref<10000x128xf32, #tpu.memory_space<vmem_shared>>
        tpu.wait_indirect_dma semaphore(%arg26 : memref<!tpu.dma_semaphore, #tpu.memory_space<semaphore_mem>>) src(%arg13 : memref<128x128xf32, #tpu.memory_space<vmem>>) dst(%dma_wait3A_219 : memref<10000x128xf32, #tpu.memory_space<vmem_shared>>)
        %add3A_220 = arith.constant 1 : i32
        %add3A_221 = arith.addi %add3A_212, %add3A_220 : i32
        %mul3A_222 = arith.constant 16 : i32
        %mul3A_223 = arith.muli %add3A_221, %mul3A_222 : i32
        %add3A_224 = arith.addi %arg1, %mul3A_223 : i32
        %mul3A_225 = arith.constant 128 : i32
        %mul3A_226 = arith.muli %add3A_224, %mul3A_225 : i32
        %dma_wait3A_227 = arith.constant 0 : i32
        %dma_wait3A_228 = tpu.memref_slice %arg3[%dma_wait3A_227, %mul3A_226] : memref<2x320000xi32, #tpu.memory_space<hbm>> -> memref<2x128xi32, #tpu.memory_space<hbm>>
        %dma_wait3A_229 = arith.constant 0 : i32
        %dma_wait3A_230 = tpu.memref_slice %arg3[%dma_wait3A_229, %mul3A_226] : memref<2x320000xi32, #tpu.memory_space<hbm>> -> memref<2x128xi32, #tpu.memory_space<hbm>>
        tpu.wait_dma2 semaphore(%arg20 : memref<!tpu.dma_semaphore, #tpu.memory_space<semaphore_mem>>) src(%dma_wait3A_230 : memref<2x128xi32, #tpu.memory_space<hbm>>) dst(%arg10 : memref<2x128xi32, #tpu.memory_space<vmem>>)
        %dma_start3A_231 = arith.constant 0 : i32
        %dma_start3A_232 = arith.constant 0 : i32
        %dma_start3A_233 = tpu.memref_slice %arg10[%dma_start3A_231, %dma_start3A_232] : memref<2x128xi32, #tpu.memory_space<vmem>> -> memref<1x128xi32, #tpu.memory_space<vmem>>
        %dma_start3A_234 = tpu.memref_squeeze %dma_start3A_233 : memref<1x128xi32, #tpu.memory_space<vmem>> -> memref<128xi32, #tpu.memory_space<vmem>>
        %dma_start3A_235 = arith.constant 0 : i32
        %dma_start3A_236 = arith.constant 0 : i32
        %dma_start3A_237 = tpu.memref_slice %arg2[%dma_start3A_235, %dma_start3A_236] : memref<10000x128xf32, #tpu.memory_space<hbm>> -> memref<10000x128xf32, #tpu.memory_space<hbm>>
        tpu.enqueue_indirect_dma source(%dma_start3A_237 : memref<10000x128xf32, #tpu.memory_space<hbm>>) target(%arg13 : memref<128x128xf32, #tpu.memory_space<vmem>>) offsets(%dma_start3A_234 : memref<128xi32, #tpu.memory_space<vmem>>) semaphore(%arg23 : memref<!tpu.dma_semaphore, #tpu.memory_space<semaphore_mem>>)
        %lt3A_238 = arith.constant 25 : i32
        %lt3A_239 = arith.cmpi slt, %scan3A_105, %lt3A_238 : i32
        %convert_element_type3A_240 = arith.extui %lt3A_239 : i1 to i32
        %cond3A_241 = arith.constant 0 : i32
        %cond3A_242 = arith.cmpi ne, %convert_element_type3A_240, %cond3A_241 : i32
        scf.if %cond3A_242 {
          %add3A_388 = arith.constant 4 : i32
          %add3A_389 = arith.addi %add3A_212, %add3A_388 : i32
          %mul3A_390 = arith.constant 16 : i32
          %mul3A_391 = arith.muli %add3A_389, %mul3A_390 : i32
          %add3A_392 = arith.addi %arg1, %mul3A_391 : i32
          %mul3A_393 = arith.constant 128 : i32
          %mul3A_394 = arith.muli %add3A_392, %mul3A_393 : i32
          %dma_start3A_395 = arith.constant 0 : i32
          %dma_start3A_396 = tpu.memref_slice %arg3[%dma_start3A_395, %mul3A_394] : memref<2x320000xi32, #tpu.memory_space<hbm>> -> memref<2x128xi32, #tpu.memory_space<hbm>>
          %dma_start3A_397 = arith.constant 0 : i32
          %dma_start3A_398 = tpu.memref_slice %arg3[%dma_start3A_397, %mul3A_394] : memref<2x320000xi32, #tpu.memory_space<hbm>> -> memref<2x128xi32, #tpu.memory_space<hbm>>
          tpu.enqueue_dma source(%dma_start3A_398 : memref<2x128xi32, #tpu.memory_space<hbm>>) target(%arg7 : memref<2x128xi32, #tpu.memory_space<vmem>>) target_semaphore(%arg17 : memref<!tpu.dma_semaphore, #tpu.memory_space<semaphore_mem>>)
        } else {
        }
        %dma_wait3A_243 = arith.constant 0 : i32
        %dma_wait3A_244 = arith.constant 0 : i32
        %dma_wait3A_245 = tpu.memref_slice %arg9[%dma_wait3A_243, %dma_wait3A_244] : memref<2x128xi32, #tpu.memory_space<vmem>> -> memref<1x128xi32, #tpu.memory_space<vmem>>
        %dma_wait3A_246 = tpu.memref_squeeze %dma_wait3A_245 : memref<1x128xi32, #tpu.memory_space<vmem>> -> memref<128xi32, #tpu.memory_space<vmem>>
        %dma_wait3A_247 = arith.constant 0 : i32
        %dma_wait3A_248 = arith.constant 0 : i32
        %dma_wait3A_249 = tpu.memref_slice %arg2[%dma_wait3A_247, %dma_wait3A_248] : memref<10000x128xf32, #tpu.memory_space<hbm>> -> memref<10000x128xf32, #tpu.memory_space<hbm>>
        tpu.wait_indirect_dma semaphore(%arg25 : memref<!tpu.dma_semaphore, #tpu.memory_space<semaphore_mem>>) src(%dma_wait3A_249 : memref<10000x128xf32, #tpu.memory_space<hbm>>) dst(%arg15 : memref<128x128xf32, #tpu.memory_space<vmem>>)
        %dma_start3A_250 = arith.constant 1 : i32
        %dma_start3A_251 = arith.constant 0 : i32
        %dma_start3A_252 = tpu.memref_slice %arg9[%dma_start3A_250, %dma_start3A_251] : memref<2x128xi32, #tpu.memory_space<vmem>> -> memref<1x128xi32, #tpu.memory_space<vmem>>
        %dma_start3A_253 = tpu.memref_squeeze %dma_start3A_252 : memref<1x128xi32, #tpu.memory_space<vmem>> -> memref<128xi32, #tpu.memory_space<vmem>>
        %dma_start3A_254 = arith.constant 0 : i32
        %dma_start3A_255 = arith.constant 0 : i32
        %dma_start3A_256 = tpu.memref_slice %arg16[%dma_start3A_254, %dma_start3A_255] : memref<10000x128xf32, #tpu.memory_space<vmem_shared>> -> memref<10000x128xf32, #tpu.memory_space<vmem_shared>>
        tpu.enqueue_indirect_dma source(%arg15 : memref<128x128xf32, #tpu.memory_space<vmem>>) target(%dma_start3A_256 : memref<10000x128xf32, #tpu.memory_space<vmem_shared>>) offsets(%dma_start3A_253 : memref<128xi32, #tpu.memory_space<vmem>>) semaphore(%arg28 : memref<!tpu.dma_semaphore, #tpu.memory_space<semaphore_mem>>) {add = true}
        %mul3A_257 = arith.constant 6 : i32
        %mul3A_258 = arith.muli %mul3A_257, %scan3A_105 : i32
        %add3A_259 = arith.constant 3 : i32
        %add3A_260 = arith.addi %mul3A_258, %add3A_259 : i32
        %dma_wait3A_261 = arith.constant 1 : i32
        %dma_wait3A_262 = arith.constant 0 : i32
        %dma_wait3A_263 = tpu.memref_slice %arg8[%dma_wait3A_261, %dma_wait3A_262] : memref<2x128xi32, #tpu.memory_space<vmem>> -> memref<1x128xi32, #tpu.memory_space<vmem>>
        %dma_wait3A_264 = tpu.memref_squeeze %dma_wait3A_263 : memref<1x128xi32, #tpu.memory_space<vmem>> -> memref<128xi32, #tpu.memory_space<vmem>>
        %dma_wait3A_265 = arith.constant 0 : i32
        %dma_wait3A_266 = arith.constant 0 : i32
        %dma_wait3A_267 = tpu.memref_slice %arg16[%dma_wait3A_265, %dma_wait3A_266] : memref<10000x128xf32, #tpu.memory_space<vmem_shared>> -> memref<10000x128xf32, #tpu.memory_space<vmem_shared>>
        tpu.wait_indirect_dma semaphore(%arg27 : memref<!tpu.dma_semaphore, #tpu.memory_space<semaphore_mem>>) src(%arg14 : memref<128x128xf32, #tpu.memory_space<vmem>>) dst(%dma_wait3A_267 : memref<10000x128xf32, #tpu.memory_space<vmem_shared>>)
        %add3A_268 = arith.constant 1 : i32
        %add3A_269 = arith.addi %add3A_260, %add3A_268 : i32
        %mul3A_270 = arith.constant 16 : i32
        %mul3A_271 = arith.muli %add3A_269, %mul3A_270 : i32
        %add3A_272 = arith.addi %arg1, %mul3A_271 : i32
        %mul3A_273 = arith.constant 128 : i32
        %mul3A_274 = arith.muli %add3A_272, %mul3A_273 : i32
        %dma_wait3A_275 = arith.constant 0 : i32
        %dma_wait3A_276 = tpu.memref_slice %arg3[%dma_wait3A_275, %mul3A_274] : memref<2x320000xi32, #tpu.memory_space<hbm>> -> memref<2x128xi32, #tpu.memory_space<hbm>>
        %dma_wait3A_277 = arith.constant 0 : i32
        %dma_wait3A_278 = tpu.memref_slice %arg3[%dma_wait3A_277, %mul3A_274] : memref<2x320000xi32, #tpu.memory_space<hbm>> -> memref<2x128xi32, #tpu.memory_space<hbm>>
        tpu.wait_dma2 semaphore(%arg21 : memref<!tpu.dma_semaphore, #tpu.memory_space<semaphore_mem>>) src(%dma_wait3A_278 : memref<2x128xi32, #tpu.memory_space<hbm>>) dst(%arg11 : memref<2x128xi32, #tpu.memory_space<vmem>>)
        %dma_start3A_279 = arith.constant 0 : i32
        %dma_start3A_280 = arith.constant 0 : i32
        %dma_start3A_281 = tpu.memref_slice %arg11[%dma_start3A_279, %dma_start3A_280] : memref<2x128xi32, #tpu.memory_space<vmem>> -> memref<1x128xi32, #tpu.memory_space<vmem>>
        %dma_start3A_282 = tpu.memref_squeeze %dma_start3A_281 : memref<1x128xi32, #tpu.memory_space<vmem>> -> memref<128xi32, #tpu.memory_space<vmem>>
        %dma_start3A_283 = arith.constant 0 : i32
        %dma_start3A_284 = arith.constant 0 : i32
        %dma_start3A_285 = tpu.memref_slice %arg2[%dma_start3A_283, %dma_start3A_284] : memref<10000x128xf32, #tpu.memory_space<hbm>> -> memref<10000x128xf32, #tpu.memory_space<hbm>>
        tpu.enqueue_indirect_dma source(%dma_start3A_285 : memref<10000x128xf32, #tpu.memory_space<hbm>>) target(%arg14 : memref<128x128xf32, #tpu.memory_space<vmem>>) offsets(%dma_start3A_282 : memref<128xi32, #tpu.memory_space<vmem>>) semaphore(%arg24 : memref<!tpu.dma_semaphore, #tpu.memory_space<semaphore_mem>>)
        %lt3A_286 = arith.constant 25 : i32
        %lt3A_287 = arith.cmpi slt, %scan3A_105, %lt3A_286 : i32
        %convert_element_type3A_288 = arith.extui %lt3A_287 : i1 to i32
        %cond3A_289 = arith.constant 0 : i32
        %cond3A_290 = arith.cmpi ne, %convert_element_type3A_288, %cond3A_289 : i32
        scf.if %cond3A_290 {
          %add3A_388 = arith.constant 4 : i32
          %add3A_389 = arith.addi %add3A_260, %add3A_388 : i32
          %mul3A_390 = arith.constant 16 : i32
          %mul3A_391 = arith.muli %add3A_389, %mul3A_390 : i32
          %add3A_392 = arith.addi %arg1, %mul3A_391 : i32
          %mul3A_393 = arith.constant 128 : i32
          %mul3A_394 = arith.muli %add3A_392, %mul3A_393 : i32
          %dma_start3A_395 = arith.constant 0 : i32
          %dma_start3A_396 = tpu.memref_slice %arg3[%dma_start3A_395, %mul3A_394] : memref<2x320000xi32, #tpu.memory_space<hbm>> -> memref<2x128xi32, #tpu.memory_space<hbm>>
          %dma_start3A_397 = arith.constant 0 : i32
          %dma_start3A_398 = tpu.memref_slice %arg3[%dma_start3A_397, %mul3A_394] : memref<2x320000xi32, #tpu.memory_space<hbm>> -> memref<2x128xi32, #tpu.memory_space<hbm>>
          tpu.enqueue_dma source(%dma_start3A_398 : memref<2x128xi32, #tpu.memory_space<hbm>>) target(%arg8 : memref<2x128xi32, #tpu.memory_space<vmem>>) target_semaphore(%arg18 : memref<!tpu.dma_semaphore, #tpu.memory_space<semaphore_mem>>)
        } else {
        }
        %dma_wait3A_291 = arith.constant 0 : i32
        %dma_wait3A_292 = arith.constant 0 : i32
        %dma_wait3A_293 = tpu.memref_slice %arg10[%dma_wait3A_291, %dma_wait3A_292] : memref<2x128xi32, #tpu.memory_space<vmem>> -> memref<1x128xi32, #tpu.memory_space<vmem>>
        %dma_wait3A_294 = tpu.memref_squeeze %dma_wait3A_293 : memref<1x128xi32, #tpu.memory_space<vmem>> -> memref<128xi32, #tpu.memory_space<vmem>>
        %dma_wait3A_295 = arith.constant 0 : i32
        %dma_wait3A_296 = arith.constant 0 : i32
        %dma_wait3A_297 = tpu.memref_slice %arg2[%dma_wait3A_295, %dma_wait3A_296] : memref<10000x128xf32, #tpu.memory_space<hbm>> -> memref<10000x128xf32, #tpu.memory_space<hbm>>
        tpu.wait_indirect_dma semaphore(%arg23 : memref<!tpu.dma_semaphore, #tpu.memory_space<semaphore_mem>>) src(%dma_wait3A_297 : memref<10000x128xf32, #tpu.memory_space<hbm>>) dst(%arg13 : memref<128x128xf32, #tpu.memory_space<vmem>>)
        %dma_start3A_298 = arith.constant 1 : i32
        %dma_start3A_299 = arith.constant 0 : i32
        %dma_start3A_300 = tpu.memref_slice %arg10[%dma_start3A_298, %dma_start3A_299] : memref<2x128xi32, #tpu.memory_space<vmem>> -> memref<1x128xi32, #tpu.memory_space<vmem>>
        %dma_start3A_301 = tpu.memref_squeeze %dma_start3A_300 : memref<1x128xi32, #tpu.memory_space<vmem>> -> memref<128xi32, #tpu.memory_space<vmem>>
        %dma_start3A_302 = arith.constant 0 : i32
        %dma_start3A_303 = arith.constant 0 : i32
        %dma_start3A_304 = tpu.memref_slice %arg16[%dma_start3A_302, %dma_start3A_303] : memref<10000x128xf32, #tpu.memory_space<vmem_shared>> -> memref<10000x128xf32, #tpu.memory_space<vmem_shared>>
        tpu.enqueue_indirect_dma source(%arg13 : memref<128x128xf32, #tpu.memory_space<vmem>>) target(%dma_start3A_304 : memref<10000x128xf32, #tpu.memory_space<vmem_shared>>) offsets(%dma_start3A_301 : memref<128xi32, #tpu.memory_space<vmem>>) semaphore(%arg26 : memref<!tpu.dma_semaphore, #tpu.memory_space<semaphore_mem>>) {add = true}
        %mul3A_305 = arith.constant 6 : i32
        %mul3A_306 = arith.muli %mul3A_305, %scan3A_105 : i32
        %add3A_307 = arith.constant 4 : i32
        %add3A_308 = arith.addi %mul3A_306, %add3A_307 : i32
        %dma_wait3A_309 = arith.constant 1 : i32
        %dma_wait3A_310 = arith.constant 0 : i32
        %dma_wait3A_311 = tpu.memref_slice %arg9[%dma_wait3A_309, %dma_wait3A_310] : memref<2x128xi32, #tpu.memory_space<vmem>> -> memref<1x128xi32, #tpu.memory_space<vmem>>
        %dma_wait3A_312 = tpu.memref_squeeze %dma_wait3A_311 : memref<1x128xi32, #tpu.memory_space<vmem>> -> memref<128xi32, #tpu.memory_space<vmem>>
        %dma_wait3A_313 = arith.constant 0 : i32
        %dma_wait3A_314 = arith.constant 0 : i32
        %dma_wait3A_315 = tpu.memref_slice %arg16[%dma_wait3A_313, %dma_wait3A_314] : memref<10000x128xf32, #tpu.memory_space<vmem_shared>> -> memref<10000x128xf32, #tpu.memory_space<vmem_shared>>
        tpu.wait_indirect_dma semaphore(%arg28 : memref<!tpu.dma_semaphore, #tpu.memory_space<semaphore_mem>>) src(%arg15 : memref<128x128xf32, #tpu.memory_space<vmem>>) dst(%dma_wait3A_315 : memref<10000x128xf32, #tpu.memory_space<vmem_shared>>)
        %add3A_316 = arith.constant 1 : i32
        %add3A_317 = arith.addi %add3A_308, %add3A_316 : i32
        %mul3A_318 = arith.constant 16 : i32
        %mul3A_319 = arith.muli %add3A_317, %mul3A_318 : i32
        %add3A_320 = arith.addi %arg1, %mul3A_319 : i32
        %mul3A_321 = arith.constant 128 : i32
        %mul3A_322 = arith.muli %add3A_320, %mul3A_321 : i32
        %dma_wait3A_323 = arith.constant 0 : i32
        %dma_wait3A_324 = tpu.memref_slice %arg3[%dma_wait3A_323, %mul3A_322] : memref<2x320000xi32, #tpu.memory_space<hbm>> -> memref<2x128xi32, #tpu.memory_space<hbm>>
        %dma_wait3A_325 = arith.constant 0 : i32
        %dma_wait3A_326 = tpu.memref_slice %arg3[%dma_wait3A_325, %mul3A_322] : memref<2x320000xi32, #tpu.memory_space<hbm>> -> memref<2x128xi32, #tpu.memory_space<hbm>>
        tpu.wait_dma2 semaphore(%arg22 : memref<!tpu.dma_semaphore, #tpu.memory_space<semaphore_mem>>) src(%dma_wait3A_326 : memref<2x128xi32, #tpu.memory_space<hbm>>) dst(%arg12 : memref<2x128xi32, #tpu.memory_space<vmem>>)
        %dma_start3A_327 = arith.constant 0 : i32
        %dma_start3A_328 = arith.constant 0 : i32
        %dma_start3A_329 = tpu.memref_slice %arg12[%dma_start3A_327, %dma_start3A_328] : memref<2x128xi32, #tpu.memory_space<vmem>> -> memref<1x128xi32, #tpu.memory_space<vmem>>
        %dma_start3A_330 = tpu.memref_squeeze %dma_start3A_329 : memref<1x128xi32, #tpu.memory_space<vmem>> -> memref<128xi32, #tpu.memory_space<vmem>>
        %dma_start3A_331 = arith.constant 0 : i32
        %dma_start3A_332 = arith.constant 0 : i32
        %dma_start3A_333 = tpu.memref_slice %arg2[%dma_start3A_331, %dma_start3A_332] : memref<10000x128xf32, #tpu.memory_space<hbm>> -> memref<10000x128xf32, #tpu.memory_space<hbm>>
        tpu.enqueue_indirect_dma source(%dma_start3A_333 : memref<10000x128xf32, #tpu.memory_space<hbm>>) target(%arg15 : memref<128x128xf32, #tpu.memory_space<vmem>>) offsets(%dma_start3A_330 : memref<128xi32, #tpu.memory_space<vmem>>) semaphore(%arg25 : memref<!tpu.dma_semaphore, #tpu.memory_space<semaphore_mem>>)
        %lt3A_334 = arith.constant 25 : i32
        %lt3A_335 = arith.cmpi slt, %scan3A_105, %lt3A_334 : i32
        %convert_element_type3A_336 = arith.extui %lt3A_335 : i1 to i32
        %cond3A_337 = arith.constant 0 : i32
        %cond3A_338 = arith.cmpi ne, %convert_element_type3A_336, %cond3A_337 : i32
        scf.if %cond3A_338 {
          %add3A_388 = arith.constant 4 : i32
          %add3A_389 = arith.addi %add3A_308, %add3A_388 : i32
          %mul3A_390 = arith.constant 16 : i32
          %mul3A_391 = arith.muli %add3A_389, %mul3A_390 : i32
          %add3A_392 = arith.addi %arg1, %mul3A_391 : i32
          %mul3A_393 = arith.constant 128 : i32
          %mul3A_394 = arith.muli %add3A_392, %mul3A_393 : i32
          %dma_start3A_395 = arith.constant 0 : i32
          %dma_start3A_396 = tpu.memref_slice %arg3[%dma_start3A_395, %mul3A_394] : memref<2x320000xi32, #tpu.memory_space<hbm>> -> memref<2x128xi32, #tpu.memory_space<hbm>>
          %dma_start3A_397 = arith.constant 0 : i32
          %dma_start3A_398 = tpu.memref_slice %arg3[%dma_start3A_397, %mul3A_394] : memref<2x320000xi32, #tpu.memory_space<hbm>> -> memref<2x128xi32, #tpu.memory_space<hbm>>
          tpu.enqueue_dma source(%dma_start3A_398 : memref<2x128xi32, #tpu.memory_space<hbm>>) target(%arg9 : memref<2x128xi32, #tpu.memory_space<vmem>>) target_semaphore(%arg19 : memref<!tpu.dma_semaphore, #tpu.memory_space<semaphore_mem>>)
        } else {
        }
        %dma_wait3A_339 = arith.constant 0 : i32
        %dma_wait3A_340 = arith.constant 0 : i32
        %dma_wait3A_341 = tpu.memref_slice %arg11[%dma_wait3A_339, %dma_wait3A_340] : memref<2x128xi32, #tpu.memory_space<vmem>> -> memref<1x128xi32, #tpu.memory_space<vmem>>
        %dma_wait3A_342 = tpu.memref_squeeze %dma_wait3A_341 : memref<1x128xi32, #tpu.memory_space<vmem>> -> memref<128xi32, #tpu.memory_space<vmem>>
        %dma_wait3A_343 = arith.constant 0 : i32
        %dma_wait3A_344 = arith.constant 0 : i32
        %dma_wait3A_345 = tpu.memref_slice %arg2[%dma_wait3A_343, %dma_wait3A_344] : memref<10000x128xf32, #tpu.memory_space<hbm>> -> memref<10000x128xf32, #tpu.memory_space<hbm>>
        tpu.wait_indirect_dma semaphore(%arg24 : memref<!tpu.dma_semaphore, #tpu.memory_space<semaphore_mem>>) src(%dma_wait3A_345 : memref<10000x128xf32, #tpu.memory_space<hbm>>) dst(%arg14 : memref<128x128xf32, #tpu.memory_space<vmem>>)
        %dma_start3A_346 = arith.constant 1 : i32
        %dma_start3A_347 = arith.constant 0 : i32
        %dma_start3A_348 = tpu.memref_slice %arg11[%dma_start3A_346, %dma_start3A_347] : memref<2x128xi32, #tpu.memory_space<vmem>> -> memref<1x128xi32, #tpu.memory_space<vmem>>
        %dma_start3A_349 = tpu.memref_squeeze %dma_start3A_348 : memref<1x128xi32, #tpu.memory_space<vmem>> -> memref<128xi32, #tpu.memory_space<vmem>>
        %dma_start3A_350 = arith.constant 0 : i32
        %dma_start3A_351 = arith.constant 0 : i32
        %dma_start3A_352 = tpu.memref_slice %arg16[%dma_start3A_350, %dma_start3A_351] : memref<10000x128xf32, #tpu.memory_space<vmem_shared>> -> memref<10000x128xf32, #tpu.memory_space<vmem_shared>>
        tpu.enqueue_indirect_dma source(%arg14 : memref<128x128xf32, #tpu.memory_space<vmem>>) target(%dma_start3A_352 : memref<10000x128xf32, #tpu.memory_space<vmem_shared>>) offsets(%dma_start3A_349 : memref<128xi32, #tpu.memory_space<vmem>>) semaphore(%arg27 : memref<!tpu.dma_semaphore, #tpu.memory_space<semaphore_mem>>) {add = true}
        %mul3A_353 = arith.constant 6 : i32
        %mul3A_354 = arith.muli %mul3A_353, %scan3A_105 : i32
        %add3A_355 = arith.constant 5 : i32
        %add3A_356 = arith.addi %mul3A_354, %add3A_355 : i32
        %dma_wait3A_357 = arith.constant 1 : i32
        %dma_wait3A_358 = arith.constant 0 : i32
        %dma_wait3A_359 = tpu.memref_slice %arg10[%dma_wait3A_357, %dma_wait3A_358] : memref<2x128xi32, #tpu.memory_space<vmem>> -> memref<1x128xi32, #tpu.memory_space<vmem>>
        %dma_wait3A_360 = tpu.memref_squeeze %dma_wait3A_359 : memref<1x128xi32, #tpu.memory_space<vmem>> -> memref<128xi32, #tpu.memory_space<vmem>>
        %dma_wait3A_361 = arith.constant 0 : i32
        %dma_wait3A_362 = arith.constant 0 : i32
        %dma_wait3A_363 = tpu.memref_slice %arg16[%dma_wait3A_361, %dma_wait3A_362] : memref<10000x128xf32, #tpu.memory_space<vmem_shared>> -> memref<10000x128xf32, #tpu.memory_space<vmem_shared>>
        tpu.wait_indirect_dma semaphore(%arg26 : memref<!tpu.dma_semaphore, #tpu.memory_space<semaphore_mem>>) src(%arg13 : memref<128x128xf32, #tpu.memory_space<vmem>>) dst(%dma_wait3A_363 : memref<10000x128xf32, #tpu.memory_space<vmem_shared>>)
        %lt3A_364 = arith.constant 25 : i32
        %lt3A_365 = arith.cmpi slt, %scan3A_105, %lt3A_364 : i32
        %convert_element_type3A_366 = arith.extui %lt3A_365 : i1 to i32
        %cond3A_367 = arith.constant 0 : i32
        %cond3A_368 = arith.cmpi ne, %convert_element_type3A_366, %cond3A_367 : i32
        scf.if %cond3A_368 {
          %add3A_388 = arith.constant 1 : i32
          %add3A_389 = arith.addi %add3A_356, %add3A_388 : i32
          %mul3A_390 = arith.constant 16 : i32
          %mul3A_391 = arith.muli %add3A_389, %mul3A_390 : i32
          %add3A_392 = arith.addi %arg1, %mul3A_391 : i32
          %mul3A_393 = arith.constant 128 : i32
          %mul3A_394 = arith.muli %add3A_392, %mul3A_393 : i32
          %dma_wait3A_395 = arith.constant 0 : i32
          %dma_wait3A_396 = tpu.memref_slice %arg3[%dma_wait3A_395, %mul3A_394] : memref<2x320000xi32, #tpu.memory_space<hbm>> -> memref<2x128xi32, #tpu.memory_space<hbm>>
          %dma_wait3A_397 = arith.constant 0 : i32
          %dma_wait3A_398 = tpu.memref_slice %arg3[%dma_wait3A_397, %mul3A_394] : memref<2x320000xi32, #tpu.memory_space<hbm>> -> memref<2x128xi32, #tpu.memory_space<hbm>>
          tpu.wait_dma2 semaphore(%arg17 : memref<!tpu.dma_semaphore, #tpu.memory_space<semaphore_mem>>) src(%dma_wait3A_398 : memref<2x128xi32, #tpu.memory_space<hbm>>) dst(%arg7 : memref<2x128xi32, #tpu.memory_space<vmem>>)
          %dma_start3A_399 = arith.constant 0 : i32
          %dma_start3A_400 = arith.constant 0 : i32
          %dma_start3A_401 = tpu.memref_slice %arg7[%dma_start3A_399, %dma_start3A_400] : memref<2x128xi32, #tpu.memory_space<vmem>> -> memref<1x128xi32, #tpu.memory_space<vmem>>
          %dma_start3A_402 = tpu.memref_squeeze %dma_start3A_401 : memref<1x128xi32, #tpu.memory_space<vmem>> -> memref<128xi32, #tpu.memory_space<vmem>>
          %dma_start3A_403 = arith.constant 0 : i32
          %dma_start3A_404 = arith.constant 0 : i32
          %dma_start3A_405 = tpu.memref_slice %arg2[%dma_start3A_403, %dma_start3A_404] : memref<10000x128xf32, #tpu.memory_space<hbm>> -> memref<10000x128xf32, #tpu.memory_space<hbm>>
          tpu.enqueue_indirect_dma source(%dma_start3A_405 : memref<10000x128xf32, #tpu.memory_space<hbm>>) target(%arg13 : memref<128x128xf32, #tpu.memory_space<vmem>>) offsets(%dma_start3A_402 : memref<128xi32, #tpu.memory_space<vmem>>) semaphore(%arg23 : memref<!tpu.dma_semaphore, #tpu.memory_space<semaphore_mem>>)
        } else {
        }
        %lt3A_369 = arith.constant 25 : i32
        %lt3A_370 = arith.cmpi slt, %scan3A_105, %lt3A_369 : i32
        %convert_element_type3A_371 = arith.extui %lt3A_370 : i1 to i32
        %cond3A_372 = arith.constant 0 : i32
        %cond3A_373 = arith.cmpi ne, %convert_element_type3A_371, %cond3A_372 : i32
        scf.if %cond3A_373 {
          %add3A_388 = arith.constant 4 : i32
          %add3A_389 = arith.addi %add3A_356, %add3A_388 : i32
          %mul3A_390 = arith.constant 16 : i32
          %mul3A_391 = arith.muli %add3A_389, %mul3A_390 : i32
          %add3A_392 = arith.addi %arg1, %mul3A_391 : i32
          %mul3A_393 = arith.constant 128 : i32
          %mul3A_394 = arith.muli %add3A_392, %mul3A_393 : i32
          %dma_start3A_395 = arith.constant 0 : i32
          %dma_start3A_396 = tpu.memref_slice %arg3[%dma_start3A_395, %mul3A_394] : memref<2x320000xi32, #tpu.memory_space<hbm>> -> memref<2x128xi32, #tpu.memory_space<hbm>>
          %dma_start3A_397 = arith.constant 0 : i32
          %dma_start3A_398 = tpu.memref_slice %arg3[%dma_start3A_397, %mul3A_394] : memref<2x320000xi32, #tpu.memory_space<hbm>> -> memref<2x128xi32, #tpu.memory_space<hbm>>
          tpu.enqueue_dma source(%dma_start3A_398 : memref<2x128xi32, #tpu.memory_space<hbm>>) target(%arg10 : memref<2x128xi32, #tpu.memory_space<vmem>>) target_semaphore(%arg20 : memref<!tpu.dma_semaphore, #tpu.memory_space<semaphore_mem>>)
        } else {
        }
        %dma_wait3A_374 = arith.constant 0 : i32
        %dma_wait3A_375 = arith.constant 0 : i32
        %dma_wait3A_376 = tpu.memref_slice %arg12[%dma_wait3A_374, %dma_wait3A_375] : memref<2x128xi32, #tpu.memory_space<vmem>> -> memref<1x128xi32, #tpu.memory_space<vmem>>
        %dma_wait3A_377 = tpu.memref_squeeze %dma_wait3A_376 : memref<1x128xi32, #tpu.memory_space<vmem>> -> memref<128xi32, #tpu.memory_space<vmem>>
        %dma_wait3A_378 = arith.constant 0 : i32
        %dma_wait3A_379 = arith.constant 0 : i32
        %dma_wait3A_380 = tpu.memref_slice %arg2[%dma_wait3A_378, %dma_wait3A_379] : memref<10000x128xf32, #tpu.memory_space<hbm>> -> memref<10000x128xf32, #tpu.memory_space<hbm>>
        tpu.wait_indirect_dma semaphore(%arg25 : memref<!tpu.dma_semaphore, #tpu.memory_space<semaphore_mem>>) src(%dma_wait3A_380 : memref<10000x128xf32, #tpu.memory_space<hbm>>) dst(%arg15 : memref<128x128xf32, #tpu.memory_space<vmem>>)
        %dma_start3A_381 = arith.constant 1 : i32
        %dma_start3A_382 = arith.constant 0 : i32
        %dma_start3A_383 = tpu.memref_slice %arg12[%dma_start3A_381, %dma_start3A_382] : memref<2x128xi32, #tpu.memory_space<vmem>> -> memref<1x128xi32, #tpu.memory_space<vmem>>
        %dma_start3A_384 = tpu.memref_squeeze %dma_start3A_383 : memref<1x128xi32, #tpu.memory_space<vmem>> -> memref<128xi32, #tpu.memory_space<vmem>>
        %dma_start3A_385 = arith.constant 0 : i32
        %dma_start3A_386 = arith.constant 0 : i32
        %dma_start3A_387 = tpu.memref_slice %arg16[%dma_start3A_385, %dma_start3A_386] : memref<10000x128xf32, #tpu.memory_space<vmem_shared>> -> memref<10000x128xf32, #tpu.memory_space<vmem_shared>>
        tpu.enqueue_indirect_dma source(%arg15 : memref<128x128xf32, #tpu.memory_space<vmem>>) target(%dma_start3A_387 : memref<10000x128xf32, #tpu.memory_space<vmem_shared>>) offsets(%dma_start3A_384 : memref<128xi32, #tpu.memory_space<vmem>>) semaphore(%arg28 : memref<!tpu.dma_semaphore, #tpu.memory_space<semaphore_mem>>) {add = true}
      }
      %scan3A_85 = arith.constant 26 : i32
      %dma_wait3A_86 = arith.constant 1 : i32
      %dma_wait3A_87 = arith.constant 0 : i32
      %dma_wait3A_88 = tpu.memref_slice %arg11[%dma_wait3A_86, %dma_wait3A_87] : memref<2x128xi32, #tpu.memory_space<vmem>> -> memref<1x128xi32, #tpu.memory_space<vmem>>
      %dma_wait3A_89 = tpu.memref_squeeze %dma_wait3A_88 : memref<1x128xi32, #tpu.memory_space<vmem>> -> memref<128xi32, #tpu.memory_space<vmem>>
      %dma_wait3A_90 = arith.constant 0 : i32
      %dma_wait3A_91 = arith.constant 0 : i32
      %dma_wait3A_92 = tpu.memref_slice %arg16[%dma_wait3A_90, %dma_wait3A_91] : memref<10000x128xf32, #tpu.memory_space<vmem_shared>> -> memref<10000x128xf32, #tpu.memory_space<vmem_shared>>
      tpu.wait_indirect_dma semaphore(%arg27 : memref<!tpu.dma_semaphore, #tpu.memory_space<semaphore_mem>>) src(%arg14 : memref<128x128xf32, #tpu.memory_space<vmem>>) dst(%dma_wait3A_92 : memref<10000x128xf32, #tpu.memory_space<vmem_shared>>)
      %dma_wait3A_93 = arith.constant 1 : i32
      %dma_wait3A_94 = arith.constant 0 : i32
      %dma_wait3A_95 = tpu.memref_slice %arg12[%dma_wait3A_93, %dma_wait3A_94] : memref<2x128xi32, #tpu.memory_space<vmem>> -> memref<1x128xi32, #tpu.memory_space<vmem>>
      %dma_wait3A_96 = tpu.memref_squeeze %dma_wait3A_95 : memref<1x128xi32, #tpu.memory_space<vmem>> -> memref<128xi32, #tpu.memory_space<vmem>>
      %dma_wait3A_97 = arith.constant 0 : i32
      %dma_wait3A_98 = arith.constant 0 : i32
      %dma_wait3A_99 = tpu.memref_slice %arg16[%dma_wait3A_97, %dma_wait3A_98] : memref<10000x128xf32, #tpu.memory_space<vmem_shared>> -> memref<10000x128xf32, #tpu.memory_space<vmem_shared>>
      tpu.wait_indirect_dma semaphore(%arg28 : memref<!tpu.dma_semaphore, #tpu.memory_space<semaphore_mem>>) src(%arg15 : memref<128x128xf32, #tpu.memory_space<vmem>>) dst(%dma_wait3A_99 : memref<10000x128xf32, #tpu.memory_space<vmem_shared>>)
      %lt3A_100 = arith.constant 4 : i32
      %lt3A_101 = arith.cmpi slt, %arg1, %lt3A_100 : i32
      %convert_element_type3A_102 = arith.extui %lt3A_101 : i1 to i32
      %cond3A_103 = arith.constant 0 : i32
      %cond3A_104 = arith.cmpi ne, %convert_element_type3A_102, %cond3A_103 : i32
      scf.if %cond3A_104 {
        %add3A_105 = arith.constant 2496 : i32
        %add3A_106 = arith.addi %add3A_105, %arg1 : i32
        %mul3A_107 = arith.constant 128 : i32
        %mul3A_108 = arith.muli %add3A_106, %mul3A_107 : i32
        "tpu.region"() ({
          %run_scoped3A = tpu.sem_alloc : memref<!tpu.dma_semaphore, #tpu.memory_space<semaphore_mem>>
          %dma_start3A_137 = arith.constant 0 : i32
          %dma_start3A_138 = tpu.memref_slice %arg3[%dma_start3A_137, %mul3A_108] : memref<2x320000xi32, #tpu.memory_space<hbm>> -> memref<2x128xi32, #tpu.memory_space<hbm>>
          %dma_start3A_139 = arith.constant 0 : i32
          %dma_start3A_140 = tpu.memref_slice %arg3[%dma_start3A_139, %mul3A_108] : memref<2x320000xi32, #tpu.memory_space<hbm>> -> memref<2x128xi32, #tpu.memory_space<hbm>>
          tpu.enqueue_dma source(%dma_start3A_140 : memref<2x128xi32, #tpu.memory_space<hbm>>) target(%arg7 : memref<2x128xi32, #tpu.memory_space<vmem>>) target_semaphore(%run_scoped3A : memref<!tpu.dma_semaphore, #tpu.memory_space<semaphore_mem>>)
          %dma_wait3A_141 = arith.constant 0 : i32
          %dma_wait3A_142 = tpu.memref_slice %arg3[%dma_wait3A_141, %mul3A_108] : memref<2x320000xi32, #tpu.memory_space<hbm>> -> memref<2x128xi32, #tpu.memory_space<hbm>>
          %dma_wait3A_143 = arith.constant 0 : i32
          %dma_wait3A_144 = tpu.memref_slice %arg3[%dma_wait3A_143, %mul3A_108] : memref<2x320000xi32, #tpu.memory_space<hbm>> -> memref<2x128xi32, #tpu.memory_space<hbm>>
          tpu.wait_dma2 semaphore(%run_scoped3A : memref<!tpu.dma_semaphore, #tpu.memory_space<semaphore_mem>>) src(%dma_wait3A_144 : memref<2x128xi32, #tpu.memory_space<hbm>>) dst(%arg7 : memref<2x128xi32, #tpu.memory_space<vmem>>)
          tpu.yield
        }) : () -> ()
        %dma_start3A_109 = arith.constant 0 : i32
        %dma_start3A_110 = arith.constant 0 : i32
        %dma_start3A_111 = tpu.memref_slice %arg7[%dma_start3A_109, %dma_start3A_110] : memref<2x128xi32, #tpu.memory_space<vmem>> -> memref<1x128xi32, #tpu.memory_space<vmem>>
        %dma_start3A_112 = tpu.memref_squeeze %dma_start3A_111 : memref<1x128xi32, #tpu.memory_space<vmem>> -> memref<128xi32, #tpu.memory_space<vmem>>
        %dma_start3A_113 = arith.constant 0 : i32
        %dma_start3A_114 = arith.constant 0 : i32
        %dma_start3A_115 = tpu.memref_slice %arg2[%dma_start3A_113, %dma_start3A_114] : memref<10000x128xf32, #tpu.memory_space<hbm>> -> memref<10000x128xf32, #tpu.memory_space<hbm>>
        tpu.enqueue_indirect_dma source(%dma_start3A_115 : memref<10000x128xf32, #tpu.memory_space<hbm>>) target(%arg13 : memref<128x128xf32, #tpu.memory_space<vmem>>) offsets(%dma_start3A_112 : memref<128xi32, #tpu.memory_space<vmem>>) semaphore(%arg23 : memref<!tpu.dma_semaphore, #tpu.memory_space<semaphore_mem>>)
        %dma_wait3A_116 = arith.constant 0 : i32
        %dma_wait3A_117 = arith.constant 0 : i32
        %dma_wait3A_118 = tpu.memref_slice %arg7[%dma_wait3A_116, %dma_wait3A_117] : memref<2x128xi32, #tpu.memory_space<vmem>> -> memref<1x128xi32, #tpu.memory_space<vmem>>
        %dma_wait3A_119 = tpu.memref_squeeze %dma_wait3A_118 : memref<1x128xi32, #tpu.memory_space<vmem>> -> memref<128xi32, #tpu.memory_space<vmem>>
        %dma_wait3A_120 = arith.constant 0 : i32
        %dma_wait3A_121 = arith.constant 0 : i32
        %dma_wait3A_122 = tpu.memref_slice %arg2[%dma_wait3A_120, %dma_wait3A_121] : memref<10000x128xf32, #tpu.memory_space<hbm>> -> memref<10000x128xf32, #tpu.memory_space<hbm>>
        tpu.wait_indirect_dma semaphore(%arg23 : memref<!tpu.dma_semaphore, #tpu.memory_space<semaphore_mem>>) src(%dma_wait3A_122 : memref<10000x128xf32, #tpu.memory_space<hbm>>) dst(%arg13 : memref<128x128xf32, #tpu.memory_space<vmem>>)
        %dma_start3A_123 = arith.constant 1 : i32
        %dma_start3A_124 = arith.constant 0 : i32
        %dma_start3A_125 = tpu.memref_slice %arg7[%dma_start3A_123, %dma_start3A_124] : memref<2x128xi32, #tpu.memory_space<vmem>> -> memref<1x128xi32, #tpu.memory_space<vmem>>
        %dma_start3A_126 = tpu.memref_squeeze %dma_start3A_125 : memref<1x128xi32, #tpu.memory_space<vmem>> -> memref<128xi32, #tpu.memory_space<vmem>>
        %dma_start3A_127 = arith.constant 0 : i32
        %dma_start3A_128 = arith.constant 0 : i32
        %dma_start3A_129 = tpu.memref_slice %arg16[%dma_start3A_127, %dma_start3A_128] : memref<10000x128xf32, #tpu.memory_space<vmem_shared>> -> memref<10000x128xf32, #tpu.memory_space<vmem_shared>>
        tpu.enqueue_indirect_dma source(%arg13 : memref<128x128xf32, #tpu.memory_space<vmem>>) target(%dma_start3A_129 : memref<10000x128xf32, #tpu.memory_space<vmem_shared>>) offsets(%dma_start3A_126 : memref<128xi32, #tpu.memory_space<vmem>>) semaphore(%arg26 : memref<!tpu.dma_semaphore, #tpu.memory_space<semaphore_mem>>) {add = true}
        %dma_wait3A_130 = arith.constant 1 : i32
        %dma_wait3A_131 = arith.constant 0 : i32
        %dma_wait3A_132 = tpu.memref_slice %arg7[%dma_wait3A_130, %dma_wait3A_131] : memref<2x128xi32, #tpu.memory_space<vmem>> -> memref<1x128xi32, #tpu.memory_space<vmem>>
        %dma_wait3A_133 = tpu.memref_squeeze %dma_wait3A_132 : memref<1x128xi32, #tpu.memory_space<vmem>> -> memref<128xi32, #tpu.memory_space<vmem>>
        %dma_wait3A_134 = arith.constant 0 : i32
        %dma_wait3A_135 = arith.constant 0 : i32
        %dma_wait3A_136 = tpu.memref_slice %arg16[%dma_wait3A_134, %dma_wait3A_135] : memref<10000x128xf32, #tpu.memory_space<vmem_shared>> -> memref<10000x128xf32, #tpu.memory_space<vmem_shared>>
        tpu.wait_indirect_dma semaphore(%arg26 : memref<!tpu.dma_semaphore, #tpu.memory_space<semaphore_mem>>) src(%arg13 : memref<128x128xf32, #tpu.memory_space<vmem>>) dst(%dma_wait3A_136 : memref<10000x128xf32, #tpu.memory_space<vmem_shared>>)
      } else {
      }
    } else {
    }
    %eq3A_19 = arith.constant 1 : i32
    %eq3A_20 = arith.cmpi eq, %arg0, %eq3A_19 : i32
    %convert_element_type3A_21 = arith.extui %eq3A_20 : i1 to i32
    %cond3A_22 = arith.constant 0 : i32
    %cond3A_23 = arith.cmpi ne, %convert_element_type3A_21, %cond3A_22 : i32
    scf.if %cond3A_23 {
      %add3A_35 = arith.constant 0 : i32
      %add3A_36 = arith.addi %arg1, %add3A_35 : i32
      %mul3A_37 = arith.constant 128 : i32
      %mul3A_38 = arith.muli %add3A_36, %mul3A_37 : i32
      %dma_start3A = arith.constant 0 : i32
      %dma_start3A_39 = tpu.memref_slice %arg4[%dma_start3A, %mul3A_38] : memref<2x320000xi32, #tpu.memory_space<hbm>> -> memref<2x128xi32, #tpu.memory_space<hbm>>
      %dma_start3A_40 = arith.constant 0 : i32
      %dma_start3A_41 = tpu.memref_slice %arg4[%dma_start3A_40, %mul3A_38] : memref<2x320000xi32, #tpu.memory_space<hbm>> -> memref<2x128xi32, #tpu.memory_space<hbm>>
      tpu.enqueue_dma source(%dma_start3A_41 : memref<2x128xi32, #tpu.memory_space<hbm>>) target(%arg7 : memref<2x128xi32, #tpu.memory_space<vmem>>) target_semaphore(%arg17 : memref<!tpu.dma_semaphore, #tpu.memory_space<semaphore_mem>>)
      %add3A_42 = arith.constant 16 : i32
      %add3A_43 = arith.addi %arg1, %add3A_42 : i32
      %mul3A_44 = arith.constant 128 : i32
      %mul3A_45 = arith.muli %add3A_43, %mul3A_44 : i32
      %dma_start3A_46 = arith.constant 0 : i32
      %dma_start3A_47 = tpu.memref_slice %arg4[%dma_start3A_46, %mul3A_45] : memref<2x320000xi32, #tpu.memory_space<hbm>> -> memref<2x128xi32, #tpu.memory_space<hbm>>
      %dma_start3A_48 = arith.constant 0 : i32
      %dma_start3A_49 = tpu.memref_slice %arg4[%dma_start3A_48, %mul3A_45] : memref<2x320000xi32, #tpu.memory_space<hbm>> -> memref<2x128xi32, #tpu.memory_space<hbm>>
      tpu.enqueue_dma source(%dma_start3A_49 : memref<2x128xi32, #tpu.memory_space<hbm>>) target(%arg8 : memref<2x128xi32, #tpu.memory_space<vmem>>) target_semaphore(%arg18 : memref<!tpu.dma_semaphore, #tpu.memory_space<semaphore_mem>>)
      %add3A_50 = arith.constant 32 : i32
      %add3A_51 = arith.addi %arg1, %add3A_50 : i32
      %mul3A_52 = arith.constant 128 : i32
      %mul3A_53 = arith.muli %add3A_51, %mul3A_52 : i32
      %dma_start3A_54 = arith.constant 0 : i32
      %dma_start3A_55 = tpu.memref_slice %arg4[%dma_start3A_54, %mul3A_53] : memref<2x320000xi32, #tpu.memory_space<hbm>> -> memref<2x128xi32, #tpu.memory_space<hbm>>
      %dma_start3A_56 = arith.constant 0 : i32
      %dma_start3A_57 = tpu.memref_slice %arg4[%dma_start3A_56, %mul3A_53] : memref<2x320000xi32, #tpu.memory_space<hbm>> -> memref<2x128xi32, #tpu.memory_space<hbm>>
      tpu.enqueue_dma source(%dma_start3A_57 : memref<2x128xi32, #tpu.memory_space<hbm>>) target(%arg9 : memref<2x128xi32, #tpu.memory_space<vmem>>) target_semaphore(%arg19 : memref<!tpu.dma_semaphore, #tpu.memory_space<semaphore_mem>>)
      %add3A_58 = arith.constant 48 : i32
      %add3A_59 = arith.addi %arg1, %add3A_58 : i32
      %mul3A_60 = arith.constant 128 : i32
      %mul3A_61 = arith.muli %add3A_59, %mul3A_60 : i32
      %dma_start3A_62 = arith.constant 0 : i32
      %dma_start3A_63 = tpu.memref_slice %arg4[%dma_start3A_62, %mul3A_61] : memref<2x320000xi32, #tpu.memory_space<hbm>> -> memref<2x128xi32, #tpu.memory_space<hbm>>
      %dma_start3A_64 = arith.constant 0 : i32
      %dma_start3A_65 = tpu.memref_slice %arg4[%dma_start3A_64, %mul3A_61] : memref<2x320000xi32, #tpu.memory_space<hbm>> -> memref<2x128xi32, #tpu.memory_space<hbm>>
      tpu.enqueue_dma source(%dma_start3A_65 : memref<2x128xi32, #tpu.memory_space<hbm>>) target(%arg10 : memref<2x128xi32, #tpu.memory_space<vmem>>) target_semaphore(%arg20 : memref<!tpu.dma_semaphore, #tpu.memory_space<semaphore_mem>>)
      %add3A_66 = arith.constant 0 : i32
      %add3A_67 = arith.addi %arg1, %add3A_66 : i32
      %mul3A_68 = arith.constant 128 : i32
      %mul3A_69 = arith.muli %add3A_67, %mul3A_68 : i32
      %dma_wait3A = arith.constant 0 : i32
      %dma_wait3A_70 = tpu.memref_slice %arg4[%dma_wait3A, %mul3A_69] : memref<2x320000xi32, #tpu.memory_space<hbm>> -> memref<2x128xi32, #tpu.memory_space<hbm>>
      %dma_wait3A_71 = arith.constant 0 : i32
      %dma_wait3A_72 = tpu.memref_slice %arg4[%dma_wait3A_71, %mul3A_69] : memref<2x320000xi32, #tpu.memory_space<hbm>> -> memref<2x128xi32, #tpu.memory_space<hbm>>
      tpu.wait_dma2 semaphore(%arg17 : memref<!tpu.dma_semaphore, #tpu.memory_space<semaphore_mem>>) src(%dma_wait3A_72 : memref<2x128xi32, #tpu.memory_space<hbm>>) dst(%arg7 : memref<2x128xi32, #tpu.memory_space<vmem>>)
      %dma_start3A_73 = arith.constant 0 : i32
      %dma_start3A_74 = arith.constant 0 : i32
      %dma_start3A_75 = tpu.memref_slice %arg7[%dma_start3A_73, %dma_start3A_74] : memref<2x128xi32, #tpu.memory_space<vmem>> -> memref<1x128xi32, #tpu.memory_space<vmem>>
      %dma_start3A_76 = tpu.memref_squeeze %dma_start3A_75 : memref<1x128xi32, #tpu.memory_space<vmem>> -> memref<128xi32, #tpu.memory_space<vmem>>
      %dma_start3A_77 = arith.constant 0 : i32
      %dma_start3A_78 = arith.constant 0 : i32
      %dma_start3A_79 = tpu.memref_slice %arg2[%dma_start3A_77, %dma_start3A_78] : memref<10000x128xf32, #tpu.memory_space<hbm>> -> memref<10000x128xf32, #tpu.memory_space<hbm>>
      tpu.enqueue_indirect_dma source(%dma_start3A_79 : memref<10000x128xf32, #tpu.memory_space<hbm>>) target(%arg13 : memref<128x128xf32, #tpu.memory_space<vmem>>) offsets(%dma_start3A_76 : memref<128xi32, #tpu.memory_space<vmem>>) semaphore(%arg23 : memref<!tpu.dma_semaphore, #tpu.memory_space<semaphore_mem>>)
      %scan3A_80 = arith.constant 0 : i32
      %scan3A_81 = arith.constant 0 : i32
      %scan3A_82 = arith.constant 26 : i32
      %scan3A_83 = arith.addi %scan3A_81, %scan3A_82 : i32
      %scan3A_84 = arith.constant 1 : i32
      scf.for %scan3A_105 = %scan3A_81 to %scan3A_83 step %scan3A_84  : i32 {
        %mul3A_106 = arith.constant 6 : i32
        %mul3A_107 = arith.muli %mul3A_106, %scan3A_105 : i32
        %add3A_108 = arith.constant 0 : i32
        %add3A_109 = arith.addi %mul3A_107, %add3A_108 : i32
        %gt3A = arith.constant 0 : i32
        %gt3A_110 = arith.cmpi sgt, %scan3A_105, %gt3A : i32
        %convert_element_type3A_111 = arith.extui %gt3A_110 : i1 to i32
        %cond3A_112 = arith.constant 0 : i32
        %cond3A_113 = arith.cmpi ne, %convert_element_type3A_111, %cond3A_112 : i32
        scf.if %cond3A_113 {
          %dma_wait3A_388 = arith.constant 1 : i32
          %dma_wait3A_389 = arith.constant 0 : i32
          %dma_wait3A_390 = tpu.memref_slice %arg11[%dma_wait3A_388, %dma_wait3A_389] : memref<2x128xi32, #tpu.memory_space<vmem>> -> memref<1x128xi32, #tpu.memory_space<vmem>>
          %dma_wait3A_391 = tpu.memref_squeeze %dma_wait3A_390 : memref<1x128xi32, #tpu.memory_space<vmem>> -> memref<128xi32, #tpu.memory_space<vmem>>
          %dma_wait3A_392 = arith.constant 0 : i32
          %dma_wait3A_393 = arith.constant 0 : i32
          %dma_wait3A_394 = tpu.memref_slice %arg16[%dma_wait3A_392, %dma_wait3A_393] : memref<10000x128xf32, #tpu.memory_space<vmem_shared>> -> memref<10000x128xf32, #tpu.memory_space<vmem_shared>>
          tpu.wait_indirect_dma semaphore(%arg27 : memref<!tpu.dma_semaphore, #tpu.memory_space<semaphore_mem>>) src(%arg14 : memref<128x128xf32, #tpu.memory_space<vmem>>) dst(%dma_wait3A_394 : memref<10000x128xf32, #tpu.memory_space<vmem_shared>>)
        } else {
        }
        %add3A_114 = arith.constant 1 : i32
        %add3A_115 = arith.addi %add3A_109, %add3A_114 : i32
        %mul3A_116 = arith.constant 16 : i32
        %mul3A_117 = arith.muli %add3A_115, %mul3A_116 : i32
        %add3A_118 = arith.addi %arg1, %mul3A_117 : i32
        %mul3A_119 = arith.constant 128 : i32
        %mul3A_120 = arith.muli %add3A_118, %mul3A_119 : i32
        %dma_wait3A_121 = arith.constant 0 : i32
        %dma_wait3A_122 = tpu.memref_slice %arg4[%dma_wait3A_121, %mul3A_120] : memref<2x320000xi32, #tpu.memory_space<hbm>> -> memref<2x128xi32, #tpu.memory_space<hbm>>
        %dma_wait3A_123 = arith.constant 0 : i32
        %dma_wait3A_124 = tpu.memref_slice %arg4[%dma_wait3A_123, %mul3A_120] : memref<2x320000xi32, #tpu.memory_space<hbm>> -> memref<2x128xi32, #tpu.memory_space<hbm>>
        tpu.wait_dma2 semaphore(%arg18 : memref<!tpu.dma_semaphore, #tpu.memory_space<semaphore_mem>>) src(%dma_wait3A_124 : memref<2x128xi32, #tpu.memory_space<hbm>>) dst(%arg8 : memref<2x128xi32, #tpu.memory_space<vmem>>)
        %dma_start3A_125 = arith.constant 0 : i32
        %dma_start3A_126 = arith.constant 0 : i32
        %dma_start3A_127 = tpu.memref_slice %arg8[%dma_start3A_125, %dma_start3A_126] : memref<2x128xi32, #tpu.memory_space<vmem>> -> memref<1x128xi32, #tpu.memory_space<vmem>>
        %dma_start3A_128 = tpu.memref_squeeze %dma_start3A_127 : memref<1x128xi32, #tpu.memory_space<vmem>> -> memref<128xi32, #tpu.memory_space<vmem>>
        %dma_start3A_129 = arith.constant 0 : i32
        %dma_start3A_130 = arith.constant 0 : i32
        %dma_start3A_131 = tpu.memref_slice %arg2[%dma_start3A_129, %dma_start3A_130] : memref<10000x128xf32, #tpu.memory_space<hbm>> -> memref<10000x128xf32, #tpu.memory_space<hbm>>
        tpu.enqueue_indirect_dma source(%dma_start3A_131 : memref<10000x128xf32, #tpu.memory_space<hbm>>) target(%arg14 : memref<128x128xf32, #tpu.memory_space<vmem>>) offsets(%dma_start3A_128 : memref<128xi32, #tpu.memory_space<vmem>>) semaphore(%arg24 : memref<!tpu.dma_semaphore, #tpu.memory_space<semaphore_mem>>)
        %add3A_132 = arith.constant 4 : i32
        %add3A_133 = arith.addi %add3A_109, %add3A_132 : i32
        %mul3A_134 = arith.constant 16 : i32
        %mul3A_135 = arith.muli %add3A_133, %mul3A_134 : i32
        %add3A_136 = arith.addi %arg1, %mul3A_135 : i32
        %mul3A_137 = arith.constant 128 : i32
        %mul3A_138 = arith.muli %add3A_136, %mul3A_137 : i32
        %dma_start3A_139 = arith.constant 0 : i32
        %dma_start3A_140 = tpu.memref_slice %arg4[%dma_start3A_139, %mul3A_138] : memref<2x320000xi32, #tpu.memory_space<hbm>> -> memref<2x128xi32, #tpu.memory_space<hbm>>
        %dma_start3A_141 = arith.constant 0 : i32
        %dma_start3A_142 = tpu.memref_slice %arg4[%dma_start3A_141, %mul3A_138] : memref<2x320000xi32, #tpu.memory_space<hbm>> -> memref<2x128xi32, #tpu.memory_space<hbm>>
        tpu.enqueue_dma source(%dma_start3A_142 : memref<2x128xi32, #tpu.memory_space<hbm>>) target(%arg11 : memref<2x128xi32, #tpu.memory_space<vmem>>) target_semaphore(%arg21 : memref<!tpu.dma_semaphore, #tpu.memory_space<semaphore_mem>>)
        %dma_wait3A_143 = arith.constant 0 : i32
        %dma_wait3A_144 = arith.constant 0 : i32
        %dma_wait3A_145 = tpu.memref_slice %arg7[%dma_wait3A_143, %dma_wait3A_144] : memref<2x128xi32, #tpu.memory_space<vmem>> -> memref<1x128xi32, #tpu.memory_space<vmem>>
        %dma_wait3A_146 = tpu.memref_squeeze %dma_wait3A_145 : memref<1x128xi32, #tpu.memory_space<vmem>> -> memref<128xi32, #tpu.memory_space<vmem>>
        %dma_wait3A_147 = arith.constant 0 : i32
        %dma_wait3A_148 = arith.constant 0 : i32
        %dma_wait3A_149 = tpu.memref_slice %arg2[%dma_wait3A_147, %dma_wait3A_148] : memref<10000x128xf32, #tpu.memory_space<hbm>> -> memref<10000x128xf32, #tpu.memory_space<hbm>>
        tpu.wait_indirect_dma semaphore(%arg23 : memref<!tpu.dma_semaphore, #tpu.memory_space<semaphore_mem>>) src(%dma_wait3A_149 : memref<10000x128xf32, #tpu.memory_space<hbm>>) dst(%arg13 : memref<128x128xf32, #tpu.memory_space<vmem>>)
        %dma_start3A_150 = arith.constant 1 : i32
        %dma_start3A_151 = arith.constant 0 : i32
        %dma_start3A_152 = tpu.memref_slice %arg7[%dma_start3A_150, %dma_start3A_151] : memref<2x128xi32, #tpu.memory_space<vmem>> -> memref<1x128xi32, #tpu.memory_space<vmem>>
        %dma_start3A_153 = tpu.memref_squeeze %dma_start3A_152 : memref<1x128xi32, #tpu.memory_space<vmem>> -> memref<128xi32, #tpu.memory_space<vmem>>
        %dma_start3A_154 = arith.constant 0 : i32
        %dma_start3A_155 = arith.constant 0 : i32
        %dma_start3A_156 = tpu.memref_slice %arg16[%dma_start3A_154, %dma_start3A_155] : memref<10000x128xf32, #tpu.memory_space<vmem_shared>> -> memref<10000x128xf32, #tpu.memory_space<vmem_shared>>
        tpu.enqueue_indirect_dma source(%arg13 : memref<128x128xf32, #tpu.memory_space<vmem>>) target(%dma_start3A_156 : memref<10000x128xf32, #tpu.memory_space<vmem_shared>>) offsets(%dma_start3A_153 : memref<128xi32, #tpu.memory_space<vmem>>) semaphore(%arg26 : memref<!tpu.dma_semaphore, #tpu.memory_space<semaphore_mem>>) {add = true}
        %mul3A_157 = arith.constant 6 : i32
        %mul3A_158 = arith.muli %mul3A_157, %scan3A_105 : i32
        %add3A_159 = arith.constant 1 : i32
        %add3A_160 = arith.addi %mul3A_158, %add3A_159 : i32
        %gt3A_161 = arith.constant 0 : i32
        %gt3A_162 = arith.cmpi sgt, %scan3A_105, %gt3A_161 : i32
        %convert_element_type3A_163 = arith.extui %gt3A_162 : i1 to i32
        %cond3A_164 = arith.constant 0 : i32
        %cond3A_165 = arith.cmpi ne, %convert_element_type3A_163, %cond3A_164 : i32
        scf.if %cond3A_165 {
          %dma_wait3A_388 = arith.constant 1 : i32
          %dma_wait3A_389 = arith.constant 0 : i32
          %dma_wait3A_390 = tpu.memref_slice %arg12[%dma_wait3A_388, %dma_wait3A_389] : memref<2x128xi32, #tpu.memory_space<vmem>> -> memref<1x128xi32, #tpu.memory_space<vmem>>
          %dma_wait3A_391 = tpu.memref_squeeze %dma_wait3A_390 : memref<1x128xi32, #tpu.memory_space<vmem>> -> memref<128xi32, #tpu.memory_space<vmem>>
          %dma_wait3A_392 = arith.constant 0 : i32
          %dma_wait3A_393 = arith.constant 0 : i32
          %dma_wait3A_394 = tpu.memref_slice %arg16[%dma_wait3A_392, %dma_wait3A_393] : memref<10000x128xf32, #tpu.memory_space<vmem_shared>> -> memref<10000x128xf32, #tpu.memory_space<vmem_shared>>
          tpu.wait_indirect_dma semaphore(%arg28 : memref<!tpu.dma_semaphore, #tpu.memory_space<semaphore_mem>>) src(%arg15 : memref<128x128xf32, #tpu.memory_space<vmem>>) dst(%dma_wait3A_394 : memref<10000x128xf32, #tpu.memory_space<vmem_shared>>)
        } else {
        }
        %add3A_166 = arith.constant 1 : i32
        %add3A_167 = arith.addi %add3A_160, %add3A_166 : i32
        %mul3A_168 = arith.constant 16 : i32
        %mul3A_169 = arith.muli %add3A_167, %mul3A_168 : i32
        %add3A_170 = arith.addi %arg1, %mul3A_169 : i32
        %mul3A_171 = arith.constant 128 : i32
        %mul3A_172 = arith.muli %add3A_170, %mul3A_171 : i32
        %dma_wait3A_173 = arith.constant 0 : i32
        %dma_wait3A_174 = tpu.memref_slice %arg4[%dma_wait3A_173, %mul3A_172] : memref<2x320000xi32, #tpu.memory_space<hbm>> -> memref<2x128xi32, #tpu.memory_space<hbm>>
        %dma_wait3A_175 = arith.constant 0 : i32
        %dma_wait3A_176 = tpu.memref_slice %arg4[%dma_wait3A_175, %mul3A_172] : memref<2x320000xi32, #tpu.memory_space<hbm>> -> memref<2x128xi32, #tpu.memory_space<hbm>>
        tpu.wait_dma2 semaphore(%arg19 : memref<!tpu.dma_semaphore, #tpu.memory_space<semaphore_mem>>) src(%dma_wait3A_176 : memref<2x128xi32, #tpu.memory_space<hbm>>) dst(%arg9 : memref<2x128xi32, #tpu.memory_space<vmem>>)
        %dma_start3A_177 = arith.constant 0 : i32
        %dma_start3A_178 = arith.constant 0 : i32
        %dma_start3A_179 = tpu.memref_slice %arg9[%dma_start3A_177, %dma_start3A_178] : memref<2x128xi32, #tpu.memory_space<vmem>> -> memref<1x128xi32, #tpu.memory_space<vmem>>
        %dma_start3A_180 = tpu.memref_squeeze %dma_start3A_179 : memref<1x128xi32, #tpu.memory_space<vmem>> -> memref<128xi32, #tpu.memory_space<vmem>>
        %dma_start3A_181 = arith.constant 0 : i32
        %dma_start3A_182 = arith.constant 0 : i32
        %dma_start3A_183 = tpu.memref_slice %arg2[%dma_start3A_181, %dma_start3A_182] : memref<10000x128xf32, #tpu.memory_space<hbm>> -> memref<10000x128xf32, #tpu.memory_space<hbm>>
        tpu.enqueue_indirect_dma source(%dma_start3A_183 : memref<10000x128xf32, #tpu.memory_space<hbm>>) target(%arg15 : memref<128x128xf32, #tpu.memory_space<vmem>>) offsets(%dma_start3A_180 : memref<128xi32, #tpu.memory_space<vmem>>) semaphore(%arg25 : memref<!tpu.dma_semaphore, #tpu.memory_space<semaphore_mem>>)
        %add3A_184 = arith.constant 4 : i32
        %add3A_185 = arith.addi %add3A_160, %add3A_184 : i32
        %mul3A_186 = arith.constant 16 : i32
        %mul3A_187 = arith.muli %add3A_185, %mul3A_186 : i32
        %add3A_188 = arith.addi %arg1, %mul3A_187 : i32
        %mul3A_189 = arith.constant 128 : i32
        %mul3A_190 = arith.muli %add3A_188, %mul3A_189 : i32
        %dma_start3A_191 = arith.constant 0 : i32
        %dma_start3A_192 = tpu.memref_slice %arg4[%dma_start3A_191, %mul3A_190] : memref<2x320000xi32, #tpu.memory_space<hbm>> -> memref<2x128xi32, #tpu.memory_space<hbm>>
        %dma_start3A_193 = arith.constant 0 : i32
        %dma_start3A_194 = tpu.memref_slice %arg4[%dma_start3A_193, %mul3A_190] : memref<2x320000xi32, #tpu.memory_space<hbm>> -> memref<2x128xi32, #tpu.memory_space<hbm>>
        tpu.enqueue_dma source(%dma_start3A_194 : memref<2x128xi32, #tpu.memory_space<hbm>>) target(%arg12 : memref<2x128xi32, #tpu.memory_space<vmem>>) target_semaphore(%arg22 : memref<!tpu.dma_semaphore, #tpu.memory_space<semaphore_mem>>)
        %dma_wait3A_195 = arith.constant 0 : i32
        %dma_wait3A_196 = arith.constant 0 : i32
        %dma_wait3A_197 = tpu.memref_slice %arg8[%dma_wait3A_195, %dma_wait3A_196] : memref<2x128xi32, #tpu.memory_space<vmem>> -> memref<1x128xi32, #tpu.memory_space<vmem>>
        %dma_wait3A_198 = tpu.memref_squeeze %dma_wait3A_197 : memref<1x128xi32, #tpu.memory_space<vmem>> -> memref<128xi32, #tpu.memory_space<vmem>>
        %dma_wait3A_199 = arith.constant 0 : i32
        %dma_wait3A_200 = arith.constant 0 : i32
        %dma_wait3A_201 = tpu.memref_slice %arg2[%dma_wait3A_199, %dma_wait3A_200] : memref<10000x128xf32, #tpu.memory_space<hbm>> -> memref<10000x128xf32, #tpu.memory_space<hbm>>
        tpu.wait_indirect_dma semaphore(%arg24 : memref<!tpu.dma_semaphore, #tpu.memory_space<semaphore_mem>>) src(%dma_wait3A_201 : memref<10000x128xf32, #tpu.memory_space<hbm>>) dst(%arg14 : memref<128x128xf32, #tpu.memory_space<vmem>>)
        %dma_start3A_202 = arith.constant 1 : i32
        %dma_start3A_203 = arith.constant 0 : i32
        %dma_start3A_204 = tpu.memref_slice %arg8[%dma_start3A_202, %dma_start3A_203] : memref<2x128xi32, #tpu.memory_space<vmem>> -> memref<1x128xi32, #tpu.memory_space<vmem>>
        %dma_start3A_205 = tpu.memref_squeeze %dma_start3A_204 : memref<1x128xi32, #tpu.memory_space<vmem>> -> memref<128xi32, #tpu.memory_space<vmem>>
        %dma_start3A_206 = arith.constant 0 : i32
        %dma_start3A_207 = arith.constant 0 : i32
        %dma_start3A_208 = tpu.memref_slice %arg16[%dma_start3A_206, %dma_start3A_207] : memref<10000x128xf32, #tpu.memory_space<vmem_shared>> -> memref<10000x128xf32, #tpu.memory_space<vmem_shared>>
        tpu.enqueue_indirect_dma source(%arg14 : memref<128x128xf32, #tpu.memory_space<vmem>>) target(%dma_start3A_208 : memref<10000x128xf32, #tpu.memory_space<vmem_shared>>) offsets(%dma_start3A_205 : memref<128xi32, #tpu.memory_space<vmem>>) semaphore(%arg27 : memref<!tpu.dma_semaphore, #tpu.memory_space<semaphore_mem>>) {add = true}
        %mul3A_209 = arith.constant 6 : i32
        %mul3A_210 = arith.muli %mul3A_209, %scan3A_105 : i32
        %add3A_211 = arith.constant 2 : i32
        %add3A_212 = arith.addi %mul3A_210, %add3A_211 : i32
        %dma_wait3A_213 = arith.constant 1 : i32
        %dma_wait3A_214 = arith.constant 0 : i32
        %dma_wait3A_215 = tpu.memref_slice %arg7[%dma_wait3A_213, %dma_wait3A_214] : memref<2x128xi32, #tpu.memory_space<vmem>> -> memref<1x128xi32, #tpu.memory_space<vmem>>
        %dma_wait3A_216 = tpu.memref_squeeze %dma_wait3A_215 : memref<1x128xi32, #tpu.memory_space<vmem>> -> memref<128xi32, #tpu.memory_space<vmem>>
        %dma_wait3A_217 = arith.constant 0 : i32
        %dma_wait3A_218 = arith.constant 0 : i32
        %dma_wait3A_219 = tpu.memref_slice %arg16[%dma_wait3A_217, %dma_wait3A_218] : memref<10000x128xf32, #tpu.memory_space<vmem_shared>> -> memref<10000x128xf32, #tpu.memory_space<vmem_shared>>
        tpu.wait_indirect_dma semaphore(%arg26 : memref<!tpu.dma_semaphore, #tpu.memory_space<semaphore_mem>>) src(%arg13 : memref<128x128xf32, #tpu.memory_space<vmem>>) dst(%dma_wait3A_219 : memref<10000x128xf32, #tpu.memory_space<vmem_shared>>)
        %add3A_220 = arith.constant 1 : i32
        %add3A_221 = arith.addi %add3A_212, %add3A_220 : i32
        %mul3A_222 = arith.constant 16 : i32
        %mul3A_223 = arith.muli %add3A_221, %mul3A_222 : i32
        %add3A_224 = arith.addi %arg1, %mul3A_223 : i32
        %mul3A_225 = arith.constant 128 : i32
        %mul3A_226 = arith.muli %add3A_224, %mul3A_225 : i32
        %dma_wait3A_227 = arith.constant 0 : i32
        %dma_wait3A_228 = tpu.memref_slice %arg4[%dma_wait3A_227, %mul3A_226] : memref<2x320000xi32, #tpu.memory_space<hbm>> -> memref<2x128xi32, #tpu.memory_space<hbm>>
        %dma_wait3A_229 = arith.constant 0 : i32
        %dma_wait3A_230 = tpu.memref_slice %arg4[%dma_wait3A_229, %mul3A_226] : memref<2x320000xi32, #tpu.memory_space<hbm>> -> memref<2x128xi32, #tpu.memory_space<hbm>>
        tpu.wait_dma2 semaphore(%arg20 : memref<!tpu.dma_semaphore, #tpu.memory_space<semaphore_mem>>) src(%dma_wait3A_230 : memref<2x128xi32, #tpu.memory_space<hbm>>) dst(%arg10 : memref<2x128xi32, #tpu.memory_space<vmem>>)
        %dma_start3A_231 = arith.constant 0 : i32
        %dma_start3A_232 = arith.constant 0 : i32
        %dma_start3A_233 = tpu.memref_slice %arg10[%dma_start3A_231, %dma_start3A_232] : memref<2x128xi32, #tpu.memory_space<vmem>> -> memref<1x128xi32, #tpu.memory_space<vmem>>
        %dma_start3A_234 = tpu.memref_squeeze %dma_start3A_233 : memref<1x128xi32, #tpu.memory_space<vmem>> -> memref<128xi32, #tpu.memory_space<vmem>>
        %dma_start3A_235 = arith.constant 0 : i32
        %dma_start3A_236 = arith.constant 0 : i32
        %dma_start3A_237 = tpu.memref_slice %arg2[%dma_start3A_235, %dma_start3A_236] : memref<10000x128xf32, #tpu.memory_space<hbm>> -> memref<10000x128xf32, #tpu.memory_space<hbm>>
        tpu.enqueue_indirect_dma source(%dma_start3A_237 : memref<10000x128xf32, #tpu.memory_space<hbm>>) target(%arg13 : memref<128x128xf32, #tpu.memory_space<vmem>>) offsets(%dma_start3A_234 : memref<128xi32, #tpu.memory_space<vmem>>) semaphore(%arg23 : memref<!tpu.dma_semaphore, #tpu.memory_space<semaphore_mem>>)
        %lt3A_238 = arith.constant 25 : i32
        %lt3A_239 = arith.cmpi slt, %scan3A_105, %lt3A_238 : i32
        %convert_element_type3A_240 = arith.extui %lt3A_239 : i1 to i32
        %cond3A_241 = arith.constant 0 : i32
        %cond3A_242 = arith.cmpi ne, %convert_element_type3A_240, %cond3A_241 : i32
        scf.if %cond3A_242 {
          %add3A_388 = arith.constant 4 : i32
          %add3A_389 = arith.addi %add3A_212, %add3A_388 : i32
          %mul3A_390 = arith.constant 16 : i32
          %mul3A_391 = arith.muli %add3A_389, %mul3A_390 : i32
          %add3A_392 = arith.addi %arg1, %mul3A_391 : i32
          %mul3A_393 = arith.constant 128 : i32
          %mul3A_394 = arith.muli %add3A_392, %mul3A_393 : i32
          %dma_start3A_395 = arith.constant 0 : i32
          %dma_start3A_396 = tpu.memref_slice %arg4[%dma_start3A_395, %mul3A_394] : memref<2x320000xi32, #tpu.memory_space<hbm>> -> memref<2x128xi32, #tpu.memory_space<hbm>>
          %dma_start3A_397 = arith.constant 0 : i32
          %dma_start3A_398 = tpu.memref_slice %arg4[%dma_start3A_397, %mul3A_394] : memref<2x320000xi32, #tpu.memory_space<hbm>> -> memref<2x128xi32, #tpu.memory_space<hbm>>
          tpu.enqueue_dma source(%dma_start3A_398 : memref<2x128xi32, #tpu.memory_space<hbm>>) target(%arg7 : memref<2x128xi32, #tpu.memory_space<vmem>>) target_semaphore(%arg17 : memref<!tpu.dma_semaphore, #tpu.memory_space<semaphore_mem>>)
        } else {
        }
        %dma_wait3A_243 = arith.constant 0 : i32
        %dma_wait3A_244 = arith.constant 0 : i32
        %dma_wait3A_245 = tpu.memref_slice %arg9[%dma_wait3A_243, %dma_wait3A_244] : memref<2x128xi32, #tpu.memory_space<vmem>> -> memref<1x128xi32, #tpu.memory_space<vmem>>
        %dma_wait3A_246 = tpu.memref_squeeze %dma_wait3A_245 : memref<1x128xi32, #tpu.memory_space<vmem>> -> memref<128xi32, #tpu.memory_space<vmem>>
        %dma_wait3A_247 = arith.constant 0 : i32
        %dma_wait3A_248 = arith.constant 0 : i32
        %dma_wait3A_249 = tpu.memref_slice %arg2[%dma_wait3A_247, %dma_wait3A_248] : memref<10000x128xf32, #tpu.memory_space<hbm>> -> memref<10000x128xf32, #tpu.memory_space<hbm>>
        tpu.wait_indirect_dma semaphore(%arg25 : memref<!tpu.dma_semaphore, #tpu.memory_space<semaphore_mem>>) src(%dma_wait3A_249 : memref<10000x128xf32, #tpu.memory_space<hbm>>) dst(%arg15 : memref<128x128xf32, #tpu.memory_space<vmem>>)
        %dma_start3A_250 = arith.constant 1 : i32
        %dma_start3A_251 = arith.constant 0 : i32
        %dma_start3A_252 = tpu.memref_slice %arg9[%dma_start3A_250, %dma_start3A_251] : memref<2x128xi32, #tpu.memory_space<vmem>> -> memref<1x128xi32, #tpu.memory_space<vmem>>
        %dma_start3A_253 = tpu.memref_squeeze %dma_start3A_252 : memref<1x128xi32, #tpu.memory_space<vmem>> -> memref<128xi32, #tpu.memory_space<vmem>>
        %dma_start3A_254 = arith.constant 0 : i32
        %dma_start3A_255 = arith.constant 0 : i32
        %dma_start3A_256 = tpu.memref_slice %arg16[%dma_start3A_254, %dma_start3A_255] : memref<10000x128xf32, #tpu.memory_space<vmem_shared>> -> memref<10000x128xf32, #tpu.memory_space<vmem_shared>>
        tpu.enqueue_indirect_dma source(%arg15 : memref<128x128xf32, #tpu.memory_space<vmem>>) target(%dma_start3A_256 : memref<10000x128xf32, #tpu.memory_space<vmem_shared>>) offsets(%dma_start3A_253 : memref<128xi32, #tpu.memory_space<vmem>>) semaphore(%arg28 : memref<!tpu.dma_semaphore, #tpu.memory_space<semaphore_mem>>) {add = true}
        %mul3A_257 = arith.constant 6 : i32
        %mul3A_258 = arith.muli %mul3A_257, %scan3A_105 : i32
        %add3A_259 = arith.constant 3 : i32
        %add3A_260 = arith.addi %mul3A_258, %add3A_259 : i32
        %dma_wait3A_261 = arith.constant 1 : i32
        %dma_wait3A_262 = arith.constant 0 : i32
        %dma_wait3A_263 = tpu.memref_slice %arg8[%dma_wait3A_261, %dma_wait3A_262] : memref<2x128xi32, #tpu.memory_space<vmem>> -> memref<1x128xi32, #tpu.memory_space<vmem>>
        %dma_wait3A_264 = tpu.memref_squeeze %dma_wait3A_263 : memref<1x128xi32, #tpu.memory_space<vmem>> -> memref<128xi32, #tpu.memory_space<vmem>>
        %dma_wait3A_265 = arith.constant 0 : i32
        %dma_wait3A_266 = arith.constant 0 : i32
        %dma_wait3A_267 = tpu.memref_slice %arg16[%dma_wait3A_265, %dma_wait3A_266] : memref<10000x128xf32, #tpu.memory_space<vmem_shared>> -> memref<10000x128xf32, #tpu.memory_space<vmem_shared>>
        tpu.wait_indirect_dma semaphore(%arg27 : memref<!tpu.dma_semaphore, #tpu.memory_space<semaphore_mem>>) src(%arg14 : memref<128x128xf32, #tpu.memory_space<vmem>>) dst(%dma_wait3A_267 : memref<10000x128xf32, #tpu.memory_space<vmem_shared>>)
        %add3A_268 = arith.constant 1 : i32
        %add3A_269 = arith.addi %add3A_260, %add3A_268 : i32
        %mul3A_270 = arith.constant 16 : i32
        %mul3A_271 = arith.muli %add3A_269, %mul3A_270 : i32
        %add3A_272 = arith.addi %arg1, %mul3A_271 : i32
        %mul3A_273 = arith.constant 128 : i32
        %mul3A_274 = arith.muli %add3A_272, %mul3A_273 : i32
        %dma_wait3A_275 = arith.constant 0 : i32
        %dma_wait3A_276 = tpu.memref_slice %arg4[%dma_wait3A_275, %mul3A_274] : memref<2x320000xi32, #tpu.memory_space<hbm>> -> memref<2x128xi32, #tpu.memory_space<hbm>>
        %dma_wait3A_277 = arith.constant 0 : i32
        %dma_wait3A_278 = tpu.memref_slice %arg4[%dma_wait3A_277, %mul3A_274] : memref<2x320000xi32, #tpu.memory_space<hbm>> -> memref<2x128xi32, #tpu.memory_space<hbm>>
        tpu.wait_dma2 semaphore(%arg21 : memref<!tpu.dma_semaphore, #tpu.memory_space<semaphore_mem>>) src(%dma_wait3A_278 : memref<2x128xi32, #tpu.memory_space<hbm>>) dst(%arg11 : memref<2x128xi32, #tpu.memory_space<vmem>>)
        %dma_start3A_279 = arith.constant 0 : i32
        %dma_start3A_280 = arith.constant 0 : i32
        %dma_start3A_281 = tpu.memref_slice %arg11[%dma_start3A_279, %dma_start3A_280] : memref<2x128xi32, #tpu.memory_space<vmem>> -> memref<1x128xi32, #tpu.memory_space<vmem>>
        %dma_start3A_282 = tpu.memref_squeeze %dma_start3A_281 : memref<1x128xi32, #tpu.memory_space<vmem>> -> memref<128xi32, #tpu.memory_space<vmem>>
        %dma_start3A_283 = arith.constant 0 : i32
        %dma_start3A_284 = arith.constant 0 : i32
        %dma_start3A_285 = tpu.memref_slice %arg2[%dma_start3A_283, %dma_start3A_284] : memref<10000x128xf32, #tpu.memory_space<hbm>> -> memref<10000x128xf32, #tpu.memory_space<hbm>>
        tpu.enqueue_indirect_dma source(%dma_start3A_285 : memref<10000x128xf32, #tpu.memory_space<hbm>>) target(%arg14 : memref<128x128xf32, #tpu.memory_space<vmem>>) offsets(%dma_start3A_282 : memref<128xi32, #tpu.memory_space<vmem>>) semaphore(%arg24 : memref<!tpu.dma_semaphore, #tpu.memory_space<semaphore_mem>>)
        %lt3A_286 = arith.constant 25 : i32
        %lt3A_287 = arith.cmpi slt, %scan3A_105, %lt3A_286 : i32
        %convert_element_type3A_288 = arith.extui %lt3A_287 : i1 to i32
        %cond3A_289 = arith.constant 0 : i32
        %cond3A_290 = arith.cmpi ne, %convert_element_type3A_288, %cond3A_289 : i32
        scf.if %cond3A_290 {
          %add3A_388 = arith.constant 4 : i32
          %add3A_389 = arith.addi %add3A_260, %add3A_388 : i32
          %mul3A_390 = arith.constant 16 : i32
          %mul3A_391 = arith.muli %add3A_389, %mul3A_390 : i32
          %add3A_392 = arith.addi %arg1, %mul3A_391 : i32
          %mul3A_393 = arith.constant 128 : i32
          %mul3A_394 = arith.muli %add3A_392, %mul3A_393 : i32
          %dma_start3A_395 = arith.constant 0 : i32
          %dma_start3A_396 = tpu.memref_slice %arg4[%dma_start3A_395, %mul3A_394] : memref<2x320000xi32, #tpu.memory_space<hbm>> -> memref<2x128xi32, #tpu.memory_space<hbm>>
          %dma_start3A_397 = arith.constant 0 : i32
          %dma_start3A_398 = tpu.memref_slice %arg4[%dma_start3A_397, %mul3A_394] : memref<2x320000xi32, #tpu.memory_space<hbm>> -> memref<2x128xi32, #tpu.memory_space<hbm>>
          tpu.enqueue_dma source(%dma_start3A_398 : memref<2x128xi32, #tpu.memory_space<hbm>>) target(%arg8 : memref<2x128xi32, #tpu.memory_space<vmem>>) target_semaphore(%arg18 : memref<!tpu.dma_semaphore, #tpu.memory_space<semaphore_mem>>)
        } else {
        }
        %dma_wait3A_291 = arith.constant 0 : i32
        %dma_wait3A_292 = arith.constant 0 : i32
        %dma_wait3A_293 = tpu.memref_slice %arg10[%dma_wait3A_291, %dma_wait3A_292] : memref<2x128xi32, #tpu.memory_space<vmem>> -> memref<1x128xi32, #tpu.memory_space<vmem>>
        %dma_wait3A_294 = tpu.memref_squeeze %dma_wait3A_293 : memref<1x128xi32, #tpu.memory_space<vmem>> -> memref<128xi32, #tpu.memory_space<vmem>>
        %dma_wait3A_295 = arith.constant 0 : i32
        %dma_wait3A_296 = arith.constant 0 : i32
        %dma_wait3A_297 = tpu.memref_slice %arg2[%dma_wait3A_295, %dma_wait3A_296] : memref<10000x128xf32, #tpu.memory_space<hbm>> -> memref<10000x128xf32, #tpu.memory_space<hbm>>
        tpu.wait_indirect_dma semaphore(%arg23 : memref<!tpu.dma_semaphore, #tpu.memory_space<semaphore_mem>>) src(%dma_wait3A_297 : memref<10000x128xf32, #tpu.memory_space<hbm>>) dst(%arg13 : memref<128x128xf32, #tpu.memory_space<vmem>>)
        %dma_start3A_298 = arith.constant 1 : i32
        %dma_start3A_299 = arith.constant 0 : i32
        %dma_start3A_300 = tpu.memref_slice %arg10[%dma_start3A_298, %dma_start3A_299] : memref<2x128xi32, #tpu.memory_space<vmem>> -> memref<1x128xi32, #tpu.memory_space<vmem>>
        %dma_start3A_301 = tpu.memref_squeeze %dma_start3A_300 : memref<1x128xi32, #tpu.memory_space<vmem>> -> memref<128xi32, #tpu.memory_space<vmem>>
        %dma_start3A_302 = arith.constant 0 : i32
        %dma_start3A_303 = arith.constant 0 : i32
        %dma_start3A_304 = tpu.memref_slice %arg16[%dma_start3A_302, %dma_start3A_303] : memref<10000x128xf32, #tpu.memory_space<vmem_shared>> -> memref<10000x128xf32, #tpu.memory_space<vmem_shared>>
        tpu.enqueue_indirect_dma source(%arg13 : memref<128x128xf32, #tpu.memory_space<vmem>>) target(%dma_start3A_304 : memref<10000x128xf32, #tpu.memory_space<vmem_shared>>) offsets(%dma_start3A_301 : memref<128xi32, #tpu.memory_space<vmem>>) semaphore(%arg26 : memref<!tpu.dma_semaphore, #tpu.memory_space<semaphore_mem>>) {add = true}
        %mul3A_305 = arith.constant 6 : i32
        %mul3A_306 = arith.muli %mul3A_305, %scan3A_105 : i32
        %add3A_307 = arith.constant 4 : i32
        %add3A_308 = arith.addi %mul3A_306, %add3A_307 : i32
        %dma_wait3A_309 = arith.constant 1 : i32
        %dma_wait3A_310 = arith.constant 0 : i32
        %dma_wait3A_311 = tpu.memref_slice %arg9[%dma_wait3A_309, %dma_wait3A_310] : memref<2x128xi32, #tpu.memory_space<vmem>> -> memref<1x128xi32, #tpu.memory_space<vmem>>
        %dma_wait3A_312 = tpu.memref_squeeze %dma_wait3A_311 : memref<1x128xi32, #tpu.memory_space<vmem>> -> memref<128xi32, #tpu.memory_space<vmem>>
        %dma_wait3A_313 = arith.constant 0 : i32
        %dma_wait3A_314 = arith.constant 0 : i32
        %dma_wait3A_315 = tpu.memref_slice %arg16[%dma_wait3A_313, %dma_wait3A_314] : memref<10000x128xf32, #tpu.memory_space<vmem_shared>> -> memref<10000x128xf32, #tpu.memory_space<vmem_shared>>
        tpu.wait_indirect_dma semaphore(%arg28 : memref<!tpu.dma_semaphore, #tpu.memory_space<semaphore_mem>>) src(%arg15 : memref<128x128xf32, #tpu.memory_space<vmem>>) dst(%dma_wait3A_315 : memref<10000x128xf32, #tpu.memory_space<vmem_shared>>)
        %add3A_316 = arith.constant 1 : i32
        %add3A_317 = arith.addi %add3A_308, %add3A_316 : i32
        %mul3A_318 = arith.constant 16 : i32
        %mul3A_319 = arith.muli %add3A_317, %mul3A_318 : i32
        %add3A_320 = arith.addi %arg1, %mul3A_319 : i32
        %mul3A_321 = arith.constant 128 : i32
        %mul3A_322 = arith.muli %add3A_320, %mul3A_321 : i32
        %dma_wait3A_323 = arith.constant 0 : i32
        %dma_wait3A_324 = tpu.memref_slice %arg4[%dma_wait3A_323, %mul3A_322] : memref<2x320000xi32, #tpu.memory_space<hbm>> -> memref<2x128xi32, #tpu.memory_space<hbm>>
        %dma_wait3A_325 = arith.constant 0 : i32
        %dma_wait3A_326 = tpu.memref_slice %arg4[%dma_wait3A_325, %mul3A_322] : memref<2x320000xi32, #tpu.memory_space<hbm>> -> memref<2x128xi32, #tpu.memory_space<hbm>>
        tpu.wait_dma2 semaphore(%arg22 : memref<!tpu.dma_semaphore, #tpu.memory_space<semaphore_mem>>) src(%dma_wait3A_326 : memref<2x128xi32, #tpu.memory_space<hbm>>) dst(%arg12 : memref<2x128xi32, #tpu.memory_space<vmem>>)
        %dma_start3A_327 = arith.constant 0 : i32
        %dma_start3A_328 = arith.constant 0 : i32
        %dma_start3A_329 = tpu.memref_slice %arg12[%dma_start3A_327, %dma_start3A_328] : memref<2x128xi32, #tpu.memory_space<vmem>> -> memref<1x128xi32, #tpu.memory_space<vmem>>
        %dma_start3A_330 = tpu.memref_squeeze %dma_start3A_329 : memref<1x128xi32, #tpu.memory_space<vmem>> -> memref<128xi32, #tpu.memory_space<vmem>>
        %dma_start3A_331 = arith.constant 0 : i32
        %dma_start3A_332 = arith.constant 0 : i32
        %dma_start3A_333 = tpu.memref_slice %arg2[%dma_start3A_331, %dma_start3A_332] : memref<10000x128xf32, #tpu.memory_space<hbm>> -> memref<10000x128xf32, #tpu.memory_space<hbm>>
        tpu.enqueue_indirect_dma source(%dma_start3A_333 : memref<10000x128xf32, #tpu.memory_space<hbm>>) target(%arg15 : memref<128x128xf32, #tpu.memory_space<vmem>>) offsets(%dma_start3A_330 : memref<128xi32, #tpu.memory_space<vmem>>) semaphore(%arg25 : memref<!tpu.dma_semaphore, #tpu.memory_space<semaphore_mem>>)
        %lt3A_334 = arith.constant 25 : i32
        %lt3A_335 = arith.cmpi slt, %scan3A_105, %lt3A_334 : i32
        %convert_element_type3A_336 = arith.extui %lt3A_335 : i1 to i32
        %cond3A_337 = arith.constant 0 : i32
        %cond3A_338 = arith.cmpi ne, %convert_element_type3A_336, %cond3A_337 : i32
        scf.if %cond3A_338 {
          %add3A_388 = arith.constant 4 : i32
          %add3A_389 = arith.addi %add3A_308, %add3A_388 : i32
          %mul3A_390 = arith.constant 16 : i32
          %mul3A_391 = arith.muli %add3A_389, %mul3A_390 : i32
          %add3A_392 = arith.addi %arg1, %mul3A_391 : i32
          %mul3A_393 = arith.constant 128 : i32
          %mul3A_394 = arith.muli %add3A_392, %mul3A_393 : i32
          %dma_start3A_395 = arith.constant 0 : i32
          %dma_start3A_396 = tpu.memref_slice %arg4[%dma_start3A_395, %mul3A_394] : memref<2x320000xi32, #tpu.memory_space<hbm>> -> memref<2x128xi32, #tpu.memory_space<hbm>>
          %dma_start3A_397 = arith.constant 0 : i32
          %dma_start3A_398 = tpu.memref_slice %arg4[%dma_start3A_397, %mul3A_394] : memref<2x320000xi32, #tpu.memory_space<hbm>> -> memref<2x128xi32, #tpu.memory_space<hbm>>
          tpu.enqueue_dma source(%dma_start3A_398 : memref<2x128xi32, #tpu.memory_space<hbm>>) target(%arg9 : memref<2x128xi32, #tpu.memory_space<vmem>>) target_semaphore(%arg19 : memref<!tpu.dma_semaphore, #tpu.memory_space<semaphore_mem>>)
        } else {
        }
        %dma_wait3A_339 = arith.constant 0 : i32
        %dma_wait3A_340 = arith.constant 0 : i32
        %dma_wait3A_341 = tpu.memref_slice %arg11[%dma_wait3A_339, %dma_wait3A_340] : memref<2x128xi32, #tpu.memory_space<vmem>> -> memref<1x128xi32, #tpu.memory_space<vmem>>
        %dma_wait3A_342 = tpu.memref_squeeze %dma_wait3A_341 : memref<1x128xi32, #tpu.memory_space<vmem>> -> memref<128xi32, #tpu.memory_space<vmem>>
        %dma_wait3A_343 = arith.constant 0 : i32
        %dma_wait3A_344 = arith.constant 0 : i32
        %dma_wait3A_345 = tpu.memref_slice %arg2[%dma_wait3A_343, %dma_wait3A_344] : memref<10000x128xf32, #tpu.memory_space<hbm>> -> memref<10000x128xf32, #tpu.memory_space<hbm>>
        tpu.wait_indirect_dma semaphore(%arg24 : memref<!tpu.dma_semaphore, #tpu.memory_space<semaphore_mem>>) src(%dma_wait3A_345 : memref<10000x128xf32, #tpu.memory_space<hbm>>) dst(%arg14 : memref<128x128xf32, #tpu.memory_space<vmem>>)
        %dma_start3A_346 = arith.constant 1 : i32
        %dma_start3A_347 = arith.constant 0 : i32
        %dma_start3A_348 = tpu.memref_slice %arg11[%dma_start3A_346, %dma_start3A_347] : memref<2x128xi32, #tpu.memory_space<vmem>> -> memref<1x128xi32, #tpu.memory_space<vmem>>
        %dma_start3A_349 = tpu.memref_squeeze %dma_start3A_348 : memref<1x128xi32, #tpu.memory_space<vmem>> -> memref<128xi32, #tpu.memory_space<vmem>>
        %dma_start3A_350 = arith.constant 0 : i32
        %dma_start3A_351 = arith.constant 0 : i32
        %dma_start3A_352 = tpu.memref_slice %arg16[%dma_start3A_350, %dma_start3A_351] : memref<10000x128xf32, #tpu.memory_space<vmem_shared>> -> memref<10000x128xf32, #tpu.memory_space<vmem_shared>>
        tpu.enqueue_indirect_dma source(%arg14 : memref<128x128xf32, #tpu.memory_space<vmem>>) target(%dma_start3A_352 : memref<10000x128xf32, #tpu.memory_space<vmem_shared>>) offsets(%dma_start3A_349 : memref<128xi32, #tpu.memory_space<vmem>>) semaphore(%arg27 : memref<!tpu.dma_semaphore, #tpu.memory_space<semaphore_mem>>) {add = true}
        %mul3A_353 = arith.constant 6 : i32
        %mul3A_354 = arith.muli %mul3A_353, %scan3A_105 : i32
        %add3A_355 = arith.constant 5 : i32
        %add3A_356 = arith.addi %mul3A_354, %add3A_355 : i32
        %dma_wait3A_357 = arith.constant 1 : i32
        %dma_wait3A_358 = arith.constant 0 : i32
        %dma_wait3A_359 = tpu.memref_slice %arg10[%dma_wait3A_357, %dma_wait3A_358] : memref<2x128xi32, #tpu.memory_space<vmem>> -> memref<1x128xi32, #tpu.memory_space<vmem>>
        %dma_wait3A_360 = tpu.memref_squeeze %dma_wait3A_359 : memref<1x128xi32, #tpu.memory_space<vmem>> -> memref<128xi32, #tpu.memory_space<vmem>>
        %dma_wait3A_361 = arith.constant 0 : i32
        %dma_wait3A_362 = arith.constant 0 : i32
        %dma_wait3A_363 = tpu.memref_slice %arg16[%dma_wait3A_361, %dma_wait3A_362] : memref<10000x128xf32, #tpu.memory_space<vmem_shared>> -> memref<10000x128xf32, #tpu.memory_space<vmem_shared>>
        tpu.wait_indirect_dma semaphore(%arg26 : memref<!tpu.dma_semaphore, #tpu.memory_space<semaphore_mem>>) src(%arg13 : memref<128x128xf32, #tpu.memory_space<vmem>>) dst(%dma_wait3A_363 : memref<10000x128xf32, #tpu.memory_space<vmem_shared>>)
        %lt3A_364 = arith.constant 25 : i32
        %lt3A_365 = arith.cmpi slt, %scan3A_105, %lt3A_364 : i32
        %convert_element_type3A_366 = arith.extui %lt3A_365 : i1 to i32
        %cond3A_367 = arith.constant 0 : i32
        %cond3A_368 = arith.cmpi ne, %convert_element_type3A_366, %cond3A_367 : i32
        scf.if %cond3A_368 {
          %add3A_388 = arith.constant 1 : i32
          %add3A_389 = arith.addi %add3A_356, %add3A_388 : i32
          %mul3A_390 = arith.constant 16 : i32
          %mul3A_391 = arith.muli %add3A_389, %mul3A_390 : i32
          %add3A_392 = arith.addi %arg1, %mul3A_391 : i32
          %mul3A_393 = arith.constant 128 : i32
          %mul3A_394 = arith.muli %add3A_392, %mul3A_393 : i32
          %dma_wait3A_395 = arith.constant 0 : i32
          %dma_wait3A_396 = tpu.memref_slice %arg4[%dma_wait3A_395, %mul3A_394] : memref<2x320000xi32, #tpu.memory_space<hbm>> -> memref<2x128xi32, #tpu.memory_space<hbm>>
          %dma_wait3A_397 = arith.constant 0 : i32
          %dma_wait3A_398 = tpu.memref_slice %arg4[%dma_wait3A_397, %mul3A_394] : memref<2x320000xi32, #tpu.memory_space<hbm>> -> memref<2x128xi32, #tpu.memory_space<hbm>>
          tpu.wait_dma2 semaphore(%arg17 : memref<!tpu.dma_semaphore, #tpu.memory_space<semaphore_mem>>) src(%dma_wait3A_398 : memref<2x128xi32, #tpu.memory_space<hbm>>) dst(%arg7 : memref<2x128xi32, #tpu.memory_space<vmem>>)
          %dma_start3A_399 = arith.constant 0 : i32
          %dma_start3A_400 = arith.constant 0 : i32
          %dma_start3A_401 = tpu.memref_slice %arg7[%dma_start3A_399, %dma_start3A_400] : memref<2x128xi32, #tpu.memory_space<vmem>> -> memref<1x128xi32, #tpu.memory_space<vmem>>
          %dma_start3A_402 = tpu.memref_squeeze %dma_start3A_401 : memref<1x128xi32, #tpu.memory_space<vmem>> -> memref<128xi32, #tpu.memory_space<vmem>>
          %dma_start3A_403 = arith.constant 0 : i32
          %dma_start3A_404 = arith.constant 0 : i32
          %dma_start3A_405 = tpu.memref_slice %arg2[%dma_start3A_403, %dma_start3A_404] : memref<10000x128xf32, #tpu.memory_space<hbm>> -> memref<10000x128xf32, #tpu.memory_space<hbm>>
          tpu.enqueue_indirect_dma source(%dma_start3A_405 : memref<10000x128xf32, #tpu.memory_space<hbm>>) target(%arg13 : memref<128x128xf32, #tpu.memory_space<vmem>>) offsets(%dma_start3A_402 : memref<128xi32, #tpu.memory_space<vmem>>) semaphore(%arg23 : memref<!tpu.dma_semaphore, #tpu.memory_space<semaphore_mem>>)
        } else {
        }
        %lt3A_369 = arith.constant 25 : i32
        %lt3A_370 = arith.cmpi slt, %scan3A_105, %lt3A_369 : i32
        %convert_element_type3A_371 = arith.extui %lt3A_370 : i1 to i32
        %cond3A_372 = arith.constant 0 : i32
        %cond3A_373 = arith.cmpi ne, %convert_element_type3A_371, %cond3A_372 : i32
        scf.if %cond3A_373 {
          %add3A_388 = arith.constant 4 : i32
          %add3A_389 = arith.addi %add3A_356, %add3A_388 : i32
          %mul3A_390 = arith.constant 16 : i32
          %mul3A_391 = arith.muli %add3A_389, %mul3A_390 : i32
          %add3A_392 = arith.addi %arg1, %mul3A_391 : i32
          %mul3A_393 = arith.constant 128 : i32
          %mul3A_394 = arith.muli %add3A_392, %mul3A_393 : i32
          %dma_start3A_395 = arith.constant 0 : i32
          %dma_start3A_396 = tpu.memref_slice %arg4[%dma_start3A_395, %mul3A_394] : memref<2x320000xi32, #tpu.memory_space<hbm>> -> memref<2x128xi32, #tpu.memory_space<hbm>>
          %dma_start3A_397 = arith.constant 0 : i32
          %dma_start3A_398 = tpu.memref_slice %arg4[%dma_start3A_397, %mul3A_394] : memref<2x320000xi32, #tpu.memory_space<hbm>> -> memref<2x128xi32, #tpu.memory_space<hbm>>
          tpu.enqueue_dma source(%dma_start3A_398 : memref<2x128xi32, #tpu.memory_space<hbm>>) target(%arg10 : memref<2x128xi32, #tpu.memory_space<vmem>>) target_semaphore(%arg20 : memref<!tpu.dma_semaphore, #tpu.memory_space<semaphore_mem>>)
        } else {
        }
        %dma_wait3A_374 = arith.constant 0 : i32
        %dma_wait3A_375 = arith.constant 0 : i32
        %dma_wait3A_376 = tpu.memref_slice %arg12[%dma_wait3A_374, %dma_wait3A_375] : memref<2x128xi32, #tpu.memory_space<vmem>> -> memref<1x128xi32, #tpu.memory_space<vmem>>
        %dma_wait3A_377 = tpu.memref_squeeze %dma_wait3A_376 : memref<1x128xi32, #tpu.memory_space<vmem>> -> memref<128xi32, #tpu.memory_space<vmem>>
        %dma_wait3A_378 = arith.constant 0 : i32
        %dma_wait3A_379 = arith.constant 0 : i32
        %dma_wait3A_380 = tpu.memref_slice %arg2[%dma_wait3A_378, %dma_wait3A_379] : memref<10000x128xf32, #tpu.memory_space<hbm>> -> memref<10000x128xf32, #tpu.memory_space<hbm>>
        tpu.wait_indirect_dma semaphore(%arg25 : memref<!tpu.dma_semaphore, #tpu.memory_space<semaphore_mem>>) src(%dma_wait3A_380 : memref<10000x128xf32, #tpu.memory_space<hbm>>) dst(%arg15 : memref<128x128xf32, #tpu.memory_space<vmem>>)
        %dma_start3A_381 = arith.constant 1 : i32
        %dma_start3A_382 = arith.constant 0 : i32
        %dma_start3A_383 = tpu.memref_slice %arg12[%dma_start3A_381, %dma_start3A_382] : memref<2x128xi32, #tpu.memory_space<vmem>> -> memref<1x128xi32, #tpu.memory_space<vmem>>
        %dma_start3A_384 = tpu.memref_squeeze %dma_start3A_383 : memref<1x128xi32, #tpu.memory_space<vmem>> -> memref<128xi32, #tpu.memory_space<vmem>>
        %dma_start3A_385 = arith.constant 0 : i32
        %dma_start3A_386 = arith.constant 0 : i32
        %dma_start3A_387 = tpu.memref_slice %arg16[%dma_start3A_385, %dma_start3A_386] : memref<10000x128xf32, #tpu.memory_space<vmem_shared>> -> memref<10000x128xf32, #tpu.memory_space<vmem_shared>>
        tpu.enqueue_indirect_dma source(%arg15 : memref<128x128xf32, #tpu.memory_space<vmem>>) target(%dma_start3A_387 : memref<10000x128xf32, #tpu.memory_space<vmem_shared>>) offsets(%dma_start3A_384 : memref<128xi32, #tpu.memory_space<vmem>>) semaphore(%arg28 : memref<!tpu.dma_semaphore, #tpu.memory_space<semaphore_mem>>) {add = true}
      }
      %scan3A_85 = arith.constant 26 : i32
      %dma_wait3A_86 = arith.constant 1 : i32
      %dma_wait3A_87 = arith.constant 0 : i32
      %dma_wait3A_88 = tpu.memref_slice %arg11[%dma_wait3A_86, %dma_wait3A_87] : memref<2x128xi32, #tpu.memory_space<vmem>> -> memref<1x128xi32, #tpu.memory_space<vmem>>
      %dma_wait3A_89 = tpu.memref_squeeze %dma_wait3A_88 : memref<1x128xi32, #tpu.memory_space<vmem>> -> memref<128xi32, #tpu.memory_space<vmem>>
      %dma_wait3A_90 = arith.constant 0 : i32
      %dma_wait3A_91 = arith.constant 0 : i32
      %dma_wait3A_92 = tpu.memref_slice %arg16[%dma_wait3A_90, %dma_wait3A_91] : memref<10000x128xf32, #tpu.memory_space<vmem_shared>> -> memref<10000x128xf32, #tpu.memory_space<vmem_shared>>
      tpu.wait_indirect_dma semaphore(%arg27 : memref<!tpu.dma_semaphore, #tpu.memory_space<semaphore_mem>>) src(%arg14 : memref<128x128xf32, #tpu.memory_space<vmem>>) dst(%dma_wait3A_92 : memref<10000x128xf32, #tpu.memory_space<vmem_shared>>)
      %dma_wait3A_93 = arith.constant 1 : i32
      %dma_wait3A_94 = arith.constant 0 : i32
      %dma_wait3A_95 = tpu.memref_slice %arg12[%dma_wait3A_93, %dma_wait3A_94] : memref<2x128xi32, #tpu.memory_space<vmem>> -> memref<1x128xi32, #tpu.memory_space<vmem>>
      %dma_wait3A_96 = tpu.memref_squeeze %dma_wait3A_95 : memref<1x128xi32, #tpu.memory_space<vmem>> -> memref<128xi32, #tpu.memory_space<vmem>>
      %dma_wait3A_97 = arith.constant 0 : i32
      %dma_wait3A_98 = arith.constant 0 : i32
      %dma_wait3A_99 = tpu.memref_slice %arg16[%dma_wait3A_97, %dma_wait3A_98] : memref<10000x128xf32, #tpu.memory_space<vmem_shared>> -> memref<10000x128xf32, #tpu.memory_space<vmem_shared>>
      tpu.wait_indirect_dma semaphore(%arg28 : memref<!tpu.dma_semaphore, #tpu.memory_space<semaphore_mem>>) src(%arg15 : memref<128x128xf32, #tpu.memory_space<vmem>>) dst(%dma_wait3A_99 : memref<10000x128xf32, #tpu.memory_space<vmem_shared>>)
      %lt3A_100 = arith.constant 4 : i32
      %lt3A_101 = arith.cmpi slt, %arg1, %lt3A_100 : i32
      %convert_element_type3A_102 = arith.extui %lt3A_101 : i1 to i32
      %cond3A_103 = arith.constant 0 : i32
      %cond3A_104 = arith.cmpi ne, %convert_element_type3A_102, %cond3A_103 : i32
      scf.if %cond3A_104 {
        %add3A_105 = arith.constant 2496 : i32
        %add3A_106 = arith.addi %add3A_105, %arg1 : i32
        %mul3A_107 = arith.constant 128 : i32
        %mul3A_108 = arith.muli %add3A_106, %mul3A_107 : i32
        "tpu.region"() ({
          %run_scoped3A = tpu.sem_alloc : memref<!tpu.dma_semaphore, #tpu.memory_space<semaphore_mem>>
          %dma_start3A_137 = arith.constant 0 : i32
          %dma_start3A_138 = tpu.memref_slice %arg4[%dma_start3A_137, %mul3A_108] : memref<2x320000xi32, #tpu.memory_space<hbm>> -> memref<2x128xi32, #tpu.memory_space<hbm>>
          %dma_start3A_139 = arith.constant 0 : i32
          %dma_start3A_140 = tpu.memref_slice %arg4[%dma_start3A_139, %mul3A_108] : memref<2x320000xi32, #tpu.memory_space<hbm>> -> memref<2x128xi32, #tpu.memory_space<hbm>>
          tpu.enqueue_dma source(%dma_start3A_140 : memref<2x128xi32, #tpu.memory_space<hbm>>) target(%arg7 : memref<2x128xi32, #tpu.memory_space<vmem>>) target_semaphore(%run_scoped3A : memref<!tpu.dma_semaphore, #tpu.memory_space<semaphore_mem>>)
          %dma_wait3A_141 = arith.constant 0 : i32
          %dma_wait3A_142 = tpu.memref_slice %arg4[%dma_wait3A_141, %mul3A_108] : memref<2x320000xi32, #tpu.memory_space<hbm>> -> memref<2x128xi32, #tpu.memory_space<hbm>>
          %dma_wait3A_143 = arith.constant 0 : i32
          %dma_wait3A_144 = tpu.memref_slice %arg4[%dma_wait3A_143, %mul3A_108] : memref<2x320000xi32, #tpu.memory_space<hbm>> -> memref<2x128xi32, #tpu.memory_space<hbm>>
          tpu.wait_dma2 semaphore(%run_scoped3A : memref<!tpu.dma_semaphore, #tpu.memory_space<semaphore_mem>>) src(%dma_wait3A_144 : memref<2x128xi32, #tpu.memory_space<hbm>>) dst(%arg7 : memref<2x128xi32, #tpu.memory_space<vmem>>)
          tpu.yield
        }) : () -> ()
        %dma_start3A_109 = arith.constant 0 : i32
        %dma_start3A_110 = arith.constant 0 : i32
        %dma_start3A_111 = tpu.memref_slice %arg7[%dma_start3A_109, %dma_start3A_110] : memref<2x128xi32, #tpu.memory_space<vmem>> -> memref<1x128xi32, #tpu.memory_space<vmem>>
        %dma_start3A_112 = tpu.memref_squeeze %dma_start3A_111 : memref<1x128xi32, #tpu.memory_space<vmem>> -> memref<128xi32, #tpu.memory_space<vmem>>
        %dma_start3A_113 = arith.constant 0 : i32
        %dma_start3A_114 = arith.constant 0 : i32
        %dma_start3A_115 = tpu.memref_slice %arg2[%dma_start3A_113, %dma_start3A_114] : memref<10000x128xf32, #tpu.memory_space<hbm>> -> memref<10000x128xf32, #tpu.memory_space<hbm>>
        tpu.enqueue_indirect_dma source(%dma_start3A_115 : memref<10000x128xf32, #tpu.memory_space<hbm>>) target(%arg13 : memref<128x128xf32, #tpu.memory_space<vmem>>) offsets(%dma_start3A_112 : memref<128xi32, #tpu.memory_space<vmem>>) semaphore(%arg23 : memref<!tpu.dma_semaphore, #tpu.memory_space<semaphore_mem>>)
        %dma_wait3A_116 = arith.constant 0 : i32
        %dma_wait3A_117 = arith.constant 0 : i32
        %dma_wait3A_118 = tpu.memref_slice %arg7[%dma_wait3A_116, %dma_wait3A_117] : memref<2x128xi32, #tpu.memory_space<vmem>> -> memref<1x128xi32, #tpu.memory_space<vmem>>
        %dma_wait3A_119 = tpu.memref_squeeze %dma_wait3A_118 : memref<1x128xi32, #tpu.memory_space<vmem>> -> memref<128xi32, #tpu.memory_space<vmem>>
        %dma_wait3A_120 = arith.constant 0 : i32
        %dma_wait3A_121 = arith.constant 0 : i32
        %dma_wait3A_122 = tpu.memref_slice %arg2[%dma_wait3A_120, %dma_wait3A_121] : memref<10000x128xf32, #tpu.memory_space<hbm>> -> memref<10000x128xf32, #tpu.memory_space<hbm>>
        tpu.wait_indirect_dma semaphore(%arg23 : memref<!tpu.dma_semaphore, #tpu.memory_space<semaphore_mem>>) src(%dma_wait3A_122 : memref<10000x128xf32, #tpu.memory_space<hbm>>) dst(%arg13 : memref<128x128xf32, #tpu.memory_space<vmem>>)
        %dma_start3A_123 = arith.constant 1 : i32
        %dma_start3A_124 = arith.constant 0 : i32
        %dma_start3A_125 = tpu.memref_slice %arg7[%dma_start3A_123, %dma_start3A_124] : memref<2x128xi32, #tpu.memory_space<vmem>> -> memref<1x128xi32, #tpu.memory_space<vmem>>
        %dma_start3A_126 = tpu.memref_squeeze %dma_start3A_125 : memref<1x128xi32, #tpu.memory_space<vmem>> -> memref<128xi32, #tpu.memory_space<vmem>>
        %dma_start3A_127 = arith.constant 0 : i32
        %dma_start3A_128 = arith.constant 0 : i32
        %dma_start3A_129 = tpu.memref_slice %arg16[%dma_start3A_127, %dma_start3A_128] : memref<10000x128xf32, #tpu.memory_space<vmem_shared>> -> memref<10000x128xf32, #tpu.memory_space<vmem_shared>>
        tpu.enqueue_indirect_dma source(%arg13 : memref<128x128xf32, #tpu.memory_space<vmem>>) target(%dma_start3A_129 : memref<10000x128xf32, #tpu.memory_space<vmem_shared>>) offsets(%dma_start3A_126 : memref<128xi32, #tpu.memory_space<vmem>>) semaphore(%arg26 : memref<!tpu.dma_semaphore, #tpu.memory_space<semaphore_mem>>) {add = true}
        %dma_wait3A_130 = arith.constant 1 : i32
        %dma_wait3A_131 = arith.constant 0 : i32
        %dma_wait3A_132 = tpu.memref_slice %arg7[%dma_wait3A_130, %dma_wait3A_131] : memref<2x128xi32, #tpu.memory_space<vmem>> -> memref<1x128xi32, #tpu.memory_space<vmem>>
        %dma_wait3A_133 = tpu.memref_squeeze %dma_wait3A_132 : memref<1x128xi32, #tpu.memory_space<vmem>> -> memref<128xi32, #tpu.memory_space<vmem>>
        %dma_wait3A_134 = arith.constant 0 : i32
        %dma_wait3A_135 = arith.constant 0 : i32
        %dma_wait3A_136 = tpu.memref_slice %arg16[%dma_wait3A_134, %dma_wait3A_135] : memref<10000x128xf32, #tpu.memory_space<vmem_shared>> -> memref<10000x128xf32, #tpu.memory_space<vmem_shared>>
        tpu.wait_indirect_dma semaphore(%arg26 : memref<!tpu.dma_semaphore, #tpu.memory_space<semaphore_mem>>) src(%arg13 : memref<128x128xf32, #tpu.memory_space<vmem>>) dst(%dma_wait3A_136 : memref<10000x128xf32, #tpu.memory_space<vmem_shared>>)
      } else {
      }
    } else {
    }
    %barrier3A_24 = arith.constant 0 : index
    tpu.barrier barrier_id(%barrier3A_24)
    %eq3A_25 = arith.constant 0 : i32
    %eq3A_26 = arith.cmpi eq, %arg0, %eq3A_25 : i32
    %convert_element_type3A_27 = arith.extui %eq3A_26 : i1 to i32
    %cond3A_28 = arith.constant 0 : i32
    %cond3A_29 = arith.cmpi ne, %convert_element_type3A_27, %cond3A_28 : i32
    scf.if %cond3A_29 {
      %lt3A_35 = arith.constant 15 : i32
      %lt3A_36 = arith.cmpi slt, %arg1, %lt3A_35 : i32
      %convert_element_type3A_37 = arith.extui %lt3A_36 : i1 to i32
      %cond3A_38 = arith.constant 0 : i32
      %cond3A_39 = arith.cmpi ne, %convert_element_type3A_37, %cond3A_38 : i32
      scf.if %cond3A_39 {
        %add3A_45 = arith.constant 0 : i32
        %add3A_46 = arith.addi %mul3A_2, %add3A_45 : i32
        %add3A_47 = arith.constant 0 : i32
        %add3A_48 = arith.addi %add3A_47, %mul3A_2 : i32
        %add3A_49 = arith.constant 0 : i32
        %add3A_50 = arith.addi %add3A_48, %add3A_49 : i32
        %dma_start3A = arith.constant 0 : i32
        %dma_start3A_51 = tpu.memref_slice %arg5[%add3A_50, %dma_start3A] : memref<10000x128xf32, #tpu.memory_space<hbm>> -> memref<128x128xf32, #tpu.memory_space<hbm>>
        %dma_start3A_52 = arith.constant 0 : i32
        %dma_start3A_53 = tpu.memref_slice %arg16[%add3A_46, %dma_start3A_52] : memref<10000x128xf32, #tpu.memory_space<vmem_shared>> -> memref<128x128xf32, #tpu.memory_space<vmem_shared>>
        tpu.enqueue_dma source(%dma_start3A_53 : memref<128x128xf32, #tpu.memory_space<vmem_shared>>) target(%dma_start3A_51 : memref<128x128xf32, #tpu.memory_space<hbm>>) target_semaphore(%arg17 : memref<!tpu.dma_semaphore, #tpu.memory_space<semaphore_mem>>)
        %add3A_54 = arith.constant 128 : i32
        %add3A_55 = arith.addi %mul3A_2, %add3A_54 : i32
        %add3A_56 = arith.constant 0 : i32
        %add3A_57 = arith.addi %add3A_56, %mul3A_2 : i32
        %add3A_58 = arith.constant 128 : i32
        %add3A_59 = arith.addi %add3A_57, %add3A_58 : i32
        %dma_start3A_60 = arith.constant 0 : i32
        %dma_start3A_61 = tpu.memref_slice %arg5[%add3A_59, %dma_start3A_60] : memref<10000x128xf32, #tpu.memory_space<hbm>> -> memref<128x128xf32, #tpu.memory_space<hbm>>
        %dma_start3A_62 = arith.constant 0 : i32
        %dma_start3A_63 = tpu.memref_slice %arg16[%add3A_55, %dma_start3A_62] : memref<10000x128xf32, #tpu.memory_space<vmem_shared>> -> memref<128x128xf32, #tpu.memory_space<vmem_shared>>
        tpu.enqueue_dma source(%dma_start3A_63 : memref<128x128xf32, #tpu.memory_space<vmem_shared>>) target(%dma_start3A_61 : memref<128x128xf32, #tpu.memory_space<hbm>>) target_semaphore(%arg18 : memref<!tpu.dma_semaphore, #tpu.memory_space<semaphore_mem>>)
        %add3A_64 = arith.constant 256 : i32
        %add3A_65 = arith.addi %mul3A_2, %add3A_64 : i32
        %add3A_66 = arith.constant 0 : i32
        %add3A_67 = arith.addi %add3A_66, %mul3A_2 : i32
        %add3A_68 = arith.constant 256 : i32
        %add3A_69 = arith.addi %add3A_67, %add3A_68 : i32
        %dma_start3A_70 = arith.constant 0 : i32
        %dma_start3A_71 = tpu.memref_slice %arg5[%add3A_69, %dma_start3A_70] : memref<10000x128xf32, #tpu.memory_space<hbm>> -> memref<128x128xf32, #tpu.memory_space<hbm>>
        %dma_start3A_72 = arith.constant 0 : i32
        %dma_start3A_73 = tpu.memref_slice %arg16[%add3A_65, %dma_start3A_72] : memref<10000x128xf32, #tpu.memory_space<vmem_shared>> -> memref<128x128xf32, #tpu.memory_space<vmem_shared>>
        tpu.enqueue_dma source(%dma_start3A_73 : memref<128x128xf32, #tpu.memory_space<vmem_shared>>) target(%dma_start3A_71 : memref<128x128xf32, #tpu.memory_space<hbm>>) target_semaphore(%arg19 : memref<!tpu.dma_semaphore, #tpu.memory_space<semaphore_mem>>)
        %add3A_74 = arith.constant 384 : i32
        %add3A_75 = arith.addi %mul3A_2, %add3A_74 : i32
        %add3A_76 = arith.constant 0 : i32
        %add3A_77 = arith.addi %add3A_76, %mul3A_2 : i32
        %add3A_78 = arith.constant 384 : i32
        %add3A_79 = arith.addi %add3A_77, %add3A_78 : i32
        %dma_start3A_80 = arith.constant 0 : i32
        %dma_start3A_81 = tpu.memref_slice %arg5[%add3A_79, %dma_start3A_80] : memref<10000x128xf32, #tpu.memory_space<hbm>> -> memref<128x128xf32, #tpu.memory_space<hbm>>
        %dma_start3A_82 = arith.constant 0 : i32
        %dma_start3A_83 = tpu.memref_slice %arg16[%add3A_75, %dma_start3A_82] : memref<10000x128xf32, #tpu.memory_space<vmem_shared>> -> memref<128x128xf32, #tpu.memory_space<vmem_shared>>
        tpu.enqueue_dma source(%dma_start3A_83 : memref<128x128xf32, #tpu.memory_space<vmem_shared>>) target(%dma_start3A_81 : memref<128x128xf32, #tpu.memory_space<hbm>>) target_semaphore(%arg20 : memref<!tpu.dma_semaphore, #tpu.memory_space<semaphore_mem>>)
        %add3A_84 = arith.constant 512 : i32
        %add3A_85 = arith.addi %mul3A_2, %add3A_84 : i32
        %add3A_86 = arith.constant 0 : i32
        %add3A_87 = arith.addi %add3A_86, %mul3A_2 : i32
        %add3A_88 = arith.constant 512 : i32
        %add3A_89 = arith.addi %add3A_87, %add3A_88 : i32
        %dma_start3A_90 = arith.constant 0 : i32
        %dma_start3A_91 = tpu.memref_slice %arg5[%add3A_89, %dma_start3A_90] : memref<10000x128xf32, #tpu.memory_space<hbm>> -> memref<120x128xf32, #tpu.memory_space<hbm>>
        %dma_start3A_92 = arith.constant 0 : i32
        %dma_start3A_93 = tpu.memref_slice %arg16[%add3A_85, %dma_start3A_92] : memref<10000x128xf32, #tpu.memory_space<vmem_shared>> -> memref<120x128xf32, #tpu.memory_space<vmem_shared>>
        tpu.enqueue_dma source(%dma_start3A_93 : memref<120x128xf32, #tpu.memory_space<vmem_shared>>) target(%dma_start3A_91 : memref<120x128xf32, #tpu.memory_space<hbm>>) target_semaphore(%arg21 : memref<!tpu.dma_semaphore, #tpu.memory_space<semaphore_mem>>)
        %dma_wait3A = arith.constant 0 : i32
        %dma_wait3A_94 = tpu.memref_slice %arg5[%add3A_50, %dma_wait3A] : memref<10000x128xf32, #tpu.memory_space<hbm>> -> memref<128x128xf32, #tpu.memory_space<hbm>>
        %dma_wait3A_95 = arith.constant 0 : i32
        %dma_wait3A_96 = tpu.memref_slice %arg16[%add3A_46, %dma_wait3A_95] : memref<10000x128xf32, #tpu.memory_space<vmem_shared>> -> memref<128x128xf32, #tpu.memory_space<vmem_shared>>
        tpu.wait_dma2 semaphore(%arg17 : memref<!tpu.dma_semaphore, #tpu.memory_space<semaphore_mem>>) src(%dma_wait3A_96 : memref<128x128xf32, #tpu.memory_space<vmem_shared>>) dst(%dma_wait3A_94 : memref<128x128xf32, #tpu.memory_space<hbm>>)
        %dma_wait3A_97 = arith.constant 0 : i32
        %dma_wait3A_98 = tpu.memref_slice %arg5[%add3A_59, %dma_wait3A_97] : memref<10000x128xf32, #tpu.memory_space<hbm>> -> memref<128x128xf32, #tpu.memory_space<hbm>>
        %dma_wait3A_99 = arith.constant 0 : i32
        %dma_wait3A_100 = tpu.memref_slice %arg16[%add3A_55, %dma_wait3A_99] : memref<10000x128xf32, #tpu.memory_space<vmem_shared>> -> memref<128x128xf32, #tpu.memory_space<vmem_shared>>
        tpu.wait_dma2 semaphore(%arg18 : memref<!tpu.dma_semaphore, #tpu.memory_space<semaphore_mem>>) src(%dma_wait3A_100 : memref<128x128xf32, #tpu.memory_space<vmem_shared>>) dst(%dma_wait3A_98 : memref<128x128xf32, #tpu.memory_space<hbm>>)
        %dma_wait3A_101 = arith.constant 0 : i32
        %dma_wait3A_102 = tpu.memref_slice %arg5[%add3A_69, %dma_wait3A_101] : memref<10000x128xf32, #tpu.memory_space<hbm>> -> memref<128x128xf32, #tpu.memory_space<hbm>>
        %dma_wait3A_103 = arith.constant 0 : i32
        %dma_wait3A_104 = tpu.memref_slice %arg16[%add3A_65, %dma_wait3A_103] : memref<10000x128xf32, #tpu.memory_space<vmem_shared>> -> memref<128x128xf32, #tpu.memory_space<vmem_shared>>
        tpu.wait_dma2 semaphore(%arg19 : memref<!tpu.dma_semaphore, #tpu.memory_space<semaphore_mem>>) src(%dma_wait3A_104 : memref<128x128xf32, #tpu.memory_space<vmem_shared>>) dst(%dma_wait3A_102 : memref<128x128xf32, #tpu.memory_space<hbm>>)
        %dma_wait3A_105 = arith.constant 0 : i32
        %dma_wait3A_106 = tpu.memref_slice %arg5[%add3A_79, %dma_wait3A_105] : memref<10000x128xf32, #tpu.memory_space<hbm>> -> memref<128x128xf32, #tpu.memory_space<hbm>>
        %dma_wait3A_107 = arith.constant 0 : i32
        %dma_wait3A_108 = tpu.memref_slice %arg16[%add3A_75, %dma_wait3A_107] : memref<10000x128xf32, #tpu.memory_space<vmem_shared>> -> memref<128x128xf32, #tpu.memory_space<vmem_shared>>
        tpu.wait_dma2 semaphore(%arg20 : memref<!tpu.dma_semaphore, #tpu.memory_space<semaphore_mem>>) src(%dma_wait3A_108 : memref<128x128xf32, #tpu.memory_space<vmem_shared>>) dst(%dma_wait3A_106 : memref<128x128xf32, #tpu.memory_space<hbm>>)
        %dma_wait3A_109 = arith.constant 0 : i32
        %dma_wait3A_110 = tpu.memref_slice %arg5[%add3A_89, %dma_wait3A_109] : memref<10000x128xf32, #tpu.memory_space<hbm>> -> memref<120x128xf32, #tpu.memory_space<hbm>>
        %dma_wait3A_111 = arith.constant 0 : i32
        %dma_wait3A_112 = tpu.memref_slice %arg16[%add3A_85, %dma_wait3A_111] : memref<10000x128xf32, #tpu.memory_space<vmem_shared>> -> memref<120x128xf32, #tpu.memory_space<vmem_shared>>
        tpu.wait_dma2 semaphore(%arg21 : memref<!tpu.dma_semaphore, #tpu.memory_space<semaphore_mem>>) src(%dma_wait3A_112 : memref<120x128xf32, #tpu.memory_space<vmem_shared>>) dst(%dma_wait3A_110 : memref<120x128xf32, #tpu.memory_space<hbm>>)
      } else {
      }
      %eq3A_40 = arith.constant 15 : i32
      %eq3A_41 = arith.cmpi eq, %arg1, %eq3A_40 : i32
      %convert_element_type3A_42 = arith.extui %eq3A_41 : i1 to i32
      %cond3A_43 = arith.constant 0 : i32
      %cond3A_44 = arith.cmpi ne, %convert_element_type3A_42, %cond3A_43 : i32
      scf.if %cond3A_44 {
        %add3A_45 = arith.constant 0 : i32
        %add3A_46 = arith.addi %mul3A_2, %add3A_45 : i32
        %add3A_47 = arith.constant 0 : i32
        %add3A_48 = arith.addi %add3A_47, %mul3A_2 : i32
        %add3A_49 = arith.constant 0 : i32
        %add3A_50 = arith.addi %add3A_48, %add3A_49 : i32
        %dma_start3A = arith.constant 0 : i32
        %dma_start3A_51 = tpu.memref_slice %arg5[%add3A_50, %dma_start3A] : memref<10000x128xf32, #tpu.memory_space<hbm>> -> memref<128x128xf32, #tpu.memory_space<hbm>>
        %dma_start3A_52 = arith.constant 0 : i32
        %dma_start3A_53 = tpu.memref_slice %arg16[%add3A_46, %dma_start3A_52] : memref<10000x128xf32, #tpu.memory_space<vmem_shared>> -> memref<128x128xf32, #tpu.memory_space<vmem_shared>>
        tpu.enqueue_dma source(%dma_start3A_53 : memref<128x128xf32, #tpu.memory_space<vmem_shared>>) target(%dma_start3A_51 : memref<128x128xf32, #tpu.memory_space<hbm>>) target_semaphore(%arg17 : memref<!tpu.dma_semaphore, #tpu.memory_space<semaphore_mem>>)
        %add3A_54 = arith.constant 128 : i32
        %add3A_55 = arith.addi %mul3A_2, %add3A_54 : i32
        %add3A_56 = arith.constant 0 : i32
        %add3A_57 = arith.addi %add3A_56, %mul3A_2 : i32
        %add3A_58 = arith.constant 128 : i32
        %add3A_59 = arith.addi %add3A_57, %add3A_58 : i32
        %dma_start3A_60 = arith.constant 0 : i32
        %dma_start3A_61 = tpu.memref_slice %arg5[%add3A_59, %dma_start3A_60] : memref<10000x128xf32, #tpu.memory_space<hbm>> -> memref<128x128xf32, #tpu.memory_space<hbm>>
        %dma_start3A_62 = arith.constant 0 : i32
        %dma_start3A_63 = tpu.memref_slice %arg16[%add3A_55, %dma_start3A_62] : memref<10000x128xf32, #tpu.memory_space<vmem_shared>> -> memref<128x128xf32, #tpu.memory_space<vmem_shared>>
        tpu.enqueue_dma source(%dma_start3A_63 : memref<128x128xf32, #tpu.memory_space<vmem_shared>>) target(%dma_start3A_61 : memref<128x128xf32, #tpu.memory_space<hbm>>) target_semaphore(%arg18 : memref<!tpu.dma_semaphore, #tpu.memory_space<semaphore_mem>>)
        %add3A_64 = arith.constant 256 : i32
        %add3A_65 = arith.addi %mul3A_2, %add3A_64 : i32
        %add3A_66 = arith.constant 0 : i32
        %add3A_67 = arith.addi %add3A_66, %mul3A_2 : i32
        %add3A_68 = arith.constant 256 : i32
        %add3A_69 = arith.addi %add3A_67, %add3A_68 : i32
        %dma_start3A_70 = arith.constant 0 : i32
        %dma_start3A_71 = tpu.memref_slice %arg5[%add3A_69, %dma_start3A_70] : memref<10000x128xf32, #tpu.memory_space<hbm>> -> memref<128x128xf32, #tpu.memory_space<hbm>>
        %dma_start3A_72 = arith.constant 0 : i32
        %dma_start3A_73 = tpu.memref_slice %arg16[%add3A_65, %dma_start3A_72] : memref<10000x128xf32, #tpu.memory_space<vmem_shared>> -> memref<128x128xf32, #tpu.memory_space<vmem_shared>>
        tpu.enqueue_dma source(%dma_start3A_73 : memref<128x128xf32, #tpu.memory_space<vmem_shared>>) target(%dma_start3A_71 : memref<128x128xf32, #tpu.memory_space<hbm>>) target_semaphore(%arg19 : memref<!tpu.dma_semaphore, #tpu.memory_space<semaphore_mem>>)
        %add3A_74 = arith.constant 384 : i32
        %add3A_75 = arith.addi %mul3A_2, %add3A_74 : i32
        %add3A_76 = arith.constant 0 : i32
        %add3A_77 = arith.addi %add3A_76, %mul3A_2 : i32
        %add3A_78 = arith.constant 384 : i32
        %add3A_79 = arith.addi %add3A_77, %add3A_78 : i32
        %dma_start3A_80 = arith.constant 0 : i32
        %dma_start3A_81 = tpu.memref_slice %arg5[%add3A_79, %dma_start3A_80] : memref<10000x128xf32, #tpu.memory_space<hbm>> -> memref<128x128xf32, #tpu.memory_space<hbm>>
        %dma_start3A_82 = arith.constant 0 : i32
        %dma_start3A_83 = tpu.memref_slice %arg16[%add3A_75, %dma_start3A_82] : memref<10000x128xf32, #tpu.memory_space<vmem_shared>> -> memref<128x128xf32, #tpu.memory_space<vmem_shared>>
        tpu.enqueue_dma source(%dma_start3A_83 : memref<128x128xf32, #tpu.memory_space<vmem_shared>>) target(%dma_start3A_81 : memref<128x128xf32, #tpu.memory_space<hbm>>) target_semaphore(%arg20 : memref<!tpu.dma_semaphore, #tpu.memory_space<semaphore_mem>>)
        %add3A_84 = arith.constant 512 : i32
        %add3A_85 = arith.addi %mul3A_2, %add3A_84 : i32
        %add3A_86 = arith.constant 0 : i32
        %add3A_87 = arith.addi %add3A_86, %mul3A_2 : i32
        %add3A_88 = arith.constant 512 : i32
        %add3A_89 = arith.addi %add3A_87, %add3A_88 : i32
        %dma_start3A_90 = arith.constant 0 : i32
        %dma_start3A_91 = tpu.memref_slice %arg5[%add3A_89, %dma_start3A_90] : memref<10000x128xf32, #tpu.memory_space<hbm>> -> memref<8x128xf32, #tpu.memory_space<hbm>>
        %dma_start3A_92 = arith.constant 0 : i32
        %dma_start3A_93 = tpu.memref_slice %arg16[%add3A_85, %dma_start3A_92] : memref<10000x128xf32, #tpu.memory_space<vmem_shared>> -> memref<8x128xf32, #tpu.memory_space<vmem_shared>>
        tpu.enqueue_dma source(%dma_start3A_93 : memref<8x128xf32, #tpu.memory_space<vmem_shared>>) target(%dma_start3A_91 : memref<8x128xf32, #tpu.memory_space<hbm>>) target_semaphore(%arg21 : memref<!tpu.dma_semaphore, #tpu.memory_space<semaphore_mem>>)
        %dma_wait3A = arith.constant 0 : i32
        %dma_wait3A_94 = tpu.memref_slice %arg5[%add3A_50, %dma_wait3A] : memref<10000x128xf32, #tpu.memory_space<hbm>> -> memref<128x128xf32, #tpu.memory_space<hbm>>
        %dma_wait3A_95 = arith.constant 0 : i32
        %dma_wait3A_96 = tpu.memref_slice %arg16[%add3A_46, %dma_wait3A_95] : memref<10000x128xf32, #tpu.memory_space<vmem_shared>> -> memref<128x128xf32, #tpu.memory_space<vmem_shared>>
        tpu.wait_dma2 semaphore(%arg17 : memref<!tpu.dma_semaphore, #tpu.memory_space<semaphore_mem>>) src(%dma_wait3A_96 : memref<128x128xf32, #tpu.memory_space<vmem_shared>>) dst(%dma_wait3A_94 : memref<128x128xf32, #tpu.memory_space<hbm>>)
        %dma_wait3A_97 = arith.constant 0 : i32
        %dma_wait3A_98 = tpu.memref_slice %arg5[%add3A_59, %dma_wait3A_97] : memref<10000x128xf32, #tpu.memory_space<hbm>> -> memref<128x128xf32, #tpu.memory_space<hbm>>
        %dma_wait3A_99 = arith.constant 0 : i32
        %dma_wait3A_100 = tpu.memref_slice %arg16[%add3A_55, %dma_wait3A_99] : memref<10000x128xf32, #tpu.memory_space<vmem_shared>> -> memref<128x128xf32, #tpu.memory_space<vmem_shared>>
        tpu.wait_dma2 semaphore(%arg18 : memref<!tpu.dma_semaphore, #tpu.memory_space<semaphore_mem>>) src(%dma_wait3A_100 : memref<128x128xf32, #tpu.memory_space<vmem_shared>>) dst(%dma_wait3A_98 : memref<128x128xf32, #tpu.memory_space<hbm>>)
        %dma_wait3A_101 = arith.constant 0 : i32
        %dma_wait3A_102 = tpu.memref_slice %arg5[%add3A_69, %dma_wait3A_101] : memref<10000x128xf32, #tpu.memory_space<hbm>> -> memref<128x128xf32, #tpu.memory_space<hbm>>
        %dma_wait3A_103 = arith.constant 0 : i32
        %dma_wait3A_104 = tpu.memref_slice %arg16[%add3A_65, %dma_wait3A_103] : memref<10000x128xf32, #tpu.memory_space<vmem_shared>> -> memref<128x128xf32, #tpu.memory_space<vmem_shared>>
        tpu.wait_dma2 semaphore(%arg19 : memref<!tpu.dma_semaphore, #tpu.memory_space<semaphore_mem>>) src(%dma_wait3A_104 : memref<128x128xf32, #tpu.memory_space<vmem_shared>>) dst(%dma_wait3A_102 : memref<128x128xf32, #tpu.memory_space<hbm>>)
        %dma_wait3A_105 = arith.constant 0 : i32
        %dma_wait3A_106 = tpu.memref_slice %arg5[%add3A_79, %dma_wait3A_105] : memref<10000x128xf32, #tpu.memory_space<hbm>> -> memref<128x128xf32, #tpu.memory_space<hbm>>
        %dma_wait3A_107 = arith.constant 0 : i32
        %dma_wait3A_108 = tpu.memref_slice %arg16[%add3A_75, %dma_wait3A_107] : memref<10000x128xf32, #tpu.memory_space<vmem_shared>> -> memref<128x128xf32, #tpu.memory_space<vmem_shared>>
        tpu.wait_dma2 semaphore(%arg20 : memref<!tpu.dma_semaphore, #tpu.memory_space<semaphore_mem>>) src(%dma_wait3A_108 : memref<128x128xf32, #tpu.memory_space<vmem_shared>>) dst(%dma_wait3A_106 : memref<128x128xf32, #tpu.memory_space<hbm>>)
        %dma_wait3A_109 = arith.constant 0 : i32
        %dma_wait3A_110 = tpu.memref_slice %arg5[%add3A_89, %dma_wait3A_109] : memref<10000x128xf32, #tpu.memory_space<hbm>> -> memref<8x128xf32, #tpu.memory_space<hbm>>
        %dma_wait3A_111 = arith.constant 0 : i32
        %dma_wait3A_112 = tpu.memref_slice %arg16[%add3A_85, %dma_wait3A_111] : memref<10000x128xf32, #tpu.memory_space<vmem_shared>> -> memref<8x128xf32, #tpu.memory_space<vmem_shared>>
        tpu.wait_dma2 semaphore(%arg21 : memref<!tpu.dma_semaphore, #tpu.memory_space<semaphore_mem>>) src(%dma_wait3A_112 : memref<8x128xf32, #tpu.memory_space<vmem_shared>>) dst(%dma_wait3A_110 : memref<8x128xf32, #tpu.memory_space<hbm>>)
      } else {
      }
    } else {
    }
    %eq3A_30 = arith.constant 1 : i32
    %eq3A_31 = arith.cmpi eq, %arg0, %eq3A_30 : i32
    %convert_element_type3A_32 = arith.extui %eq3A_31 : i1 to i32
    %cond3A_33 = arith.constant 0 : i32
    %cond3A_34 = arith.cmpi ne, %convert_element_type3A_32, %cond3A_33 : i32
    scf.if %cond3A_34 {
      %lt3A_35 = arith.constant 15 : i32
      %lt3A_36 = arith.cmpi slt, %arg1, %lt3A_35 : i32
      %convert_element_type3A_37 = arith.extui %lt3A_36 : i1 to i32
      %cond3A_38 = arith.constant 0 : i32
      %cond3A_39 = arith.cmpi ne, %convert_element_type3A_37, %cond3A_38 : i32
      scf.if %cond3A_39 {
        %add3A_45 = arith.constant 0 : i32
        %add3A_46 = arith.addi %mul3A_2, %add3A_45 : i32
        %add3A_47 = arith.constant 0 : i32
        %add3A_48 = arith.addi %add3A_47, %mul3A_2 : i32
        %add3A_49 = arith.constant 0 : i32
        %add3A_50 = arith.addi %add3A_48, %add3A_49 : i32
        %dma_start3A = arith.constant 0 : i32
        %dma_start3A_51 = tpu.memref_slice %arg6[%add3A_50, %dma_start3A] : memref<10000x128xf32, #tpu.memory_space<hbm>> -> memref<128x128xf32, #tpu.memory_space<hbm>>
        %dma_start3A_52 = arith.constant 0 : i32
        %dma_start3A_53 = tpu.memref_slice %arg16[%add3A_46, %dma_start3A_52] : memref<10000x128xf32, #tpu.memory_space<vmem_shared>> -> memref<128x128xf32, #tpu.memory_space<vmem_shared>>
        tpu.enqueue_dma source(%dma_start3A_53 : memref<128x128xf32, #tpu.memory_space<vmem_shared>>) target(%dma_start3A_51 : memref<128x128xf32, #tpu.memory_space<hbm>>) target_semaphore(%arg17 : memref<!tpu.dma_semaphore, #tpu.memory_space<semaphore_mem>>)
        %add3A_54 = arith.constant 128 : i32
        %add3A_55 = arith.addi %mul3A_2, %add3A_54 : i32
        %add3A_56 = arith.constant 0 : i32
        %add3A_57 = arith.addi %add3A_56, %mul3A_2 : i32
        %add3A_58 = arith.constant 128 : i32
        %add3A_59 = arith.addi %add3A_57, %add3A_58 : i32
        %dma_start3A_60 = arith.constant 0 : i32
        %dma_start3A_61 = tpu.memref_slice %arg6[%add3A_59, %dma_start3A_60] : memref<10000x128xf32, #tpu.memory_space<hbm>> -> memref<128x128xf32, #tpu.memory_space<hbm>>
        %dma_start3A_62 = arith.constant 0 : i32
        %dma_start3A_63 = tpu.memref_slice %arg16[%add3A_55, %dma_start3A_62] : memref<10000x128xf32, #tpu.memory_space<vmem_shared>> -> memref<128x128xf32, #tpu.memory_space<vmem_shared>>
        tpu.enqueue_dma source(%dma_start3A_63 : memref<128x128xf32, #tpu.memory_space<vmem_shared>>) target(%dma_start3A_61 : memref<128x128xf32, #tpu.memory_space<hbm>>) target_semaphore(%arg18 : memref<!tpu.dma_semaphore, #tpu.memory_space<semaphore_mem>>)
        %add3A_64 = arith.constant 256 : i32
        %add3A_65 = arith.addi %mul3A_2, %add3A_64 : i32
        %add3A_66 = arith.constant 0 : i32
        %add3A_67 = arith.addi %add3A_66, %mul3A_2 : i32
        %add3A_68 = arith.constant 256 : i32
        %add3A_69 = arith.addi %add3A_67, %add3A_68 : i32
        %dma_start3A_70 = arith.constant 0 : i32
        %dma_start3A_71 = tpu.memref_slice %arg6[%add3A_69, %dma_start3A_70] : memref<10000x128xf32, #tpu.memory_space<hbm>> -> memref<128x128xf32, #tpu.memory_space<hbm>>
        %dma_start3A_72 = arith.constant 0 : i32
        %dma_start3A_73 = tpu.memref_slice %arg16[%add3A_65, %dma_start3A_72] : memref<10000x128xf32, #tpu.memory_space<vmem_shared>> -> memref<128x128xf32, #tpu.memory_space<vmem_shared>>
        tpu.enqueue_dma source(%dma_start3A_73 : memref<128x128xf32, #tpu.memory_space<vmem_shared>>) target(%dma_start3A_71 : memref<128x128xf32, #tpu.memory_space<hbm>>) target_semaphore(%arg19 : memref<!tpu.dma_semaphore, #tpu.memory_space<semaphore_mem>>)
        %add3A_74 = arith.constant 384 : i32
        %add3A_75 = arith.addi %mul3A_2, %add3A_74 : i32
        %add3A_76 = arith.constant 0 : i32
        %add3A_77 = arith.addi %add3A_76, %mul3A_2 : i32
        %add3A_78 = arith.constant 384 : i32
        %add3A_79 = arith.addi %add3A_77, %add3A_78 : i32
        %dma_start3A_80 = arith.constant 0 : i32
        %dma_start3A_81 = tpu.memref_slice %arg6[%add3A_79, %dma_start3A_80] : memref<10000x128xf32, #tpu.memory_space<hbm>> -> memref<128x128xf32, #tpu.memory_space<hbm>>
        %dma_start3A_82 = arith.constant 0 : i32
        %dma_start3A_83 = tpu.memref_slice %arg16[%add3A_75, %dma_start3A_82] : memref<10000x128xf32, #tpu.memory_space<vmem_shared>> -> memref<128x128xf32, #tpu.memory_space<vmem_shared>>
        tpu.enqueue_dma source(%dma_start3A_83 : memref<128x128xf32, #tpu.memory_space<vmem_shared>>) target(%dma_start3A_81 : memref<128x128xf32, #tpu.memory_space<hbm>>) target_semaphore(%arg20 : memref<!tpu.dma_semaphore, #tpu.memory_space<semaphore_mem>>)
        %add3A_84 = arith.constant 512 : i32
        %add3A_85 = arith.addi %mul3A_2, %add3A_84 : i32
        %add3A_86 = arith.constant 0 : i32
        %add3A_87 = arith.addi %add3A_86, %mul3A_2 : i32
        %add3A_88 = arith.constant 512 : i32
        %add3A_89 = arith.addi %add3A_87, %add3A_88 : i32
        %dma_start3A_90 = arith.constant 0 : i32
        %dma_start3A_91 = tpu.memref_slice %arg6[%add3A_89, %dma_start3A_90] : memref<10000x128xf32, #tpu.memory_space<hbm>> -> memref<120x128xf32, #tpu.memory_space<hbm>>
        %dma_start3A_92 = arith.constant 0 : i32
        %dma_start3A_93 = tpu.memref_slice %arg16[%add3A_85, %dma_start3A_92] : memref<10000x128xf32, #tpu.memory_space<vmem_shared>> -> memref<120x128xf32, #tpu.memory_space<vmem_shared>>
        tpu.enqueue_dma source(%dma_start3A_93 : memref<120x128xf32, #tpu.memory_space<vmem_shared>>) target(%dma_start3A_91 : memref<120x128xf32, #tpu.memory_space<hbm>>) target_semaphore(%arg21 : memref<!tpu.dma_semaphore, #tpu.memory_space<semaphore_mem>>)
        %dma_wait3A = arith.constant 0 : i32
        %dma_wait3A_94 = tpu.memref_slice %arg6[%add3A_50, %dma_wait3A] : memref<10000x128xf32, #tpu.memory_space<hbm>> -> memref<128x128xf32, #tpu.memory_space<hbm>>
        %dma_wait3A_95 = arith.constant 0 : i32
        %dma_wait3A_96 = tpu.memref_slice %arg16[%add3A_46, %dma_wait3A_95] : memref<10000x128xf32, #tpu.memory_space<vmem_shared>> -> memref<128x128xf32, #tpu.memory_space<vmem_shared>>
        tpu.wait_dma2 semaphore(%arg17 : memref<!tpu.dma_semaphore, #tpu.memory_space<semaphore_mem>>) src(%dma_wait3A_96 : memref<128x128xf32, #tpu.memory_space<vmem_shared>>) dst(%dma_wait3A_94 : memref<128x128xf32, #tpu.memory_space<hbm>>)
        %dma_wait3A_97 = arith.constant 0 : i32
        %dma_wait3A_98 = tpu.memref_slice %arg6[%add3A_59, %dma_wait3A_97] : memref<10000x128xf32, #tpu.memory_space<hbm>> -> memref<128x128xf32, #tpu.memory_space<hbm>>
        %dma_wait3A_99 = arith.constant 0 : i32
        %dma_wait3A_100 = tpu.memref_slice %arg16[%add3A_55, %dma_wait3A_99] : memref<10000x128xf32, #tpu.memory_space<vmem_shared>> -> memref<128x128xf32, #tpu.memory_space<vmem_shared>>
        tpu.wait_dma2 semaphore(%arg18 : memref<!tpu.dma_semaphore, #tpu.memory_space<semaphore_mem>>) src(%dma_wait3A_100 : memref<128x128xf32, #tpu.memory_space<vmem_shared>>) dst(%dma_wait3A_98 : memref<128x128xf32, #tpu.memory_space<hbm>>)
        %dma_wait3A_101 = arith.constant 0 : i32
        %dma_wait3A_102 = tpu.memref_slice %arg6[%add3A_69, %dma_wait3A_101] : memref<10000x128xf32, #tpu.memory_space<hbm>> -> memref<128x128xf32, #tpu.memory_space<hbm>>
        %dma_wait3A_103 = arith.constant 0 : i32
        %dma_wait3A_104 = tpu.memref_slice %arg16[%add3A_65, %dma_wait3A_103] : memref<10000x128xf32, #tpu.memory_space<vmem_shared>> -> memref<128x128xf32, #tpu.memory_space<vmem_shared>>
        tpu.wait_dma2 semaphore(%arg19 : memref<!tpu.dma_semaphore, #tpu.memory_space<semaphore_mem>>) src(%dma_wait3A_104 : memref<128x128xf32, #tpu.memory_space<vmem_shared>>) dst(%dma_wait3A_102 : memref<128x128xf32, #tpu.memory_space<hbm>>)
        %dma_wait3A_105 = arith.constant 0 : i32
        %dma_wait3A_106 = tpu.memref_slice %arg6[%add3A_79, %dma_wait3A_105] : memref<10000x128xf32, #tpu.memory_space<hbm>> -> memref<128x128xf32, #tpu.memory_space<hbm>>
        %dma_wait3A_107 = arith.constant 0 : i32
        %dma_wait3A_108 = tpu.memref_slice %arg16[%add3A_75, %dma_wait3A_107] : memref<10000x128xf32, #tpu.memory_space<vmem_shared>> -> memref<128x128xf32, #tpu.memory_space<vmem_shared>>
        tpu.wait_dma2 semaphore(%arg20 : memref<!tpu.dma_semaphore, #tpu.memory_space<semaphore_mem>>) src(%dma_wait3A_108 : memref<128x128xf32, #tpu.memory_space<vmem_shared>>) dst(%dma_wait3A_106 : memref<128x128xf32, #tpu.memory_space<hbm>>)
        %dma_wait3A_109 = arith.constant 0 : i32
        %dma_wait3A_110 = tpu.memref_slice %arg6[%add3A_89, %dma_wait3A_109] : memref<10000x128xf32, #tpu.memory_space<hbm>> -> memref<120x128xf32, #tpu.memory_space<hbm>>
        %dma_wait3A_111 = arith.constant 0 : i32
        %dma_wait3A_112 = tpu.memref_slice %arg16[%add3A_85, %dma_wait3A_111] : memref<10000x128xf32, #tpu.memory_space<vmem_shared>> -> memref<120x128xf32, #tpu.memory_space<vmem_shared>>
        tpu.wait_dma2 semaphore(%arg21 : memref<!tpu.dma_semaphore, #tpu.memory_space<semaphore_mem>>) src(%dma_wait3A_112 : memref<120x128xf32, #tpu.memory_space<vmem_shared>>) dst(%dma_wait3A_110 : memref<120x128xf32, #tpu.memory_space<hbm>>)
      } else {
      }
      %eq3A_40 = arith.constant 15 : i32
      %eq3A_41 = arith.cmpi eq, %arg1, %eq3A_40 : i32
      %convert_element_type3A_42 = arith.extui %eq3A_41 : i1 to i32
      %cond3A_43 = arith.constant 0 : i32
      %cond3A_44 = arith.cmpi ne, %convert_element_type3A_42, %cond3A_43 : i32
      scf.if %cond3A_44 {
        %add3A_45 = arith.constant 0 : i32
        %add3A_46 = arith.addi %mul3A_2, %add3A_45 : i32
        %add3A_47 = arith.constant 0 : i32
        %add3A_48 = arith.addi %add3A_47, %mul3A_2 : i32
        %add3A_49 = arith.constant 0 : i32
        %add3A_50 = arith.addi %add3A_48, %add3A_49 : i32
        %dma_start3A = arith.constant 0 : i32
        %dma_start3A_51 = tpu.memref_slice %arg6[%add3A_50, %dma_start3A] : memref<10000x128xf32, #tpu.memory_space<hbm>> -> memref<128x128xf32, #tpu.memory_space<hbm>>
        %dma_start3A_52 = arith.constant 0 : i32
        %dma_start3A_53 = tpu.memref_slice %arg16[%add3A_46, %dma_start3A_52] : memref<10000x128xf32, #tpu.memory_space<vmem_shared>> -> memref<128x128xf32, #tpu.memory_space<vmem_shared>>
        tpu.enqueue_dma source(%dma_start3A_53 : memref<128x128xf32, #tpu.memory_space<vmem_shared>>) target(%dma_start3A_51 : memref<128x128xf32, #tpu.memory_space<hbm>>) target_semaphore(%arg17 : memref<!tpu.dma_semaphore, #tpu.memory_space<semaphore_mem>>)
        %add3A_54 = arith.constant 128 : i32
        %add3A_55 = arith.addi %mul3A_2, %add3A_54 : i32
        %add3A_56 = arith.constant 0 : i32
        %add3A_57 = arith.addi %add3A_56, %mul3A_2 : i32
        %add3A_58 = arith.constant 128 : i32
        %add3A_59 = arith.addi %add3A_57, %add3A_58 : i32
        %dma_start3A_60 = arith.constant 0 : i32
        %dma_start3A_61 = tpu.memref_slice %arg6[%add3A_59, %dma_start3A_60] : memref<10000x128xf32, #tpu.memory_space<hbm>> -> memref<128x128xf32, #tpu.memory_space<hbm>>
        %dma_start3A_62 = arith.constant 0 : i32
        %dma_start3A_63 = tpu.memref_slice %arg16[%add3A_55, %dma_start3A_62] : memref<10000x128xf32, #tpu.memory_space<vmem_shared>> -> memref<128x128xf32, #tpu.memory_space<vmem_shared>>
        tpu.enqueue_dma source(%dma_start3A_63 : memref<128x128xf32, #tpu.memory_space<vmem_shared>>) target(%dma_start3A_61 : memref<128x128xf32, #tpu.memory_space<hbm>>) target_semaphore(%arg18 : memref<!tpu.dma_semaphore, #tpu.memory_space<semaphore_mem>>)
        %add3A_64 = arith.constant 256 : i32
        %add3A_65 = arith.addi %mul3A_2, %add3A_64 : i32
        %add3A_66 = arith.constant 0 : i32
        %add3A_67 = arith.addi %add3A_66, %mul3A_2 : i32
        %add3A_68 = arith.constant 256 : i32
        %add3A_69 = arith.addi %add3A_67, %add3A_68 : i32
        %dma_start3A_70 = arith.constant 0 : i32
        %dma_start3A_71 = tpu.memref_slice %arg6[%add3A_69, %dma_start3A_70] : memref<10000x128xf32, #tpu.memory_space<hbm>> -> memref<128x128xf32, #tpu.memory_space<hbm>>
        %dma_start3A_72 = arith.constant 0 : i32
        %dma_start3A_73 = tpu.memref_slice %arg16[%add3A_65, %dma_start3A_72] : memref<10000x128xf32, #tpu.memory_space<vmem_shared>> -> memref<128x128xf32, #tpu.memory_space<vmem_shared>>
        tpu.enqueue_dma source(%dma_start3A_73 : memref<128x128xf32, #tpu.memory_space<vmem_shared>>) target(%dma_start3A_71 : memref<128x128xf32, #tpu.memory_space<hbm>>) target_semaphore(%arg19 : memref<!tpu.dma_semaphore, #tpu.memory_space<semaphore_mem>>)
        %add3A_74 = arith.constant 384 : i32
        %add3A_75 = arith.addi %mul3A_2, %add3A_74 : i32
        %add3A_76 = arith.constant 0 : i32
        %add3A_77 = arith.addi %add3A_76, %mul3A_2 : i32
        %add3A_78 = arith.constant 384 : i32
        %add3A_79 = arith.addi %add3A_77, %add3A_78 : i32
        %dma_start3A_80 = arith.constant 0 : i32
        %dma_start3A_81 = tpu.memref_slice %arg6[%add3A_79, %dma_start3A_80] : memref<10000x128xf32, #tpu.memory_space<hbm>> -> memref<128x128xf32, #tpu.memory_space<hbm>>
        %dma_start3A_82 = arith.constant 0 : i32
        %dma_start3A_83 = tpu.memref_slice %arg16[%add3A_75, %dma_start3A_82] : memref<10000x128xf32, #tpu.memory_space<vmem_shared>> -> memref<128x128xf32, #tpu.memory_space<vmem_shared>>
        tpu.enqueue_dma source(%dma_start3A_83 : memref<128x128xf32, #tpu.memory_space<vmem_shared>>) target(%dma_start3A_81 : memref<128x128xf32, #tpu.memory_space<hbm>>) target_semaphore(%arg20 : memref<!tpu.dma_semaphore, #tpu.memory_space<semaphore_mem>>)
        %add3A_84 = arith.constant 512 : i32
        %add3A_85 = arith.addi %mul3A_2, %add3A_84 : i32
        %add3A_86 = arith.constant 0 : i32
        %add3A_87 = arith.addi %add3A_86, %mul3A_2 : i32
        %add3A_88 = arith.constant 512 : i32
        %add3A_89 = arith.addi %add3A_87, %add3A_88 : i32
        %dma_start3A_90 = arith.constant 0 : i32
        %dma_start3A_91 = tpu.memref_slice %arg6[%add3A_89, %dma_start3A_90] : memref<10000x128xf32, #tpu.memory_space<hbm>> -> memref<8x128xf32, #tpu.memory_space<hbm>>
        %dma_start3A_92 = arith.constant 0 : i32
        %dma_start3A_93 = tpu.memref_slice %arg16[%add3A_85, %dma_start3A_92] : memref<10000x128xf32, #tpu.memory_space<vmem_shared>> -> memref<8x128xf32, #tpu.memory_space<vmem_shared>>
        tpu.enqueue_dma source(%dma_start3A_93 : memref<8x128xf32, #tpu.memory_space<vmem_shared>>) target(%dma_start3A_91 : memref<8x128xf32, #tpu.memory_space<hbm>>) target_semaphore(%arg21 : memref<!tpu.dma_semaphore, #tpu.memory_space<semaphore_mem>>)
        %dma_wait3A = arith.constant 0 : i32
        %dma_wait3A_94 = tpu.memref_slice %arg6[%add3A_50, %dma_wait3A] : memref<10000x128xf32, #tpu.memory_space<hbm>> -> memref<128x128xf32, #tpu.memory_space<hbm>>
        %dma_wait3A_95 = arith.constant 0 : i32
        %dma_wait3A_96 = tpu.memref_slice %arg16[%add3A_46, %dma_wait3A_95] : memref<10000x128xf32, #tpu.memory_space<vmem_shared>> -> memref<128x128xf32, #tpu.memory_space<vmem_shared>>
        tpu.wait_dma2 semaphore(%arg17 : memref<!tpu.dma_semaphore, #tpu.memory_space<semaphore_mem>>) src(%dma_wait3A_96 : memref<128x128xf32, #tpu.memory_space<vmem_shared>>) dst(%dma_wait3A_94 : memref<128x128xf32, #tpu.memory_space<hbm>>)
        %dma_wait3A_97 = arith.constant 0 : i32
        %dma_wait3A_98 = tpu.memref_slice %arg6[%add3A_59, %dma_wait3A_97] : memref<10000x128xf32, #tpu.memory_space<hbm>> -> memref<128x128xf32, #tpu.memory_space<hbm>>
        %dma_wait3A_99 = arith.constant 0 : i32
        %dma_wait3A_100 = tpu.memref_slice %arg16[%add3A_55, %dma_wait3A_99] : memref<10000x128xf32, #tpu.memory_space<vmem_shared>> -> memref<128x128xf32, #tpu.memory_space<vmem_shared>>
        tpu.wait_dma2 semaphore(%arg18 : memref<!tpu.dma_semaphore, #tpu.memory_space<semaphore_mem>>) src(%dma_wait3A_100 : memref<128x128xf32, #tpu.memory_space<vmem_shared>>) dst(%dma_wait3A_98 : memref<128x128xf32, #tpu.memory_space<hbm>>)
        %dma_wait3A_101 = arith.constant 0 : i32
        %dma_wait3A_102 = tpu.memref_slice %arg6[%add3A_69, %dma_wait3A_101] : memref<10000x128xf32, #tpu.memory_space<hbm>> -> memref<128x128xf32, #tpu.memory_space<hbm>>
        %dma_wait3A_103 = arith.constant 0 : i32
        %dma_wait3A_104 = tpu.memref_slice %arg16[%add3A_65, %dma_wait3A_103] : memref<10000x128xf32, #tpu.memory_space<vmem_shared>> -> memref<128x128xf32, #tpu.memory_space<vmem_shared>>
        tpu.wait_dma2 semaphore(%arg19 : memref<!tpu.dma_semaphore, #tpu.memory_space<semaphore_mem>>) src(%dma_wait3A_104 : memref<128x128xf32, #tpu.memory_space<vmem_shared>>) dst(%dma_wait3A_102 : memref<128x128xf32, #tpu.memory_space<hbm>>)
        %dma_wait3A_105 = arith.constant 0 : i32
        %dma_wait3A_106 = tpu.memref_slice %arg6[%add3A_79, %dma_wait3A_105] : memref<10000x128xf32, #tpu.memory_space<hbm>> -> memref<128x128xf32, #tpu.memory_space<hbm>>
        %dma_wait3A_107 = arith.constant 0 : i32
        %dma_wait3A_108 = tpu.memref_slice %arg16[%add3A_75, %dma_wait3A_107] : memref<10000x128xf32, #tpu.memory_space<vmem_shared>> -> memref<128x128xf32, #tpu.memory_space<vmem_shared>>
        tpu.wait_dma2 semaphore(%arg20 : memref<!tpu.dma_semaphore, #tpu.memory_space<semaphore_mem>>) src(%dma_wait3A_108 : memref<128x128xf32, #tpu.memory_space<vmem_shared>>) dst(%dma_wait3A_106 : memref<128x128xf32, #tpu.memory_space<hbm>>)
        %dma_wait3A_109 = arith.constant 0 : i32
        %dma_wait3A_110 = tpu.memref_slice %arg6[%add3A_89, %dma_wait3A_109] : memref<10000x128xf32, #tpu.memory_space<hbm>> -> memref<8x128xf32, #tpu.memory_space<hbm>>
        %dma_wait3A_111 = arith.constant 0 : i32
        %dma_wait3A_112 = tpu.memref_slice %arg16[%add3A_85, %dma_wait3A_111] : memref<10000x128xf32, #tpu.memory_space<vmem_shared>> -> memref<8x128xf32, #tpu.memory_space<vmem_shared>>
        tpu.wait_dma2 semaphore(%arg21 : memref<!tpu.dma_semaphore, #tpu.memory_space<semaphore_mem>>) src(%dma_wait3A_112 : memref<8x128xf32, #tpu.memory_space<vmem_shared>>) dst(%dma_wait3A_110 : memref<8x128xf32, #tpu.memory_space<hbm>>)
      } else {
      }
    } else {
    }
    return
  }
}

module attributes {stable_mosaic.version = 14 : i64} {
  func.func @_add_body(%arg0: i32, %arg1: memref<1000x128xf32, #tpu.memory_space<vmem>>, %arg2: memref<1000x128xf32, #tpu.memory_space<vmem>>, %arg3: memref<1000x128xf32, #tpu.memory_space<vmem>>) attributes {dimension_semantics = [#tpu.dimension_semantics<arbitrary>], iteration_bounds = array<i64: 10>, scalar_prefetch = 0 : i64, scratch_operands = 0 : i64, tpu.core_type = #tpu.core_type<tc>, window_params = [{transform_indices = @transform_0, window_bounds = array<i64: 1000, 128>}, {transform_indices = @transform_1, window_bounds = array<i64: 1000, 128>}, {transform_indices = @transform_2, window_bounds = array<i64: 1000, 128>}]} {
    %get3A = arith.constant 0 : index
    %get3A_0 = arith.constant 0 : index
    %get3A_1 = vector.load %arg1[%get3A, %get3A_0] : memref<1000x128xf32, #tpu.memory_space<vmem>>, vector<1000x128xf32>
    %get3A_2 = arith.constant 0 : index
    %get3A_3 = arith.constant 0 : index
    %get3A_4 = vector.load %arg2[%get3A_2, %get3A_3] : memref<1000x128xf32, #tpu.memory_space<vmem>>, vector<1000x128xf32>
    %add3A = arith.addf %get3A_1, %get3A_4 : vector<1000x128xf32>
    %swap3A = arith.constant 0 : index
    %swap3A_5 = arith.constant 0 : index
    %swap3A_6 = vector.load %arg3[%swap3A, %swap3A_5] : memref<1000x128xf32, #tpu.memory_space<vmem>>, vector<1000x128xf32>
    tpu.vector_store %arg3[%swap3A, %swap3A_5], %add3A {strides = array<i32>} : memref<1000x128xf32, #tpu.memory_space<vmem>>, vector<1000x128xf32>,
    return
  }
  func.func @transform_0(%arg0: i32) -> (i32, i32) {
    %c0_i32 = arith.constant 0 : i32
    %c0_i32_0 = arith.constant 0 : i32
    return %arg0, %c0_i32 : i32, i32
  }
  func.func @transform_1(%arg0: i32) -> (i32, i32) {
    %add3A = arith.constant 10 : i32
    %add3A_0 = arith.addi %arg0, %add3A : i32
    %c0_i32 = arith.constant 0 : i32
    %c0_i32_1 = arith.constant 0 : i32
    return %add3A_0, %c0_i32 : i32, i32
  }
  func.func @transform_2(%arg0: i32) -> (i32, i32) {
    %c0_i32 = arith.constant 0 : i32
    %c0_i32_0 = arith.constant 0 : i32
    return %arg0, %c0_i32 : i32, i32
  }
}

</mosaic_0001>

<sc_bundles>
// kernel: kernel.5.cloned.1.call-start
scs
__scs_entry_jumppad:
0x0: {  	(pc) =	sbr.rel $0x88, $3  }
0x1: {  	(tag) =	ssettag $0x0;
	lr =	simm.s32 $0x1  }
0x2: {  	[smem:$0x3F9C] =	sst lr;
	_ =	strace $0xD0000000  }
0x3: {  	_ = 	snop  }
0x4: {  	_ = 	snop  }
0x5: {  	_ = 	snop  }
0x6: {  	_ = 	snop  }
0x7: {  	_ = 	snop  }
__scs_overlays_trampoline_lowered:
0x8: {  	[smem:$0x3FAB] =	sst s0  }
0x9: {  	[smem:$0x3FAC] =	sst s1  }
0xa: {  	[smem:$0x3FAD] =	sst s2  }
0xb: {  	[smem:$0x3FAE] =	sst s3  }
0xc: {  	[smem:$0x3FAF] =	sst s4  }
0xd: {  	[smem:$0x3FB0] =	sst s5  }
0xe: {  	[smem:$0x3FB1] =	sst s6  }
0xf: {  	[smem:$0x3FB2] =	sst s7  }
0x10: {  	[smem:$0x3FB3] =	sst s8  }
0x11: {  	[smem:$0x3FB4] =	sst s9;
	s0 =	simm.s32 @!p0 $0x0  }
0x12: {  	s1 =	sld [smem:$0x3F9A];
	s0 =	simm.s32 @p0 $0x1  }
0x13: {  	[smem:$0x3FB5] =	sst s0;
	s0 =	simm.s32 @!p1 $0x0  }
0x14: {  	s2 =	sld [smem:$0x3F99];
	s0 =	simm.s32 @p1 $0x1  }
0x15: {  	[smem:$0x3FB6] =	sst s0;
	s0 =	simm.s32 @!p2 $0x0  }
0x16: {  	s3 =	sld [smem:$0x3FDB];
	s0 =	simm.s32 @p2 $0x1  }
0x17: {  	s4 =	simm.s32 $0x1BF5;
	[smem:$0x3FB8] =	sst s0  }
0x18: {  	s0 =	sld [smem:$0x3F9B];
	_ =	swait.ge [sflag:s4], $0x0  }
0x19: {  	s7 =	sld [smem:$0x3F9C]  }
0x1a: {  	s8 =	sadd.s32 $0xFFFFE003, lr  }
0x1b: {  	s9 =	sadd.s32 $0xFFFFFEF7, lr;
	s5 =	simm.s32 $0xFFFFFFFF;
	p2 =	slt.u32 s8, $0xFFFFF086  }
0x1c: {  	p1 =	slt.u32 s9, $0xF7A;
	s5 =	simm.s32 @!p2 $0x0  }
0x1d: {  	s5 =	simm.s32 @p1 $0x1;
	p0 =	seq.s32 s7, s2  }
0x1e: {  	s7 =	smul.u32 @!p0 $0xF7A, s2;
	p2 =	seq.s32 @!p0 s5, $0x0  }
0x1f: {  	s9 =	smul.u32 $0xF7A, s1;
	s8 =	simm.s32 @!p0 $0x1BF5;
	p2 =	por !p2, p0  }
0x20: {  	[sflag:s8] =	ssyncset.s32 @!p0 $0xFFFFF086;
	s6 =	sadd.s32 @!p0 s3, s7;
	s7 =	simm.s32 @!p0 $0x108  }
0x21: {  	s3 =	sadd.s32 s3, s9;
	s6 =	sadd.s32 @!p0 $0x88, s6;
	s7 =	simm.s32 @p2 $0x1082  }
0x22: {  	[simem:s7], [sflag:s8] =	dma.local @!p0 [hbm:s6], $0xF7A  }
0x23: {  	s9 =	sor.u32 $0xD0000000, s2;
	s6 =	simm.s32 $0x108;
	_ =	swait.ge @!p0 [sflag:s8], $0x0  }
0x24: {  	s3 =	sadd.s32 $0x88, s3;
	s6 =	simm.s32 @!p1 $0x1082;
	[sflag:s4] =	ssyncset.s32 $0xFFFFF086  }
0x25: {  	[simem:s6], [sflag:s4] =	dma.local [hbm:s3], $0xF7A  }
0x26: {  	[smem:$0x3F9C] =	sst s1;
	(tag) =	ssettag s2;
	_ =	strace s9  }
0x27: {  	s1 =	sld [smem:$0x3FAC]  }
0x28: {  	s2 =	sld [smem:$0x3FAD]  }
0x29: {  	s4 =	sld [smem:$0x3FAF]  }
0x2a: {  	p0 =	seq.s32 s5, $0x0;
	s5 =	sld [smem:$0x3FB0]  }
0x2b: {  	s6 =	sld [smem:$0x3FB1]  }
0x2c: {  	s7 =	sld [smem:$0x3FB2]  }
0x2d: {  	s3 =	simm.s32 $0x108;
	s8 =	sld [smem:$0x3FB3]  }
0x2e: {  	s3 =	simm.s32 @!p0 $0x1082;
	s9 =	sld [smem:$0x3FB4]  }
0x2f: {  	lr =	sadd.s32 s0, s3;
	s0 =	sld [smem:$0x3FAB]  }
0x30: {  	s3 =	sld [smem:$0x3FAE]  }
0x31: {  	[smem:$0x3FB7] =	sst s10  }
0x32: {  	s10 =	sld [smem:$0x3FB5];
	_ =	sdelay $0x3  }
0x33: {  	p0 =	seq.s32 s10, $0x1;
	s10 =	sld [smem:$0x3FB7];
	_ =	sdelay $0x3  }
0x34: {  	[smem:$0x3FB7] =	sst s10  }
0x35: {  	s10 =	sld [smem:$0x3FB6];
	_ =	sdelay $0x3  }
0x36: {  	p1 =	seq.s32 s10, $0x1;
	s10 =	sld [smem:$0x3FB7];
	_ =	sdelay $0x3  }
0x37: {  	[smem:$0x3FB7] =	sst s10  }
0x38: {  	s10 =	sld [smem:$0x3FB8]  }
0x39: {  	_ = 	snop;
	(pc) =	sbr.ind lr, $3  }
0x3a: {  	_ = 	snop  }
0x3b: {  	_ = 	snop  }
0x3c: {  	p2 =	seq.s32 s10, $0x1;
	s10 =	sld [smem:$0x3FB7]  }
0x3d: {  	_ =	shalt  }
0x3e: {  	_ =	shalt  }
0x3f: {  	_ =	shalt  }
0x40: {  	_ =	shalt  }
0x41: {  	_ =	shalt  }
0x42: {  	_ =	shalt  }
0x43: {  	_ =	shalt  }
0x44: {  	_ =	shalt  }
0x45: {  	_ =	shalt  }
0x46: {  	_ =	shalt  }
0x47: {  	_ =	shalt  }
0x48: {  	_ =	shalt  }
0x49: {  	_ =	shalt  }
0x4a: {  	_ =	shalt  }
0x4b: {  	_ =	shalt  }
0x4c: {  	_ =	shalt  }
0x4d: {  	_ =	shalt  }
0x4e: {  	_ =	shalt  }
0x4f: {  	_ =	shalt  }
0x50: {  	_ =	shalt  }
0x51: {  	_ =	shalt  }
0x52: {  	_ =	shalt  }
0x53: {  	_ =	shalt  }
0x54: {  	_ =	shalt  }
0x55: {  	_ =	shalt  }
0x56: {  	_ =	shalt  }
0x57: {  	_ =	shalt  }
0x58: {  	_ =	shalt  }
0x59: {  	_ =	shalt  }
0x5a: {  	_ =	shalt  }
0x5b: {  	_ =	shalt  }
0x5c: {  	_ =	shalt  }
0x5d: {  	_ =	shalt  }
0x5e: {  	_ =	shalt  }
0x5f: {  	_ =	shalt  }
0x60: {  	_ =	shalt  }
0x61: {  	_ =	shalt  }
0x62: {  	_ =	shalt  }
0x63: {  	_ =	shalt  }
0x64: {  	_ =	shalt  }
0x65: {  	_ =	shalt  }
0x66: {  	_ =	shalt  }
0x67: {  	_ =	shalt  }
0x68: {  	_ =	shalt  }
0x69: {  	_ =	shalt  }
0x6a: {  	_ =	shalt  }
0x6b: {  	_ =	shalt  }
0x6c: {  	_ =	shalt  }
0x6d: {  	_ =	shalt  }
0x6e: {  	_ =	shalt  }
0x6f: {  	_ =	shalt  }
0x70: {  	_ =	shalt  }
0x71: {  	_ =	shalt  }
0x72: {  	_ =	shalt  }
0x73: {  	_ =	shalt  }
0x74: {  	_ =	shalt  }
0x75: {  	_ =	shalt  }
0x76: {  	_ =	shalt  }
0x77: {  	_ =	shalt  }
0x78: {  	_ =	shalt  }
0x79: {  	_ =	shalt  }
0x7a: {  	_ =	shalt  }
0x7b: {  	_ =	shalt  }
0x7c: {  	_ =	shalt  }
0x7d: {  	_ =	shalt  }
0x7e: {  	_ =	shalt  }
0x7f: {  	_ =	shalt  }
0x80: {  	_ =	shalt  }
0x81: {  	_ =	shalt  }
0x82: {  	_ =	shalt  }
0x83: {  	_ =	shalt  }
0x84: {  	_ =	shalt  }
0x85: {  	_ =	shalt  }
0x86: {  	_ =	shalt  }
0x87: {  	_ =	shalt  }
.Lfunc_end0:
.L_simem_size_0:
called_computation_lowered:
.L_overlay_start_0:
0x88: {  	s2 =	sld [smem:$0x3FD9]  }
0x89: {  	s3 =	sld [smem:$0x3FFE];
	_ =	sdelay $0x1  }
0x8a: {  	s1 =	srdreg.scid  }
0x8b: {  	s0 =	sand.u32 $0x1, s1  }
0x8c: {  	s17 =	sshll.u32 s0, $0xA;
	s2 =	sadd.s32 s3, s2  }
0x8d: {  	s2 =	sadd.s32 s2, s17  }
0x8e: {  	[smem:$0x3FC3] =	sst s2  }
0x8f: {  	_ = 	snop  }
0x90: {  	s2 =	sld [smem:$0x3FC6]  }
0x91: {  	s18 =	sld [smem:$0x3FC5];
	(tm) =	ssettm $0x1  }
0x92: {  	s4 =	sld [smem:$0x3FFB];
	_ =	sdelay $0x3  }
0x93: {  	_ =	strace s4  }
0x94: {  	s4 =	sld [smem:$0x3FFC];
	_ =	sdelay $0x3  }
0x95: {  	_ =	strace s4  }
0x96: {  	s4 =	sld [smem:$0x3FFD];
	_ =	sdelay $0x3  }
0x97: {  	_ =	strace s4  }
0x98: {  	_ =	strace $0x8FFFFFFF  }
0x99: {  	s19 =	sld [smem:$0x3FDB];
	_ =	sdelay $0x1  }
0x9a: {  	s5 =	simm.s32 $_scs_section_size  }
0x9b: {  	s6 =	simm.s32 $_size__tile_overlayer_lowered;
	s7 =	simm.s32 $_tile_overlayer_lowered  }
0x9c: {  	s22 =	simm.s32 $0x1BFF;
	s21 =	sshll.u32 s7, $0x1;
	s4 =	sadd.s32 s5, s19  }
0x9d: {  	s8 =	simm.s32 $0x0;
	s20 =	sshll.u32 s6, $0x1;
	s6 =	sadd.s32 s21, s4  }
0x9e: {  	[timem:s8], [sflag:s22] =	dma.local [hbm:s6], s20  }
0x9f: {  	_ =	swait.ge [sflag:s22], s20  }
0xa0: {  	s5 =	ssub.s32 $0x0, s20;
	[sflag:s22] =	ssyncset.done $0x0  }
0xa1: {  	[sflag:s22] =	ssyncadd.s32 s5;
	_ =	sdelay $0x1  }
0xa2: {  	s23 =	simm.s32 $0x1B8B  }
0xa3: {  	_ =	swait.ge [sflag:s23], $0x1  }
0xa4: {  	[sflag:s23] =	ssyncset.done $0x0  }
0xa5: {  	s25 =	simm.s32 $0x1B8E;
	s24 =	sld [smem:$0x3FFE];
	[sflag:s23] =	ssyncadd.s32 $0xFFFFFFFF  }
0xa6: {  	s26 =	simm.s32 $execute0_lowered;
	[smem:$0x3FD2] =	sst s25  }
0xa7: {  	s6 =	sshll.u32 s26, $0x1;
	_ =	strace $0x80000046;
	[dreg:$0x1] =	wrdreg $0xFFFFFFFF  }
0xa8: {  	s28 =	simm.s32 $_size_execute0_lowered;
	s4 =	sadd.s32 s4, s6;
	[dreg:$0x0] =	wrdreg $0x0  }
0xa9: {  	s6 =	sshll.u32 s28, $0x1;
	[dreg:$0x2] =	wrdreg s4  }
0xaa: {  	[dreg:$0x3] =	wrdreg s6  }
0xab: {  	[dreg:$0x4] =	wrdreg $0xC0  }
0xac: {  	_ =	task [dreg:s8], $0x5FFFF  }
0xad: {  	[dreg:$0x1] =	wrdreg $0xFFFFFFFF  }
0xae: {  	[dreg:$0x0] =	wrdreg $0x60  }
0xaf: {  	[dreg:$0x2] =	wrdreg s18  }
0xb0: {  	[dreg:$0x3] =	wrdreg s2  }
0xb1: {  	[dreg:$0x4] =	wrdreg s24  }
0xb2: {  	[dreg:$0x5] =	wrdreg $0xC6000  }
0xb3: {  	[dreg:$0x6] =	wrdreg $0x9  }
0xb4: {  	_ =	task.clear_ibuf [dreg:s8], $0x7FFFF;
	_ =	strace $0x90000046  }
0xb5: {  	s29 =	simm.s32 $0x9;
	_ =	strace $0x80000048  }
0xb6: {  	_ =	swait.ge [sflag:s29], $0x1  }
0xb7: {  	[sflag:s29] =	ssyncadd.s32 $0xFFFFFFFF  }
0xb8: {  	_ =	strace $0x90000048  }
0xb9: {  	_ =	sfence  }
0xba: {  	s30 =	sld [smem:$0x0];
	_ =	sdelay $0x2  }
0xbb: {  	s31 =	sshll.u32 s1, $0xD;
	s1 =	sshrl.u32 s1, $0x2  }
0xbc: {  	s3 =	sand.u32 $0x4000, s31;
	s1 =	sadd.s32 s1, s30  }
0xbd: {  	s0 =	sor.u32 s3, s0;
	s1 =	sshll.u32 s1, $0x11  }
0xbe: {  	s0 =	sor.u32 s1, s0  }
0xbf: {  	s0 =	sadd.s32 $0x8F2B, s0  }
0xc0: {  	[sflag:s0] =	ssyncadd.remote.s32 $0x1  }
0xc1: {  	_ =	sfence.sel $0xFFFF  }
0xc2: {  	[dreg:$0x0] =	wrdreg $0xFFFFFFFF;
	(pc) =	sbr.abs _section_cstart, $3  }
0xc3: {  	[dreg:$0x1] =	wrdreg $0xFFFFFFFF  }
0xc4: {  	_ =	task.clear_ibuf [dreg:s8], $0x2FFFF;
	_ =	strace $0x9FFFFFFF  }
0xc5: {  	(tm) =	ssettm $0x7FFFFFFF  }
tec
execute0_lowered:
.L_overlay_start_1:
0x0: {  	(tag) =	ssettag $0x1  }
0x1: {  	s1 =	rddreg [dreg:$0x0]  }
0x2: {  	s0 =	rddreg [dreg:$0x1]  }
0x3: {  	s2 =	rddreg [dreg:$0x2];
	s4 =	srdreg.scid  }
0x4: {  	s10 =	stileid.u32;
	s3 =	rddreg [dreg:$0x3]  }
0x5: {  	s19 =	simm.s32 $0x180;
	s20 =	simm.s32 $0x280;
	s21 =	simm.s32 $0x380  }
0x6: {  	s23 =	simm.s32 $0x580;
	s5 =	sand.u32 $0x1, s4;
	s4 =	simm.s32 $0x0  }
0x7: {  	s28 =	simm.s32 $0x200;
	s11 =	sadd.s32 $0x12C400, s3;
	[smem:$0x7FF] =	sst s4  }
0x8: {  	s12 =	sadd.s32 $0x130400, s3;
	_ =	strace $0x80000047;
	[dreg:$0xf] =	wrdreg s11  }
0x9: {  	s30 =	simm.s32 $0x300;
	s13 =	sadd.s32 $0x134400, s3;
	[dreg:$0x10] =	wrdreg s12  }
0xa: {  	s6 =	smul.u32 $0x278, s10;
	s15 =	sadd.s32 $0x138400, s3;
	[dreg:$0x11] =	wrdreg s13  }
0xb: {  	s8 =	smul.u32 $0x4F000, s10;
	s16 =	sshll.u32 s10, $0x5;
	[dreg:$0x12] =	wrdreg s15  }
0xc: {  	p1 =	seq.s32 s10, $0xF;
	s7 =	smul.u32 $0x2710, s5;
	[dreg:$0x5] =	wrdreg s19  }
0xd: {  	s24 =	ssub.s32 $0x2, s5;
	s26 =	sshll.u32 s5, $0x4;
	[dreg:$0x6] =	wrdreg s20  }
0xe: {  	s8 =	sshrl.u32 s8, $0x2;
	s25 =	sshrl.u32 s24, $0x1;
	[dreg:$0x7] =	wrdreg s21  }
0xf: {  	[dreg:$0x8] =	wrdreg s23;
	s19 =	simm.s32 $0x3;
	s20 =	simm.s32 $0x8600  }
0x10: {  	s21 =	simm.s32 $0x500;
	s15 =	simm.s32 $0x9;
	s13 =	simm.s32 $0x6  }
0x11: {  	s6 =	sadd.s32 s6, s7;
	s8 =	sadd.s32 s8, s3;
	s7 =	sor.u32 s10, s26  }
0x12: {  	s26 =	sshll.u32 s5, $0x9;
	s9 =	sadd.s32 $0x4000, s8;
	[dreg:$0x9] =	wrdreg s8  }
0x13: {  	s10 =	simm.s32 $0xB;
	s29 =	sadd.s32 $0x8000, s8;
	[dreg:$0xa] =	wrdreg s9  }
0x14: {  	s6 =	sshll.u32 s6, $0x4;
	s31 =	sadd.s32 $0xC000, s8;
	[dreg:$0xb] =	wrdreg s29  }
0x15: {  	s8 =	sadd.s32 $0x10000, s8;
	s14 =	sshll.u32 s7, $0x5;
	[dreg:$0xc] =	wrdreg s31  }
0x16: {  	p0 =	sgt.u32 s7, $0x3;
	[dreg:$0xd] =	wrdreg s8;
	s9 =	sadd.s32 $0x128400, s3  }
0x17: {  	s7 =	simm.s32 $0x1;
	s11 =	sadd.s32 s0, s14;
	[dreg:$0xe] =	wrdreg s9  }
0x18: {  	s2 =	sadd.s32 s6, s2;
	s17 =	sadd.s32 $0x400, s11;
	[dreg:$0x13] =	wrdreg s11  }
0x19: {  	s6 =	ssub.s32 s24, s25;
	s18 =	sadd.s32 $0x800, s11;
	[dreg:$0x14] =	wrdreg s17  }
0x1a: {  	s0 =	sadd.s32 s16, s0;
	s12 =	sadd.s32 $0xE00, s2;
	[dreg:$0x15] =	wrdreg s18  }
0x1b: {  	s14 =	simm.s32 $0x100;
	s22 =	sadd.s32 $0x1600, s2;
	[dreg:$0x16] =	wrdreg s12  }
0x1c: {  	s16 =	simm.s32 $0x4600;
	s24 =	sadd.s32 $0x1E00, s2;
	[dreg:$0x17] =	wrdreg s22  }
0x1d: {  	s25 =	sadd.s32 $0x2600, s2;
	s2 =	sadd.s32 $0x2E00, s2;
	[dreg:$0x18] =	wrdreg s24  }
0x1e: {  	s23 =	sadd.s32 s26, s0;
	s0 =	sadd.s32 $0x13800, s0;
	[dreg:$0x19] =	wrdreg s25  }
0x1f: {  	s29 =	smax.u32 s6, $0x1;
	s31 =	sadd.s32 $0xC00, s11;
	[dreg:$0x1a] =	wrdreg s2  }
.Ltmp0:
0x20: {  	s26 =	simm.s32 $0x4;
	[dreg:$0x1b] =	wrdreg s0;
	(pc) =	sbr.rel .LBB2_1-.Ltmp0, $4  }
0x21: {  	s11 =	simm.s32 $0x5;
	s6 =	simm.s32 $0x0;
	[dreg:$0x1c] =	wrdreg s29  }
0x22: {  	[dreg:$0x1d] =	wrdreg s31;
	s2 =	simm.s32 $0x80;
	s0 =	simm.s32 $0x600  }
0x23: {  	s24 =	simm.s32 $0x2;
	s17 =	simm.s32 $0x400;
	s18 =	simm.s32 $0x7  }
0x24: {  	v0 =	vimm.f32 $0.0e+00;
	s22 =	simm.s32 $0x8;
	s25 =	simm.s32 $0xA;
	s12 =	simm.s32 $0xC  }
.LBB2_9:
0x25: {  	s5 =	rddreg [dreg:$0xe]  }
0x26: {  	s6 =	rddreg [dreg:$0x16];
	s7 =	simm.s32 $0x1FC1;
	s5 =	sshrl.u32 s5, $0x3  }
0x27: {  	[hbm:s6], [sflag:s7] =	dma.local [spmem:s5], $0x800  }
0x28: {  	s5 =	rddreg [dreg:$0xf]  }
0x29: {  	s8 =	simm.s32 $0x1FC2;
	s6 =	rddreg [dreg:$0x17];
	s5 =	sshrl.u32 s5, $0x3  }
0x2a: {  	[hbm:s6], [sflag:s8] =	dma.local [spmem:s5], $0x800  }
0x2b: {  	s5 =	rddreg [dreg:$0x10]  }
0x2c: {  	s9 =	simm.s32 $0x1FC3;
	s6 =	rddreg [dreg:$0x18];
	s5 =	sshrl.u32 s5, $0x3  }
0x2d: {  	[hbm:s6], [sflag:s9] =	dma.local [spmem:s5], $0x800  }
0x2e: {  	s5 =	rddreg [dreg:$0x11]  }
0x2f: {  	s29 =	simm.s32 $0x1FC4;
	s6 =	rddreg [dreg:$0x19];
	s5 =	sshrl.u32 s5, $0x3  }
0x30: {  	[hbm:s6], [sflag:s29] =	dma.local [spmem:s5], $0x800  }
0x31: {  	s31 =	simm.s32 $0x1FC5;
	s5 =	rddreg [dreg:$0x12]  }
0x32: {  	s7 =	simm.s32 $0x1;
	s6 =	rddreg [dreg:$0x1a];
	s5 =	sshrl.u32 s5, $0x3  }
0x33: {  	[hbm:s6], [sflag:s31] =	dma.local [spmem:s5], $0x80  }
0x34: {  	_ =	swait.ge [sflag:s7], $0x800  }
0x35: {  	[sflag:s7] =	ssyncset.done $0x0  }
0x36: {  	[sflag:s7] =	ssyncadd.s32 $0xFFFFF800  }
0x37: {  	_ =	swait.ge [sflag:s24], $0x800  }
0x38: {  	[sflag:s24] =	ssyncset.done $0x0  }
0x39: {  	[sflag:s24] =	ssyncadd.s32 $0xFFFFF800  }
0x3a: {  	_ =	swait.ge [sflag:s19], $0x800  }
0x3b: {  	[sflag:s19] =	ssyncset.done $0x0  }
0x3c: {  	[sflag:s19] =	ssyncadd.s32 $0xFFFFF800  }
0x3d: {  	_ =	swait.ge [sflag:s26], $0x800  }
0x3e: {  	[sflag:s26] =	ssyncset.done $0x0  }
0x3f: {  	[sflag:s26] =	ssyncadd.s32 $0xFFFFF800  }
0x40: {  	_ =	swait.ge [sflag:s11], $0x80  }
0x41: {  	[sflag:s11] =	ssyncset.done $0x0  }
0x42: {  	s6 =	rddreg [dreg:$0x1e];
	[sflag:s11] =	ssyncadd.s32 $0xFFFFFF80  }
.LBB2_10:
0x43: {  	s6 =	sadd.s32 $0x1, s6;
	s5 =	rddreg [dreg:$0x1c]  }
0x44: {  	p2 =	sne.s32 s6, s5  }
.Ltmp1:
0x45: {  	_ = 	snop;
	(pc) =	sbr.rel @!p2 .LBB2_11-.Ltmp1, $1  }
0x46: {  	_ =	sdelay $0x3  }
.LBB2_1:
0x47: {  	[dreg:$0x1e] =	wrdreg s6;
	s5 =	simm.s32 $0x0;
	s6 =	simm.s32 $0x200  }
.LBB2_2:
0x48: {  	p2 =	sne.s32 s6, $0xFE00;
	[tilespmem:s5+$0x670] =	vst v0  }
0x49: {  	[tilespmem:s5+$0x600] =	vst v0  }
0x4a: {  	[tilespmem:s5+$0x610] =	vst v0  }
.Ltmp2:
0x4b: {  	[tilespmem:s5+$0x620] =	vst v0;
	(pc) =	sbr.rel @p2 .LBB2_2-.Ltmp2, $4  }
0x4c: {  	[tilespmem:s5+$0x630] =	vst v0  }
0x4d: {  	[tilespmem:s5+$0x640] =	vst v0  }
0x4e: {  	[tilespmem:s5+$0x650] =	vst v0  }
0x4f: {  	[tilespmem:s5+$0x660] =	vst v0;
	s5 =	sshra.s32 s6, $0x2;
	s6 =	sadd.s32 $0x200, s6  }
0x50: {  	[tilespmem:s5+$0x670] =	vst v0  }
0x51: {  	[tilespmem:s5+$0x600] =	vst v0  }
0x52: {  	[tilespmem:s5+$0x610] =	vst v0  }
0x53: {  	[tilespmem:s5+$0x620] =	vst v0  }
0x54: {  	[tilespmem:s5+$0x630] =	vst v0  }
0x55: {  	[tilespmem:s5+$0x640] =	vst v0  }
0x56: {  	[tilespmem:s5+$0x650] =	vst v0  }
0x57: {  	[tilespmem:s5+$0x660] =	vst v0;
	s5 =	simm.s32 @p1 $0x600;
	s6 =	rddreg [dreg:$0xe]  }
0x58: {  	[spmem:s6] =	stream.linear.scatter @p1 [tilespmem:s5], [sflag:$0x1], $0x4000, $0x38;
	[tilespmem:$0x1FE80] =	vst v63  }
0x59: {  	s6 =	rddreg [dreg:$0xf]  }
0x5a: {  	[spmem:s6] =	stream.linear.scatter @p1 [tilespmem:s5], [sflag:$0x2], $0x4000, $0x38;
	[tilespmem:$0x1FE80] =	vst v63  }
0x5b: {  	s6 =	rddreg [dreg:$0x10]  }
0x5c: {  	[spmem:s6] =	stream.linear.scatter @p1 [tilespmem:s5], [sflag:$0x3], $0x4000, $0x38;
	[tilespmem:$0x1FE80] =	vst v63  }
0x5d: {  	s6 =	rddreg [dreg:$0x11]  }
0x5e: {  	[spmem:s6] =	stream.linear.scatter @p1 [tilespmem:s5], [sflag:$0x4], $0x4000, $0x38;
	[tilespmem:$0x1FE80] =	vst v63  }
0x5f: {  	s6 =	rddreg [dreg:$0x12]  }
0x60: {  	[spmem:s6] =	stream.linear.scatter @p1 [tilespmem:s5], [sflag:$0x5], $0x400, $0x38;
	[tilespmem:$0x1FE80] =	vst v63  }
0x61: {  	s5 =	simm.s32 @p1 $0x1  }
0x62: {  	_ =	swait.ge @p1 [sflag:s5], $0x4000  }
0x63: {  	[sflag:s5] =	ssyncset.done @p1 $0x0  }
0x64: {  	[sflag:s5] =	ssyncadd.s32 @p1 $0xFFFFC000;
	s5 =	simm.s32 @p1 $0x2  }
0x65: {  	_ =	swait.ge @p1 [sflag:s5], $0x4000  }
0x66: {  	[sflag:s5] =	ssyncset.done @p1 $0x0  }
0x67: {  	[sflag:s5] =	ssyncadd.s32 @p1 $0xFFFFC000;
	s5 =	simm.s32 @p1 $0x3  }
0x68: {  	_ =	swait.ge @p1 [sflag:s5], $0x4000  }
0x69: {  	[sflag:s5] =	ssyncset.done @p1 $0x0  }
0x6a: {  	[sflag:s5] =	ssyncadd.s32 @p1 $0xFFFFC000;
	s5 =	simm.s32 @p1 $0x4  }
0x6b: {  	_ =	swait.ge @p1 [sflag:s5], $0x4000  }
0x6c: {  	[sflag:s5] =	ssyncset.done @p1 $0x0  }
0x6d: {  	[sflag:s5] =	ssyncadd.s32 @p1 $0xFFFFC000;
	s5 =	simm.s32 @p1 $0x5  }
0x6e: {  	_ =	swait.ge @p1 [sflag:s5], $0x400  }
0x6f: {  	[sflag:s5] =	ssyncset.done @p1 $0x0  }
0x70: {  	s6 =	rddreg [dreg:$0x9];
	[sflag:s5] =	ssyncadd.s32 @p1 $0xFFFFFC00;
	s5 =	simm.s32 @!p1 $0x600  }
0x71: {  	[spmem:s6] =	stream.linear.scatter @!p1 [tilespmem:s5], [sflag:$0x1], $0x4000, $0x38;
	[tilespmem:$0x1FE80] =	vst v63  }
0x72: {  	s6 =	rddreg [dreg:$0xa]  }
0x73: {  	[spmem:s6] =	stream.linear.scatter @!p1 [tilespmem:s5], [sflag:$0x2], $0x4000, $0x38;
	[tilespmem:$0x1FE80] =	vst v63  }
0x74: {  	s6 =	rddreg [dreg:$0xb]  }
0x75: {  	[spmem:s6] =	stream.linear.scatter @!p1 [tilespmem:s5], [sflag:$0x3], $0x4000, $0x38;
	[tilespmem:$0x1FE80] =	vst v63  }
0x76: {  	s6 =	rddreg [dreg:$0xc]  }
0x77: {  	[spmem:s6] =	stream.linear.scatter @!p1 [tilespmem:s5], [sflag:$0x4], $0x4000, $0x38;
	[tilespmem:$0x1FE80] =	vst v63  }
0x78: {  	s6 =	rddreg [dreg:$0xd]  }
0x79: {  	[spmem:s6] =	stream.linear.scatter @!p1 [tilespmem:s5], [sflag:$0x5], $0x3C00, $0x38;
	[tilespmem:$0x1FE80] =	vst v63  }
0x7a: {  	s5 =	simm.s32 @!p1 $0x1  }
0x7b: {  	_ =	swait.ge @!p1 [sflag:s5], $0x4000  }
0x7c: {  	[sflag:s5] =	ssyncset.done @!p1 $0x0  }
0x7d: {  	[sflag:s5] =	ssyncadd.s32 @!p1 $0xFFFFC000;
	s5 =	simm.s32 @!p1 $0x2  }
0x7e: {  	_ =	swait.ge @!p1 [sflag:s5], $0x4000  }
0x7f: {  	[sflag:s5] =	ssyncset.done @!p1 $0x0  }
0x80: {  	[sflag:s5] =	ssyncadd.s32 @!p1 $0xFFFFC000;
	s5 =	simm.s32 @!p1 $0x3  }
0x81: {  	_ =	swait.ge @!p1 [sflag:s5], $0x4000  }
0x82: {  	[sflag:s5] =	ssyncset.done @!p1 $0x0  }
0x83: {  	[sflag:s5] =	ssyncadd.s32 @!p1 $0xFFFFC000;
	s5 =	simm.s32 @!p1 $0x4  }
0x84: {  	_ =	swait.ge @!p1 [sflag:s5], $0x4000  }
0x85: {  	[sflag:s5] =	ssyncset.done @!p1 $0x0  }
0x86: {  	[sflag:s5] =	ssyncadd.s32 @!p1 $0xFFFFC000;
	s5 =	simm.s32 @!p1 $0x5  }
0x87: {  	_ =	swait.ge @!p1 [sflag:s5], $0x3C00  }
0x88: {  	[sflag:s5] =	ssyncset.done @!p1 $0x0  }
0x89: {  	[sflag:s5] =	ssyncadd.s32 @!p1 $0xFFFFC400  }
0x8a: {  	[bflag:$0x0] =	sbarrier.arrive $0xFFFF  }
0x8b: {  	s5 =	simm.s32 $0x0;
	s8 =	rddreg [dreg:$0x13]  }
0x8c: {  	[tilespmem:s5], [sflag:$0x1] =	stream.linear.gather [hbm4b:s8+s5], $0x100, $0x38;
	[tilespmem:$0x1FE80] =	vst v63  }
0x8d: {  	s9 =	rddreg [dreg:$0x14]  }
0x8e: {  	[tilespmem:s14], [sflag:$0x2] =	stream.linear.gather [hbm4b:s9+s5], $0x100, $0x38;
	[tilespmem:$0x1FE80] =	vst v63  }
0x8f: {  	s29 =	rddreg [dreg:$0x15]  }
0x90: {  	[tilespmem:s28], [sflag:$0x3] =	stream.linear.gather [hbm4b:s29+s5], $0x100, $0x38;
	[tilespmem:$0x1FE80] =	vst v63  }
0x91: {  	s31 =	rddreg [dreg:$0x1d]  }
0x92: {  	[tilespmem:s30], [sflag:$0x4] =	stream.linear.gather [hbm4b:s31+s5], $0x100, $0x38;
	[tilespmem:$0x1FE80] =	vst v63  }
0x93: {  	_ =	swait.ge [sflag:s7], $0x100  }
0x94: {  	p2 =	por $0x1, $0x1;
	[sflag:s7] =	ssyncset.done $0x0  }
0x95: {  	p2 =	por p2, p2;
	[sflag:s7] =	ssyncadd.s32 $0xFFFFFF00  }
0x96: {  	[tilespmem:s0], [sflag:$0x7] =	stream.indirect.gather [hbm4b:s1+s2], $0x80, s5, s2, $0xb8;
	[tilespmem:$0x1FE80] =	vst v63  }
0x97: {  	s5 =	simm.s32 @!p2 $0xB  }
0x98: {  	_ =	swait.ge @!p2 [sflag:s5], $0x4000  }
0x99: {  	[sflag:s5] =	ssyncset.done @!p2 $0x0  }
0x9a: {  	[sflag:s5] =	ssyncadd.s32 @!p2 $0xFFFFC000  }
0x9b: {  	_ =	swait.ge [sflag:s24], $0x100  }
0x9c: {  	[sflag:s24] =	ssyncset.done $0x0  }
0x9d: {  	s7 =	sadd.s32 $0x0, s23;
	[sflag:s24] =	ssyncadd.s32 $0xFFFFFF00  }
0x9e: {  	[tilespmem:s16], [sflag:$0x8] =	stream.indirect.gather [hbm4b:s1+s2], $0x80, s14, s2, $0xb8;
	[tilespmem:$0x1FE80] =	vst v63  }
0x9f: {  	s8 =	sadd.s32 $0x1000, s7  }
0xa0: {  	[tilespmem:s17], [sflag:$0x5] =	stream.linear.gather [hbm4b:s8+s4], $0x100, $0x38;
	[tilespmem:$0x1FE80] =	vst v63  }
0xa1: {  	_ =	swait.ge [sflag:s18], $0x4000  }
0xa2: {  	[sflag:s18] =	ssyncset.done $0x0  }
0xa3: {  	s6 =	simm.s32 @!p2 $0xC;
	[sflag:s18] =	ssyncadd.s32 $0xFFFFC000  }
0xa4: {  	[spmem:s3] =	stream.indirect.scatter.add.f32 [tilespmem:s0], [sflag:$0xA], $0x80, s2, s2, $0xb8;
	[tilespmem:$0x1FE80] =	vst v63  }
0xa5: {  	_ =	swait.ge @!p2 [sflag:s6], $0x4000  }
0xa6: {  	[sflag:s6] =	ssyncset.done @!p2 $0x0  }
0xa7: {  	[sflag:s6] =	ssyncadd.s32 @!p2 $0xFFFFC000  }
0xa8: {  	_ =	swait.ge [sflag:s19], $0x100  }
0xa9: {  	[sflag:s19] =	ssyncset.done $0x0  }
0xaa: {  	[sflag:s19] =	ssyncadd.s32 $0xFFFFFF00  }
0xab: {  	[tilespmem:s20], [sflag:$0x9] =	stream.indirect.gather [hbm4b:s1+s2], $0x80, s28, s2, $0xb8;
	[tilespmem:$0x1FE80] =	vst v63  }
0xac: {  	s5 =	sadd.s32 $0x1400, s7  }
0xad: {  	[tilespmem:s21], [sflag:$0x6] =	stream.linear.gather [hbm4b:s5+s4], $0x100, $0x38;
	[tilespmem:$0x1FE80] =	vst v63  }
0xae: {  	_ =	swait.ge [sflag:s22], $0x4000  }
0xaf: {  	[sflag:s22] =	ssyncset.done $0x0  }
0xb0: {  	s9 =	rddreg [dreg:$0x5];
	[sflag:s22] =	ssyncadd.s32 $0xFFFFC000  }
0xb1: {  	[spmem:s3] =	stream.indirect.scatter.add.f32 [tilespmem:s16], [sflag:$0xB], $0x80, s9, s2, $0xb8;
	[tilespmem:$0x1FE80] =	vst v63  }
0xb2: {  	_ =	swait.ge [sflag:s25], $0x4000  }
0xb3: {  	[sflag:s25] =	ssyncset.done $0x0  }
0xb4: {  	[sflag:s25] =	ssyncadd.s32 $0xFFFFC000  }
0xb5: {  	_ =	swait.ge [sflag:s26], $0x100  }
0xb6: {  	p2 =	por $0x0, $0x0;
	[sflag:s26] =	ssyncset.done $0x0  }
0xb7: {  	s6 =	sadd.s32 @!p2 $0x0, s23;
	[sflag:s26] =	ssyncadd.s32 $0xFFFFFF00  }
0xb8: {  	[tilespmem:s0], [sflag:$0x7] =	stream.indirect.gather [hbm4b:s1+s2], $0x80, s30, s2, $0xb8;
	[tilespmem:$0x1FE80] =	vst v63  }
0xb9: {  	s7 =	sadd.s32 @!p2 $0x1800, s6;
	s5 =	simm.s32 @!p2 $0x0  }
0xba: {  	[tilespmem:s5], [sflag:$0x1] =	stream.linear.gather @!p2 [hbm4b:s7+s5], $0x100, $0x38;
	[tilespmem:$0x1FE80] =	vst v63  }
0xbb: {  	_ =	swait.ge [sflag:s15], $0x4000  }
0xbc: {  	[sflag:s15] =	ssyncset.done $0x0  }
0xbd: {  	s29 =	rddreg [dreg:$0x6];
	[sflag:s15] =	ssyncadd.s32 $0xFFFFC000  }
0xbe: {  	[spmem:s3] =	stream.indirect.scatter.add.f32 [tilespmem:s20], [sflag:$0xC], $0x80, s29, s2, $0xb8;
	[tilespmem:$0x1FE80] =	vst v63  }
0xbf: {  	_ =	swait.ge [sflag:s10], $0x4000  }
0xc0: {  	[sflag:s10] =	ssyncset.done $0x0  }
0xc1: {  	[sflag:s10] =	ssyncadd.s32 $0xFFFFC000  }
0xc2: {  	_ =	swait.ge [sflag:s11], $0x100  }
0xc3: {  	[sflag:s11] =	ssyncset.done $0x0  }
0xc4: {  	[sflag:s11] =	ssyncadd.s32 $0xFFFFFF00  }
0xc5: {  	[tilespmem:s16], [sflag:$0x8] =	stream.indirect.gather [hbm4b:s1+s2], $0x80, s17, s2, $0xb8;
	[tilespmem:$0x1FE80] =	vst v63  }
0xc6: {  	s8 =	simm.s32 @!p2 $0x100;
	s7 =	sadd.s32 @!p2 $0x1C00, s6  }
0xc7: {  	[tilespmem:s8], [sflag:$0x2] =	stream.linear.gather @!p2 [hbm4b:s7+s5], $0x100, $0x38;
	[tilespmem:$0x1FE80] =	vst v63  }
0xc8: {  	_ =	swait.ge [sflag:s18], $0x4000  }
0xc9: {  	[sflag:s18] =	ssyncset.done $0x0  }
0xca: {  	s31 =	rddreg [dreg:$0x7];
	[sflag:s18] =	ssyncadd.s32 $0xFFFFC000  }
0xcb: {  	[spmem:s3] =	stream.indirect.scatter.add.f32 [tilespmem:s0], [sflag:$0xA], $0x80, s31, s2, $0xb8;
	[tilespmem:$0x1FE80] =	vst v63  }
0xcc: {  	_ =	swait.ge [sflag:s12], $0x4000  }
0xcd: {  	[sflag:s12] =	ssyncset.done $0x0  }
0xce: {  	[sflag:s12] =	ssyncadd.s32 $0xFFFFC000  }
0xcf: {  	_ =	swait.ge [sflag:s13], $0x100  }
0xd0: {  	[sflag:s13] =	ssyncset.done $0x0  }
0xd1: {  	s7 =	simm.s32 @p2 $0x8;
	[sflag:s13] =	ssyncadd.s32 $0xFFFFFF00  }
0xd2: {  	[tilespmem:s20], [sflag:$0x9] =	stream.indirect.gather [hbm4b:s1+s2], $0x80, s21, s2, $0xb8;
	[tilespmem:$0x1FE80] =	vst v63  }
0xd3: {  	_ =	swait.ge @p2 [sflag:s7], $0x4000  }
0xd4: {  	s9 =	simm.s32 @p2 $0x80;
	[sflag:s7] =	ssyncset.done @p2 $0x0  }
0xd5: {  	s8 =	simm.s32 @p2 $0x4600;
	[sflag:s7] =	ssyncadd.s32 @p2 $0xFFFFC000;
	s7 =	simm.s32 @p2 $0x480  }
0xd6: {  	[spmem:s3] =	stream.indirect.scatter.add.f32 @p2 [tilespmem:s8], [sflag:$0xB], $0x80, s7, s9, $0xb8;
	[tilespmem:$0x1FE80] =	vst v63  }
0xd7: {  	s7 =	simm.s32 @p2 $0xA  }
0xd8: {  	_ =	swait.ge @p2 [sflag:s7], $0x4000  }
0xd9: {  	s8 =	sadd.s32 @!p2 $0x2000, s6;
	[sflag:s7] =	ssyncset.done @p2 $0x0  }
0xda: {  	s9 =	simm.s32 @!p2 $0x200;
	[sflag:s7] =	ssyncadd.s32 @p2 $0xFFFFC000;
	s7 =	simm.s32 @!p2 $0x8  }
0xdb: {  	[tilespmem:s9], [sflag:$0x3] =	stream.linear.gather @!p2 [hbm4b:s8+s5], $0x100, $0x38;
	[tilespmem:$0x1FE80] =	vst v63  }
0xdc: {  	_ =	swait.ge @!p2 [sflag:s7], $0x4000  }
0xdd: {  	s8 =	simm.s32 @!p2 $0x4600;
	[sflag:s7] =	ssyncset.done @!p2 $0x0  }
0xde: {  	s9 =	simm.s32 @!p2 $0x80;
	[sflag:s7] =	ssyncadd.s32 @!p2 $0xFFFFC000;
	s7 =	simm.s32 @!p2 $0x480  }
0xdf: {  	[spmem:s3] =	stream.indirect.scatter.add.f32 @!p2 [tilespmem:s8], [sflag:$0xB], $0x80, s7, s9, $0xb8;
	[tilespmem:$0x1FE80] =	vst v63  }
0xe0: {  	s7 =	simm.s32 @!p2 $0xA  }
0xe1: {  	_ =	swait.ge @!p2 [sflag:s7], $0x4000  }
0xe2: {  	[sflag:s7] =	ssyncset.done @!p2 $0x0  }
0xe3: {  	[sflag:s7] =	ssyncadd.s32 @!p2 $0xFFFFC000;
	s7 =	simm.s32 @!p2 $0x1  }
0xe4: {  	_ =	swait.ge @!p2 [sflag:s7], $0x100  }
0xe5: {  	[sflag:s7] =	ssyncset.done @!p2 $0x0  }
0xe6: {  	[sflag:s7] =	ssyncadd.s32 @!p2 $0xFFFFFF00;
	s7 =	simm.s32 @!p2 $0x600  }
0xe7: {  	[tilespmem:s7], [sflag:$0x7] =	stream.indirect.gather @!p2 [hbm4b:s1+s9], $0x80, s5, s9, $0xb8;
	[tilespmem:$0x1FE80] =	vst v63  }
0xe8: {  	s6 =	sadd.s32 @!p2 $0x2400, s6;
	s7 =	simm.s32 @!p2 $0x300  }
0xe9: {  	[tilespmem:s7], [sflag:$0x4] =	stream.linear.gather @!p2 [hbm4b:s6+s5], $0x100, $0x38;
	[tilespmem:$0x1FE80] =	vst v63  }
0xea: {  	p6 =	por $0x0, $0x0;
	_ =	swait.ge [sflag:s15], $0x4000  }
0xeb: {  	s6 =	simm.s32 $0x1800;
	s7 =	simm.s32 $0x3000;
	[sflag:s15] =	ssyncset.done $0x0  }
0xec: {  	p2 =	por p6, p6;
	s5 =	rddreg [dreg:$0x8];
	[sflag:s15] =	ssyncadd.s32 $0xFFFFC000  }
.LBB2_4:
0xed: {  	s8 =	simm.s32 @!p2 $0xB  }
0xee: {  	[spmem:s3] =	stream.indirect.scatter.add.f32 [tilespmem:s20], [sflag:$0xC], $0x80, s5, s2, $0xb8;
	[tilespmem:$0x1FE80] =	vst v63  }
0xef: {  	_ =	swait.ge @!p2 [sflag:s8], $0x4000  }
0xf0: {  	[sflag:s8] =	ssyncset.done @!p2 $0x0  }
0xf1: {  	[sflag:s8] =	ssyncadd.s32 @!p2 $0xFFFFC000  }
0xf2: {  	_ =	swait.ge [sflag:s24], $0x100  }
0xf3: {  	[sflag:s24] =	ssyncset.done $0x0  }
0xf4: {  	s29 =	sadd.s32 s6, s23;
	[sflag:s24] =	ssyncadd.s32 $0xFFFFFF00  }
0xf5: {  	[tilespmem:s16], [sflag:$0x8] =	stream.indirect.gather [hbm4b:s1+s2], $0x80, s14, s2, $0xb8;
	[tilespmem:$0x1FE80] =	vst v63  }
0xf6: {  	s31 =	sadd.s32 $0x1000, s29  }
0xf7: {  	[tilespmem:s17], [sflag:$0x5] =	stream.linear.gather [hbm4b:s31+s4], $0x100, $0x38;
	[tilespmem:$0x1FE80] =	vst v63  }
0xf8: {  	_ =	swait.ge [sflag:s18], $0x4000  }
0xf9: {  	[sflag:s18] =	ssyncset.done $0x0  }
0xfa: {  	s8 =	simm.s32 @!p2 $0xC;
	[sflag:s18] =	ssyncadd.s32 $0xFFFFC000  }
0xfb: {  	[spmem:s3] =	stream.indirect.scatter.add.f32 [tilespmem:s0], [sflag:$0xA], $0x80, s2, s2, $0xb8;
	[tilespmem:$0x1FE80] =	vst v63  }
0xfc: {  	_ =	swait.ge @!p2 [sflag:s8], $0x4000  }
0xfd: {  	[sflag:s8] =	ssyncset.done @!p2 $0x0  }
0xfe: {  	[sflag:s8] =	ssyncadd.s32 @!p2 $0xFFFFC000  }
0xff: {  	_ =	swait.ge [sflag:s19], $0x100  }
0x100: {  	[sflag:s19] =	ssyncset.done $0x0  }
0x101: {  	[sflag:s19] =	ssyncadd.s32 $0xFFFFFF00  }
0x102: {  	[tilespmem:s20], [sflag:$0x9] =	stream.indirect.gather [hbm4b:s1+s2], $0x80, s28, s2, $0xb8;
	[tilespmem:$0x1FE80] =	vst v63  }
0x103: {  	s5 =	sadd.s32 $0x1400, s29  }
0x104: {  	[tilespmem:s21], [sflag:$0x6] =	stream.linear.gather [hbm4b:s5+s4], $0x100, $0x38;
	[tilespmem:$0x1FE80] =	vst v63  }
0x105: {  	_ =	swait.ge [sflag:s22], $0x4000  }
0x106: {  	[sflag:s22] =	ssyncset.done $0x0  }
0x107: {  	s14 =	rddreg [dreg:$0x5];
	[sflag:s22] =	ssyncadd.s32 $0xFFFFC000  }
0x108: {  	[spmem:s3] =	stream.indirect.scatter.add.f32 [tilespmem:s16], [sflag:$0xB], $0x80, s14, s2, $0xb8;
	[tilespmem:$0x1FE80] =	vst v63  }
0x109: {  	_ =	swait.ge [sflag:s25], $0x4000  }
0x10a: {  	[sflag:s25] =	ssyncset.done $0x0  }
0x10b: {  	[sflag:s25] =	ssyncadd.s32 $0xFFFFC000  }
0x10c: {  	p4 =	seq.s32 s7, $0x0;
	_ =	swait.ge [sflag:s26], $0x100  }
0x10d: {  	p2 =	por p4, p4;
	p4 =	seq.s32 s6, $0x12000;
	[sflag:s26] =	ssyncset.done $0x0  }
0x10e: {  	s9 =	smov.u32 s7;
	s31 =	sadd.s32 @!p4 s6, s23;
	[sflag:s26] =	ssyncadd.s32 $0xFFFFFF00  }
0x10f: {  	[tilespmem:s0], [sflag:$0x7] =	stream.indirect.gather [hbm4b:s1+s2], $0x80, s30, s2, $0xb8;
	[tilespmem:$0x1FE80] =	vst v63  }
0x110: {  	s8 =	simm.s32 @!p4 $0x0;
	s6 =	smov.u32 s9;
	s9 =	sadd.s32 @!p4 $0x1800, s31  }
0x111: {  	[tilespmem:s8], [sflag:$0x1] =	stream.linear.gather @!p4 [hbm4b:s9+s8], $0x100, $0x38;
	[tilespmem:$0x1FE80] =	vst v63  }
0x112: {  	_ =	swait.ge [sflag:s15], $0x4000  }
0x113: {  	[sflag:s15] =	ssyncset.done $0x0  }
0x114: {  	s29 =	rddreg [dreg:$0x6];
	[sflag:s15] =	ssyncadd.s32 $0xFFFFC000  }
0x115: {  	[spmem:s3] =	stream.indirect.scatter.add.f32 [tilespmem:s20], [sflag:$0xC], $0x80, s29, s2, $0xb8;
	[tilespmem:$0x1FE80] =	vst v63  }
0x116: {  	_ =	swait.ge [sflag:s10], $0x4000  }
0x117: {  	[sflag:s10] =	ssyncset.done $0x0  }
0x118: {  	[sflag:s10] =	ssyncadd.s32 $0xFFFFC000  }
0x119: {  	_ =	swait.ge [sflag:s11], $0x100  }
0x11a: {  	[sflag:s11] =	ssyncset.done $0x0  }
0x11b: {  	s5 =	sadd.s32 @!p4 $0x2000, s31;
	[sflag:s11] =	ssyncadd.s32 $0xFFFFFF00  }
0x11c: {  	[tilespmem:s16], [sflag:$0x8] =	stream.indirect.gather [hbm4b:s1+s2], $0x80, s17, s2, $0xb8;
	[tilespmem:$0x1FE80] =	vst v63  }
0x11d: {  	s14 =	sadd.s32 @!p4 $0x1C00, s31;
	s9 =	sadd.s32 @!p4 $0x2400, s31;
	s31 =	simm.s32 @!p4 $0x100  }
0x11e: {  	[tilespmem:s31], [sflag:$0x2] =	stream.linear.gather @!p4 [hbm4b:s14+s8], $0x100, $0x38;
	[tilespmem:$0x1FE80] =	vst v63  }
0x11f: {  	_ =	swait.ge [sflag:s18], $0x4000  }
0x120: {  	[sflag:s18] =	ssyncset.done $0x0  }
0x121: {  	s31 =	rddreg [dreg:$0x7];
	[sflag:s18] =	ssyncadd.s32 $0xFFFFC000  }
0x122: {  	[spmem:s3] =	stream.indirect.scatter.add.f32 [tilespmem:s0], [sflag:$0xA], $0x80, s31, s2, $0xb8;
	[tilespmem:$0x1FE80] =	vst v63  }
0x123: {  	_ =	swait.ge [sflag:s12], $0x4000  }
0x124: {  	[sflag:s12] =	ssyncset.done $0x0  }
0x125: {  	[sflag:s12] =	ssyncadd.s32 $0xFFFFC000  }
0x126: {  	_ =	swait.ge [sflag:s13], $0x100  }
0x127: {  	[sflag:s13] =	ssyncset.done $0x0  }
0x128: {  	s14 =	simm.s32 @p4 $0x8;
	[sflag:s13] =	ssyncadd.s32 $0xFFFFFF00  }
0x129: {  	[tilespmem:s20], [sflag:$0x9] =	stream.indirect.gather [hbm4b:s1+s2], $0x80, s21, s2, $0xb8;
	[tilespmem:$0x1FE80] =	vst v63  }
0x12a: {  	_ =	swait.ge @p4 [sflag:s14], $0x4000  }
0x12b: {  	s28 =	simm.s32 @p4 $0x80;
	s29 =	simm.s32 @p4 $0x480;
	[sflag:s14] =	ssyncset.done @p4 $0x0  }
0x12c: {  	s31 =	simm.s32 @p4 $0x4600;
	[sflag:s14] =	ssyncadd.s32 @p4 $0xFFFFC000;
	s14 =	simm.s32 @p4 $0xA  }
0x12d: {  	[spmem:s3] =	stream.indirect.scatter.add.f32 @p4 [tilespmem:s31], [sflag:$0xB], $0x80, s29, s28, $0xb8;
	[tilespmem:$0x1FE80] =	vst v63  }
0x12e: {  	_ =	swait.ge @p4 [sflag:s14], $0x4000  }
0x12f: {  	[sflag:s14] =	ssyncset.done @p4 $0x0  }
0x130: {  	s28 =	simm.s32 @!p4 $0x200;
	[sflag:s14] =	ssyncadd.s32 @p4 $0xFFFFC000;
	s14 =	simm.s32 @!p4 $0x8  }
0x131: {  	[tilespmem:s28], [sflag:$0x3] =	stream.linear.gather @!p4 [hbm4b:s5+s8], $0x100, $0x38;
	[tilespmem:$0x1FE80] =	vst v63  }
0x132: {  	_ =	swait.ge @!p4 [sflag:s14], $0x4000  }
0x133: {  	s29 =	simm.s32 @!p4 $0x480;
	s5 =	simm.s32 @!p4 $0x4600;
	[sflag:s14] =	ssyncset.done @!p4 $0x0  }
0x134: {  	s28 =	simm.s32 @!p4 $0x80;
	[sflag:s14] =	ssyncadd.s32 @!p4 $0xFFFFC000;
	s14 =	simm.s32 @!p4 $0xA  }
0x135: {  	[spmem:s3] =	stream.indirect.scatter.add.f32 @!p4 [tilespmem:s5], [sflag:$0xB], $0x80, s29, s28, $0xb8;
	[tilespmem:$0x1FE80] =	vst v63  }
0x136: {  	_ =	swait.ge @!p4 [sflag:s14], $0x4000  }
0x137: {  	[sflag:s14] =	ssyncset.done @!p4 $0x0  }
0x138: {  	s5 =	simm.s32 @!p4 $0x1;
	[sflag:s14] =	ssyncadd.s32 @!p4 $0xFFFFC000  }
0x139: {  	_ =	swait.ge @!p4 [sflag:s5], $0x100  }
0x13a: {  	s7 =	sadd.s32 $0x1800, s7;
	[sflag:s5] =	ssyncset.done @!p4 $0x0  }
0x13b: {  	p3 =	sne.s32 s7, $0x13800;
	s14 =	simm.s32 @!p4 $0x600;
	[sflag:s5] =	ssyncadd.s32 @!p4 $0xFFFFFF00  }
0x13c: {  	[tilespmem:s14], [sflag:$0x7] =	stream.indirect.gather @!p4 [hbm4b:s1+s28], $0x80, s8, s28, $0xb8;
	[tilespmem:$0x1FE80] =	vst v63  }
.Ltmp3:
0x13d: {  	s5 =	simm.s32 @!p4 $0x300;
	(pc) =	sbr.rel @p3 .LBB2_4-.Ltmp3, $4  }
0x13e: {  	[tilespmem:s5], [sflag:$0x4] =	stream.linear.gather @!p4 [hbm4b:s9+s8], $0x100, $0x38;
	[tilespmem:$0x1FE80] =	vst v63  }
0x13f: {  	_ =	swait.ge [sflag:s15], $0x4000  }
0x140: {  	s28 =	simm.s32 $0x200;
	[sflag:s15] =	ssyncset.done $0x0  }
0x141: {  	s14 =	simm.s32 $0x100;
	s5 =	rddreg [dreg:$0x8];
	[sflag:s15] =	ssyncadd.s32 $0xFFFFC000  }
0x142: {  	s7 =	simm.s32 @!p2 $0xB  }
0x143: {  	[spmem:s3] =	stream.indirect.scatter.add.f32 [tilespmem:s20], [sflag:$0xC], $0x80, s5, s2, $0xb8;
	[tilespmem:$0x1FE80] =	vst v63  }
0x144: {  	_ =	swait.ge @!p2 [sflag:s7], $0x4000  }
0x145: {  	[sflag:s7] =	ssyncset.done @!p2 $0x0  }
0x146: {  	[sflag:s7] =	ssyncadd.s32 @!p2 $0xFFFFC000  }
0x147: {  	_ =	swait.ge [sflag:s24], $0x100  }
0x148: {  	[sflag:s24] =	ssyncset.done $0x0  }
0x149: {  	s29 =	sadd.s32 s6, s23;
	[sflag:s24] =	ssyncadd.s32 $0xFFFFFF00  }
0x14a: {  	[tilespmem:s16], [sflag:$0x8] =	stream.indirect.gather [hbm4b:s1+s2], $0x80, s14, s2, $0xb8;
	[tilespmem:$0x1FE80] =	vst v63  }
0x14b: {  	s31 =	sadd.s32 $0x1000, s29  }
0x14c: {  	[tilespmem:s17], [sflag:$0x5] =	stream.linear.gather [hbm4b:s31+s4], $0x100, $0x38;
	[tilespmem:$0x1FE80] =	vst v63  }
0x14d: {  	_ =	swait.ge [sflag:s18], $0x4000  }
0x14e: {  	[sflag:s18] =	ssyncset.done $0x0  }
0x14f: {  	s7 =	simm.s32 @!p2 $0xC;
	[sflag:s18] =	ssyncadd.s32 $0xFFFFC000  }
0x150: {  	[spmem:s3] =	stream.indirect.scatter.add.f32 [tilespmem:s0], [sflag:$0xA], $0x80, s2, s2, $0xb8;
	[tilespmem:$0x1FE80] =	vst v63  }
0x151: {  	_ =	swait.ge @!p2 [sflag:s7], $0x4000  }
0x152: {  	[sflag:s7] =	ssyncset.done @!p2 $0x0  }
0x153: {  	[sflag:s7] =	ssyncadd.s32 @!p2 $0xFFFFC000  }
0x154: {  	_ =	swait.ge [sflag:s19], $0x100  }
0x155: {  	[sflag:s19] =	ssyncset.done $0x0  }
0x156: {  	[sflag:s19] =	ssyncadd.s32 $0xFFFFFF00  }
0x157: {  	[tilespmem:s20], [sflag:$0x9] =	stream.indirect.gather [hbm4b:s1+s2], $0x80, s28, s2, $0xb8;
	[tilespmem:$0x1FE80] =	vst v63  }
0x158: {  	s5 =	sadd.s32 $0x1400, s29  }
0x159: {  	[tilespmem:s21], [sflag:$0x6] =	stream.linear.gather [hbm4b:s5+s4], $0x100, $0x38;
	[tilespmem:$0x1FE80] =	vst v63  }
0x15a: {  	_ =	swait.ge [sflag:s22], $0x4000  }
0x15b: {  	[sflag:s22] =	ssyncset.done $0x0  }
0x15c: {  	s8 =	rddreg [dreg:$0x5];
	[sflag:s22] =	ssyncadd.s32 $0xFFFFC000  }
0x15d: {  	[spmem:s3] =	stream.indirect.scatter.add.f32 [tilespmem:s16], [sflag:$0xB], $0x80, s8, s2, $0xb8;
	[tilespmem:$0x1FE80] =	vst v63  }
0x15e: {  	_ =	swait.ge [sflag:s25], $0x4000  }
0x15f: {  	[sflag:s25] =	ssyncset.done $0x0  }
0x160: {  	[sflag:s25] =	ssyncadd.s32 $0xFFFFC000  }
0x161: {  	_ =	swait.ge [sflag:s26], $0x100  }
0x162: {  	p2 =	seq.s32 s6, $0x12000;
	[sflag:s26] =	ssyncset.done $0x0  }
0x163: {  	s6 =	sadd.s32 @!p2 s6, s23;
	[sflag:s26] =	ssyncadd.s32 $0xFFFFFF00  }
0x164: {  	[tilespmem:s0], [sflag:$0x7] =	stream.indirect.gather [hbm4b:s1+s2], $0x80, s30, s2, $0xb8;
	[tilespmem:$0x1FE80] =	vst v63  }
0x165: {  	s7 =	sadd.s32 @!p2 $0x1800, s6;
	s5 =	simm.s32 @!p2 $0x0  }
0x166: {  	[tilespmem:s5], [sflag:$0x1] =	stream.linear.gather @!p2 [hbm4b:s7+s5], $0x100, $0x38;
	[tilespmem:$0x1FE80] =	vst v63  }
0x167: {  	_ =	swait.ge [sflag:s15], $0x4000  }
0x168: {  	[sflag:s15] =	ssyncset.done $0x0  }
0x169: {  	s9 =	rddreg [dreg:$0x6];
	[sflag:s15] =	ssyncadd.s32 $0xFFFFC000  }
0x16a: {  	[spmem:s3] =	stream.indirect.scatter.add.f32 [tilespmem:s20], [sflag:$0xC], $0x80, s9, s2, $0xb8;
	[tilespmem:$0x1FE80] =	vst v63  }
0x16b: {  	_ =	swait.ge [sflag:s10], $0x4000  }
0x16c: {  	[sflag:s10] =	ssyncset.done $0x0  }
0x16d: {  	[sflag:s10] =	ssyncadd.s32 $0xFFFFC000  }
0x16e: {  	_ =	swait.ge [sflag:s11], $0x100  }
0x16f: {  	[sflag:s11] =	ssyncset.done $0x0  }
0x170: {  	[sflag:s11] =	ssyncadd.s32 $0xFFFFFF00  }
0x171: {  	[tilespmem:s16], [sflag:$0x8] =	stream.indirect.gather [hbm4b:s1+s2], $0x80, s17, s2, $0xb8;
	[tilespmem:$0x1FE80] =	vst v63  }
0x172: {  	s8 =	simm.s32 @!p2 $0x100;
	s7 =	sadd.s32 @!p2 $0x1C00, s6  }
0x173: {  	[tilespmem:s8], [sflag:$0x2] =	stream.linear.gather @!p2 [hbm4b:s7+s5], $0x100, $0x38;
	[tilespmem:$0x1FE80] =	vst v63  }
0x174: {  	_ =	swait.ge [sflag:s18], $0x4000  }
0x175: {  	[sflag:s18] =	ssyncset.done $0x0  }
0x176: {  	s29 =	rddreg [dreg:$0x7];
	[sflag:s18] =	ssyncadd.s32 $0xFFFFC000  }
0x177: {  	[spmem:s3] =	stream.indirect.scatter.add.f32 [tilespmem:s0], [sflag:$0xA], $0x80, s29, s2, $0xb8;
	[tilespmem:$0x1FE80] =	vst v63  }
0x178: {  	_ =	swait.ge [sflag:s12], $0x4000  }
0x179: {  	[sflag:s12] =	ssyncset.done $0x0  }
0x17a: {  	[sflag:s12] =	ssyncadd.s32 $0xFFFFC000  }
0x17b: {  	_ =	swait.ge [sflag:s13], $0x100  }
0x17c: {  	[sflag:s13] =	ssyncset.done $0x0  }
0x17d: {  	s7 =	simm.s32 @p2 $0x8;
	[sflag:s13] =	ssyncadd.s32 $0xFFFFFF00  }
0x17e: {  	[tilespmem:s20], [sflag:$0x9] =	stream.indirect.gather [hbm4b:s1+s2], $0x80, s21, s2, $0xb8;
	[tilespmem:$0x1FE80] =	vst v63  }
0x17f: {  	_ =	swait.ge @p2 [sflag:s7], $0x4000  }
0x180: {  	s9 =	simm.s32 @p2 $0x80;
	[sflag:s7] =	ssyncset.done @p2 $0x0  }
0x181: {  	s8 =	simm.s32 @p2 $0x4600;
	[sflag:s7] =	ssyncadd.s32 @p2 $0xFFFFC000;
	s7 =	simm.s32 @p2 $0x480  }
0x182: {  	[spmem:s3] =	stream.indirect.scatter.add.f32 @p2 [tilespmem:s8], [sflag:$0xB], $0x80, s7, s9, $0xb8;
	[tilespmem:$0x1FE80] =	vst v63  }
0x183: {  	s7 =	simm.s32 @p2 $0xA  }
0x184: {  	_ =	swait.ge @p2 [sflag:s7], $0x4000  }
0x185: {  	s8 =	sadd.s32 @!p2 $0x2000, s6;
	[sflag:s7] =	ssyncset.done @p2 $0x0  }
0x186: {  	s9 =	simm.s32 @!p2 $0x200;
	[sflag:s7] =	ssyncadd.s32 @p2 $0xFFFFC000;
	s7 =	simm.s32 @!p2 $0x8  }
0x187: {  	[tilespmem:s9], [sflag:$0x3] =	stream.linear.gather @!p2 [hbm4b:s8+s5], $0x100, $0x38;
	[tilespmem:$0x1FE80] =	vst v63  }
0x188: {  	_ =	swait.ge @!p2 [sflag:s7], $0x4000  }
0x189: {  	s8 =	simm.s32 @!p2 $0x4600;
	[sflag:s7] =	ssyncset.done @!p2 $0x0  }
0x18a: {  	s9 =	simm.s32 @!p2 $0x80;
	[sflag:s7] =	ssyncadd.s32 @!p2 $0xFFFFC000;
	s7 =	simm.s32 @!p2 $0x480  }
0x18b: {  	[spmem:s3] =	stream.indirect.scatter.add.f32 @!p2 [tilespmem:s8], [sflag:$0xB], $0x80, s7, s9, $0xb8;
	[tilespmem:$0x1FE80] =	vst v63  }
0x18c: {  	s7 =	simm.s32 @!p2 $0xA  }
0x18d: {  	_ =	swait.ge @!p2 [sflag:s7], $0x4000  }
0x18e: {  	[sflag:s7] =	ssyncset.done @!p2 $0x0  }
0x18f: {  	[sflag:s7] =	ssyncadd.s32 @!p2 $0xFFFFC000;
	s7 =	simm.s32 @!p2 $0x1  }
0x190: {  	_ =	swait.ge @!p2 [sflag:s7], $0x100  }
0x191: {  	[sflag:s7] =	ssyncset.done @!p2 $0x0  }
0x192: {  	[sflag:s7] =	ssyncadd.s32 @!p2 $0xFFFFFF00;
	s7 =	simm.s32 @!p2 $0x600  }
0x193: {  	[tilespmem:s7], [sflag:$0x7] =	stream.indirect.gather @!p2 [hbm4b:s1+s9], $0x80, s5, s9, $0xb8;
	[tilespmem:$0x1FE80] =	vst v63  }
0x194: {  	s6 =	sadd.s32 @!p2 $0x2400, s6;
	s7 =	simm.s32 @!p2 $0x300  }
0x195: {  	[tilespmem:s7], [sflag:$0x4] =	stream.linear.gather @!p2 [hbm4b:s6+s5], $0x100, $0x38;
	[tilespmem:$0x1FE80] =	vst v63  }
0x196: {  	_ =	swait.ge [sflag:s15], $0x4000  }
0x197: {  	[sflag:s15] =	ssyncset.done $0x0  }
0x198: {  	s31 =	rddreg [dreg:$0x8];
	[sflag:s15] =	ssyncadd.s32 $0xFFFFC000  }
0x199: {  	[spmem:s3] =	stream.indirect.scatter.add.f32 [tilespmem:s20], [sflag:$0xC], $0x80, s31, s2, $0xb8;
	[tilespmem:$0x1FE80] =	vst v63  }
0x19a: {  	_ =	swait.ge [sflag:s10], $0x4000  }
.Ltmp4:
0x19b: {  	[sflag:s10] =	ssyncset.done $0x0;
	(pc) =	sbr.rel @p0 .LBB2_7-.Ltmp4, $4  }
0x19c: {  	[sflag:s10] =	ssyncadd.s32 $0xFFFFC000  }
0x19d: {  	_ =	swait.ge [sflag:s12], $0x4000  }
0x19e: {  	[sflag:s12] =	ssyncset.done $0x0  }
0x19f: {  	[sflag:s12] =	ssyncadd.s32 $0xFFFFC000  }
0x1a0: {  	s5 =	rddreg [dreg:$0x1b];
	s31 =	simm.s32 $0xD  }
0x1a1: {  	[tilespmem:s4], [sflag:$0xD] =	stream.linear.gather [hbm4b:s5+s4], $0x100, $0x38;
	[tilespmem:$0x1FE80] =	vst v63  }
0x1a2: {  	_ =	swait.ge [sflag:s31], $0x100  }
0x1a3: {  	[sflag:s31] =	ssyncset.done $0x0  }
0x1a4: {  	[sflag:s31] =	ssyncadd.s32 $0xFFFFFF00  }
0x1a5: {  	[tilespmem:s0], [sflag:$0x7] =	stream.indirect.gather [hbm4b:s1+s2], $0x80, s4, s2, $0xb8;
	[tilespmem:$0x1FE80] =	vst v63  }
0x1a6: {  	_ =	swait.ge [sflag:s18], $0x4000  }
0x1a7: {  	[sflag:s18] =	ssyncset.done $0x0  }
0x1a8: {  	[sflag:s18] =	ssyncadd.s32 $0xFFFFC000  }
0x1a9: {  	[spmem:s3] =	stream.indirect.scatter.add.f32 [tilespmem:s0], [sflag:$0xA], $0x80, s2, s2, $0xb8;
	[tilespmem:$0x1FE80] =	vst v63  }
.Ltmp5:
0x1aa: {  	_ =	swait.ge [sflag:s25], $0x4000;
	(pc) =	sbr.rel .LBB2_8-.Ltmp5, $3  }
0x1ab: {  	[sflag:s25] =	ssyncset.done $0x0  }
0x1ac: {  	[sflag:s25] =	ssyncadd.s32 $0xFFFFC000  }
0x1ad: {  	[bflag:$0x0] =	sbarrier.arrive $0xFFFF;
	_ =	sdelay $0x1  }
.LBB2_7:
.Ltmp6:
0x1ae: {  	(pc) =	sbr.rel @p1 .LBB2_9-.Ltmp6, $2  }
0x1af: {  	_ =	sdelay $0x1  }
0x1b0: {  	[bflag:$0x0] =	sbarrier.arrive $0xFFFF;
	_ =	sdelay $0x1  }
.LBB2_8:
0x1b1: {  	s5 =	stileid.u32  }
0x1b2: {  	s7 =	rddreg [dreg:$0x9];
	s5 =	sshll.u32 s5, $0x6  }
0x1b3: {  	s8 =	rddreg [dreg:$0x16];
	s7 =	sshrl.u32 s7, $0x3;
	s6 =	sor.u32 $0x1C01, s5  }
0x1b4: {  	[hbm:s8], [sflag:s6] =	dma.local [spmem:s7], $0x800  }
0x1b5: {  	s7 =	rddreg [dreg:$0xa]  }
0x1b6: {  	s9 =	sor.u32 $0x1C02, s5;
	s8 =	rddreg [dreg:$0x17];
	s7 =	sshrl.u32 s7, $0x3  }
0x1b7: {  	[hbm:s8], [sflag:s9] =	dma.local [spmem:s7], $0x800  }
0x1b8: {  	s7 =	rddreg [dreg:$0xb]  }
0x1b9: {  	s29 =	sor.u32 $0x1C03, s5;
	s8 =	rddreg [dreg:$0x18];
	s7 =	sshrl.u32 s7, $0x3  }
0x1ba: {  	[hbm:s8], [sflag:s29] =	dma.local [spmem:s7], $0x800  }
0x1bb: {  	s7 =	rddreg [dreg:$0xc]  }
0x1bc: {  	s31 =	sor.u32 $0x1C04, s5;
	s8 =	rddreg [dreg:$0x19];
	s7 =	sshrl.u32 s7, $0x3  }
0x1bd: {  	[hbm:s8], [sflag:s31] =	dma.local [spmem:s7], $0x800  }
0x1be: {  	s6 =	rddreg [dreg:$0xd]  }
0x1bf: {  	s5 =	sor.u32 $0x1C05, s5;
	s7 =	rddreg [dreg:$0x1a];
	s6 =	sshrl.u32 s6, $0x3  }
0x1c0: {  	[hbm:s7], [sflag:s5] =	dma.local [spmem:s6], $0x780  }
0x1c1: {  	s7 =	simm.s32 $0x1  }
0x1c2: {  	_ =	swait.ge [sflag:s7], $0x800  }
0x1c3: {  	[sflag:s7] =	ssyncset.done $0x0  }
0x1c4: {  	[sflag:s7] =	ssyncadd.s32 $0xFFFFF800  }
0x1c5: {  	_ =	swait.ge [sflag:s24], $0x800  }
0x1c6: {  	[sflag:s24] =	ssyncset.done $0x0  }
0x1c7: {  	[sflag:s24] =	ssyncadd.s32 $0xFFFFF800  }
0x1c8: {  	_ =	swait.ge [sflag:s19], $0x800  }
0x1c9: {  	[sflag:s19] =	ssyncset.done $0x0  }
0x1ca: {  	[sflag:s19] =	ssyncadd.s32 $0xFFFFF800  }
0x1cb: {  	_ =	swait.ge [sflag:s26], $0x800  }
.Ltmp7:
0x1cc: {  	[sflag:s26] =	ssyncset.done $0x0;
	(pc) =	sbr.rel .LBB2_10-.Ltmp7, $4  }
0x1cd: {  	[sflag:s26] =	ssyncadd.s32 $0xFFFFF800  }
0x1ce: {  	_ =	swait.ge [sflag:s11], $0x780  }
0x1cf: {  	[sflag:s11] =	ssyncset.done $0x0  }
0x1d0: {  	s6 =	rddreg [dreg:$0x1e];
	[sflag:s11] =	ssyncadd.s32 $0xFFFFF880  }
.LBB2_11:
0x1d1: {  	_ =	sfence.sel $0x180000  }
0x1d2: {  	[bflag:$0x0] =	sbarrier.arrive $0xFFFF  }
0x1d3: {  	_ =	strace $0x90000047  }
0x1d4: {  	s0 =	stileid.u32;
	[bflag:$0x2] =	sbarrier.arrive $0xFFFF  }
0x1d5: {  	p0 =	sne.s32 s0, $0x0;
	s0 =	rddreg [dreg:$0x4]  }
0x1d6: {  	s0 =	sadd.s32 @!p0 $0x100000, s0  }
0x1d7: {  	[sflag:s0] =	ssyncadd.tile.s32 @!p0 $0x1;
	_ =	shalt  }
.Lfunc_end2:
_tile_overlayer_lowered:
.L_overlay_start_2:
0x1d8: {  	(tag) =	ssettag $0x2  }
0x1d9: {  	s0 =	rddreg [dreg:$0x0];
	s2 =	stileid.u32  }
0x1da: {  	s1 =	rddreg [dreg:$0x1];
	p0 =	sne.s32 s2, $0x0  }
0x1db: {  	s3 =	rddreg [dreg:$0x2];
	[bflag:$0x3] =	sbarrier.arrive $0xFFFF;
	s2 =	simm.s32 @!p0 $0x1C0D  }
0x1dc: {  	[timem:s3], [sflag:s2] =	dma.local @!p0 [hbm:s0], s1  }
0x1dd: {  	s0 =	simm.s32 @!p0 $0xD  }
0x1de: {  	_ =	swait.ge @!p0 [sflag:s0], s1  }
0x1df: {  	s1 =	ssub.s32 @!p0 $0x0, s1;
	[sflag:s0] =	ssyncset.done @!p0 $0x0  }
0x1e0: {  	[sflag:s0] =	ssyncadd.s32 @!p0 s1  }
0x1e1: {  	[bflag:$0x3] =	sbarrier.arrive $0xFFFF  }
0x1e2: {  	_ =	shalt  }

// kernel: kernel.8.cloned.1.call-start
scs
__scs_entry_jumppad:
0x0: {  	(pc) =	sbr.rel $0x88, $3  }
0x1: {  	(tag) =	ssettag $0x0;
	lr =	simm.s32 $0x1  }
0x2: {  	[smem:$0x3F9C] =	sst lr;
	_ =	strace $0xD0000000  }
0x3: {  	_ = 	snop  }
0x4: {  	_ = 	snop  }
0x5: {  	_ = 	snop  }
0x6: {  	_ = 	snop  }
0x7: {  	_ = 	snop  }
__scs_overlays_trampoline_lowered:
0x8: {  	[smem:$0x3FAB] =	sst s0  }
0x9: {  	[smem:$0x3FAC] =	sst s1  }
0xa: {  	[smem:$0x3FAD] =	sst s2  }
0xb: {  	[smem:$0x3FAE] =	sst s3  }
0xc: {  	[smem:$0x3FAF] =	sst s4  }
0xd: {  	[smem:$0x3FB0] =	sst s5  }
0xe: {  	[smem:$0x3FB1] =	sst s6  }
0xf: {  	[smem:$0x3FB2] =	sst s7  }
0x10: {  	[smem:$0x3FB3] =	sst s8  }
0x11: {  	[smem:$0x3FB4] =	sst s9;
	s0 =	simm.s32 @!p0 $0x0  }
0x12: {  	s1 =	sld [smem:$0x3F9A];
	s0 =	simm.s32 @p0 $0x1  }
0x13: {  	[smem:$0x3FB5] =	sst s0;
	s0 =	simm.s32 @!p1 $0x0  }
0x14: {  	s2 =	sld [smem:$0x3F99];
	s0 =	simm.s32 @p1 $0x1  }
0x15: {  	[smem:$0x3FB6] =	sst s0;
	s0 =	simm.s32 @!p2 $0x0  }
0x16: {  	s3 =	sld [smem:$0x3FDB];
	s0 =	simm.s32 @p2 $0x1  }
0x17: {  	s4 =	simm.s32 $0x1BF5;
	[smem:$0x3FB8] =	sst s0  }
0x18: {  	s0 =	sld [smem:$0x3F9B];
	_ =	swait.ge [sflag:s4], $0x0  }
0x19: {  	s7 =	sld [smem:$0x3F9C]  }
0x1a: {  	s8 =	sadd.s32 $0xFFFFE003, lr  }
0x1b: {  	s9 =	sadd.s32 $0xFFFFFEF7, lr;
	s5 =	simm.s32 $0xFFFFFFFF;
	p2 =	slt.u32 s8, $0xFFFFF086  }
0x1c: {  	p1 =	slt.u32 s9, $0xF7A;
	s5 =	simm.s32 @!p2 $0x0  }
0x1d: {  	s5 =	simm.s32 @p1 $0x1;
	p0 =	seq.s32 s7, s2  }
0x1e: {  	s7 =	smul.u32 @!p0 $0xF7A, s2;
	p2 =	seq.s32 @!p0 s5, $0x0  }
0x1f: {  	s9 =	smul.u32 $0xF7A, s1;
	s8 =	simm.s32 @!p0 $0x1BF5;
	p2 =	por !p2, p0  }
0x20: {  	[sflag:s8] =	ssyncset.s32 @!p0 $0xFFFFF086;
	s6 =	sadd.s32 @!p0 s3, s7;
	s7 =	simm.s32 @!p0 $0x108  }
0x21: {  	s3 =	sadd.s32 s3, s9;
	s6 =	sadd.s32 @!p0 $0x88, s6;
	s7 =	simm.s32 @p2 $0x1082  }
0x22: {  	[simem:s7], [sflag:s8] =	dma.local @!p0 [hbm:s6], $0xF7A  }
0x23: {  	s9 =	sor.u32 $0xD0000000, s2;
	s6 =	simm.s32 $0x108;
	_ =	swait.ge @!p0 [sflag:s8], $0x0  }
0x24: {  	s3 =	sadd.s32 $0x88, s3;
	s6 =	simm.s32 @!p1 $0x1082;
	[sflag:s4] =	ssyncset.s32 $0xFFFFF086  }
0x25: {  	[simem:s6], [sflag:s4] =	dma.local [hbm:s3], $0xF7A  }
0x26: {  	[smem:$0x3F9C] =	sst s1;
	(tag) =	ssettag s2;
	_ =	strace s9  }
0x27: {  	s1 =	sld [smem:$0x3FAC]  }
0x28: {  	s2 =	sld [smem:$0x3FAD]  }
0x29: {  	s4 =	sld [smem:$0x3FAF]  }
0x2a: {  	p0 =	seq.s32 s5, $0x0;
	s5 =	sld [smem:$0x3FB0]  }
0x2b: {  	s6 =	sld [smem:$0x3FB1]  }
0x2c: {  	s7 =	sld [smem:$0x3FB2]  }
0x2d: {  	s3 =	simm.s32 $0x108;
	s8 =	sld [smem:$0x3FB3]  }
0x2e: {  	s3 =	simm.s32 @!p0 $0x1082;
	s9 =	sld [smem:$0x3FB4]  }
0x2f: {  	lr =	sadd.s32 s0, s3;
	s0 =	sld [smem:$0x3FAB]  }
0x30: {  	s3 =	sld [smem:$0x3FAE]  }
0x31: {  	[smem:$0x3FB7] =	sst s10  }
0x32: {  	s10 =	sld [smem:$0x3FB5];
	_ =	sdelay $0x3  }
0x33: {  	p0 =	seq.s32 s10, $0x1;
	s10 =	sld [smem:$0x3FB7];
	_ =	sdelay $0x3  }
0x34: {  	[smem:$0x3FB7] =	sst s10  }
0x35: {  	s10 =	sld [smem:$0x3FB6];
	_ =	sdelay $0x3  }
0x36: {  	p1 =	seq.s32 s10, $0x1;
	s10 =	sld [smem:$0x3FB7];
	_ =	sdelay $0x3  }
0x37: {  	[smem:$0x3FB7] =	sst s10  }
0x38: {  	s10 =	sld [smem:$0x3FB8]  }
0x39: {  	_ = 	snop;
	(pc) =	sbr.ind lr, $3  }
0x3a: {  	_ = 	snop  }
0x3b: {  	_ = 	snop  }
0x3c: {  	p2 =	seq.s32 s10, $0x1;
	s10 =	sld [smem:$0x3FB7]  }
0x3d: {  	_ =	shalt  }
0x3e: {  	_ =	shalt  }
0x3f: {  	_ =	shalt  }
0x40: {  	_ =	shalt  }
0x41: {  	_ =	shalt  }
0x42: {  	_ =	shalt  }
0x43: {  	_ =	shalt  }
0x44: {  	_ =	shalt  }
0x45: {  	_ =	shalt  }
0x46: {  	_ =	shalt  }
0x47: {  	_ =	shalt  }
0x48: {  	_ =	shalt  }
0x49: {  	_ =	shalt  }
0x4a: {  	_ =	shalt  }
0x4b: {  	_ =	shalt  }
0x4c: {  	_ =	shalt  }
0x4d: {  	_ =	shalt  }
0x4e: {  	_ =	shalt  }
0x4f: {  	_ =	shalt  }
0x50: {  	_ =	shalt  }
0x51: {  	_ =	shalt  }
0x52: {  	_ =	shalt  }
0x53: {  	_ =	shalt  }
0x54: {  	_ =	shalt  }
0x55: {  	_ =	shalt  }
0x56: {  	_ =	shalt  }
0x57: {  	_ =	shalt  }
0x58: {  	_ =	shalt  }
0x59: {  	_ =	shalt  }
0x5a: {  	_ =	shalt  }
0x5b: {  	_ =	shalt  }
0x5c: {  	_ =	shalt  }
0x5d: {  	_ =	shalt  }
0x5e: {  	_ =	shalt  }
0x5f: {  	_ =	shalt  }
0x60: {  	_ =	shalt  }
0x61: {  	_ =	shalt  }
0x62: {  	_ =	shalt  }
0x63: {  	_ =	shalt  }
0x64: {  	_ =	shalt  }
0x65: {  	_ =	shalt  }
0x66: {  	_ =	shalt  }
0x67: {  	_ =	shalt  }
0x68: {  	_ =	shalt  }
0x69: {  	_ =	shalt  }
0x6a: {  	_ =	shalt  }
0x6b: {  	_ =	shalt  }
0x6c: {  	_ =	shalt  }
0x6d: {  	_ =	shalt  }
0x6e: {  	_ =	shalt  }
0x6f: {  	_ =	shalt  }
0x70: {  	_ =	shalt  }
0x71: {  	_ =	shalt  }
0x72: {  	_ =	shalt  }
0x73: {  	_ =	shalt  }
0x74: {  	_ =	shalt  }
0x75: {  	_ =	shalt  }
0x76: {  	_ =	shalt  }
0x77: {  	_ =	shalt  }
0x78: {  	_ =	shalt  }
0x79: {  	_ =	shalt  }
0x7a: {  	_ =	shalt  }
0x7b: {  	_ =	shalt  }
0x7c: {  	_ =	shalt  }
0x7d: {  	_ =	shalt  }
0x7e: {  	_ =	shalt  }
0x7f: {  	_ =	shalt  }
0x80: {  	_ =	shalt  }
0x81: {  	_ =	shalt  }
0x82: {  	_ =	shalt  }
0x83: {  	_ =	shalt  }
0x84: {  	_ =	shalt  }
0x85: {  	_ =	shalt  }
0x86: {  	_ =	shalt  }
0x87: {  	_ =	shalt  }
.Lfunc_end0:
.L_simem_size_0:
called_computation.1_lowered:
.L_overlay_start_0:
0x88: {  	s2 =	sld [smem:$0x3FD9]  }
0x89: {  	s3 =	sld [smem:$0x3FFE];
	_ =	sdelay $0x1  }
0x8a: {  	s1 =	srdreg.scid  }
0x8b: {  	s0 =	sand.u32 $0x1, s1  }
0x8c: {  	s16 =	sshll.u32 s0, $0xA;
	s2 =	sadd.s32 s3, s2  }
0x8d: {  	s2 =	sadd.s32 s2, s16  }
0x8e: {  	[smem:$0x3FC3] =	sst s2  }
0x8f: {  	_ = 	snop  }
0x90: {  	s5 =	sld [smem:$0x3FD0]  }
0x91: {  	s2 =	sld [smem:$0x3FC9]  }
0x92: {  	s17 =	sld [smem:$0x3FC8]  }
0x93: {  	s7 =	simm.s32 $0xB;
	s6 =	simm.s32 $0x10;
	s4 =	sld [smem:$0x3FC7]  }
0x94: {  	[smem:s6], [sflag:s7] =	dma.local [hbm:s5], $0x1  }
0x95: {  	_ =	swait.eq [sflag:s7], $0x1  }
0x96: {  	[sflag:s7] =	ssyncset.done $0x0  }
0x97: {  	s18 =	sld [smem:$0x10];
	[sflag:s7] =	ssyncadd.s32 $0xFFFFFFFF  }
0x98: {  	s19 =	sld [smem:$0x11];
	(tm) =	ssettm $0x1  }
0x99: {  	s20 =	sld [smem:$0x3FFB];
	_ =	sdelay $0x3  }
0x9a: {  	_ =	strace s20  }
0x9b: {  	s5 =	sld [smem:$0x3FFC];
	_ =	sdelay $0x3  }
0x9c: {  	_ =	strace s5  }
0x9d: {  	s5 =	sld [smem:$0x3FFD];
	_ =	sdelay $0x3  }
0x9e: {  	_ =	strace s5  }
0x9f: {  	_ =	strace $0x8FFFFFFF  }
0xa0: {  	s21 =	sld [smem:$0x3FDB];
	_ =	sdelay $0x1  }
0xa1: {  	s8 =	simm.s32 $_scs_section_size  }
0xa2: {  	s9 =	simm.s32 $_size__tile_overlayer_lowered;
	s10 =	simm.s32 $_tile_overlayer_lowered  }
0xa3: {  	s11 =	simm.s32 $0x1BFF;
	s22 =	sshll.u32 s10, $0x1;
	s8 =	sadd.s32 s8, s21  }
0xa4: {  	s23 =	simm.s32 $0x0;
	s9 =	sshll.u32 s9, $0x1;
	s10 =	sadd.s32 s22, s8  }
0xa5: {  	[timem:s23], [sflag:s11] =	dma.local [hbm:s10], s9  }
0xa6: {  	_ =	swait.ge [sflag:s11], s9  }
0xa7: {  	s9 =	ssub.s32 $0x0, s9;
	[sflag:s11] =	ssyncset.done $0x0  }
0xa8: {  	[sflag:s11] =	ssyncadd.s32 s9;
	_ =	sdelay $0x1  }
0xa9: {  	s24 =	simm.s32 $0x1B8B  }
0xaa: {  	_ =	swait.ge [sflag:s24], $0x1  }
0xab: {  	[sflag:s24] =	ssyncset.done $0x0  }
0xac: {  	[sflag:s24] =	ssyncadd.s32 $0xFFFFFFFF  }
0xad: {  	s9 =	sld [smem:$0x0]  }
0xae: {  	s10 =	sand.u32 $0xFFFFFFFE, s1  }
0xaf: {  	p0 =	sne.s32 s1, s10  }
0xb0: {  	s10 =	sshll.u32 @p0 s10, $0xE  }
0xb1: {  	s10 =	sadd.s32 @p0 $0x11B8D, s10;
	s11 =	sshll.u32 @p0 s9, $0x11  }
0xb2: {  	s10 =	sor.u32 @p0 s11, s10  }
0xb3: {  	[sflag:s10] =	ssyncadd.remote.s32 @p0 $0x1;
	_ =	sdelay $0x1  }
0xb4: {  	s10 =	simm.s32 @p0 $0x1B8D  }
0xb5: {  	_ =	swait.eq @p0 [sflag:s10], $0x1  }
0xb6: {  	[sflag:s10] =	ssyncadd.s32 @p0 $0xFFFFFFFF  }
0xb7: {  	s11 =	sshll.u32 @!p0 s1, $0xE  }
0xb8: {  	s11 =	sor.u32 @!p0 $0x4000, s11;
	s10 =	simm.s32 @!p0 $0x1B8D  }
0xb9: {  	s9 =	sshll.u32 @!p0 s9, $0x11;
	s11 =	sadd.s32 @!p0 $0x11B8D, s11;
	_ =	swait.eq @!p0 [sflag:s10], $0x1  }
0xba: {  	s9 =	sor.u32 @!p0 s9, s11;
	[sflag:s10] =	ssyncadd.s32 @!p0 $0xFFFFFFFF  }
0xbb: {  	s25 =	simm.s32 $0x1B8E;
	[sflag:s9] =	ssyncadd.remote.s32 @!p0 $0x1  }
0xbc: {  	s26 =	simm.s32 $execute0_lowered;
	[smem:$0x3FD2] =	sst s25  }
0xbd: {  	s9 =	sshll.u32 s26, $0x1;
	_ =	strace $0x80000049;
	[dreg:$0x1] =	wrdreg $0xFFFFFFFF  }
0xbe: {  	s28 =	simm.s32 $_size_execute0_lowered;
	s8 =	sadd.s32 s8, s9;
	[dreg:$0x0] =	wrdreg $0x0  }
0xbf: {  	s9 =	sshll.u32 s28, $0x1;
	[dreg:$0x2] =	wrdreg s8  }
0xc0: {  	[dreg:$0x3] =	wrdreg s9  }
0xc1: {  	[dreg:$0x4] =	wrdreg $0xC0  }
0xc2: {  	_ =	task [dreg:s23], $0x5FFFF  }
0xc3: {  	[dreg:$0x1] =	wrdreg $0xFFFFFFFF  }
0xc4: {  	[dreg:$0x0] =	wrdreg $0x60  }
0xc5: {  	[dreg:$0x2] =	wrdreg s2  }
0xc6: {  	[dreg:$0x3] =	wrdreg s17  }
0xc7: {  	[dreg:$0x4] =	wrdreg s4  }
0xc8: {  	[dreg:$0x5] =	wrdreg s18  }
0xc9: {  	[dreg:$0x6] =	wrdreg s19  }
0xca: {  	[dreg:$0x7] =	wrdreg $0xC6000  }
0xcb: {  	[dreg:$0x8] =	wrdreg $0xA  }
0xcc: {  	_ =	task.clear_ibuf [dreg:s23], $0x9FFFF;
	_ =	strace $0x90000049  }
0xcd: {  	s29 =	simm.s32 $0xA;
	_ =	strace $0x8000004B  }
0xce: {  	_ =	swait.ge [sflag:s29], $0x1  }
0xcf: {  	[sflag:s29] =	ssyncadd.s32 $0xFFFFFFFF  }
0xd0: {  	_ =	strace $0x9000004B  }
0xd1: {  	_ =	sfence  }
0xd2: {  	s30 =	sld [smem:$0x0];
	_ =	sdelay $0x2  }
0xd3: {  	s31 =	sshll.u32 s1, $0xD;
	s1 =	sshrl.u32 s1, $0x2  }
0xd4: {  	s3 =	sand.u32 $0x4000, s31;
	s1 =	sadd.s32 s1, s30  }
0xd5: {  	s0 =	sor.u32 s3, s0;
	s1 =	sshll.u32 s1, $0x11  }
0xd6: {  	s0 =	sor.u32 s1, s0  }
0xd7: {  	s0 =	sadd.s32 $0x8F2B, s0  }
0xd8: {  	[sflag:s0] =	ssyncadd.remote.s32 $0x1  }
0xd9: {  	_ =	sfence.sel $0xFFFF  }
0xda: {  	[dreg:$0x0] =	wrdreg $0xFFFFFFFF;
	(pc) =	sbr.abs _section_cstart, $3  }
0xdb: {  	[dreg:$0x1] =	wrdreg $0xFFFFFFFF  }
0xdc: {  	_ =	task.clear_ibuf [dreg:s23], $0x2FFFF;
	_ =	strace $0x9FFFFFFF  }
0xdd: {  	(tm) =	ssettm $0x7FFFFFFF  }
tec
execute0_lowered:
.L_overlay_start_1:
0x0: {  	(tag) =	ssettag $0x1  }
0x1: {  	s1 =	rddreg [dreg:$0x0]  }
0x2: {  	s0 =	rddreg [dreg:$0x1]  }
0x3: {  	s2 =	rddreg [dreg:$0x2]  }
0x4: {  	s5 =	rddreg [dreg:$0x3]  }
0x5: {  	s7 =	rddreg [dreg:$0x4]  }
0x6: {  	s3 =	rddreg [dreg:$0x5];
	s16 =	stileid.u32  }
0x7: {  	s6 =	srdreg.scid;
	s4 =	simm.s32 $0x0;
	s9 =	smul.u32 $0x4F000, s16  }
0x8: {  	s8 =	sand.u32 $0x1, s6;
	[smem:$0x7FF] =	sst s4;
	s11 =	smul.u32 $0x278, s16  }
0x9: {  	s12 =	sshll.u32 s16, $0x5;
	s25 =	sadd.s32 $0x25080, s7;
	s26 =	sadd.s32 $0x25880, s7  }
0xa: {  	p1 =	seq.s32 s16, $0xF;
	p2 =	sgt.u32 s16, $0x3;
	s6 =	ssub.s32 $0x2, s8  }
0xb: {  	_ =	strace $0x8000004A;
	p0 =	sne.s32 s8, $0x0;
	[dreg:$0x11] =	wrdreg s25  }
0xc: {  	[dreg:$0x12] =	wrdreg s26;
	s8 =	sadd.s32 $0x26080, s7;
	s25 =	sadd.s32 $0x25880, s5  }
0xd: {  	s26 =	sadd.s32 $0x26080, s5;
	s10 =	sshrl.u32 s6, $0x1;
	[dreg:$0x13] =	wrdreg s8  }
0xe: {  	s13 =	sshrl.u32 s9, $0x2;
	s9 =	smul.u32 $0x2780, s16;
	[dreg:$0x1c] =	wrdreg s25  }
0xf: {  	s18 =	sadd.s32 $0x100, s11;
	s21 =	sadd.s32 $0x180, s11;
	[dreg:$0x1d] =	wrdreg s26  }
0x10: {  	s16 =	sadd.s32 $0x134400, s3;
	s10 =	ssub.s32 s6, s10;
	s17 =	sadd.s32 s13, s3  }
0x11: {  	s13 =	sadd.s32 $0x80, s11;
	s6 =	sadd.s32 s2, s12;
	[smem:$0x7F1] =	sst s16  }
0x12: {  	s19 =	sshll.u32 s18, $0x7;
	s11 =	sadd.s32 $0x200, s11;
	[dreg:$0x7] =	wrdreg s17  }
0x13: {  	s14 =	sadd.s32 s7, s9;
	s15 =	sshll.u32 s13, $0x7;
	[smem:$0x7FC] =	sst s6  }
0x14: {  	s23 =	sshll.u32 s11, $0x7;
	s8 =	sadd.s32 $0x8000, s17;
	[dreg:$0x8] =	wrdreg s14  }
0x15: {  	s11 =	sshll.u32 s11, $0x4;
	s2 =	sadd.s32 s15, s3;
	[smem:$0x7EB] =	sst s8  }
0x16: {  	s15 =	sshll.u32 s21, $0x7;
	s24 =	sadd.s32 s7, s11;
	[dreg:$0x9] =	wrdreg s2  }
0x17: {  	s2 =	sshll.u32 s13, $0x4;
	s15 =	sadd.s32 s15, s3;
	[dreg:$0x10] =	wrdreg s24  }
0x18: {  	s13 =	sshll.u32 s18, $0x4;
	s18 =	sadd.s32 $0x27080, s7;
	[dreg:$0xd] =	wrdreg s15  }
0x19: {  	s24 =	sadd.s32 $0x25080, s5;
	[dreg:$0x15] =	wrdreg s18  }
0x1a: {  	s14 =	sadd.s32 s7, s2;
	[dreg:$0x1b] =	wrdreg s24  }
0x1b: {  	s20 =	sadd.s32 s7, s13;
	[dreg:$0xa] =	wrdreg s14  }
0x1c: {  	s15 =	sadd.s32 s23, s3;
	[dreg:$0xc] =	wrdreg s20  }
0x1d: {  	s23 =	sadd.s32 s5, s11;
	[dreg:$0xf] =	wrdreg s15  }
0x1e: {  	s11 =	smax.u32 s10, $0x1;
	[dreg:$0x1a] =	wrdreg s23  }
0x1f: {  	s18 =	sadd.s32 $0x138400, s3;
	[smem:$0x7ED] =	sst s11  }
0x20: {  	s28 =	simm.s32 $0x100;
	s14 =	sadd.s32 s19, s3;
	[smem:$0x7F3] =	sst s18  }
0x21: {  	s15 =	sadd.s32 s0, s12;
	s12 =	sadd.s32 $0x26880, s7;
	[dreg:$0xb] =	wrdreg s14  }
0x22: {  	s31 =	simm.s32 $0xB;
	s19 =	sadd.s32 s5, s9;
	[dreg:$0x14] =	wrdreg s12  }
0x23: {  	s29 =	simm.s32 $0xC;
	s20 =	sadd.s32 s5, s2;
	[dreg:$0x16] =	wrdreg s19  }
0x24: {  	s30 =	simm.s32 $0x6;
	s2 =	sadd.s32 $0x26880, s5;
	[dreg:$0x17] =	wrdreg s20  }
0x25: {  	s16 =	simm.s32 $0x7;
	s9 =	sadd.s32 $0xC000, s17;
	[dreg:$0x1e] =	wrdreg s2  }
0x26: {  	s8 =	simm.s32 $0x8600;
	s10 =	simm.s32 $0x500;
	[smem:$0x7EC] =	sst s9  }
0x27: {  	s14 =	sshll.u32 s21, $0x4;
	s21 =	sadd.s32 s5, s13;
	[smem:$0x7FD] =	sst s15  }
0x28: {  	s11 =	simm.s32 $0x4600;
	s12 =	sadd.s32 $0x128400, s3;
	[dreg:$0x18] =	wrdreg s21  }
0x29: {  	s18 =	simm.s32 $0x4;
	s13 =	sadd.s32 $0x12C400, s3;
	[smem:$0x7EE] =	sst s12  }
0x2a: {  	s19 =	sadd.s32 $0x200, s6;
	s20 =	sadd.s32 $0x400, s6;
	[smem:$0x7EF] =	sst s13  }
0x2b: {  	s23 =	sadd.s32 $0x200, s15;
	s24 =	sadd.s32 $0x400, s15;
	[smem:$0x7F4] =	sst s19  }
0x2c: {  	s25 =	sadd.s32 $0x600, s15;
	s26 =	sadd.s32 $0x13800, s15;
	[smem:$0x7F5] =	sst s20  }
0x2d: {  	s2 =	simm.s32 $0x80;
	s9 =	simm.s32 $0x2;
	[smem:$0x7F8] =	sst s23  }
0x2e: {  	s22 =	sadd.s32 s7, s14;
	s7 =	sadd.s32 $0x4000, s17;
	[smem:$0x7F9] =	sst s24  }
0x2f: {  	s17 =	sadd.s32 $0x10000, s17;
	s21 =	sadd.s32 $0x600, s6;
	[smem:$0x7FA] =	sst s25  }
0x30: {  	[smem:$0x7FB] =	sst s26;
	s25 =	simm.s32 $0x200;
	s24 =	simm.s32 $0x300  }
0x31: {  	s13 =	simm.s32 $0x400;
	s12 =	simm.s32 $0x8;
	[dreg:$0xe] =	wrdreg s22  }
0x32: {  	s20 =	simm.s32 $0x180;
	s19 =	simm.s32 $0x9;
	[smem:$0x7EA] =	sst s7  }
0x33: {  	s26 =	simm.s32 $0x280;
	s22 =	sadd.s32 s5, s14;
	[smem:$0x7F2] =	sst s17  }
.Ltmp0:
0x34: {  	s5 =	sadd.s32 $0x27080, s5;
	[smem:$0x7F6] =	sst s21;
	(pc) =	sbr.rel .LBB2_1-.Ltmp0, $4  }
0x35: {  	s14 =	sadd.s32 $0x130400, s3;
	s7 =	simm.s32 $0x600;
	[dreg:$0x19] =	wrdreg s22  }
0x36: {  	s17 =	simm.s32 $0xA;
	s21 =	simm.s32 $0x5;
	[dreg:$0x1f] =	wrdreg s5  }
0x37: {  	[smem:$0x7F0] =	sst s14;
	s22 =	sadd.s32 $0x13800, s6;
	s14 =	simm.s32 $0x1  }
0x38: {  	v0 =	vimm.f32 $0.0e+00;
	s5 =	simm.s32 $0x0;
	[smem:$0x7F7] =	sst s22;
	s22 =	simm.s32 $0x3  }
.LBB2_17:
0x39: {  	s0 =	sld [smem:$0x7EE];
	_ =	sdelay $0x2  }
0x3a: {  	s5 =	rddreg [dreg:$0x11];
	s14 =	simm.s32 $0x1FC1;
	s0 =	sshrl.u32 s0, $0x3  }
0x3b: {  	[hbm:s5], [sflag:s14] =	dma.local [spmem:s0], $0x800  }
0x3c: {  	s0 =	sld [smem:$0x7EF];
	_ =	sdelay $0x2  }
0x3d: {  	s20 =	simm.s32 $0x1FC2;
	s5 =	rddreg [dreg:$0x12];
	s0 =	sshrl.u32 s0, $0x3  }
0x3e: {  	[hbm:s5], [sflag:s20] =	dma.local [spmem:s0], $0x800  }
0x3f: {  	s0 =	sld [smem:$0x7F0];
	_ =	sdelay $0x2  }
0x40: {  	s23 =	simm.s32 $0x1FC3;
	s5 =	rddreg [dreg:$0x13];
	s0 =	sshrl.u32 s0, $0x3  }
0x41: {  	[hbm:s5], [sflag:s23] =	dma.local [spmem:s0], $0x800  }
0x42: {  	s0 =	sld [smem:$0x7F1];
	_ =	sdelay $0x2  }
0x43: {  	s20 =	simm.s32 $0x1FC4;
	s5 =	rddreg [dreg:$0x14];
	s0 =	sshrl.u32 s0, $0x3  }
0x44: {  	[hbm:s5], [sflag:s20] =	dma.local [spmem:s0], $0x800  }
0x45: {  	s0 =	sld [smem:$0x7F3];
	_ =	sdelay $0x1  }
0x46: {  	s14 =	simm.s32 $0x1  }
0x47: {  	s23 =	simm.s32 $0x1FC5;
	s5 =	rddreg [dreg:$0x15];
	s0 =	sshrl.u32 s0, $0x3  }
0x48: {  	[hbm:s5], [sflag:s23] =	dma.local [spmem:s0], $0x80  }
0x49: {  	_ =	swait.ge [sflag:s14], $0x800  }
0x4a: {  	[sflag:s14] =	ssyncset.done $0x0  }
0x4b: {  	[sflag:s14] =	ssyncadd.s32 $0xFFFFF800  }
0x4c: {  	_ =	swait.ge [sflag:s9], $0x800  }
0x4d: {  	[sflag:s9] =	ssyncset.done $0x0  }
0x4e: {  	[sflag:s9] =	ssyncadd.s32 $0xFFFFF800  }
0x4f: {  	_ =	swait.ge [sflag:s22], $0x800  }
0x50: {  	[sflag:s22] =	ssyncset.done $0x0  }
0x51: {  	[sflag:s22] =	ssyncadd.s32 $0xFFFFF800  }
0x52: {  	_ =	swait.ge [sflag:s18], $0x800  }
0x53: {  	[sflag:s18] =	ssyncset.done $0x0  }
0x54: {  	[sflag:s18] =	ssyncadd.s32 $0xFFFFF800  }
0x55: {  	_ =	swait.ge [sflag:s21], $0x80  }
0x56: {  	[sflag:s21] =	ssyncset.done $0x0  }
0x57: {  	s20 =	simm.s32 $0x180;
	s5 =	sld [smem:$0x7E9];
	[sflag:s21] =	ssyncadd.s32 $0xFFFFFF80  }
.LBB2_18:
0x58: {  	s0 =	sld [smem:$0x7ED];
	_ =	sdelay $0x1  }
0x59: {  	s5 =	sadd.s32 $0x1, s5  }
0x5a: {  	p3 =	sne.s32 s5, s0  }
.Ltmp1:
0x5b: {  	_ = 	snop;
	(pc) =	sbr.rel @!p3 .LBB2_19-.Ltmp1, $1  }
0x5c: {  	_ =	sdelay $0x3  }
.LBB2_1:
0x5d: {  	[smem:$0x7E9] =	sst s5;
	s5 =	simm.s32 $0x0;
	s23 =	simm.s32 $0x200  }
.LBB2_2:
0x5e: {  	p3 =	sne.s32 s23, $0xFE00;
	[tilespmem:s5+$0x670] =	vst v0  }
0x5f: {  	[tilespmem:s5+$0x600] =	vst v0  }
0x60: {  	[tilespmem:s5+$0x610] =	vst v0  }
.Ltmp2:
0x61: {  	[tilespmem:s5+$0x620] =	vst v0;
	(pc) =	sbr.rel @p3 .LBB2_2-.Ltmp2, $4  }
0x62: {  	[tilespmem:s5+$0x630] =	vst v0  }
0x63: {  	[tilespmem:s5+$0x640] =	vst v0  }
0x64: {  	[tilespmem:s5+$0x650] =	vst v0  }
0x65: {  	[tilespmem:s5+$0x660] =	vst v0;
	s5 =	sshra.s32 s23, $0x2;
	s23 =	sadd.s32 $0x200, s23  }
0x66: {  	[tilespmem:s5+$0x670] =	vst v0  }
0x67: {  	[tilespmem:s5+$0x600] =	vst v0  }
0x68: {  	[tilespmem:s5+$0x610] =	vst v0  }
0x69: {  	[tilespmem:s5+$0x620] =	vst v0  }
0x6a: {  	[tilespmem:s5+$0x630] =	vst v0  }
0x6b: {  	[tilespmem:s5+$0x640] =	vst v0;
	s0 =	sld [smem:$0x7EE]  }
0x6c: {  	[tilespmem:s5+$0x650] =	vst v0  }
0x6d: {  	[tilespmem:s5+$0x660] =	vst v0;
	s5 =	simm.s32 @p1 $0x600  }
0x6e: {  	[spmem:s0] =	stream.linear.scatter @p1 [tilespmem:s5], [sflag:$0x1], $0x4000, $0x38;
	[tilespmem:$0x1FE80] =	vst v63  }
0x6f: {  	s0 =	sld [smem:$0x7EF];
	_ =	sdelay $0x2  }
0x70: {  	[spmem:s0] =	stream.linear.scatter @p1 [tilespmem:s5], [sflag:$0x2], $0x4000, $0x38;
	[tilespmem:$0x1FE80] =	vst v63  }
0x71: {  	s0 =	sld [smem:$0x7F0];
	_ =	sdelay $0x2  }
0x72: {  	[spmem:s0] =	stream.linear.scatter @p1 [tilespmem:s5], [sflag:$0x3], $0x4000, $0x38;
	[tilespmem:$0x1FE80] =	vst v63  }
0x73: {  	s0 =	sld [smem:$0x7F1];
	_ =	sdelay $0x2  }
0x74: {  	[spmem:s0] =	stream.linear.scatter @p1 [tilespmem:s5], [sflag:$0x4], $0x4000, $0x38;
	[tilespmem:$0x1FE80] =	vst v63  }
0x75: {  	s0 =	sld [smem:$0x7F3];
	_ =	sdelay $0x2  }
0x76: {  	[spmem:s0] =	stream.linear.scatter @p1 [tilespmem:s5], [sflag:$0x5], $0x400, $0x38;
	[tilespmem:$0x1FE80] =	vst v63  }
0x77: {  	s5 =	simm.s32 @p1 $0x1  }
0x78: {  	_ =	swait.ge @p1 [sflag:s5], $0x4000  }
0x79: {  	[sflag:s5] =	ssyncset.done @p1 $0x0  }
0x7a: {  	[sflag:s5] =	ssyncadd.s32 @p1 $0xFFFFC000;
	s5 =	simm.s32 @p1 $0x2  }
0x7b: {  	_ =	swait.ge @p1 [sflag:s5], $0x4000  }
0x7c: {  	[sflag:s5] =	ssyncset.done @p1 $0x0  }
0x7d: {  	[sflag:s5] =	ssyncadd.s32 @p1 $0xFFFFC000;
	s5 =	simm.s32 @p1 $0x3  }
0x7e: {  	_ =	swait.ge @p1 [sflag:s5], $0x4000  }
0x7f: {  	[sflag:s5] =	ssyncset.done @p1 $0x0  }
0x80: {  	[sflag:s5] =	ssyncadd.s32 @p1 $0xFFFFC000;
	s5 =	simm.s32 @p1 $0x4  }
0x81: {  	_ =	swait.ge @p1 [sflag:s5], $0x4000  }
0x82: {  	[sflag:s5] =	ssyncset.done @p1 $0x0  }
0x83: {  	[sflag:s5] =	ssyncadd.s32 @p1 $0xFFFFC000;
	s5 =	simm.s32 @p1 $0x5  }
0x84: {  	_ =	swait.ge @p1 [sflag:s5], $0x400  }
0x85: {  	[sflag:s5] =	ssyncset.done @p1 $0x0  }
0x86: {  	s0 =	rddreg [dreg:$0x7];
	[sflag:s5] =	ssyncadd.s32 @p1 $0xFFFFFC00;
	s5 =	simm.s32 @!p1 $0x600  }
0x87: {  	[spmem:s0] =	stream.linear.scatter @!p1 [tilespmem:s5], [sflag:$0x1], $0x4000, $0x38;
	[tilespmem:$0x1FE80] =	vst v63  }
0x88: {  	s0 =	sld [smem:$0x7EA];
	_ =	sdelay $0x2  }
0x89: {  	[spmem:s0] =	stream.linear.scatter @!p1 [tilespmem:s5], [sflag:$0x2], $0x4000, $0x38;
	[tilespmem:$0x1FE80] =	vst v63  }
0x8a: {  	s0 =	sld [smem:$0x7EB];
	_ =	sdelay $0x2  }
0x8b: {  	[spmem:s0] =	stream.linear.scatter @!p1 [tilespmem:s5], [sflag:$0x3], $0x4000, $0x38;
	[tilespmem:$0x1FE80] =	vst v63  }
0x8c: {  	s0 =	sld [smem:$0x7EC];
	_ =	sdelay $0x2  }
0x8d: {  	[spmem:s0] =	stream.linear.scatter @!p1 [tilespmem:s5], [sflag:$0x4], $0x4000, $0x38;
	[tilespmem:$0x1FE80] =	vst v63  }
0x8e: {  	s0 =	sld [smem:$0x7F2];
	_ =	sdelay $0x2  }
0x8f: {  	[spmem:s0] =	stream.linear.scatter @!p1 [tilespmem:s5], [sflag:$0x5], $0x3C00, $0x38;
	[tilespmem:$0x1FE80] =	vst v63  }
0x90: {  	s5 =	simm.s32 @!p1 $0x1  }
0x91: {  	_ =	swait.ge @!p1 [sflag:s5], $0x4000  }
0x92: {  	[sflag:s5] =	ssyncset.done @!p1 $0x0  }
0x93: {  	[sflag:s5] =	ssyncadd.s32 @!p1 $0xFFFFC000;
	s5 =	simm.s32 @!p1 $0x2  }
0x94: {  	_ =	swait.ge @!p1 [sflag:s5], $0x4000  }
0x95: {  	[sflag:s5] =	ssyncset.done @!p1 $0x0  }
0x96: {  	[sflag:s5] =	ssyncadd.s32 @!p1 $0xFFFFC000;
	s5 =	simm.s32 @!p1 $0x3  }
0x97: {  	_ =	swait.ge @!p1 [sflag:s5], $0x4000  }
0x98: {  	[sflag:s5] =	ssyncset.done @!p1 $0x0  }
0x99: {  	[sflag:s5] =	ssyncadd.s32 @!p1 $0xFFFFC000;
	s5 =	simm.s32 @!p1 $0x4  }
0x9a: {  	_ =	swait.ge @!p1 [sflag:s5], $0x4000  }
0x9b: {  	[sflag:s5] =	ssyncset.done @!p1 $0x0  }
0x9c: {  	[sflag:s5] =	ssyncadd.s32 @!p1 $0xFFFFC000;
	s5 =	simm.s32 @!p1 $0x5  }
.Ltmp3:
0x9d: {  	_ =	swait.ge @!p1 [sflag:s5], $0x3C00;
	(pc) =	sbr.rel @p0 .LBB2_8-.Ltmp3, $3  }
0x9e: {  	[sflag:s5] =	ssyncset.done @!p1 $0x0  }
0x9f: {  	[sflag:s5] =	ssyncadd.s32 @!p1 $0xFFFFC400  }
0xa0: {  	[bflag:$0x0] =	sbarrier.arrive $0xFFFF;
	_ =	sdelay $0x1  }
0xa1: {  	s5 =	simm.s32 $0x0;
	s0 =	sld [smem:$0x7F8]  }
0xa2: {  	[tilespmem:s5], [sflag:$0x1] =	stream.linear.gather [hbm4b:s15+s5], $0x100, $0x38;
	[tilespmem:$0x1FE80] =	vst v63  }
0xa3: {  	s23 =	sld [smem:$0x7F9]  }
0xa4: {  	[tilespmem:s28], [sflag:$0x2] =	stream.linear.gather [hbm4b:s0+s5], $0x100, $0x38;
	[tilespmem:$0x1FE80] =	vst v63  }
0xa5: {  	s6 =	sld [smem:$0x7FA]  }
0xa6: {  	[tilespmem:s25], [sflag:$0x3] =	stream.linear.gather [hbm4b:s23+s5], $0x100, $0x38;
	[tilespmem:$0x1FE80] =	vst v63  }
0xa7: {  	_ = 	snop  }
0xa8: {  	[tilespmem:s24], [sflag:$0x4] =	stream.linear.gather [hbm4b:s6+s5], $0x100, $0x38;
	[tilespmem:$0x1FE80] =	vst v63  }
0xa9: {  	_ =	swait.ge [sflag:s14], $0x100  }
0xaa: {  	p3 =	por $0x1, $0x1;
	[sflag:s14] =	ssyncset.done $0x0  }
0xab: {  	p3 =	por p3, p3;
	[sflag:s14] =	ssyncadd.s32 $0xFFFFFF00  }
0xac: {  	[tilespmem:s7], [sflag:$0x7] =	stream.indirect.gather [hbm4b:s1+s2], $0x80, s5, s2, $0xb8;
	[tilespmem:$0x1FE80] =	vst v63  }
0xad: {  	s5 =	simm.s32 @!p3 $0xB  }
0xae: {  	_ =	swait.ge @!p3 [sflag:s5], $0x4000  }
0xaf: {  	[sflag:s5] =	ssyncset.done @!p3 $0x0  }
0xb0: {  	[sflag:s5] =	ssyncadd.s32 @!p3 $0xFFFFC000  }
0xb1: {  	_ =	swait.ge [sflag:s9], $0x100  }
0xb2: {  	[sflag:s9] =	ssyncset.done $0x0  }
0xb3: {  	s14 =	sadd.s32 $0x0, s15;
	[sflag:s9] =	ssyncadd.s32 $0xFFFFFF00  }
0xb4: {  	[tilespmem:s11], [sflag:$0x8] =	stream.indirect.gather [hbm4b:s1+s2], $0x80, s28, s2, $0xb8;
	[tilespmem:$0x1FE80] =	vst v63  }
0xb5: {  	s23 =	sadd.s32 $0x800, s14  }
0xb6: {  	[tilespmem:s13], [sflag:$0x5] =	stream.linear.gather [hbm4b:s23+s4], $0x100, $0x38;
	[tilespmem:$0x1FE80] =	vst v63  }
0xb7: {  	_ =	swait.ge [sflag:s16], $0x4000  }
0xb8: {  	[sflag:s16] =	ssyncset.done $0x0  }
0xb9: {  	s23 =	simm.s32 @!p3 $0xC;
	[sflag:s16] =	ssyncadd.s32 $0xFFFFC000  }
0xba: {  	[spmem:s3] =	stream.indirect.scatter.add.f32 [tilespmem:s7], [sflag:$0xA], $0x80, s2, s2, $0xb8;
	[tilespmem:$0x1FE80] =	vst v63  }
0xbb: {  	_ =	swait.ge @!p3 [sflag:s23], $0x4000  }
0xbc: {  	[sflag:s23] =	ssyncset.done @!p3 $0x0  }
0xbd: {  	[sflag:s23] =	ssyncadd.s32 @!p3 $0xFFFFC000  }
0xbe: {  	_ =	swait.ge [sflag:s22], $0x100  }
0xbf: {  	[sflag:s22] =	ssyncset.done $0x0  }
0xc0: {  	[sflag:s22] =	ssyncadd.s32 $0xFFFFFF00  }
0xc1: {  	[tilespmem:s8], [sflag:$0x9] =	stream.indirect.gather [hbm4b:s1+s2], $0x80, s25, s2, $0xb8;
	[tilespmem:$0x1FE80] =	vst v63  }
0xc2: {  	s5 =	sadd.s32 $0xA00, s14  }
0xc3: {  	[tilespmem:s10], [sflag:$0x6] =	stream.linear.gather [hbm4b:s5+s4], $0x100, $0x38;
	[tilespmem:$0x1FE80] =	vst v63  }
0xc4: {  	_ =	swait.ge [sflag:s12], $0x4000  }
0xc5: {  	[sflag:s12] =	ssyncset.done $0x0  }
0xc6: {  	[sflag:s12] =	ssyncadd.s32 $0xFFFFC000  }
0xc7: {  	[spmem:s3] =	stream.indirect.scatter.add.f32 [tilespmem:s11], [sflag:$0xB], $0x80, s20, s2, $0xb8;
	[tilespmem:$0x1FE80] =	vst v63  }
0xc8: {  	_ =	swait.ge [sflag:s17], $0x4000  }
0xc9: {  	[sflag:s17] =	ssyncset.done $0x0  }
0xca: {  	[sflag:s17] =	ssyncadd.s32 $0xFFFFC000  }
0xcb: {  	_ =	swait.ge [sflag:s18], $0x100  }
0xcc: {  	p3 =	por $0x0, $0x0;
	[sflag:s18] =	ssyncset.done $0x0  }
0xcd: {  	s23 =	sadd.s32 @!p3 $0x0, s15;
	[sflag:s18] =	ssyncadd.s32 $0xFFFFFF00  }
0xce: {  	[tilespmem:s7], [sflag:$0x7] =	stream.indirect.gather [hbm4b:s1+s2], $0x80, s24, s2, $0xb8;
	[tilespmem:$0x1FE80] =	vst v63  }
0xcf: {  	s5 =	simm.s32 @!p3 $0x0;
	s24 =	sadd.s32 @!p3 $0xC00, s23  }
0xd0: {  	[tilespmem:s5], [sflag:$0x1] =	stream.linear.gather @!p3 [hbm4b:s24+s5], $0x100, $0x38;
	[tilespmem:$0x1FE80] =	vst v63  }
0xd1: {  	_ =	swait.ge [sflag:s19], $0x4000  }
0xd2: {  	[sflag:s19] =	ssyncset.done $0x0  }
0xd3: {  	[sflag:s19] =	ssyncadd.s32 $0xFFFFC000  }
0xd4: {  	[spmem:s3] =	stream.indirect.scatter.add.f32 [tilespmem:s8], [sflag:$0xC], $0x80, s26, s2, $0xb8;
	[tilespmem:$0x1FE80] =	vst v63  }
0xd5: {  	_ =	swait.ge [sflag:s31], $0x4000  }
0xd6: {  	[sflag:s31] =	ssyncset.done $0x0  }
0xd7: {  	[sflag:s31] =	ssyncadd.s32 $0xFFFFC000  }
0xd8: {  	_ =	swait.ge [sflag:s21], $0x100  }
0xd9: {  	[sflag:s21] =	ssyncset.done $0x0  }
0xda: {  	[sflag:s21] =	ssyncadd.s32 $0xFFFFFF00  }
0xdb: {  	[tilespmem:s11], [sflag:$0x8] =	stream.indirect.gather [hbm4b:s1+s2], $0x80, s13, s2, $0xb8;
	[tilespmem:$0x1FE80] =	vst v63  }
0xdc: {  	s25 =	simm.s32 @!p3 $0x100;
	s24 =	sadd.s32 @!p3 $0xE00, s23  }
0xdd: {  	[tilespmem:s25], [sflag:$0x2] =	stream.linear.gather @!p3 [hbm4b:s24+s5], $0x100, $0x38;
	[tilespmem:$0x1FE80] =	vst v63  }
0xde: {  	_ =	swait.ge [sflag:s16], $0x4000  }
0xdf: {  	[sflag:s16] =	ssyncset.done $0x0  }
0xe0: {  	s26 =	simm.s32 $0x380;
	[sflag:s16] =	ssyncadd.s32 $0xFFFFC000  }
0xe1: {  	[spmem:s3] =	stream.indirect.scatter.add.f32 [tilespmem:s7], [sflag:$0xA], $0x80, s26, s2, $0xb8;
	[tilespmem:$0x1FE80] =	vst v63  }
0xe2: {  	_ =	swait.ge [sflag:s29], $0x4000  }
0xe3: {  	[sflag:s29] =	ssyncset.done $0x0  }
0xe4: {  	[sflag:s29] =	ssyncadd.s32 $0xFFFFC000  }
0xe5: {  	_ =	swait.ge [sflag:s30], $0x100  }
0xe6: {  	[sflag:s30] =	ssyncset.done $0x0  }
0xe7: {  	s24 =	simm.s32 @p3 $0x8;
	[sflag:s30] =	ssyncadd.s32 $0xFFFFFF00  }
0xe8: {  	[tilespmem:s8], [sflag:$0x9] =	stream.indirect.gather [hbm4b:s1+s2], $0x80, s10, s2, $0xb8;
	[tilespmem:$0x1FE80] =	vst v63  }
0xe9: {  	_ =	swait.ge @p3 [sflag:s24], $0x4000  }
0xea: {  	s25 =	simm.s32 @p3 $0x4600;
	[sflag:s24] =	ssyncset.done @p3 $0x0  }
0xeb: {  	s26 =	simm.s32 @p3 $0x80;
	[sflag:s24] =	ssyncadd.s32 @p3 $0xFFFFC000;
	s24 =	simm.s32 @p3 $0x480  }
0xec: {  	[spmem:s3] =	stream.indirect.scatter.add.f32 @p3 [tilespmem:s25], [sflag:$0xB], $0x80, s24, s26, $0xb8;
	[tilespmem:$0x1FE80] =	vst v63  }
0xed: {  	s24 =	simm.s32 @p3 $0xA  }
0xee: {  	_ =	swait.ge @p3 [sflag:s24], $0x4000  }
0xef: {  	s25 =	sadd.s32 @!p3 $0x1000, s23;
	[sflag:s24] =	ssyncset.done @p3 $0x0  }
0xf0: {  	s26 =	simm.s32 @!p3 $0x200;
	[sflag:s24] =	ssyncadd.s32 @p3 $0xFFFFC000;
	s24 =	simm.s32 @!p3 $0x8  }
0xf1: {  	[tilespmem:s26], [sflag:$0x3] =	stream.linear.gather @!p3 [hbm4b:s25+s5], $0x100, $0x38;
	[tilespmem:$0x1FE80] =	vst v63  }
0xf2: {  	_ =	swait.ge @!p3 [sflag:s24], $0x4000  }
0xf3: {  	s25 =	simm.s32 @!p3 $0x4600;
	[sflag:s24] =	ssyncset.done @!p3 $0x0  }
0xf4: {  	s26 =	simm.s32 @!p3 $0x80;
	[sflag:s24] =	ssyncadd.s32 @!p3 $0xFFFFC000;
	s24 =	simm.s32 @!p3 $0x480  }
0xf5: {  	[spmem:s3] =	stream.indirect.scatter.add.f32 @!p3 [tilespmem:s25], [sflag:$0xB], $0x80, s24, s26, $0xb8;
	[tilespmem:$0x1FE80] =	vst v63  }
0xf6: {  	s24 =	simm.s32 @!p3 $0xA  }
0xf7: {  	_ =	swait.ge @!p3 [sflag:s24], $0x4000  }
0xf8: {  	[sflag:s24] =	ssyncset.done @!p3 $0x0  }
0xf9: {  	[sflag:s24] =	ssyncadd.s32 @!p3 $0xFFFFC000;
	s24 =	simm.s32 @!p3 $0x1  }
0xfa: {  	_ =	swait.ge @!p3 [sflag:s24], $0x100  }
0xfb: {  	p4 =	por $0x0, $0x0;
	[sflag:s24] =	ssyncset.done @!p3 $0x0  }
0xfc: {  	s6 =	simm.s32 $0x0;
	[sflag:s24] =	ssyncadd.s32 @!p3 $0xFFFFFF00;
	s24 =	simm.s32 @!p3 $0x600  }
0xfd: {  	[tilespmem:s24], [sflag:$0x7] =	stream.indirect.gather @!p3 [hbm4b:s1+s26], $0x80, s5, s26, $0xb8;
	[tilespmem:$0x1FE80] =	vst v63  }
0xfe: {  	s4 =	simm.s32 $0x580;
	s23 =	sadd.s32 @!p3 $0x1200, s23;
	s24 =	simm.s32 @!p3 $0x300  }
0xff: {  	[tilespmem:s24], [sflag:$0x4] =	stream.linear.gather @!p3 [hbm4b:s23+s5], $0x100, $0x38;
	[tilespmem:$0x1FE80] =	vst v63  }
0x100: {  	s26 =	simm.s32 $0xC00;
	p3 =	por p4, p4;
	_ =	swait.ge [sflag:s19], $0x4000  }
0x101: {  	s5 =	simm.s32 $0x1800;
	s23 =	simm.s32 @!p3 $0xB;
	[sflag:s19] =	ssyncset.done $0x0  }
.LBB2_5:
0x102: {  	p5 =	seq.s32 s5, $0x0  }
0x103: {  	[sflag:s19] =	ssyncadd.s32 $0xFFFFC000;
	s24 =	smov.u32 s5;
	s5 =	sadd.s32 $0xC00, s5  }
0x104: {  	[spmem:s3] =	stream.indirect.scatter.add.f32 [tilespmem:s8], [sflag:$0xC], $0x80, s4, s2, $0xb8;
	[tilespmem:$0x1FE80] =	vst v63  }
0x105: {  	p4 =	sne.s32 s5, $0x13800;
	_ =	swait.ge @!p3 [sflag:s23], $0x4000  }
0x106: {  	[sflag:s23] =	ssyncset.done @!p3 $0x0  }
0x107: {  	[sflag:s23] =	ssyncadd.s32 @!p3 $0xFFFFC000  }
0x108: {  	_ =	swait.ge [sflag:s9], $0x100  }
0x109: {  	[sflag:s9] =	ssyncset.done $0x0  }
0x10a: {  	s23 =	sadd.s32 s26, s15;
	[sflag:s9] =	ssyncadd.s32 $0xFFFFFF00  }
0x10b: {  	[tilespmem:s11], [sflag:$0x8] =	stream.indirect.gather [hbm4b:s1+s2], $0x80, s28, s2, $0xb8;
	[tilespmem:$0x1FE80] =	vst v63  }
0x10c: {  	s25 =	sadd.s32 $0x800, s23  }
0x10d: {  	[tilespmem:s13], [sflag:$0x5] =	stream.linear.gather [hbm4b:s25+s6], $0x100, $0x38;
	[tilespmem:$0x1FE80] =	vst v63  }
0x10e: {  	_ =	swait.ge [sflag:s16], $0x4000  }
0x10f: {  	[sflag:s16] =	ssyncset.done $0x0  }
0x110: {  	s25 =	simm.s32 @!p3 $0xC;
	[sflag:s16] =	ssyncadd.s32 $0xFFFFC000  }
0x111: {  	[spmem:s3] =	stream.indirect.scatter.add.f32 [tilespmem:s7], [sflag:$0xA], $0x80, s2, s2, $0xb8;
	[tilespmem:$0x1FE80] =	vst v63  }
0x112: {  	_ =	swait.ge @!p3 [sflag:s25], $0x4000  }
0x113: {  	[sflag:s25] =	ssyncset.done @!p3 $0x0  }
0x114: {  	[sflag:s25] =	ssyncadd.s32 @!p3 $0xFFFFC000;
	p3 =	por p5, p5  }
0x115: {  	_ =	swait.ge [sflag:s22], $0x100  }
0x116: {  	[sflag:s22] =	ssyncset.done $0x0  }
0x117: {  	s0 =	simm.s32 $0x200;
	[sflag:s22] =	ssyncadd.s32 $0xFFFFFF00  }
0x118: {  	[tilespmem:s8], [sflag:$0x9] =	stream.indirect.gather [hbm4b:s1+s2], $0x80, s0, s2, $0xb8;
	[tilespmem:$0x1FE80] =	vst v63  }
0x119: {  	s23 =	sadd.s32 $0xA00, s23  }
0x11a: {  	[tilespmem:s10], [sflag:$0x6] =	stream.linear.gather [hbm4b:s23+s6], $0x100, $0x38;
	[tilespmem:$0x1FE80] =	vst v63  }
0x11b: {  	_ =	swait.ge [sflag:s12], $0x4000  }
0x11c: {  	[sflag:s12] =	ssyncset.done $0x0  }
0x11d: {  	[sflag:s12] =	ssyncadd.s32 $0xFFFFC000  }
0x11e: {  	[spmem:s3] =	stream.indirect.scatter.add.f32 [tilespmem:s11], [sflag:$0xB], $0x80, s20, s2, $0xb8;
	[tilespmem:$0x1FE80] =	vst v63  }
0x11f: {  	_ =	swait.ge [sflag:s17], $0x4000  }
0x120: {  	[sflag:s17] =	ssyncset.done $0x0  }
0x121: {  	[sflag:s17] =	ssyncadd.s32 $0xFFFFC000  }
0x122: {  	_ =	swait.ge [sflag:s18], $0x100  }
0x123: {  	[sflag:s18] =	ssyncset.done $0x0  }
0x124: {  	p5 =	seq.s32 s26, $0x12C00;
	s0 =	simm.s32 $0x300;
	[sflag:s18] =	ssyncadd.s32 $0xFFFFFF00  }
0x125: {  	[tilespmem:s7], [sflag:$0x7] =	stream.indirect.gather [hbm4b:s1+s2], $0x80, s0, s2, $0xb8;
	[tilespmem:$0x1FE80] =	vst v63  }
0x126: {  	s14 =	sadd.s32 @!p5 s26, s15;
	s26 =	smov.u32 s24;
	s23 =	simm.s32 @!p5 $0x0  }
0x127: {  	s24 =	sadd.s32 @!p5 $0xC00, s14;
	s25 =	sadd.s32 @!p5 $0x1000, s14;
	s20 =	sadd.s32 @!p5 $0xE00, s14  }
0x128: {  	[tilespmem:s23], [sflag:$0x1] =	stream.linear.gather @!p5 [hbm4b:s24+s23], $0x100, $0x38;
	[tilespmem:$0x1FE80] =	vst v63  }
0x129: {  	s24 =	sadd.s32 @!p5 $0x1200, s14;
	_ =	swait.ge [sflag:s19], $0x4000  }
0x12a: {  	[sflag:s19] =	ssyncset.done $0x0  }
0x12b: {  	s0 =	simm.s32 $0x280;
	[sflag:s19] =	ssyncadd.s32 $0xFFFFC000  }
0x12c: {  	[spmem:s3] =	stream.indirect.scatter.add.f32 [tilespmem:s8], [sflag:$0xC], $0x80, s0, s2, $0xb8;
	[tilespmem:$0x1FE80] =	vst v63  }
0x12d: {  	_ =	swait.ge [sflag:s31], $0x4000  }
0x12e: {  	[sflag:s31] =	ssyncset.done $0x0  }
0x12f: {  	[sflag:s31] =	ssyncadd.s32 $0xFFFFC000  }
0x130: {  	_ =	swait.ge [sflag:s21], $0x100  }
0x131: {  	[sflag:s21] =	ssyncset.done $0x0  }
0x132: {  	s14 =	simm.s32 @!p5 $0x100;
	[sflag:s21] =	ssyncadd.s32 $0xFFFFFF00  }
0x133: {  	[tilespmem:s11], [sflag:$0x8] =	stream.indirect.gather [hbm4b:s1+s2], $0x80, s13, s2, $0xb8;
	[tilespmem:$0x1FE80] =	vst v63  }
0x134: {  	_ = 	snop  }
0x135: {  	[tilespmem:s14], [sflag:$0x2] =	stream.linear.gather @!p5 [hbm4b:s20+s23], $0x100, $0x38;
	[tilespmem:$0x1FE80] =	vst v63  }
0x136: {  	_ =	swait.ge [sflag:s16], $0x4000  }
0x137: {  	[sflag:s16] =	ssyncset.done $0x0  }
0x138: {  	s0 =	simm.s32 $0x380;
	[sflag:s16] =	ssyncadd.s32 $0xFFFFC000  }
0x139: {  	[spmem:s3] =	stream.indirect.scatter.add.f32 [tilespmem:s7], [sflag:$0xA], $0x80, s0, s2, $0xb8;
	[tilespmem:$0x1FE80] =	vst v63  }
0x13a: {  	_ =	swait.ge [sflag:s29], $0x4000  }
0x13b: {  	[sflag:s29] =	ssyncset.done $0x0  }
0x13c: {  	[sflag:s29] =	ssyncadd.s32 $0xFFFFC000  }
0x13d: {  	_ =	swait.ge [sflag:s30], $0x100  }
0x13e: {  	[sflag:s30] =	ssyncset.done $0x0  }
0x13f: {  	s14 =	simm.s32 @p5 $0x8;
	[sflag:s30] =	ssyncadd.s32 $0xFFFFFF00  }
0x140: {  	[tilespmem:s8], [sflag:$0x9] =	stream.indirect.gather [hbm4b:s1+s2], $0x80, s10, s2, $0xb8;
	[tilespmem:$0x1FE80] =	vst v63  }
0x141: {  	s20 =	simm.s32 @p5 $0x4600;
	_ =	swait.ge @p5 [sflag:s14], $0x4000  }
0x142: {  	s28 =	simm.s32 @p5 $0x80;
	s0 =	simm.s32 @p5 $0x480;
	[sflag:s14] =	ssyncset.done @p5 $0x0  }
0x143: {  	[sflag:s14] =	ssyncadd.s32 @p5 $0xFFFFC000;
	s14 =	simm.s32 @p5 $0xA  }
0x144: {  	[spmem:s3] =	stream.indirect.scatter.add.f32 @p5 [tilespmem:s20], [sflag:$0xB], $0x80, s0, s28, $0xb8;
	[tilespmem:$0x1FE80] =	vst v63  }
0x145: {  	s28 =	simm.s32 $0x100  }
0x146: {  	_ =	swait.ge @p5 [sflag:s14], $0x4000  }
0x147: {  	s0 =	simm.s32 @!p5 $0x200;
	[sflag:s14] =	ssyncset.done @p5 $0x0  }
0x148: {  	[sflag:s14] =	ssyncadd.s32 @p5 $0xFFFFC000;
	s14 =	simm.s32 @!p5 $0x8  }
0x149: {  	[tilespmem:s0], [sflag:$0x3] =	stream.linear.gather @!p5 [hbm4b:s25+s23], $0x100, $0x38;
	[tilespmem:$0x1FE80] =	vst v63  }
0x14a: {  	s0 =	simm.s32 @!p5 $0x4600;
	_ =	swait.ge @!p5 [sflag:s14], $0x4000  }
0x14b: {  	s20 =	simm.s32 @!p5 $0x80;
	s25 =	simm.s32 @!p5 $0x480;
	[sflag:s14] =	ssyncset.done @!p5 $0x0  }
0x14c: {  	[sflag:s14] =	ssyncadd.s32 @!p5 $0xFFFFC000;
	s14 =	simm.s32 @!p5 $0xA  }
0x14d: {  	[spmem:s3] =	stream.indirect.scatter.add.f32 @!p5 [tilespmem:s0], [sflag:$0xB], $0x80, s25, s20, $0xb8;
	[tilespmem:$0x1FE80] =	vst v63  }
0x14e: {  	_ =	swait.ge @!p5 [sflag:s14], $0x4000  }
0x14f: {  	s0 =	simm.s32 @!p5 $0x1;
	[sflag:s14] =	ssyncset.done @!p5 $0x0  }
0x150: {  	[sflag:s14] =	ssyncadd.s32 @!p5 $0xFFFFC000  }
0x151: {  	_ =	swait.ge @!p5 [sflag:s0], $0x100  }
0x152: {  	s14 =	simm.s32 @!p5 $0x600;
	[sflag:s0] =	ssyncset.done @!p5 $0x0  }
0x153: {  	[sflag:s0] =	ssyncadd.s32 @!p5 $0xFFFFFF00;
	s0 =	simm.s32 @!p5 $0x300  }
0x154: {  	[tilespmem:s14], [sflag:$0x7] =	stream.indirect.gather @!p5 [hbm4b:s1+s20], $0x80, s23, s20, $0xb8;
	[tilespmem:$0x1FE80] =	vst v63  }
.Ltmp4:
0x155: {  	s20 =	simm.s32 $0x180;
	(pc) =	sbr.rel @p4 .LBB2_5-.Ltmp4, $4  }
0x156: {  	_ = 	snop  }
0x157: {  	[tilespmem:s0], [sflag:$0x4] =	stream.linear.gather @!p5 [hbm4b:s24+s23], $0x100, $0x38;
	[tilespmem:$0x1FE80] =	vst v63  }
0x158: {  	_ =	swait.ge [sflag:s19], $0x4000  }
0x159: {  	s23 =	simm.s32 @!p3 $0xB;
	[sflag:s19] =	ssyncset.done $0x0  }
0x15a: {  	[sflag:s19] =	ssyncadd.s32 $0xFFFFC000;
	s24 =	simm.s32 $0x580  }
0x15b: {  	[spmem:s3] =	stream.indirect.scatter.add.f32 [tilespmem:s8], [sflag:$0xC], $0x80, s24, s2, $0xb8;
	[tilespmem:$0x1FE80] =	vst v63  }
0x15c: {  	_ =	swait.ge @!p3 [sflag:s23], $0x4000  }
0x15d: {  	[sflag:s23] =	ssyncset.done @!p3 $0x0  }
0x15e: {  	[sflag:s23] =	ssyncadd.s32 @!p3 $0xFFFFC000  }
0x15f: {  	_ =	swait.ge [sflag:s9], $0x100  }
0x160: {  	[sflag:s9] =	ssyncset.done $0x0  }
0x161: {  	s0 =	sadd.s32 s26, s15;
	[sflag:s9] =	ssyncadd.s32 $0xFFFFFF00  }
0x162: {  	[tilespmem:s11], [sflag:$0x8] =	stream.indirect.gather [hbm4b:s1+s2], $0x80, s28, s2, $0xb8;
	[tilespmem:$0x1FE80] =	vst v63  }
0x163: {  	s5 =	sadd.s32 $0x800, s0  }
0x164: {  	[tilespmem:s13], [sflag:$0x5] =	stream.linear.gather [hbm4b:s5+s6], $0x100, $0x38;
	[tilespmem:$0x1FE80] =	vst v63  }
0x165: {  	_ =	swait.ge [sflag:s16], $0x4000  }
0x166: {  	[sflag:s16] =	ssyncset.done $0x0  }
0x167: {  	s5 =	simm.s32 @!p3 $0xC;
	[sflag:s16] =	ssyncadd.s32 $0xFFFFC000  }
0x168: {  	[spmem:s3] =	stream.indirect.scatter.add.f32 [tilespmem:s7], [sflag:$0xA], $0x80, s2, s2, $0xb8;
	[tilespmem:$0x1FE80] =	vst v63  }
0x169: {  	_ =	swait.ge @!p3 [sflag:s5], $0x4000  }
0x16a: {  	[sflag:s5] =	ssyncset.done @!p3 $0x0  }
0x16b: {  	[sflag:s5] =	ssyncadd.s32 @!p3 $0xFFFFC000  }
0x16c: {  	_ =	swait.ge [sflag:s22], $0x100  }
0x16d: {  	[sflag:s22] =	ssyncset.done $0x0  }
0x16e: {  	s4 =	simm.s32 $0x200;
	[sflag:s22] =	ssyncadd.s32 $0xFFFFFF00  }
0x16f: {  	[tilespmem:s8], [sflag:$0x9] =	stream.indirect.gather [hbm4b:s1+s2], $0x80, s4, s2, $0xb8;
	[tilespmem:$0x1FE80] =	vst v63  }
0x170: {  	s0 =	sadd.s32 $0xA00, s0  }
0x171: {  	[tilespmem:s10], [sflag:$0x6] =	stream.linear.gather [hbm4b:s0+s6], $0x100, $0x38;
	[tilespmem:$0x1FE80] =	vst v63  }
0x172: {  	_ =	swait.ge [sflag:s12], $0x4000  }
0x173: {  	[sflag:s12] =	ssyncset.done $0x0  }
0x174: {  	[sflag:s12] =	ssyncadd.s32 $0xFFFFC000  }
0x175: {  	[spmem:s3] =	stream.indirect.scatter.add.f32 [tilespmem:s11], [sflag:$0xB], $0x80, s20, s2, $0xb8;
	[tilespmem:$0x1FE80] =	vst v63  }
0x176: {  	_ =	swait.ge [sflag:s17], $0x4000  }
0x177: {  	[sflag:s17] =	ssyncset.done $0x0  }
0x178: {  	[sflag:s17] =	ssyncadd.s32 $0xFFFFC000  }
0x179: {  	_ =	swait.ge [sflag:s18], $0x100  }
0x17a: {  	p3 =	seq.s32 s26, $0x12C00;
	[sflag:s18] =	ssyncset.done $0x0  }
0x17b: {  	s23 =	simm.s32 $0x300;
	s0 =	sadd.s32 @!p3 s26, s15;
	[sflag:s18] =	ssyncadd.s32 $0xFFFFFF00  }
0x17c: {  	[tilespmem:s7], [sflag:$0x7] =	stream.indirect.gather [hbm4b:s1+s2], $0x80, s23, s2, $0xb8;
	[tilespmem:$0x1FE80] =	vst v63  }
0x17d: {  	s5 =	simm.s32 @!p3 $0x0;
	s14 =	sadd.s32 @!p3 $0xC00, s0  }
0x17e: {  	[tilespmem:s5], [sflag:$0x1] =	stream.linear.gather @!p3 [hbm4b:s14+s5], $0x100, $0x38;
	[tilespmem:$0x1FE80] =	vst v63  }
0x17f: {  	_ =	swait.ge [sflag:s19], $0x4000  }
0x180: {  	[sflag:s19] =	ssyncset.done $0x0  }
0x181: {  	s25 =	simm.s32 $0x280;
	[sflag:s19] =	ssyncadd.s32 $0xFFFFC000  }
0x182: {  	[spmem:s3] =	stream.indirect.scatter.add.f32 [tilespmem:s8], [sflag:$0xC], $0x80, s25, s2, $0xb8;
	[tilespmem:$0x1FE80] =	vst v63  }
0x183: {  	_ =	swait.ge [sflag:s31], $0x4000  }
0x184: {  	[sflag:s31] =	ssyncset.done $0x0  }
0x185: {  	[sflag:s31] =	ssyncadd.s32 $0xFFFFC000  }
0x186: {  	_ =	swait.ge [sflag:s21], $0x100  }
0x187: {  	[sflag:s21] =	ssyncset.done $0x0  }
0x188: {  	[sflag:s21] =	ssyncadd.s32 $0xFFFFFF00  }
0x189: {  	[tilespmem:s11], [sflag:$0x8] =	stream.indirect.gather [hbm4b:s1+s2], $0x80, s13, s2, $0xb8;
	[tilespmem:$0x1FE80] =	vst v63  }
0x18a: {  	s20 =	simm.s32 @!p3 $0x100;
	s14 =	sadd.s32 @!p3 $0xE00, s0  }
0x18b: {  	[tilespmem:s20], [sflag:$0x2] =	stream.linear.gather @!p3 [hbm4b:s14+s5], $0x100, $0x38;
	[tilespmem:$0x1FE80] =	vst v63  }
0x18c: {  	_ =	swait.ge [sflag:s16], $0x4000  }
0x18d: {  	[sflag:s16] =	ssyncset.done $0x0  }
0x18e: {  	s26 =	simm.s32 $0x380;
	[sflag:s16] =	ssyncadd.s32 $0xFFFFC000  }
0x18f: {  	[spmem:s3] =	stream.indirect.scatter.add.f32 [tilespmem:s7], [sflag:$0xA], $0x80, s26, s2, $0xb8;
	[tilespmem:$0x1FE80] =	vst v63  }
0x190: {  	_ =	swait.ge [sflag:s29], $0x4000  }
0x191: {  	[sflag:s29] =	ssyncset.done $0x0  }
0x192: {  	[sflag:s29] =	ssyncadd.s32 $0xFFFFC000  }
0x193: {  	_ =	swait.ge [sflag:s30], $0x100  }
0x194: {  	[sflag:s30] =	ssyncset.done $0x0  }
0x195: {  	s14 =	simm.s32 @p3 $0x8;
	[sflag:s30] =	ssyncadd.s32 $0xFFFFFF00  }
0x196: {  	[tilespmem:s8], [sflag:$0x9] =	stream.indirect.gather [hbm4b:s1+s2], $0x80, s10, s2, $0xb8;
	[tilespmem:$0x1FE80] =	vst v63  }
0x197: {  	_ =	swait.ge @p3 [sflag:s14], $0x4000  }
0x198: {  	s23 =	simm.s32 @p3 $0x80;
	[sflag:s14] =	ssyncset.done @p3 $0x0  }
0x199: {  	s20 =	simm.s32 @p3 $0x4600;
	[sflag:s14] =	ssyncadd.s32 @p3 $0xFFFFC000;
	s14 =	simm.s32 @p3 $0x480  }
0x19a: {  	[spmem:s3] =	stream.indirect.scatter.add.f32 @p3 [tilespmem:s20], [sflag:$0xB], $0x80, s14, s23, $0xb8;
	[tilespmem:$0x1FE80] =	vst v63  }
0x19b: {  	s14 =	simm.s32 @p3 $0xA  }
0x19c: {  	_ =	swait.ge @p3 [sflag:s14], $0x4000  }
0x19d: {  	s20 =	sadd.s32 @!p3 $0x1000, s0;
	[sflag:s14] =	ssyncset.done @p3 $0x0  }
0x19e: {  	s23 =	simm.s32 @!p3 $0x200;
	[sflag:s14] =	ssyncadd.s32 @p3 $0xFFFFC000;
	s14 =	simm.s32 @!p3 $0x8  }
0x19f: {  	[tilespmem:s23], [sflag:$0x3] =	stream.linear.gather @!p3 [hbm4b:s20+s5], $0x100, $0x38;
	[tilespmem:$0x1FE80] =	vst v63  }
0x1a0: {  	_ =	swait.ge @!p3 [sflag:s14], $0x4000  }
0x1a1: {  	s20 =	simm.s32 @!p3 $0x4600;
	[sflag:s14] =	ssyncset.done @!p3 $0x0  }
0x1a2: {  	s23 =	simm.s32 @!p3 $0x80;
	[sflag:s14] =	ssyncadd.s32 @!p3 $0xFFFFC000;
	s14 =	simm.s32 @!p3 $0x480  }
0x1a3: {  	[spmem:s3] =	stream.indirect.scatter.add.f32 @!p3 [tilespmem:s20], [sflag:$0xB], $0x80, s14, s23, $0xb8;
	[tilespmem:$0x1FE80] =	vst v63  }
0x1a4: {  	s14 =	simm.s32 @!p3 $0xA  }
0x1a5: {  	_ =	swait.ge @!p3 [sflag:s14], $0x4000  }
0x1a6: {  	[sflag:s14] =	ssyncset.done @!p3 $0x0  }
0x1a7: {  	[sflag:s14] =	ssyncadd.s32 @!p3 $0xFFFFC000;
	s14 =	simm.s32 @!p3 $0x1  }
0x1a8: {  	_ =	swait.ge @!p3 [sflag:s14], $0x100  }
0x1a9: {  	[sflag:s14] =	ssyncset.done @!p3 $0x0  }
0x1aa: {  	[sflag:s14] =	ssyncadd.s32 @!p3 $0xFFFFFF00;
	s14 =	simm.s32 @!p3 $0x600  }
0x1ab: {  	[tilespmem:s14], [sflag:$0x7] =	stream.indirect.gather @!p3 [hbm4b:s1+s23], $0x80, s5, s23, $0xb8;
	[tilespmem:$0x1FE80] =	vst v63  }
0x1ac: {  	s0 =	sadd.s32 @!p3 $0x1200, s0;
	s14 =	simm.s32 @!p3 $0x300  }
0x1ad: {  	[tilespmem:s14], [sflag:$0x4] =	stream.linear.gather @!p3 [hbm4b:s0+s5], $0x100, $0x38;
	[tilespmem:$0x1FE80] =	vst v63  }
0x1ae: {  	_ =	swait.ge [sflag:s19], $0x4000  }
0x1af: {  	[sflag:s19] =	ssyncset.done $0x0  }
0x1b0: {  	[sflag:s19] =	ssyncadd.s32 $0xFFFFC000  }
0x1b1: {  	[spmem:s3] =	stream.indirect.scatter.add.f32 [tilespmem:s8], [sflag:$0xC], $0x80, s24, s2, $0xb8;
	[tilespmem:$0x1FE80] =	vst v63  }
0x1b2: {  	_ =	swait.ge [sflag:s31], $0x4000  }
.Ltmp5:
0x1b3: {  	[sflag:s31] =	ssyncset.done $0x0;
	(pc) =	sbr.rel @p2 .LBB2_12-.Ltmp5, $4  }
0x1b4: {  	[sflag:s31] =	ssyncadd.s32 $0xFFFFC000  }
0x1b5: {  	_ =	swait.ge [sflag:s29], $0x4000  }
0x1b6: {  	s4 =	simm.s32 $0x0;
	s25 =	simm.s32 $0x200;
	[sflag:s29] =	ssyncset.done $0x0  }
0x1b7: {  	s26 =	simm.s32 $0x280;
	s24 =	simm.s32 $0x300;
	[sflag:s29] =	ssyncadd.s32 $0xFFFFC000  }
0x1b8: {  	s0 =	sld [smem:$0x7FB];
	_ =	sdelay $0x1  }
0x1b9: {  	s23 =	simm.s32 $0xD  }
0x1ba: {  	[tilespmem:s4], [sflag:$0xD] =	stream.linear.gather [hbm4b:s0+s4], $0x100, $0x38;
	[tilespmem:$0x1FE80] =	vst v63  }
0x1bb: {  	_ =	swait.ge [sflag:s23], $0x100  }
0x1bc: {  	[sflag:s23] =	ssyncset.done $0x0  }
0x1bd: {  	[sflag:s23] =	ssyncadd.s32 $0xFFFFFF00  }
0x1be: {  	[tilespmem:s7], [sflag:$0x7] =	stream.indirect.gather [hbm4b:s1+s2], $0x80, s4, s2, $0xb8;
	[tilespmem:$0x1FE80] =	vst v63  }
0x1bf: {  	_ =	swait.ge [sflag:s16], $0x4000  }
0x1c0: {  	[sflag:s16] =	ssyncset.done $0x0  }
0x1c1: {  	[sflag:s16] =	ssyncadd.s32 $0xFFFFC000  }
0x1c2: {  	[spmem:s3] =	stream.indirect.scatter.add.f32 [tilespmem:s7], [sflag:$0xA], $0x80, s2, s2, $0xb8;
	[tilespmem:$0x1FE80] =	vst v63  }
.Ltmp6:
0x1c3: {  	_ =	swait.ge [sflag:s17], $0x4000;
	(pc) =	sbr.rel .LBB2_13-.Ltmp6, $4  }
0x1c4: {  	[sflag:s17] =	ssyncset.done $0x0  }
0x1c5: {  	[sflag:s17] =	ssyncadd.s32 $0xFFFFC000  }
0x1c6: {  	[bflag:$0x0] =	sbarrier.arrive $0xFFFF  }
0x1c7: {  	s6 =	sld [smem:$0x7FC]  }
.LBB2_8:
0x1c8: {  	s0 =	simm.s32 $0x0;
	s5 =	sld [smem:$0x7F4]  }
0x1c9: {  	[tilespmem:s0], [sflag:$0x1] =	stream.linear.gather [hbm4b:s6+s0], $0x100, $0x38;
	[tilespmem:$0x1FE80] =	vst v63  }
0x1ca: {  	s15 =	sld [smem:$0x7F5]  }
0x1cb: {  	[tilespmem:s28], [sflag:$0x2] =	stream.linear.gather [hbm4b:s5+s0], $0x100, $0x38;
	[tilespmem:$0x1FE80] =	vst v63  }
0x1cc: {  	s23 =	sld [smem:$0x7F6]  }
0x1cd: {  	[tilespmem:s25], [sflag:$0x3] =	stream.linear.gather [hbm4b:s15+s0], $0x100, $0x38;
	[tilespmem:$0x1FE80] =	vst v63  }
0x1ce: {  	_ = 	snop  }
0x1cf: {  	[tilespmem:s24], [sflag:$0x4] =	stream.linear.gather [hbm4b:s23+s0], $0x100, $0x38;
	[tilespmem:$0x1FE80] =	vst v63  }
0x1d0: {  	_ =	swait.ge [sflag:s14], $0x100  }
0x1d1: {  	p3 =	por $0x1, $0x1;
	[sflag:s14] =	ssyncset.done $0x0  }
0x1d2: {  	p3 =	por p3, p3;
	[sflag:s14] =	ssyncadd.s32 $0xFFFFFF00  }
0x1d3: {  	[tilespmem:s7], [sflag:$0x7] =	stream.indirect.gather [hbm4b:s1+s2], $0x80, s0, s2, $0xb8;
	[tilespmem:$0x1FE80] =	vst v63  }
0x1d4: {  	s0 =	simm.s32 @!p3 $0xB  }
0x1d5: {  	_ =	swait.ge @!p3 [sflag:s0], $0x4000  }
0x1d6: {  	[sflag:s0] =	ssyncset.done @!p3 $0x0  }
0x1d7: {  	[sflag:s0] =	ssyncadd.s32 @!p3 $0xFFFFC000  }
0x1d8: {  	_ =	swait.ge [sflag:s9], $0x100  }
0x1d9: {  	[sflag:s9] =	ssyncset.done $0x0  }
0x1da: {  	s15 =	sadd.s32 $0x0, s6;
	[sflag:s9] =	ssyncadd.s32 $0xFFFFFF00  }
0x1db: {  	[tilespmem:s11], [sflag:$0x8] =	stream.indirect.gather [hbm4b:s1+s2], $0x80, s28, s2, $0xb8;
	[tilespmem:$0x1FE80] =	vst v63  }
0x1dc: {  	s23 =	sadd.s32 $0x800, s15  }
0x1dd: {  	[tilespmem:s13], [sflag:$0x5] =	stream.linear.gather [hbm4b:s23+s4], $0x100, $0x38;
	[tilespmem:$0x1FE80] =	vst v63  }
0x1de: {  	_ =	swait.ge [sflag:s16], $0x4000  }
0x1df: {  	[sflag:s16] =	ssyncset.done $0x0  }
0x1e0: {  	s5 =	simm.s32 @!p3 $0xC;
	[sflag:s16] =	ssyncadd.s32 $0xFFFFC000  }
0x1e1: {  	[spmem:s3] =	stream.indirect.scatter.add.f32 [tilespmem:s7], [sflag:$0xA], $0x80, s2, s2, $0xb8;
	[tilespmem:$0x1FE80] =	vst v63  }
0x1e2: {  	_ =	swait.ge @!p3 [sflag:s5], $0x4000  }
0x1e3: {  	[sflag:s5] =	ssyncset.done @!p3 $0x0  }
0x1e4: {  	[sflag:s5] =	ssyncadd.s32 @!p3 $0xFFFFC000  }
0x1e5: {  	_ =	swait.ge [sflag:s22], $0x100  }
0x1e6: {  	[sflag:s22] =	ssyncset.done $0x0  }
0x1e7: {  	[sflag:s22] =	ssyncadd.s32 $0xFFFFFF00  }
0x1e8: {  	[tilespmem:s8], [sflag:$0x9] =	stream.indirect.gather [hbm4b:s1+s2], $0x80, s25, s2, $0xb8;
	[tilespmem:$0x1FE80] =	vst v63  }
0x1e9: {  	s0 =	sadd.s32 $0xA00, s15  }
0x1ea: {  	[tilespmem:s10], [sflag:$0x6] =	stream.linear.gather [hbm4b:s0+s4], $0x100, $0x38;
	[tilespmem:$0x1FE80] =	vst v63  }
0x1eb: {  	_ =	swait.ge [sflag:s12], $0x4000  }
0x1ec: {  	[sflag:s12] =	ssyncset.done $0x0  }
0x1ed: {  	[sflag:s12] =	ssyncadd.s32 $0xFFFFC000  }
0x1ee: {  	[spmem:s3] =	stream.indirect.scatter.add.f32 [tilespmem:s11], [sflag:$0xB], $0x80, s20, s2, $0xb8;
	[tilespmem:$0x1FE80] =	vst v63  }
0x1ef: {  	_ =	swait.ge [sflag:s17], $0x4000  }
0x1f0: {  	[sflag:s17] =	ssyncset.done $0x0  }
0x1f1: {  	[sflag:s17] =	ssyncadd.s32 $0xFFFFC000  }
0x1f2: {  	_ =	swait.ge [sflag:s18], $0x100  }
0x1f3: {  	p3 =	por $0x0, $0x0;
	[sflag:s18] =	ssyncset.done $0x0  }
0x1f4: {  	s23 =	sadd.s32 @!p3 $0x0, s6;
	[sflag:s18] =	ssyncadd.s32 $0xFFFFFF00  }
0x1f5: {  	[tilespmem:s7], [sflag:$0x7] =	stream.indirect.gather [hbm4b:s1+s2], $0x80, s24, s2, $0xb8;
	[tilespmem:$0x1FE80] =	vst v63  }
0x1f6: {  	s5 =	simm.s32 @!p3 $0x0;
	s0 =	sadd.s32 @!p3 $0xC00, s23  }
0x1f7: {  	[tilespmem:s5], [sflag:$0x1] =	stream.linear.gather @!p3 [hbm4b:s0+s5], $0x100, $0x38;
	[tilespmem:$0x1FE80] =	vst v63  }
0x1f8: {  	_ =	swait.ge [sflag:s19], $0x4000  }
0x1f9: {  	[sflag:s19] =	ssyncset.done $0x0  }
0x1fa: {  	[sflag:s19] =	ssyncadd.s32 $0xFFFFC000  }
0x1fb: {  	[spmem:s3] =	stream.indirect.scatter.add.f32 [tilespmem:s8], [sflag:$0xC], $0x80, s26, s2, $0xb8;
	[tilespmem:$0x1FE80] =	vst v63  }
0x1fc: {  	_ =	swait.ge [sflag:s31], $0x4000  }
0x1fd: {  	[sflag:s31] =	ssyncset.done $0x0  }
0x1fe: {  	[sflag:s31] =	ssyncadd.s32 $0xFFFFC000  }
0x1ff: {  	_ =	swait.ge [sflag:s21], $0x100  }
0x200: {  	[sflag:s21] =	ssyncset.done $0x0  }
0x201: {  	[sflag:s21] =	ssyncadd.s32 $0xFFFFFF00  }
0x202: {  	[tilespmem:s11], [sflag:$0x8] =	stream.indirect.gather [hbm4b:s1+s2], $0x80, s13, s2, $0xb8;
	[tilespmem:$0x1FE80] =	vst v63  }
0x203: {  	s14 =	simm.s32 @!p3 $0x100;
	s0 =	sadd.s32 @!p3 $0xE00, s23  }
0x204: {  	[tilespmem:s14], [sflag:$0x2] =	stream.linear.gather @!p3 [hbm4b:s0+s5], $0x100, $0x38;
	[tilespmem:$0x1FE80] =	vst v63  }
0x205: {  	_ =	swait.ge [sflag:s16], $0x4000  }
0x206: {  	[sflag:s16] =	ssyncset.done $0x0  }
0x207: {  	s26 =	simm.s32 $0x380;
	[sflag:s16] =	ssyncadd.s32 $0xFFFFC000  }
0x208: {  	[spmem:s3] =	stream.indirect.scatter.add.f32 [tilespmem:s7], [sflag:$0xA], $0x80, s26, s2, $0xb8;
	[tilespmem:$0x1FE80] =	vst v63  }
0x209: {  	_ =	swait.ge [sflag:s29], $0x4000  }
0x20a: {  	[sflag:s29] =	ssyncset.done $0x0  }
0x20b: {  	[sflag:s29] =	ssyncadd.s32 $0xFFFFC000  }
0x20c: {  	_ =	swait.ge [sflag:s30], $0x100  }
0x20d: {  	[sflag:s30] =	ssyncset.done $0x0  }
0x20e: {  	s0 =	simm.s32 @p3 $0x8;
	[sflag:s30] =	ssyncadd.s32 $0xFFFFFF00  }
0x20f: {  	[tilespmem:s8], [sflag:$0x9] =	stream.indirect.gather [hbm4b:s1+s2], $0x80, s10, s2, $0xb8;
	[tilespmem:$0x1FE80] =	vst v63  }
0x210: {  	_ =	swait.ge @p3 [sflag:s0], $0x4000  }
0x211: {  	s20 =	simm.s32 @p3 $0x80;
	[sflag:s0] =	ssyncset.done @p3 $0x0  }
0x212: {  	s14 =	simm.s32 @p3 $0x4600;
	[sflag:s0] =	ssyncadd.s32 @p3 $0xFFFFC000;
	s0 =	simm.s32 @p3 $0x480  }
0x213: {  	[spmem:s3] =	stream.indirect.scatter.add.f32 @p3 [tilespmem:s14], [sflag:$0xB], $0x80, s0, s20, $0xb8;
	[tilespmem:$0x1FE80] =	vst v63  }
0x214: {  	s0 =	simm.s32 @p3 $0xA  }
0x215: {  	_ =	swait.ge @p3 [sflag:s0], $0x4000  }
0x216: {  	s14 =	sadd.s32 @!p3 $0x1000, s23;
	[sflag:s0] =	ssyncset.done @p3 $0x0  }
0x217: {  	s20 =	simm.s32 @!p3 $0x200;
	[sflag:s0] =	ssyncadd.s32 @p3 $0xFFFFC000;
	s0 =	simm.s32 @!p3 $0x8  }
0x218: {  	[tilespmem:s20], [sflag:$0x3] =	stream.linear.gather @!p3 [hbm4b:s14+s5], $0x100, $0x38;
	[tilespmem:$0x1FE80] =	vst v63  }
0x219: {  	_ =	swait.ge @!p3 [sflag:s0], $0x4000  }
0x21a: {  	s14 =	simm.s32 @!p3 $0x4600;
	[sflag:s0] =	ssyncset.done @!p3 $0x0  }
0x21b: {  	s20 =	simm.s32 @!p3 $0x80;
	[sflag:s0] =	ssyncadd.s32 @!p3 $0xFFFFC000;
	s0 =	simm.s32 @!p3 $0x480  }
0x21c: {  	[spmem:s3] =	stream.indirect.scatter.add.f32 @!p3 [tilespmem:s14], [sflag:$0xB], $0x80, s0, s20, $0xb8;
	[tilespmem:$0x1FE80] =	vst v63  }
0x21d: {  	s0 =	simm.s32 @!p3 $0xA  }
0x21e: {  	_ =	swait.ge @!p3 [sflag:s0], $0x4000  }
0x21f: {  	[sflag:s0] =	ssyncset.done @!p3 $0x0  }
0x220: {  	[sflag:s0] =	ssyncadd.s32 @!p3 $0xFFFFC000;
	s0 =	simm.s32 @!p3 $0x1  }
0x221: {  	_ =	swait.ge @!p3 [sflag:s0], $0x100  }
0x222: {  	p4 =	por $0x0, $0x0;
	s15 =	simm.s32 $0x580;
	[sflag:s0] =	ssyncset.done @!p3 $0x0  }
0x223: {  	s13 =	simm.s32 $0x500;
	[sflag:s0] =	ssyncadd.s32 @!p3 $0xFFFFFF00;
	s0 =	simm.s32 @!p3 $0x600  }
0x224: {  	[tilespmem:s0], [sflag:$0x7] =	stream.indirect.gather @!p3 [hbm4b:s1+s20], $0x80, s5, s20, $0xb8;
	[tilespmem:$0x1FE80] =	vst v63  }
0x225: {  	s26 =	simm.s32 $0xC00;
	s14 =	simm.s32 @!p3 $0x300;
	s0 =	sadd.s32 @!p3 $0x1200, s23  }
0x226: {  	[tilespmem:s14], [sflag:$0x4] =	stream.linear.gather @!p3 [hbm4b:s0+s5], $0x100, $0x38;
	[tilespmem:$0x1FE80] =	vst v63  }
0x227: {  	s10 =	simm.s32 $0x400;
	p3 =	por p4, p4;
	_ =	swait.ge [sflag:s19], $0x4000  }
0x228: {  	s5 =	simm.s32 $0x1800;
	s23 =	simm.s32 @!p3 $0xB;
	[sflag:s19] =	ssyncset.done $0x0  }
.LBB2_9:
0x229: {  	p5 =	seq.s32 s5, $0x0  }
0x22a: {  	[sflag:s19] =	ssyncadd.s32 $0xFFFFC000;
	s24 =	smov.u32 s5;
	s5 =	sadd.s32 $0xC00, s5  }
0x22b: {  	[spmem:s3] =	stream.indirect.scatter.add.f32 [tilespmem:s8], [sflag:$0xC], $0x80, s15, s2, $0xb8;
	[tilespmem:$0x1FE80] =	vst v63  }
0x22c: {  	p4 =	sne.s32 s5, $0x13800;
	_ =	swait.ge @!p3 [sflag:s23], $0x4000  }
0x22d: {  	[sflag:s23] =	ssyncset.done @!p3 $0x0  }
0x22e: {  	[sflag:s23] =	ssyncadd.s32 @!p3 $0xFFFFC000  }
0x22f: {  	_ =	swait.ge [sflag:s9], $0x100  }
0x230: {  	[sflag:s9] =	ssyncset.done $0x0  }
0x231: {  	s0 =	sadd.s32 s26, s6;
	[sflag:s9] =	ssyncadd.s32 $0xFFFFFF00  }
0x232: {  	[tilespmem:s11], [sflag:$0x8] =	stream.indirect.gather [hbm4b:s1+s2], $0x80, s28, s2, $0xb8;
	[tilespmem:$0x1FE80] =	vst v63  }
0x233: {  	s14 =	sadd.s32 $0x800, s0  }
0x234: {  	[tilespmem:s10], [sflag:$0x5] =	stream.linear.gather [hbm4b:s14+s4], $0x100, $0x38;
	[tilespmem:$0x1FE80] =	vst v63  }
0x235: {  	_ =	swait.ge [sflag:s16], $0x4000  }
0x236: {  	[sflag:s16] =	ssyncset.done $0x0  }
0x237: {  	s14 =	simm.s32 @!p3 $0xC;
	[sflag:s16] =	ssyncadd.s32 $0xFFFFC000  }
0x238: {  	[spmem:s3] =	stream.indirect.scatter.add.f32 [tilespmem:s7], [sflag:$0xA], $0x80, s2, s2, $0xb8;
	[tilespmem:$0x1FE80] =	vst v63  }
0x239: {  	_ =	swait.ge @!p3 [sflag:s14], $0x4000  }
0x23a: {  	[sflag:s14] =	ssyncset.done @!p3 $0x0  }
0x23b: {  	[sflag:s14] =	ssyncadd.s32 @!p3 $0xFFFFC000;
	p3 =	por p5, p5  }
0x23c: {  	_ =	swait.ge [sflag:s22], $0x100  }
0x23d: {  	[sflag:s22] =	ssyncset.done $0x0  }
0x23e: {  	[sflag:s22] =	ssyncadd.s32 $0xFFFFFF00  }
0x23f: {  	[tilespmem:s8], [sflag:$0x9] =	stream.indirect.gather [hbm4b:s1+s2], $0x80, s25, s2, $0xb8;
	[tilespmem:$0x1FE80] =	vst v63  }
0x240: {  	s0 =	sadd.s32 $0xA00, s0  }
0x241: {  	[tilespmem:s13], [sflag:$0x6] =	stream.linear.gather [hbm4b:s0+s4], $0x100, $0x38;
	[tilespmem:$0x1FE80] =	vst v63  }
0x242: {  	_ =	swait.ge [sflag:s12], $0x4000  }
0x243: {  	[sflag:s12] =	ssyncset.done $0x0  }
0x244: {  	s0 =	simm.s32 $0x180;
	[sflag:s12] =	ssyncadd.s32 $0xFFFFC000  }
0x245: {  	[spmem:s3] =	stream.indirect.scatter.add.f32 [tilespmem:s11], [sflag:$0xB], $0x80, s0, s2, $0xb8;
	[tilespmem:$0x1FE80] =	vst v63  }
0x246: {  	_ =	swait.ge [sflag:s17], $0x4000  }
0x247: {  	[sflag:s17] =	ssyncset.done $0x0  }
0x248: {  	[sflag:s17] =	ssyncadd.s32 $0xFFFFC000  }
0x249: {  	_ =	swait.ge [sflag:s18], $0x100  }
0x24a: {  	[sflag:s18] =	ssyncset.done $0x0  }
0x24b: {  	p5 =	seq.s32 s26, $0x12C00;
	s0 =	simm.s32 $0x300;
	[sflag:s18] =	ssyncadd.s32 $0xFFFFFF00  }
0x24c: {  	[tilespmem:s7], [sflag:$0x7] =	stream.indirect.gather [hbm4b:s1+s2], $0x80, s0, s2, $0xb8;
	[tilespmem:$0x1FE80] =	vst v63  }
0x24d: {  	s23 =	simm.s32 @!p5 $0x0;
	s0 =	sadd.s32 @!p5 s26, s6;
	s26 =	smov.u32 s24  }
0x24e: {  	s14 =	sadd.s32 @!p5 $0xC00, s0;
	s20 =	sadd.s32 @!p5 $0xE00, s0;
	s25 =	sadd.s32 @!p5 $0x1000, s0  }
0x24f: {  	[tilespmem:s23], [sflag:$0x1] =	stream.linear.gather @!p5 [hbm4b:s14+s23], $0x100, $0x38;
	[tilespmem:$0x1FE80] =	vst v63  }
0x250: {  	s24 =	sadd.s32 @!p5 $0x1200, s0;
	_ =	swait.ge [sflag:s19], $0x4000  }
0x251: {  	[sflag:s19] =	ssyncset.done $0x0  }
0x252: {  	s0 =	simm.s32 $0x280;
	[sflag:s19] =	ssyncadd.s32 $0xFFFFC000  }
0x253: {  	[spmem:s3] =	stream.indirect.scatter.add.f32 [tilespmem:s8], [sflag:$0xC], $0x80, s0, s2, $0xb8;
	[tilespmem:$0x1FE80] =	vst v63  }
0x254: {  	_ =	swait.ge [sflag:s31], $0x4000  }
0x255: {  	[sflag:s31] =	ssyncset.done $0x0  }
0x256: {  	[sflag:s31] =	ssyncadd.s32 $0xFFFFC000  }
0x257: {  	_ =	swait.ge [sflag:s21], $0x100  }
0x258: {  	[sflag:s21] =	ssyncset.done $0x0  }
0x259: {  	s0 =	simm.s32 @!p5 $0x100;
	[sflag:s21] =	ssyncadd.s32 $0xFFFFFF00  }
0x25a: {  	[tilespmem:s11], [sflag:$0x8] =	stream.indirect.gather [hbm4b:s1+s2], $0x80, s10, s2, $0xb8;
	[tilespmem:$0x1FE80] =	vst v63  }
0x25b: {  	_ = 	snop  }
0x25c: {  	[tilespmem:s0], [sflag:$0x2] =	stream.linear.gather @!p5 [hbm4b:s20+s23], $0x100, $0x38;
	[tilespmem:$0x1FE80] =	vst v63  }
0x25d: {  	_ =	swait.ge [sflag:s16], $0x4000  }
0x25e: {  	[sflag:s16] =	ssyncset.done $0x0  }
0x25f: {  	s0 =	simm.s32 $0x380;
	[sflag:s16] =	ssyncadd.s32 $0xFFFFC000  }
0x260: {  	[spmem:s3] =	stream.indirect.scatter.add.f32 [tilespmem:s7], [sflag:$0xA], $0x80, s0, s2, $0xb8;
	[tilespmem:$0x1FE80] =	vst v63  }
0x261: {  	_ =	swait.ge [sflag:s29], $0x4000  }
0x262: {  	[sflag:s29] =	ssyncset.done $0x0  }
0x263: {  	[sflag:s29] =	ssyncadd.s32 $0xFFFFC000  }
0x264: {  	_ =	swait.ge [sflag:s30], $0x100  }
0x265: {  	[sflag:s30] =	ssyncset.done $0x0  }
0x266: {  	s0 =	simm.s32 @p5 $0x8;
	[sflag:s30] =	ssyncadd.s32 $0xFFFFFF00  }
0x267: {  	[tilespmem:s8], [sflag:$0x9] =	stream.indirect.gather [hbm4b:s1+s2], $0x80, s13, s2, $0xb8;
	[tilespmem:$0x1FE80] =	vst v63  }
0x268: {  	s14 =	simm.s32 @p5 $0x4600;
	_ =	swait.ge @p5 [sflag:s0], $0x4000  }
0x269: {  	s28 =	simm.s32 @p5 $0x480;
	s20 =	simm.s32 @p5 $0x80;
	[sflag:s0] =	ssyncset.done @p5 $0x0  }
0x26a: {  	[sflag:s0] =	ssyncadd.s32 @p5 $0xFFFFC000;
	s0 =	simm.s32 @p5 $0xA  }
0x26b: {  	[spmem:s3] =	stream.indirect.scatter.add.f32 @p5 [tilespmem:s14], [sflag:$0xB], $0x80, s28, s20, $0xb8;
	[tilespmem:$0x1FE80] =	vst v63  }
0x26c: {  	s28 =	simm.s32 $0x100  }
0x26d: {  	_ =	swait.ge @p5 [sflag:s0], $0x4000  }
0x26e: {  	s14 =	simm.s32 @!p5 $0x200;
	[sflag:s0] =	ssyncset.done @p5 $0x0  }
0x26f: {  	[sflag:s0] =	ssyncadd.s32 @p5 $0xFFFFC000;
	s0 =	simm.s32 @!p5 $0x8  }
0x270: {  	[tilespmem:s14], [sflag:$0x3] =	stream.linear.gather @!p5 [hbm4b:s25+s23], $0x100, $0x38;
	[tilespmem:$0x1FE80] =	vst v63  }
0x271: {  	s14 =	simm.s32 @!p5 $0x4600;
	_ =	swait.ge @!p5 [sflag:s0], $0x4000  }
0x272: {  	s20 =	simm.s32 @!p5 $0x80;
	s25 =	simm.s32 @!p5 $0x480;
	[sflag:s0] =	ssyncset.done @!p5 $0x0  }
0x273: {  	[sflag:s0] =	ssyncadd.s32 @!p5 $0xFFFFC000;
	s0 =	simm.s32 @!p5 $0xA  }
0x274: {  	[spmem:s3] =	stream.indirect.scatter.add.f32 @!p5 [tilespmem:s14], [sflag:$0xB], $0x80, s25, s20, $0xb8;
	[tilespmem:$0x1FE80] =	vst v63  }
0x275: {  	s25 =	simm.s32 $0x200  }
0x276: {  	_ =	swait.ge @!p5 [sflag:s0], $0x4000  }
0x277: {  	s14 =	simm.s32 @!p5 $0x1;
	[sflag:s0] =	ssyncset.done @!p5 $0x0  }
0x278: {  	[sflag:s0] =	ssyncadd.s32 @!p5 $0xFFFFC000  }
0x279: {  	_ =	swait.ge @!p5 [sflag:s14], $0x100  }
0x27a: {  	s0 =	simm.s32 @!p5 $0x600;
	[sflag:s14] =	ssyncset.done @!p5 $0x0  }
0x27b: {  	[sflag:s14] =	ssyncadd.s32 @!p5 $0xFFFFFF00;
	s14 =	simm.s32 @!p5 $0x300  }
0x27c: {  	[tilespmem:s0], [sflag:$0x7] =	stream.indirect.gather @!p5 [hbm4b:s1+s20], $0x80, s23, s20, $0xb8;
	[tilespmem:$0x1FE80] =	vst v63  }
.Ltmp7:
0x27d: {  	_ = 	snop;
	(pc) =	sbr.rel @p4 .LBB2_9-.Ltmp7, $4  }
0x27e: {  	_ = 	snop  }
0x27f: {  	[tilespmem:s14], [sflag:$0x4] =	stream.linear.gather @!p5 [hbm4b:s24+s23], $0x100, $0x38;
	[tilespmem:$0x1FE80] =	vst v63  }
0x280: {  	_ =	swait.ge [sflag:s19], $0x4000  }
0x281: {  	s23 =	simm.s32 @!p3 $0xB;
	[sflag:s19] =	ssyncset.done $0x0  }
0x282: {  	[sflag:s19] =	ssyncadd.s32 $0xFFFFC000;
	s15 =	simm.s32 $0x580  }
0x283: {  	[spmem:s3] =	stream.indirect.scatter.add.f32 [tilespmem:s8], [sflag:$0xC], $0x80, s15, s2, $0xb8;
	[tilespmem:$0x1FE80] =	vst v63  }
0x284: {  	_ =	swait.ge @!p3 [sflag:s23], $0x4000  }
0x285: {  	[sflag:s23] =	ssyncset.done @!p3 $0x0  }
0x286: {  	[sflag:s23] =	ssyncadd.s32 @!p3 $0xFFFFC000  }
0x287: {  	_ =	swait.ge [sflag:s9], $0x100  }
0x288: {  	[sflag:s9] =	ssyncset.done $0x0  }
0x289: {  	s0 =	sadd.s32 s26, s6;
	[sflag:s9] =	ssyncadd.s32 $0xFFFFFF00  }
0x28a: {  	[tilespmem:s11], [sflag:$0x8] =	stream.indirect.gather [hbm4b:s1+s2], $0x80, s28, s2, $0xb8;
	[tilespmem:$0x1FE80] =	vst v63  }
0x28b: {  	s5 =	sadd.s32 $0x800, s0  }
0x28c: {  	[tilespmem:s10], [sflag:$0x5] =	stream.linear.gather [hbm4b:s5+s4], $0x100, $0x38;
	[tilespmem:$0x1FE80] =	vst v63  }
0x28d: {  	_ =	swait.ge [sflag:s16], $0x4000  }
0x28e: {  	[sflag:s16] =	ssyncset.done $0x0  }
0x28f: {  	s5 =	simm.s32 @!p3 $0xC;
	[sflag:s16] =	ssyncadd.s32 $0xFFFFC000  }
0x290: {  	[spmem:s3] =	stream.indirect.scatter.add.f32 [tilespmem:s7], [sflag:$0xA], $0x80, s2, s2, $0xb8;
	[tilespmem:$0x1FE80] =	vst v63  }
0x291: {  	_ =	swait.ge @!p3 [sflag:s5], $0x4000  }
0x292: {  	[sflag:s5] =	ssyncset.done @!p3 $0x0  }
0x293: {  	[sflag:s5] =	ssyncadd.s32 @!p3 $0xFFFFC000  }
0x294: {  	_ =	swait.ge [sflag:s22], $0x100  }
0x295: {  	[sflag:s22] =	ssyncset.done $0x0  }
0x296: {  	[sflag:s22] =	ssyncadd.s32 $0xFFFFFF00  }
0x297: {  	[tilespmem:s8], [sflag:$0x9] =	stream.indirect.gather [hbm4b:s1+s2], $0x80, s25, s2, $0xb8;
	[tilespmem:$0x1FE80] =	vst v63  }
0x298: {  	s0 =	sadd.s32 $0xA00, s0  }
0x299: {  	[tilespmem:s13], [sflag:$0x6] =	stream.linear.gather [hbm4b:s0+s4], $0x100, $0x38;
	[tilespmem:$0x1FE80] =	vst v63  }
0x29a: {  	_ =	swait.ge [sflag:s12], $0x4000  }
0x29b: {  	[sflag:s12] =	ssyncset.done $0x0  }
0x29c: {  	s20 =	simm.s32 $0x180;
	[sflag:s12] =	ssyncadd.s32 $0xFFFFC000  }
0x29d: {  	[spmem:s3] =	stream.indirect.scatter.add.f32 [tilespmem:s11], [sflag:$0xB], $0x80, s20, s2, $0xb8;
	[tilespmem:$0x1FE80] =	vst v63  }
0x29e: {  	_ =	swait.ge [sflag:s17], $0x4000  }
0x29f: {  	[sflag:s17] =	ssyncset.done $0x0  }
0x2a0: {  	[sflag:s17] =	ssyncadd.s32 $0xFFFFC000  }
0x2a1: {  	_ =	swait.ge [sflag:s18], $0x100  }
0x2a2: {  	p3 =	seq.s32 s26, $0x12C00;
	[sflag:s18] =	ssyncset.done $0x0  }
0x2a3: {  	s23 =	simm.s32 $0x300;
	s0 =	sadd.s32 @!p3 s26, s6;
	[sflag:s18] =	ssyncadd.s32 $0xFFFFFF00  }
0x2a4: {  	[tilespmem:s7], [sflag:$0x7] =	stream.indirect.gather [hbm4b:s1+s2], $0x80, s23, s2, $0xb8;
	[tilespmem:$0x1FE80] =	vst v63  }
0x2a5: {  	s5 =	simm.s32 @!p3 $0x0;
	s14 =	sadd.s32 @!p3 $0xC00, s0  }
0x2a6: {  	[tilespmem:s5], [sflag:$0x1] =	stream.linear.gather @!p3 [hbm4b:s14+s5], $0x100, $0x38;
	[tilespmem:$0x1FE80] =	vst v63  }
0x2a7: {  	_ =	swait.ge [sflag:s19], $0x4000  }
0x2a8: {  	[sflag:s19] =	ssyncset.done $0x0  }
0x2a9: {  	s24 =	simm.s32 $0x280;
	[sflag:s19] =	ssyncadd.s32 $0xFFFFC000  }
0x2aa: {  	[spmem:s3] =	stream.indirect.scatter.add.f32 [tilespmem:s8], [sflag:$0xC], $0x80, s24, s2, $0xb8;
	[tilespmem:$0x1FE80] =	vst v63  }
0x2ab: {  	_ =	swait.ge [sflag:s31], $0x4000  }
0x2ac: {  	[sflag:s31] =	ssyncset.done $0x0  }
0x2ad: {  	[sflag:s31] =	ssyncadd.s32 $0xFFFFC000  }
0x2ae: {  	_ =	swait.ge [sflag:s21], $0x100  }
0x2af: {  	[sflag:s21] =	ssyncset.done $0x0  }
0x2b0: {  	[sflag:s21] =	ssyncadd.s32 $0xFFFFFF00  }
0x2b1: {  	[tilespmem:s11], [sflag:$0x8] =	stream.indirect.gather [hbm4b:s1+s2], $0x80, s10, s2, $0xb8;
	[tilespmem:$0x1FE80] =	vst v63  }
0x2b2: {  	s20 =	simm.s32 @!p3 $0x100;
	s14 =	sadd.s32 @!p3 $0xE00, s0  }
0x2b3: {  	[tilespmem:s20], [sflag:$0x2] =	stream.linear.gather @!p3 [hbm4b:s14+s5], $0x100, $0x38;
	[tilespmem:$0x1FE80] =	vst v63  }
0x2b4: {  	_ =	swait.ge [sflag:s16], $0x4000  }
0x2b5: {  	[sflag:s16] =	ssyncset.done $0x0  }
0x2b6: {  	s26 =	simm.s32 $0x380;
	[sflag:s16] =	ssyncadd.s32 $0xFFFFC000  }
0x2b7: {  	[spmem:s3] =	stream.indirect.scatter.add.f32 [tilespmem:s7], [sflag:$0xA], $0x80, s26, s2, $0xb8;
	[tilespmem:$0x1FE80] =	vst v63  }
0x2b8: {  	_ =	swait.ge [sflag:s29], $0x4000  }
0x2b9: {  	[sflag:s29] =	ssyncset.done $0x0  }
0x2ba: {  	[sflag:s29] =	ssyncadd.s32 $0xFFFFC000  }
0x2bb: {  	_ =	swait.ge [sflag:s30], $0x100  }
0x2bc: {  	[sflag:s30] =	ssyncset.done $0x0  }
0x2bd: {  	s14 =	simm.s32 @p3 $0x8;
	[sflag:s30] =	ssyncadd.s32 $0xFFFFFF00  }
0x2be: {  	[tilespmem:s8], [sflag:$0x9] =	stream.indirect.gather [hbm4b:s1+s2], $0x80, s13, s2, $0xb8;
	[tilespmem:$0x1FE80] =	vst v63  }
0x2bf: {  	_ =	swait.ge @p3 [sflag:s14], $0x4000  }
0x2c0: {  	s23 =	simm.s32 @p3 $0x80;
	[sflag:s14] =	ssyncset.done @p3 $0x0  }
0x2c1: {  	s20 =	simm.s32 @p3 $0x4600;
	[sflag:s14] =	ssyncadd.s32 @p3 $0xFFFFC000;
	s14 =	simm.s32 @p3 $0x480  }
0x2c2: {  	[spmem:s3] =	stream.indirect.scatter.add.f32 @p3 [tilespmem:s20], [sflag:$0xB], $0x80, s14, s23, $0xb8;
	[tilespmem:$0x1FE80] =	vst v63  }
0x2c3: {  	s14 =	simm.s32 @p3 $0xA  }
0x2c4: {  	_ =	swait.ge @p3 [sflag:s14], $0x4000  }
0x2c5: {  	s20 =	sadd.s32 @!p3 $0x1000, s0;
	[sflag:s14] =	ssyncset.done @p3 $0x0  }
0x2c6: {  	s23 =	simm.s32 @!p3 $0x200;
	[sflag:s14] =	ssyncadd.s32 @p3 $0xFFFFC000;
	s14 =	simm.s32 @!p3 $0x8  }
0x2c7: {  	[tilespmem:s23], [sflag:$0x3] =	stream.linear.gather @!p3 [hbm4b:s20+s5], $0x100, $0x38;
	[tilespmem:$0x1FE80] =	vst v63  }
0x2c8: {  	_ =	swait.ge @!p3 [sflag:s14], $0x4000  }
0x2c9: {  	s20 =	simm.s32 @!p3 $0x4600;
	[sflag:s14] =	ssyncset.done @!p3 $0x0  }
0x2ca: {  	s23 =	simm.s32 @!p3 $0x80;
	[sflag:s14] =	ssyncadd.s32 @!p3 $0xFFFFC000;
	s14 =	simm.s32 @!p3 $0x480  }
0x2cb: {  	[spmem:s3] =	stream.indirect.scatter.add.f32 @!p3 [tilespmem:s20], [sflag:$0xB], $0x80, s14, s23, $0xb8;
	[tilespmem:$0x1FE80] =	vst v63  }
0x2cc: {  	s14 =	simm.s32 @!p3 $0xA  }
0x2cd: {  	_ =	swait.ge @!p3 [sflag:s14], $0x4000  }
0x2ce: {  	[sflag:s14] =	ssyncset.done @!p3 $0x0  }
0x2cf: {  	[sflag:s14] =	ssyncadd.s32 @!p3 $0xFFFFC000;
	s14 =	simm.s32 @!p3 $0x1  }
0x2d0: {  	_ =	swait.ge @!p3 [sflag:s14], $0x100  }
0x2d1: {  	[sflag:s14] =	ssyncset.done @!p3 $0x0  }
0x2d2: {  	[sflag:s14] =	ssyncadd.s32 @!p3 $0xFFFFFF00;
	s14 =	simm.s32 @!p3 $0x600  }
0x2d3: {  	[tilespmem:s14], [sflag:$0x7] =	stream.indirect.gather @!p3 [hbm4b:s1+s23], $0x80, s5, s23, $0xb8;
	[tilespmem:$0x1FE80] =	vst v63  }
0x2d4: {  	s0 =	sadd.s32 @!p3 $0x1200, s0;
	s14 =	simm.s32 @!p3 $0x300  }
0x2d5: {  	[tilespmem:s14], [sflag:$0x4] =	stream.linear.gather @!p3 [hbm4b:s0+s5], $0x100, $0x38;
	[tilespmem:$0x1FE80] =	vst v63  }
0x2d6: {  	_ =	swait.ge [sflag:s19], $0x4000  }
0x2d7: {  	[sflag:s19] =	ssyncset.done $0x0  }
0x2d8: {  	[sflag:s19] =	ssyncadd.s32 $0xFFFFC000  }
0x2d9: {  	[spmem:s3] =	stream.indirect.scatter.add.f32 [tilespmem:s8], [sflag:$0xC], $0x80, s15, s2, $0xb8;
	[tilespmem:$0x1FE80] =	vst v63  }
0x2da: {  	_ =	swait.ge [sflag:s31], $0x4000  }
.Ltmp8:
0x2db: {  	[sflag:s31] =	ssyncset.done $0x0;
	(pc) =	sbr.rel @p2 .LBB2_15-.Ltmp8, $4  }
0x2dc: {  	[sflag:s31] =	ssyncadd.s32 $0xFFFFC000  }
0x2dd: {  	_ =	swait.ge [sflag:s29], $0x4000  }
0x2de: {  	s24 =	simm.s32 $0x300;
	s10 =	simm.s32 $0x500;
	[sflag:s29] =	ssyncset.done $0x0  }
0x2df: {  	s26 =	simm.s32 $0x280;
	s13 =	simm.s32 $0x400;
	[sflag:s29] =	ssyncadd.s32 $0xFFFFC000  }
0x2e0: {  	s0 =	sld [smem:$0x7F7];
	_ =	sdelay $0x1  }
0x2e1: {  	s23 =	simm.s32 $0xD  }
0x2e2: {  	[tilespmem:s4], [sflag:$0xD] =	stream.linear.gather [hbm4b:s0+s4], $0x100, $0x38;
	[tilespmem:$0x1FE80] =	vst v63  }
0x2e3: {  	_ =	swait.ge [sflag:s23], $0x100  }
0x2e4: {  	[sflag:s23] =	ssyncset.done $0x0  }
0x2e5: {  	[sflag:s23] =	ssyncadd.s32 $0xFFFFFF00  }
0x2e6: {  	[tilespmem:s7], [sflag:$0x7] =	stream.indirect.gather [hbm4b:s1+s2], $0x80, s4, s2, $0xb8;
	[tilespmem:$0x1FE80] =	vst v63  }
0x2e7: {  	_ =	swait.ge [sflag:s16], $0x4000  }
0x2e8: {  	[sflag:s16] =	ssyncset.done $0x0  }
0x2e9: {  	[sflag:s16] =	ssyncadd.s32 $0xFFFFC000  }
0x2ea: {  	[spmem:s3] =	stream.indirect.scatter.add.f32 [tilespmem:s7], [sflag:$0xA], $0x80, s2, s2, $0xb8;
	[tilespmem:$0x1FE80] =	vst v63  }
.Ltmp9:
0x2eb: {  	_ =	swait.ge [sflag:s17], $0x4000;
	(pc) =	sbr.rel .LBB2_16-.Ltmp9, $4  }
0x2ec: {  	[sflag:s17] =	ssyncset.done $0x0  }
0x2ed: {  	[sflag:s17] =	ssyncadd.s32 $0xFFFFC000  }
0x2ee: {  	[bflag:$0x0] =	sbarrier.arrive $0xFFFF  }
0x2ef: {  	s15 =	sld [smem:$0x7FD]  }
.LBB2_12:
.Ltmp10:
0x2f0: {  	(pc) =	sbr.rel @!p1 .LBB2_13-.Ltmp10, $3  }
0x2f1: {  	_ =	sdelay $0x1  }
0x2f2: {  	[bflag:$0x0] =	sbarrier.arrive $0xFFFF  }
0x2f3: {  	s6 =	sld [smem:$0x7FC]  }
0x2f4: {  	s0 =	sld [smem:$0x7EE];
	_ =	sdelay $0x2  }
0x2f5: {  	s5 =	rddreg [dreg:$0x1b];
	s14 =	simm.s32 $0x1FC1;
	s0 =	sshrl.u32 s0, $0x3  }
0x2f6: {  	[hbm:s5], [sflag:s14] =	dma.local [spmem:s0], $0x800  }
0x2f7: {  	s0 =	sld [smem:$0x7EF];
	_ =	sdelay $0x2  }
0x2f8: {  	s20 =	simm.s32 $0x1FC2;
	s5 =	rddreg [dreg:$0x1c];
	s0 =	sshrl.u32 s0, $0x3  }
0x2f9: {  	[hbm:s5], [sflag:s20] =	dma.local [spmem:s0], $0x800  }
0x2fa: {  	s0 =	sld [smem:$0x7F0];
	_ =	sdelay $0x2  }
0x2fb: {  	s23 =	simm.s32 $0x1FC3;
	s5 =	rddreg [dreg:$0x1d];
	s0 =	sshrl.u32 s0, $0x3  }
0x2fc: {  	[hbm:s5], [sflag:s23] =	dma.local [spmem:s0], $0x800  }
0x2fd: {  	s0 =	sld [smem:$0x7F1];
	_ =	sdelay $0x2  }
0x2fe: {  	s20 =	simm.s32 $0x1FC4;
	s5 =	rddreg [dreg:$0x1e];
	s0 =	sshrl.u32 s0, $0x3  }
0x2ff: {  	[hbm:s5], [sflag:s20] =	dma.local [spmem:s0], $0x800  }
0x300: {  	s0 =	sld [smem:$0x7F3];
	_ =	sdelay $0x1  }
0x301: {  	s14 =	simm.s32 $0x1  }
0x302: {  	s23 =	simm.s32 $0x1FC5;
	s5 =	rddreg [dreg:$0x1f];
	s0 =	sshrl.u32 s0, $0x3  }
0x303: {  	[hbm:s5], [sflag:s23] =	dma.local [spmem:s0], $0x80  }
0x304: {  	_ =	swait.ge [sflag:s14], $0x800  }
0x305: {  	[sflag:s14] =	ssyncset.done $0x0  }
0x306: {  	[sflag:s14] =	ssyncadd.s32 $0xFFFFF800  }
0x307: {  	_ =	swait.ge [sflag:s9], $0x800  }
0x308: {  	[sflag:s9] =	ssyncset.done $0x0  }
0x309: {  	[sflag:s9] =	ssyncadd.s32 $0xFFFFF800  }
0x30a: {  	_ =	swait.ge [sflag:s22], $0x800  }
0x30b: {  	[sflag:s22] =	ssyncset.done $0x0  }
0x30c: {  	[sflag:s22] =	ssyncadd.s32 $0xFFFFF800  }
0x30d: {  	_ =	swait.ge [sflag:s18], $0x800  }
.Ltmp11:
0x30e: {  	[sflag:s18] =	ssyncset.done $0x0;
	(pc) =	sbr.rel .LBB2_18-.Ltmp11, $4  }
0x30f: {  	[sflag:s18] =	ssyncadd.s32 $0xFFFFF800  }
0x310: {  	_ =	swait.ge [sflag:s21], $0x80  }
0x311: {  	[sflag:s21] =	ssyncset.done $0x0  }
0x312: {  	s20 =	simm.s32 $0x180;
	s5 =	sld [smem:$0x7E9];
	[sflag:s21] =	ssyncadd.s32 $0xFFFFFF80  }
.LBB2_13:
0x313: {  	s0 =	stileid.u32  }
0x314: {  	s14 =	rddreg [dreg:$0x7];
	s0 =	sshll.u32 s0, $0x6  }
0x315: {  	s20 =	rddreg [dreg:$0x16];
	s14 =	sshrl.u32 s14, $0x3;
	s5 =	sor.u32 $0x1C01, s0  }
0x316: {  	[hbm:s20], [sflag:s5] =	dma.local [spmem:s14], $0x800  }
0x317: {  	s14 =	rddreg [dreg:$0x9]  }
0x318: {  	s23 =	sor.u32 $0x1C02, s0;
	s20 =	rddreg [dreg:$0x17];
	s14 =	sshrl.u32 s14, $0x3  }
0x319: {  	[hbm:s20], [sflag:s23] =	dma.local [spmem:s14], $0x800  }
0x31a: {  	s14 =	rddreg [dreg:$0xb]  }
0x31b: {  	s23 =	sor.u32 $0x1C03, s0;
	s20 =	rddreg [dreg:$0x18];
	s14 =	sshrl.u32 s14, $0x3  }
0x31c: {  	[hbm:s20], [sflag:s23] =	dma.local [spmem:s14], $0x800  }
0x31d: {  	s14 =	rddreg [dreg:$0xd]  }
0x31e: {  	s23 =	sor.u32 $0x1C04, s0;
	s20 =	rddreg [dreg:$0x19];
	s14 =	sshrl.u32 s14, $0x3  }
0x31f: {  	[hbm:s20], [sflag:s23] =	dma.local [spmem:s14], $0x800  }
0x320: {  	s5 =	rddreg [dreg:$0xf]  }
0x321: {  	s0 =	sor.u32 $0x1C05, s0;
	s14 =	rddreg [dreg:$0x1a];
	s5 =	sshrl.u32 s5, $0x3  }
0x322: {  	[hbm:s14], [sflag:s0] =	dma.local [spmem:s5], $0x780  }
0x323: {  	s14 =	simm.s32 $0x1  }
0x324: {  	_ =	swait.ge [sflag:s14], $0x800  }
0x325: {  	[sflag:s14] =	ssyncset.done $0x0  }
0x326: {  	[sflag:s14] =	ssyncadd.s32 $0xFFFFF800  }
0x327: {  	_ =	swait.ge [sflag:s9], $0x800  }
0x328: {  	[sflag:s9] =	ssyncset.done $0x0  }
0x329: {  	[sflag:s9] =	ssyncadd.s32 $0xFFFFF800  }
0x32a: {  	_ =	swait.ge [sflag:s22], $0x800  }
0x32b: {  	[sflag:s22] =	ssyncset.done $0x0  }
0x32c: {  	[sflag:s22] =	ssyncadd.s32 $0xFFFFF800  }
0x32d: {  	_ =	swait.ge [sflag:s18], $0x800  }
.Ltmp12:
0x32e: {  	[sflag:s18] =	ssyncset.done $0x0;
	(pc) =	sbr.rel .LBB2_18-.Ltmp12, $4  }
0x32f: {  	[sflag:s18] =	ssyncadd.s32 $0xFFFFF800  }
0x330: {  	_ =	swait.ge [sflag:s21], $0x780  }
0x331: {  	[sflag:s21] =	ssyncset.done $0x0  }
0x332: {  	s20 =	simm.s32 $0x180;
	s5 =	sld [smem:$0x7E9];
	[sflag:s21] =	ssyncadd.s32 $0xFFFFF880  }
.LBB2_15:
.Ltmp13:
0x333: {  	(pc) =	sbr.rel @p1 .LBB2_17-.Ltmp13, $3  }
0x334: {  	_ =	sdelay $0x1  }
0x335: {  	[bflag:$0x0] =	sbarrier.arrive $0xFFFF  }
0x336: {  	s15 =	sld [smem:$0x7FD]  }
.LBB2_16:
0x337: {  	s0 =	stileid.u32  }
0x338: {  	s14 =	rddreg [dreg:$0x7];
	s0 =	sshll.u32 s0, $0x6  }
0x339: {  	s20 =	rddreg [dreg:$0x8];
	s14 =	sshrl.u32 s14, $0x3;
	s5 =	sor.u32 $0x1C01, s0  }
0x33a: {  	[hbm:s20], [sflag:s5] =	dma.local [spmem:s14], $0x800  }
0x33b: {  	s14 =	rddreg [dreg:$0x9]  }
0x33c: {  	s23 =	sor.u32 $0x1C02, s0;
	s20 =	rddreg [dreg:$0xa];
	s14 =	sshrl.u32 s14, $0x3  }
0x33d: {  	[hbm:s20], [sflag:s23] =	dma.local [spmem:s14], $0x800  }
0x33e: {  	s14 =	rddreg [dreg:$0xb]  }
0x33f: {  	s23 =	sor.u32 $0x1C03, s0;
	s20 =	rddreg [dreg:$0xc];
	s14 =	sshrl.u32 s14, $0x3  }
0x340: {  	[hbm:s20], [sflag:s23] =	dma.local [spmem:s14], $0x800  }
0x341: {  	s14 =	rddreg [dreg:$0xd]  }
0x342: {  	s23 =	sor.u32 $0x1C04, s0;
	s20 =	rddreg [dreg:$0xe];
	s14 =	sshrl.u32 s14, $0x3  }
0x343: {  	[hbm:s20], [sflag:s23] =	dma.local [spmem:s14], $0x800  }
0x344: {  	s5 =	rddreg [dreg:$0xf]  }
0x345: {  	s0 =	sor.u32 $0x1C05, s0;
	s14 =	rddreg [dreg:$0x10];
	s5 =	sshrl.u32 s5, $0x3  }
0x346: {  	[hbm:s14], [sflag:s0] =	dma.local [spmem:s5], $0x780  }
0x347: {  	s14 =	simm.s32 $0x1  }
0x348: {  	_ =	swait.ge [sflag:s14], $0x800  }
0x349: {  	[sflag:s14] =	ssyncset.done $0x0  }
0x34a: {  	[sflag:s14] =	ssyncadd.s32 $0xFFFFF800  }
0x34b: {  	_ =	swait.ge [sflag:s9], $0x800  }
0x34c: {  	[sflag:s9] =	ssyncset.done $0x0  }
0x34d: {  	[sflag:s9] =	ssyncadd.s32 $0xFFFFF800  }
0x34e: {  	_ =	swait.ge [sflag:s22], $0x800  }
0x34f: {  	[sflag:s22] =	ssyncset.done $0x0  }
0x350: {  	[sflag:s22] =	ssyncadd.s32 $0xFFFFF800  }
0x351: {  	_ =	swait.ge [sflag:s18], $0x800  }
.Ltmp14:
0x352: {  	[sflag:s18] =	ssyncset.done $0x0;
	(pc) =	sbr.rel .LBB2_18-.Ltmp14, $4  }
0x353: {  	[sflag:s18] =	ssyncadd.s32 $0xFFFFF800  }
0x354: {  	_ =	swait.ge [sflag:s21], $0x780  }
0x355: {  	[sflag:s21] =	ssyncset.done $0x0  }
0x356: {  	s20 =	simm.s32 $0x180;
	s5 =	sld [smem:$0x7E9];
	[sflag:s21] =	ssyncadd.s32 $0xFFFFF880  }
.LBB2_19:
0x357: {  	_ =	sfence.sel $0x180000  }
0x358: {  	[bflag:$0x0] =	sbarrier.arrive $0xFFFF  }
0x359: {  	_ =	strace $0x9000004A  }
0x35a: {  	s0 =	stileid.u32;
	[bflag:$0x2] =	sbarrier.arrive $0xFFFF  }
0x35b: {  	p0 =	sne.s32 s0, $0x0;
	s0 =	rddreg [dreg:$0x6]  }
0x35c: {  	s0 =	sadd.s32 @!p0 $0x100000, s0  }
0x35d: {  	[sflag:s0] =	ssyncadd.tile.s32 @!p0 $0x1;
	_ =	shalt  }
.Lfunc_end2:
_tile_overlayer_lowered:
.L_overlay_start_2:
0x35e: {  	(tag) =	ssettag $0x2  }
0x35f: {  	s0 =	rddreg [dreg:$0x0];
	s2 =	stileid.u32  }
0x360: {  	s1 =	rddreg [dreg:$0x1];
	p0 =	sne.s32 s2, $0x0  }
0x361: {  	s3 =	rddreg [dreg:$0x2];
	[bflag:$0x3] =	sbarrier.arrive $0xFFFF;
	s2 =	simm.s32 @!p0 $0x1C0D  }
0x362: {  	[timem:s3], [sflag:s2] =	dma.local @!p0 [hbm:s0], s1  }
0x363: {  	s0 =	simm.s32 @!p0 $0xD  }
0x364: {  	_ =	swait.ge @!p0 [sflag:s0], s1  }
0x365: {  	s1 =	ssub.s32 @!p0 $0x0, s1;
	[sflag:s0] =	ssyncset.done @!p0 $0x0  }
0x366: {  	[sflag:s0] =	ssyncadd.s32 @!p0 s1  }
0x367: {  	[bflag:$0x3] =	sbarrier.arrive $0xFFFF  }
0x368: {  	_ =	shalt  }

</sc_bundles>
